<compile_context>
chip_gen: v7x
topology: tpu7x:2x2x1
jax: 0.10.2.dev20260603
libtpu: 0.0.44.dev20260713+nightly
codegen_flags: <defaults>
</compile_context>

<pallas_src>
import functools

import jax
import jax.numpy as jnp
from jax import lax
from jax.experimental import pallas as pl
from jax.experimental.pallas import tpu as pltpu
from jax.experimental.pallas import tpu_sc as plsc

_N = 10000
_E = 320000
_NF = 64
_H = 64
_RN = 30
_RE = 10
_TW = 128

_NC, _NS = 2, 16
_NW = _NC * _NS
_CHUNK_E = 128
_ROWS = 2560
_EP = _ROWS * 128
_CPW = _ROWS // _NW
_HALF_N = 5000
_ACC_ROWS = 5120
_TPR = _ACC_ROWS // _NS
_CPT = _ROWS // _NS


@functools.cache
def _sc_mesh():
    return plsc.VectorSubcoreMesh(
        core_axis_name="c", subcore_axis_name="s",
        num_cores=_NC, num_subcores=_NS)


def _gather_body(t_hbm, idx_hbm, gr_hbm,
                 idx0, idx1, br0, bc0, br1, bc1,
                 semi0, semi1, semg0, semg1, semo0, semo1):
    sid = lax.axis_index("s")
    wid = sid * _NC + lax.axis_index("c")
    base = wid * _CPW
    slots = ((idx0, br0, bc0, semi0, semg0, semo0),
             (idx1, br1, bc1, semi1, semg1, semo1))

    def idx_start(g, s):
        pltpu.async_copy(idx_hbm.at[pl.ds(g, 1)], s[0], s[3])

    def idx_wait(g, s):
        pltpu.make_async_copy(idx_hbm.at[pl.ds(g, 1)], s[0], s[3]).wait()

    def gathers_start(s):
        (idx, br, bc, _, semg, _) = s
        pltpu.async_copy(t_hbm.at[idx.at[0, 0]], br, semg)
        pltpu.async_copy(t_hbm.at[idx.at[0, 1]], bc, semg)

    def gathers_wait(s):
        (idx, br, bc, _, semg, _) = s
        pltpu.make_async_copy(t_hbm.at[idx.at[0, 0]], br, semg).wait()
        pltpu.make_async_copy(t_hbm.at[idx.at[0, 1]], bc, semg).wait()

    def s_add(s):
        (_, br, bc, _, _, _) = s

        def add_edge(e, c):
            for k in range(_NF // 16):
                br[e, pl.ds(k * 16, 16)] = (
                    br[e, pl.ds(k * 16, 16)]
                    + bc[e, pl.ds(_NF + k * 16, 16)])
            return c

        lax.fori_loop(0, _CHUNK_E, add_edge, 0, unroll=4)

    def out_start(g, s):
        (_, br, _, _, _, semo) = s
        e0 = g * _CHUNK_E
        pltpu.async_copy(br, gr_hbm.at[pl.ds(e0, _CHUNK_E)], semo)

    def out_wait(g, s):
        (_, br, _, _, _, semo) = s
        e0 = g * _CHUNK_E
        pltpu.make_async_copy(br, gr_hbm.at[pl.ds(e0, _CHUNK_E)], semo).wait()

    idx_start(base, slots[0])
    idx_start(base + 1, slots[1])

    def round_body(i, carry):
        for b in (0, 1):
            t = 2 * i + b
            g = base + t
            s = slots[b]
            so = slots[1 - b]
            idx_wait(g, s)

            @pl.when(t >= 2)
            def _():
                out_wait(g - 2, s)

            gathers_start(s)

            @pl.when(t >= 1)
            def _():
                gathers_wait(so)
                s_add(so)
                out_start(g - 1, so)

            @pl.when((t >= 1) & (t + 1 < _CPW))
            def _():
                idx_start(g + 1, so)
        return carry

    lax.fori_loop(0, _CPW // 2, round_body, 0)
    last = base + _CPW - 1
    gathers_wait(slots[1])
    s_add(slots[1])
    out_start(last, slots[1])
    out_wait(last - 1, slots[0])
    out_wait(last, slots[1])


@functools.cache
def _gather_kernel():
    return pl.kernel(
        _gather_body,
        out_type=jax.ShapeDtypeStruct((_EP, _TW), jnp.float32),
        mesh=_sc_mesh(),
        scratch_types=(
            pltpu.VMEM((1, 2, 128), jnp.int32),
            pltpu.VMEM((1, 2, 128), jnp.int32),
            pltpu.VMEM((_CHUNK_E, _TW), jnp.float32),
            pltpu.VMEM((_CHUNK_E, _TW), jnp.float32),
            pltpu.VMEM((_CHUNK_E, _TW), jnp.float32),
            pltpu.VMEM((_CHUNK_E, _TW), jnp.float32),
            pltpu.SemaphoreType.DMA,
            pltpu.SemaphoreType.DMA,
            pltpu.SemaphoreType.DMA,
            pltpu.SemaphoreType.DMA,
            pltpu.SemaphoreType.DMA,
            pltpu.SemaphoreType.DMA,
        ),
    )


def _gather_call(t_tab, idx_all):
    return _gather_kernel()(t_tab, idx_all)


def _scatter_body(msg_hbm, cols_hbm, zeros_hbm, part_hbm,
                  acc, zbuf, idx0, idxm0, idx1, idxm1, bm0, bm1,
                  semi0, semi1, sems0, sems1):
    cid = lax.axis_index("c")
    sid = lax.axis_index("s")
    base = sid * _CPT
    lo = jnp.broadcast_to((cid * _HALF_N).astype(jnp.int32), (16,))
    hi = lo + _HALF_N
    dummy = jnp.full((16,), _HALF_N, jnp.int32)
    slots = ((idx0, idxm0, bm0, semi0, sems0),
             (idx1, idxm1, bm1, semi1, sems1))

    pltpu.sync_copy(zeros_hbm, zbuf)
    pltpu.sync_copy(zbuf, acc.at[pl.ds(sid * _TPR, _TPR)])
    plsc.subcore_barrier()

    def in_start(g, s):
        (idx, _, bm, semi, _) = s
        pltpu.async_copy(cols_hbm.at[pl.ds(g, 1)], idx, semi)
        pltpu.async_copy(msg_hbm.at[pl.ds(g * _CHUNK_E, _CHUNK_E)], bm, semi)

    def in_wait(g, s):
        (idx, _, bm, semi, _) = s
        pltpu.make_async_copy(cols_hbm.at[pl.ds(g, 1)], idx, semi).wait()
        pltpu.make_async_copy(msg_hbm.at[pl.ds(g * _CHUNK_E, _CHUNK_E)],
                              bm, semi).wait()

    def remap(s):
        (idx, idxm, _, _, _) = s
        for k in range(8):
            v = idx[0, pl.ds(k * 16, 16)]
            keep = (v >= lo) & (v < hi)
            idxm[0, pl.ds(k * 16, 16)] = jnp.where(keep, v - lo, dummy)

    def scat_start(s):
        (_, idxm, bm, _, sems) = s
        pltpu.async_copy(bm, acc.at[idxm.at[0]], sems, add=True)

    def scat_wait(s):
        (_, idxm, bm, _, sems) = s
        pltpu.make_async_copy(bm, acc.at[idxm.at[0]], sems).wait()

    in_start(base, slots[0])
    in_start(base + 1, slots[1])

    def round_body(i, carry):
        for b in (0, 1):
            t = 2 * i + b
            g = base + t
            s = slots[b]
            so = slots[1 - b]
            in_wait(g, s)
            remap(s)
            scat_start(s)

            @pl.when(t >= 1)
            def _():
                scat_wait(so)

            @pl.when((t >= 1) & (t + 1 < _CPT))
            def _():
                in_start(g + 1, so)
        return carry

    lax.fori_loop(0, _CPT // 2, round_body, 0)
    scat_wait(slots[1])
    plsc.subcore_barrier()

    pltpu.sync_copy(acc.at[pl.ds(sid * _TPR, _TPR)], zbuf)
    pltpu.sync_copy(zbuf, part_hbm.at[cid, pl.ds(sid * _TPR, _TPR)])


@functools.cache
def _scatter_kernel():
    return pl.kernel(
        _scatter_body,
        out_type=jax.ShapeDtypeStruct((_NC, _ACC_ROWS, _TW), jnp.float32),
        mesh=_sc_mesh(),
        scratch_types=(
            pltpu.VMEM_SHARED((_ACC_ROWS, _TW), jnp.float32),
            pltpu.VMEM((_TPR, _TW), jnp.float32),
            pltpu.VMEM((1, 128), jnp.int32),
            pltpu.VMEM((1, 128), jnp.int32),
            pltpu.VMEM((1, 128), jnp.int32),
            pltpu.VMEM((1, 128), jnp.int32),
            pltpu.VMEM((_CHUNK_E, _TW), jnp.float32),
            pltpu.VMEM((_CHUNK_E, _TW), jnp.float32),
            pltpu.SemaphoreType.DMA,
            pltpu.SemaphoreType.DMA,
            pltpu.SemaphoreType.DMA,
            pltpu.SemaphoreType.DMA,
        ),
    )


def _scatter_call(msg, cols_s, zeros_tile):
    return _scatter_kernel()(msg, cols_s, zeros_tile)


def _dot(x, w):
    return jnp.dot(x, w, preferred_element_type=jnp.float32)


_BLK_N = 1000


def _embed_body(nx, wn, bn, w1ab, tbias, nodes_out, t_out):
    n = _dot(nx[...], wn[...]) + bn[...]
    nodes_out[...] = n
    t_out[...] = _dot(n, w1ab[...]) + tbias[...]


def _embed_call(node_x, wn, bn, w1ab, tbias):
    full = lambda *shape: pl.BlockSpec(shape, lambda i: (0,) * len(shape))
    blk = lambda d: pl.BlockSpec((_BLK_N, d), lambda i: (i, 0))
    return pl.pallas_call(
        _embed_body,
        grid=(_N // _BLK_N,),
        in_specs=[blk(_RN), full(_RN, _NF), full(1, _NF),
                  full(_NF, _TW), full(1, _TW)],
        out_specs=[blk(_NF), blk(_TW)],
        out_shape=[jax.ShapeDtypeStruct((_N, _NF), jnp.float32),
                   jax.ShapeDtypeStruct((_N, _TW), jnp.float32)],
    )(node_x, wn, bn, w1ab, tbias)


_BLK_E = 2048


def _msg_body(gr, ea, m, w2, b2, out):
    pre = gr[..., :_NF] + _dot(ea[...], m[...])
    msg = _dot(jnp.maximum(pre, 0.0), w2[...]) + b2[...]
    out[...] = jnp.concatenate(
        [msg, jnp.zeros((_BLK_E, _TW - _NF), jnp.float32)], axis=1)


def _msg_call(grow, ea_pad, m, w2, b2):
    full = lambda *shape: pl.BlockSpec(shape, lambda i: (0,) * len(shape))
    blk = lambda d: pl.BlockSpec((_BLK_E, d), lambda i: (i, 0))
    return pl.pallas_call(
        _msg_body,
        grid=(_EP // _BLK_E,),
        in_specs=[blk(_TW), blk(_RE),
                  full(_RE, _NF), full(_NF, _NF), full(1, _NF)],
        out_specs=blk(_TW),
        out_shape=jax.ShapeDtypeStruct((_EP, _TW), jnp.float32),
    )(grow, ea_pad, m, w2, b2)


def _update_body(nodes, p0, p1, u1a, u1b, ub1, u2, ub2,
                 w1ab, tbias, nodes_out, t_out):
    i = pl.program_id(0)
    agg = jnp.where(i < 5, p0[...], p1[...])[..., :_NF]
    h = jnp.maximum(_dot(nodes[...], u1a[...]) + _dot(agg, u1b[...])
                    + ub1[...], 0.0)
    n = _dot(h, u2[...]) + ub2[...]
    nodes_out[...] = n
    if t_out is not None:
        t_out[...] = _dot(n, w1ab[...]) + tbias[...]


def _update_call(nodes, p0, p1, u1a, u1b, ub1, u2, ub2, w1ab=None, tbias=None):
    full = lambda *shape: pl.BlockSpec(shape, lambda i: (0,) * len(shape))
    blk = lambda d: pl.BlockSpec((_BLK_N, d), lambda i: (i, 0))
    mid = w1ab is not None
    p_lo = pl.BlockSpec((_BLK_N, _TW), lambda i: (jnp.minimum(i, 4), 0))
    p_hi = pl.BlockSpec((_BLK_N, _TW), lambda i: (jnp.maximum(i - 5, 0), 0))
    in_specs = [blk(_NF), p_lo, p_hi,
                full(_NF, _NF), full(_NF, _NF), full(1, _NF),
                full(_NF, _NF), full(1, _NF)]
    args = [nodes, p0, p1, u1a, u1b, ub1, u2, ub2]
    if mid:
        in_specs += [full(_NF, _TW), full(1, _TW)]
        args += [w1ab, tbias]
        body = _update_body
        out_specs = [blk(_NF), blk(_TW)]
        out_shape = [jax.ShapeDtypeStruct((_N, _NF), jnp.float32),
                     jax.ShapeDtypeStruct((_N, _TW), jnp.float32)]
    else:
        body = lambda *refs: _update_body(*refs[:8], None, None, refs[8], None)
        out_specs = blk(_NF)
        out_shape = jax.ShapeDtypeStruct((_N, _NF), jnp.float32)
    return pl.pallas_call(
        body,
        grid=(_N // _BLK_N,),
        in_specs=in_specs,
        out_specs=out_specs,
        out_shape=out_shape,
    )(*args)


def _heads_body(gf, wg, bg, pw1, pb1, pw2, pb2, vw1, vb1, vw2, vb2,
                nodes, pol_out, val_out, rep_out):
    g = _dot(gf[...], wg[...]) + bg[...]
    ph = jnp.maximum(_dot(g, pw1[...]) + pb1[...], 0.0)
    pol_out[...] = _dot(ph, pw2[...]) + pb2[...]
    vh = jnp.maximum(_dot(g, vw1[...]) + vb1[...], 0.0)
    val_out[...] = jnp.tanh(_dot(vh, vw2[...]) + vb2[...])
    rep_out[...] = jnp.mean(nodes[...], axis=0, keepdims=True)


def _heads_call(gf, wg, bg, pw1, pb1, pw2, pb2, vw1, vb1, vw2, vb2, nodes):
    full = lambda *shape: pl.BlockSpec(shape, lambda: (0,) * len(shape))
    return pl.pallas_call(
        _heads_body,
        in_specs=[full(1, 100), full(100, _H), full(1, _H),
                  full(_H, _H), full(1, _H),
                  full(_H, _N), full(1, _N),
                  full(_H, 32), full(1, 32),
                  full(32, 1), full(1, 1),
                  full(_N, _NF)],
        out_specs=[full(1, _N), full(1, 1), full(1, _NF)],
        out_shape=[jax.ShapeDtypeStruct((1, _N), jnp.float32),
                   jax.ShapeDtypeStruct((1, 1), jnp.float32),
                   jax.ShapeDtypeStruct((1, _NF), jnp.float32)],
    )(gf, wg, bg, pw1, pb1, pw2, pb2, vw1, vb1, vw2, vb2, nodes)


def kernel(node_x, edge_index, edge_attr, global_feats, params):
    p = params
    f32 = jnp.float32

    row = edge_index[0]
    col = edge_index[1]
    pad0 = (jnp.arange(_EP - _E, dtype=jnp.int32) * 131) % _N
    rowp = jnp.concatenate([row, pad0]).reshape(_ROWS, 128)
    colp = jnp.concatenate([col, pad0]).reshape(_ROWS, 128)
    idx_all = jnp.stack([rowp, colp], axis=1)
    cols_s = jnp.concatenate(
        [col, jnp.full((_EP - _E,), _N, jnp.int32)]).reshape(_ROWS, 128)
    ea_pad = jnp.concatenate(
        [edge_attr, jnp.zeros((_EP - _E, _RE), f32)], axis=0)
    zeros_tile = jnp.zeros((_TPR, _TW), f32)
    row2 = lambda v: v.reshape(1, -1)

    layers = p['layers']
    w1ab, m_l, u1a, u1b, ub1, u2, ub2 = [], [], [], [], [], [], []
    tbias = []
    for lp in layers:
        w1 = lp['msg_w1']
        w1ab.append(jnp.concatenate([w1[:_NF], w1[_NF:2 * _NF]], axis=1))
        w1c = w1[2 * _NF:]
        m_l.append(p['edge_emb_w'] @ w1c)
        tbias.append(row2(jnp.concatenate(
            [jnp.zeros((_NF,), f32),
             lp['msg_b1'] + p['edge_emb_b'] @ w1c])))
        u1 = lp['upd_w1']
        u1a.append(u1[:_NF])
        u1b.append(u1[_NF:])
        ub1.append(row2(lp['upd_b1']))
        u2.append(lp['upd_w2'])
        ub2.append(row2(lp['upd_b2']))

    nodes, t_tab = _embed_call(
        node_x, p['node_emb_w'], row2(p['node_emb_b']), w1ab[0], tbias[0])

    for l in range(len(layers)):
        grow = _gather_call(t_tab, idx_all)
        msg = _msg_call(grow, ea_pad, m_l[l],
                        layers[l]['msg_w2'], row2(layers[l]['msg_b2']))
        part = _scatter_call(msg, cols_s, zeros_tile)
        p0 = part[0, :_HALF_N]
        p1 = part[1, :_HALF_N]
        if l + 1 < len(layers):
            nodes, t_tab = _update_call(
                nodes, p0, p1, u1a[l], u1b[l], ub1[l], u2[l], ub2[l],
                w1ab[l + 1], tbias[l + 1])
        else:
            nodes = _update_call(
                nodes, p0, p1, u1a[l], u1b[l], ub1[l], u2[l], ub2[l])

    policy, value, rep = _heads_call(
        global_feats.reshape(1, 100), p['glob_w'], row2(p['glob_b']),
        p['pol_w1'], row2(p['pol_b1']), p['pol_w2'], row2(p['pol_b2']),
        p['val_w1'], row2(p['val_b1']), p['val_w2'], row2(p['val_b2']),
        nodes)
    return (policy.reshape(_N), value.reshape(1), rep.reshape(_NF))

# --- scband reference (transcript-rebuilt; emitter-appended) ---
"""Pipeline reference for scband-graph-neural-network-27728308863842 (READ-ONLY COPY).

The authoritative reference and input builder live on the scoring server;
editing this copy changes nothing except your own understanding.
"""

import jax, jax.numpy as jnp
import numpy as np

N = 10000
E = 320000
NF = 64   # node_features
EF = 32   # edge_features
H = 64    # hidden_dim
L = 2     # num_layers
RAW_N = 30
RAW_E = 10
RAW_G = 100
POLICY_OUT = 10000


def _glorot(key, shape):
    fan_in, fan_out = shape[0], shape[1]
    lim = float(np.sqrt(6.0 / (fan_in + fan_out)))
    return jax.random.uniform(key, shape, jnp.float32, -lim, lim)


def setup_inputs(seed: int = 0) -> dict:
    key = jax.random.key(seed)
    ks = iter(jax.random.split(key, 64))
    node_x = jax.random.normal(next(ks), (N, RAW_N), jnp.float32)
    edge_index = jax.random.randint(next(ks), (2, E), 0, N, dtype=jnp.int32)
    edge_attr = jax.random.normal(next(ks), (E, RAW_E), jnp.float32)
    global_feats = jax.random.normal(next(ks), (RAW_G,), jnp.float32)

    layers = []
    for _ in range(L):
        layers.append({
            'msg_w1': _glorot(next(ks), (2 * NF + EF, H)),
            'msg_b1': jnp.zeros((H,), jnp.float32),
            'msg_w2': _glorot(next(ks), (H, NF)),
            'msg_b2': jnp.zeros((NF,), jnp.float32),
            'upd_w1': _glorot(next(ks), (2 * NF, H)),
            'upd_b1': jnp.zeros((H,), jnp.float32),
            'upd_w2': _glorot(next(ks), (H, NF)),
            'upd_b2': jnp.zeros((NF,), jnp.float32),
        })
    params = {
        'node_emb_w': _glorot(next(ks), (RAW_N, NF)),
        'node_emb_b': jnp.zeros((NF,), jnp.float32),
        'edge_emb_w': _glorot(next(ks), (RAW_E, EF)),
        'edge_emb_b': jnp.zeros((EF,), jnp.float32),
        'layers': layers,
        'glob_w': _glorot(next(ks), (RAW_G, H)),
        'glob_b': jnp.zeros((H,), jnp.float32),
        'pol_w1': _glorot(next(ks), (H, H)),
        'pol_b1': jnp.zeros((H,), jnp.float32),
        'pol_w2': _glorot(next(ks), (H, POLICY_OUT)),
        'pol_b2': jnp.zeros((POLICY_OUT,), jnp.float32),
        'val_w1': _glorot(next(ks), (H, H // 2)),
        'val_b1': jnp.zeros((H // 2,), jnp.float32),
        'val_w2': _glorot(next(ks), (H // 2, 1)),
        'val_b2': jnp.zeros((1,), jnp.float32),
    }
    return {'node_x': node_x, 'edge_index': edge_index, 'edge_attr': edge_attr,
            'global_feats': global_feats, 'params': params}


def _forward(node_x, edge_attr, global_feats, params, edge_index):
    nodes = node_x @ params['node_emb_w'] + params['node_emb_b']
    edges = edge_attr @ params['edge_emb_w'] + params['edge_emb_b']
    row, col = edge_index[0], edge_index[1]
    for lp in params['layers']:
        src = jnp.take(nodes, row, axis=0)
        dst = jnp.take(nodes, col, axis=0)
        m_in = jnp.concatenate([src, dst, edges], axis=-1)
        msg = jax.nn.relu(m_in @ lp['msg_w1'] + lp['msg_b1']) @ lp['msg_w2'] + lp['msg_b2']
        agg = jnp.zeros_like(nodes).at[col].add(msg)
        u_in = jnp.concatenate([nodes, agg], axis=-1)
        nodes = jax.nn.relu(u_in @ lp['upd_w1'] + lp['upd_b1']) @ lp['upd_w2'] + lp['upd_b2']
    graph_rep = jnp.mean(nodes, axis=0)
    g = global_feats @ params['glob_w'] + params['glob_b']
    policy = jax.nn.relu(g @ params['pol_w1'] + params['pol_b1']) @ params['pol_w2'] + params['pol_b2']
    value = jnp.tanh(jax.nn.relu(g @ params['val_w1'] + params['val_b1']) @ params['val_w2'] + params['val_b2'])
    return (policy, value, graph_rep)


def reference(node_x, edge_index, edge_attr, global_feats, params):
    return _forward(node_x, edge_attr, global_feats, params, edge_index)

if __name__ == "__main__":
    import jax
    _d = setup_inputs()
    print(jax.jit(kernel)(*tuple(_d.values())))

</pallas_src>

<mosaic_0001>
#map = affine_map<(d0, d1) -> (0, 0)>
#map1 = affine_map<(d0, d1) -> (0, 0, 0)>
module attributes {stable_mosaic.version = 14 : i64} {
  func.func @_scatter_body(%arg0: i32, %arg1: i32, %arg2: memref<327680x128xf32, #tpu.memory_space<hbm>>, %arg3: memref<2560x128xi32, #tpu.memory_space<hbm>>, %arg4: memref<320x128xf32, #tpu.memory_space<hbm>>, %arg5: memref<2x5120x128xf32, #tpu.memory_space<hbm>>, %arg6: memref<5120x128xf32, #tpu.memory_space<vmem_shared>>, %arg7: memref<320x128xf32, #tpu.memory_space<vmem>>, %arg8: memref<1x128xi32, #tpu.memory_space<vmem>>, %arg9: memref<1x128xi32, #tpu.memory_space<vmem>>, %arg10: memref<1x128xi32, #tpu.memory_space<vmem>>, %arg11: memref<1x128xi32, #tpu.memory_space<vmem>>, %arg12: memref<128x128xf32, #tpu.memory_space<vmem>>, %arg13: memref<128x128xf32, #tpu.memory_space<vmem>>, %arg14: memref<!tpu.dma_semaphore, #tpu.memory_space<semaphore_mem>>, %arg15: memref<!tpu.dma_semaphore, #tpu.memory_space<semaphore_mem>>, %arg16: memref<!tpu.dma_semaphore, #tpu.memory_space<semaphore_mem>>, %arg17: memref<!tpu.dma_semaphore, #tpu.memory_space<semaphore_mem>>) attributes {dimension_semantics = [#tpu.dimension_semantics<core_parallel>, #tpu.dimension_semantics<subcore_parallel>], iteration_bounds = array<i64: 2, 16>, scalar_prefetch = 0 : i64, scratch_operands = 12 : i64, tpu.core_type = #tpu.core_type<sc_vector_subcore>, window_params = [{transform_indices = #map}, {transform_indices = #map}, {transform_indices = #map}, {transform_indices = #map1}]} {
    %mul3A = arith.constant 160 : i32
    %mul3A_0 = arith.muli %arg1, %mul3A : i32
    %mul3A_1 = arith.constant 5000 : i32
    %mul3A_2 = arith.muli %arg0, %mul3A_1 : i32
    %broadcast_in_dim3A = vector.broadcast %mul3A_2 : i32 to vector<16xi32>
    %add3A = arith.constant 5000 : i32
    %add3A_3 = vector.broadcast %add3A : i32 to vector<16xi32>
    %add3A_4 = arith.addi %broadcast_in_dim3A, %add3A_3 : vector<16xi32>
    %broadcast_in_dim3A_5 = arith.constant 5000 : i32
    %broadcast_in_dim3A_6 = vector.broadcast %broadcast_in_dim3A_5 : i32 to vector<16xi32>
    "tpu.region"() ({
      %run_scoped3A = tpu.sem_alloc : memref<!tpu.dma_semaphore, #tpu.memory_space<semaphore_mem>>
      tpu.enqueue_dma source(%arg4 : memref<320x128xf32, #tpu.memory_space<hbm>>) target(%arg7 : memref<320x128xf32, #tpu.memory_space<vmem>>) target_semaphore(%run_scoped3A : memref<!tpu.dma_semaphore, #tpu.memory_space<semaphore_mem>>)
      tpu.wait_dma2 semaphore(%run_scoped3A : memref<!tpu.dma_semaphore, #tpu.memory_space<semaphore_mem>>) src(%arg4 : memref<320x128xf32, #tpu.memory_space<hbm>>) dst(%arg7 : memref<320x128xf32, #tpu.memory_space<vmem>>)
      tpu.yield
    }) : () -> ()
    %mul3A_7 = arith.constant 320 : i32
    %mul3A_8 = arith.muli %arg1, %mul3A_7 : i32
    "tpu.region"() ({
      %run_scoped3A = tpu.sem_alloc : memref<!tpu.dma_semaphore, #tpu.memory_space<semaphore_mem>>
      %dma_start3A_46 = arith.constant 0 : i32
      %dma_start3A_47 = tpu.memref_slice %arg6[%mul3A_8, %dma_start3A_46] : memref<5120x128xf32, #tpu.memory_space<vmem_shared>> -> memref<320x128xf32, #tpu.memory_space<vmem_shared>>
      %dma_start3A_48 = arith.constant 0 : i32
      %dma_start3A_49 = tpu.memref_slice %arg6[%mul3A_8, %dma_start3A_48] : memref<5120x128xf32, #tpu.memory_space<vmem_shared>> -> memref<320x128xf32, #tpu.memory_space<vmem_shared>>
      tpu.enqueue_dma source(%arg7 : memref<320x128xf32, #tpu.memory_space<vmem>>) target(%dma_start3A_49 : memref<320x128xf32, #tpu.memory_space<vmem_shared>>) target_semaphore(%run_scoped3A : memref<!tpu.dma_semaphore, #tpu.memory_space<semaphore_mem>>)
      %dma_wait3A_50 = arith.constant 0 : i32
      %dma_wait3A_51 = tpu.memref_slice %arg6[%mul3A_8, %dma_wait3A_50] : memref<5120x128xf32, #tpu.memory_space<vmem_shared>> -> memref<320x128xf32, #tpu.memory_space<vmem_shared>>
      %dma_wait3A_52 = arith.constant 0 : i32
      %dma_wait3A_53 = tpu.memref_slice %arg6[%mul3A_8, %dma_wait3A_52] : memref<5120x128xf32, #tpu.memory_space<vmem_shared>> -> memref<320x128xf32, #tpu.memory_space<vmem_shared>>
      tpu.wait_dma2 semaphore(%run_scoped3A : memref<!tpu.dma_semaphore, #tpu.memory_space<semaphore_mem>>) src(%arg7 : memref<320x128xf32, #tpu.memory_space<vmem>>) dst(%dma_wait3A_53 : memref<320x128xf32, #tpu.memory_space<vmem_shared>>)
      tpu.yield
    }) : () -> ()
    %barrier3A = arith.constant 0 : index
    tpu.barrier barrier_id(%barrier3A)
    %dma_start3A = arith.constant 0 : i32
    %dma_start3A_9 = tpu.memref_slice %arg3[%mul3A_0, %dma_start3A] : memref<2560x128xi32, #tpu.memory_space<hbm>> -> memref<1x128xi32, #tpu.memory_space<hbm>>
    %dma_start3A_10 = arith.constant 0 : i32
    %dma_start3A_11 = tpu.memref_slice %arg3[%mul3A_0, %dma_start3A_10] : memref<2560x128xi32, #tpu.memory_space<hbm>> -> memref<1x128xi32, #tpu.memory_space<hbm>>
    tpu.enqueue_dma source(%dma_start3A_11 : memref<1x128xi32, #tpu.memory_space<hbm>>) target(%arg8 : memref<1x128xi32, #tpu.memory_space<vmem>>) target_semaphore(%arg14 : memref<!tpu.dma_semaphore, #tpu.memory_space<semaphore_mem>>)
    %mul3A_12 = arith.constant 128 : i32
    %mul3A_13 = arith.muli %mul3A_0, %mul3A_12 : i32
    %dma_start3A_14 = arith.constant 0 : i32
    %dma_start3A_15 = tpu.memref_slice %arg2[%mul3A_13, %dma_start3A_14] : memref<327680x128xf32, #tpu.memory_space<hbm>> -> memref<128x128xf32, #tpu.memory_space<hbm>>
    %dma_start3A_16 = arith.constant 0 : i32
    %dma_start3A_17 = tpu.memref_slice %arg2[%mul3A_13, %dma_start3A_16] : memref<327680x128xf32, #tpu.memory_space<hbm>> -> memref<128x128xf32, #tpu.memory_space<hbm>>
    tpu.enqueue_dma source(%dma_start3A_17 : memref<128x128xf32, #tpu.memory_space<hbm>>) target(%arg12 : memref<128x128xf32, #tpu.memory_space<vmem>>) target_semaphore(%arg14 : memref<!tpu.dma_semaphore, #tpu.memory_space<semaphore_mem>>)
    %add3A_18 = arith.constant 1 : i32
    %add3A_19 = arith.addi %mul3A_0, %add3A_18 : i32
    %dma_start3A_20 = arith.constant 0 : i32
    %dma_start3A_21 = tpu.memref_slice %arg3[%add3A_19, %dma_start3A_20] : memref<2560x128xi32, #tpu.memory_space<hbm>> -> memref<1x128xi32, #tpu.memory_space<hbm>>
    %dma_start3A_22 = arith.constant 0 : i32
    %dma_start3A_23 = tpu.memref_slice %arg3[%add3A_19, %dma_start3A_22] : memref<2560x128xi32, #tpu.memory_space<hbm>> -> memref<1x128xi32, #tpu.memory_space<hbm>>
    tpu.enqueue_dma source(%dma_start3A_23 : memref<1x128xi32, #tpu.memory_space<hbm>>) target(%arg10 : memref<1x128xi32, #tpu.memory_space<vmem>>) target_semaphore(%arg15 : memref<!tpu.dma_semaphore, #tpu.memory_space<semaphore_mem>>)
    %mul3A_24 = arith.constant 128 : i32
    %mul3A_25 = arith.muli %add3A_19, %mul3A_24 : i32
    %dma_start3A_26 = arith.constant 0 : i32
    %dma_start3A_27 = tpu.memref_slice %arg2[%mul3A_25, %dma_start3A_26] : memref<327680x128xf32, #tpu.memory_space<hbm>> -> memref<128x128xf32, #tpu.memory_space<hbm>>
    %dma_start3A_28 = arith.constant 0 : i32
    %dma_start3A_29 = tpu.memref_slice %arg2[%mul3A_25, %dma_start3A_28] : memref<327680x128xf32, #tpu.memory_space<hbm>> -> memref<128x128xf32, #tpu.memory_space<hbm>>
    tpu.enqueue_dma source(%dma_start3A_29 : memref<128x128xf32, #tpu.memory_space<hbm>>) target(%arg13 : memref<128x128xf32, #tpu.memory_space<vmem>>) target_semaphore(%arg15 : memref<!tpu.dma_semaphore, #tpu.memory_space<semaphore_mem>>)
    %scan3A = arith.constant 0 : i32
    %scan3A_30 = arith.constant 0 : i32
    %scan3A_31 = arith.constant 80 : i32
    %scan3A_32 = arith.addi %scan3A_30, %scan3A_31 : i32
    %scan3A_33 = arith.constant 1 : i32
    scf.for %scan3A_46 = %scan3A_30 to %scan3A_32 step %scan3A_33  : i32 {
      %mul3A_47 = arith.constant 2 : i32
      %mul3A_48 = arith.muli %mul3A_47, %scan3A_46 : i32
      %add3A_49 = arith.constant 0 : i32
      %add3A_50 = arith.addi %mul3A_48, %add3A_49 : i32
      %add3A_51 = arith.addi %mul3A_0, %add3A_50 : i32
      %dma_wait3A_52 = arith.constant 0 : i32
      %dma_wait3A_53 = tpu.memref_slice %arg3[%add3A_51, %dma_wait3A_52] : memref<2560x128xi32, #tpu.memory_space<hbm>> -> memref<1x128xi32, #tpu.memory_space<hbm>>
      %dma_wait3A_54 = arith.constant 0 : i32
      %dma_wait3A_55 = tpu.memref_slice %arg3[%add3A_51, %dma_wait3A_54] : memref<2560x128xi32, #tpu.memory_space<hbm>> -> memref<1x128xi32, #tpu.memory_space<hbm>>
      tpu.wait_dma2 semaphore(%arg14 : memref<!tpu.dma_semaphore, #tpu.memory_space<semaphore_mem>>) src(%dma_wait3A_55 : memref<1x128xi32, #tpu.memory_space<hbm>>) dst(%arg8 : memref<1x128xi32, #tpu.memory_space<vmem>>)
      %mul3A_56 = arith.constant 128 : i32
      %mul3A_57 = arith.muli %add3A_51, %mul3A_56 : i32
      %dma_wait3A_58 = arith.constant 0 : i32
      %dma_wait3A_59 = tpu.memref_slice %arg2[%mul3A_57, %dma_wait3A_58] : memref<327680x128xf32, #tpu.memory_space<hbm>> -> memref<128x128xf32, #tpu.memory_space<hbm>>
      %dma_wait3A_60 = arith.constant 0 : i32
      %dma_wait3A_61 = tpu.memref_slice %arg2[%mul3A_57, %dma_wait3A_60] : memref<327680x128xf32, #tpu.memory_space<hbm>> -> memref<128x128xf32, #tpu.memory_space<hbm>>
      tpu.wait_dma2 semaphore(%arg14 : memref<!tpu.dma_semaphore, #tpu.memory_space<semaphore_mem>>) src(%dma_wait3A_61 : memref<128x128xf32, #tpu.memory_space<hbm>>) dst(%arg12 : memref<128x128xf32, #tpu.memory_space<vmem>>)
      %get3A = arith.constant 0 : i32
      %get3A_62 = arith.index_cast %get3A : i32 to index
      %get3A_63 = arith.constant 0 : index
      %get3A_64 = tpu.vector_load %arg8[%get3A_62, %get3A_63] {strides = array<i32>} : memref<1x128xi32, #tpu.memory_space<vmem>>, vector<1x16xi32>,
      %get3A_65 = vector.shape_cast %get3A_64 : vector<1x16xi32> to vector<16xi32>
      %ge3A = arith.cmpi sge, %get3A_65, %broadcast_in_dim3A : vector<16xi32>
      %lt3A = arith.cmpi slt, %get3A_65, %add3A_4 : vector<16xi32>
      %and3A = arith.andi %ge3A, %lt3A : vector<16xi1>
      %sub3A = arith.subi %get3A_65, %broadcast_in_dim3A : vector<16xi32>
      %select_n3A = arith.select %and3A, %sub3A, %broadcast_in_dim3A_6 : vector<16xi1>, vector<16xi32>
      %swap3A = arith.constant 0 : i32
      %swap3A_66 = arith.index_cast %swap3A : i32 to index
      %swap3A_67 = arith.constant 0 : index
      %swap3A_68 = tpu.vector_load %arg9[%swap3A_66, %swap3A_67] {strides = array<i32>} : memref<1x128xi32, #tpu.memory_space<vmem>>, vector<1x16xi32>,
      %swap3A_69 = vector.shape_cast %swap3A_68 : vector<1x16xi32> to vector<16xi32>
      %swap3A_70 = vector.shape_cast %select_n3A : vector<16xi32> to vector<1x16xi32>
      tpu.vector_store %arg9[%swap3A_66, %swap3A_67], %swap3A_70 {strides = array<i32>} : memref<1x128xi32, #tpu.memory_space<vmem>>, vector<1x16xi32>,
      %get3A_71 = arith.constant 0 : i32
      %get3A_72 = arith.index_cast %get3A_71 : i32 to index
      %get3A_73 = arith.constant 16 : index
      %get3A_74 = tpu.vector_load %arg8[%get3A_72, %get3A_73] {strides = array<i32>} : memref<1x128xi32, #tpu.memory_space<vmem>>, vector<1x16xi32>,
      %get3A_75 = vector.shape_cast %get3A_74 : vector<1x16xi32> to vector<16xi32>
      %ge3A_76 = arith.cmpi sge, %get3A_75, %broadcast_in_dim3A : vector<16xi32>
      %lt3A_77 = arith.cmpi slt, %get3A_75, %add3A_4 : vector<16xi32>
      %and3A_78 = arith.andi %ge3A_76, %lt3A_77 : vector<16xi1>
      %sub3A_79 = arith.subi %get3A_75, %broadcast_in_dim3A : vector<16xi32>
      %select_n3A_80 = arith.select %and3A_78, %sub3A_79, %broadcast_in_dim3A_6 : vector<16xi1>, vector<16xi32>
      %swap3A_81 = arith.constant 0 : i32
      %swap3A_82 = arith.index_cast %swap3A_81 : i32 to index
      %swap3A_83 = arith.constant 16 : index
      %swap3A_84 = tpu.vector_load %arg9[%swap3A_82, %swap3A_83] {strides = array<i32>} : memref<1x128xi32, #tpu.memory_space<vmem>>, vector<1x16xi32>,
      %swap3A_85 = vector.shape_cast %swap3A_84 : vector<1x16xi32> to vector<16xi32>
      %swap3A_86 = vector.shape_cast %select_n3A_80 : vector<16xi32> to vector<1x16xi32>
      tpu.vector_store %arg9[%swap3A_82, %swap3A_83], %swap3A_86 {strides = array<i32>} : memref<1x128xi32, #tpu.memory_space<vmem>>, vector<1x16xi32>,
      %get3A_87 = arith.constant 0 : i32
      %get3A_88 = arith.index_cast %get3A_87 : i32 to index
      %get3A_89 = arith.constant 32 : index
      %get3A_90 = tpu.vector_load %arg8[%get3A_88, %get3A_89] {strides = array<i32>} : memref<1x128xi32, #tpu.memory_space<vmem>>, vector<1x16xi32>,
      %get3A_91 = vector.shape_cast %get3A_90 : vector<1x16xi32> to vector<16xi32>
      %ge3A_92 = arith.cmpi sge, %get3A_91, %broadcast_in_dim3A : vector<16xi32>
      %lt3A_93 = arith.cmpi slt, %get3A_91, %add3A_4 : vector<16xi32>
      %and3A_94 = arith.andi %ge3A_92, %lt3A_93 : vector<16xi1>
      %sub3A_95 = arith.subi %get3A_91, %broadcast_in_dim3A : vector<16xi32>
      %select_n3A_96 = arith.select %and3A_94, %sub3A_95, %broadcast_in_dim3A_6 : vector<16xi1>, vector<16xi32>
      %swap3A_97 = arith.constant 0 : i32
      %swap3A_98 = arith.index_cast %swap3A_97 : i32 to index
      %swap3A_99 = arith.constant 32 : index
      %swap3A_100 = tpu.vector_load %arg9[%swap3A_98, %swap3A_99] {strides = array<i32>} : memref<1x128xi32, #tpu.memory_space<vmem>>, vector<1x16xi32>,
      %swap3A_101 = vector.shape_cast %swap3A_100 : vector<1x16xi32> to vector<16xi32>
      %swap3A_102 = vector.shape_cast %select_n3A_96 : vector<16xi32> to vector<1x16xi32>
      tpu.vector_store %arg9[%swap3A_98, %swap3A_99], %swap3A_102 {strides = array<i32>} : memref<1x128xi32, #tpu.memory_space<vmem>>, vector<1x16xi32>,
      %get3A_103 = arith.constant 0 : i32
      %get3A_104 = arith.index_cast %get3A_103 : i32 to index
      %get3A_105 = arith.constant 48 : index
      %get3A_106 = tpu.vector_load %arg8[%get3A_104, %get3A_105] {strides = array<i32>} : memref<1x128xi32, #tpu.memory_space<vmem>>, vector<1x16xi32>,
      %get3A_107 = vector.shape_cast %get3A_106 : vector<1x16xi32> to vector<16xi32>
      %ge3A_108 = arith.cmpi sge, %get3A_107, %broadcast_in_dim3A : vector<16xi32>
      %lt3A_109 = arith.cmpi slt, %get3A_107, %add3A_4 : vector<16xi32>
      %and3A_110 = arith.andi %ge3A_108, %lt3A_109 : vector<16xi1>
      %sub3A_111 = arith.subi %get3A_107, %broadcast_in_dim3A : vector<16xi32>
      %select_n3A_112 = arith.select %and3A_110, %sub3A_111, %broadcast_in_dim3A_6 : vector<16xi1>, vector<16xi32>
      %swap3A_113 = arith.constant 0 : i32
      %swap3A_114 = arith.index_cast %swap3A_113 : i32 to index
      %swap3A_115 = arith.constant 48 : index
      %swap3A_116 = tpu.vector_load %arg9[%swap3A_114, %swap3A_115] {strides = array<i32>} : memref<1x128xi32, #tpu.memory_space<vmem>>, vector<1x16xi32>,
      %swap3A_117 = vector.shape_cast %swap3A_116 : vector<1x16xi32> to vector<16xi32>
      %swap3A_118 = vector.shape_cast %select_n3A_112 : vector<16xi32> to vector<1x16xi32>
      tpu.vector_store %arg9[%swap3A_114, %swap3A_115], %swap3A_118 {strides = array<i32>} : memref<1x128xi32, #tpu.memory_space<vmem>>, vector<1x16xi32>,
      %get3A_119 = arith.constant 0 : i32
      %get3A_120 = arith.index_cast %get3A_119 : i32 to index
      %get3A_121 = arith.constant 64 : index
      %get3A_122 = tpu.vector_load %arg8[%get3A_120, %get3A_121] {strides = array<i32>} : memref<1x128xi32, #tpu.memory_space<vmem>>, vector<1x16xi32>,
      %get3A_123 = vector.shape_cast %get3A_122 : vector<1x16xi32> to vector<16xi32>
      %ge3A_124 = arith.cmpi sge, %get3A_123, %broadcast_in_dim3A : vector<16xi32>
      %lt3A_125 = arith.cmpi slt, %get3A_123, %add3A_4 : vector<16xi32>
      %and3A_126 = arith.andi %ge3A_124, %lt3A_125 : vector<16xi1>
      %sub3A_127 = arith.subi %get3A_123, %broadcast_in_dim3A : vector<16xi32>
      %select_n3A_128 = arith.select %and3A_126, %sub3A_127, %broadcast_in_dim3A_6 : vector<16xi1>, vector<16xi32>
      %swap3A_129 = arith.constant 0 : i32
      %swap3A_130 = arith.index_cast %swap3A_129 : i32 to index
      %swap3A_131 = arith.constant 64 : index
      %swap3A_132 = tpu.vector_load %arg9[%swap3A_130, %swap3A_131] {strides = array<i32>} : memref<1x128xi32, #tpu.memory_space<vmem>>, vector<1x16xi32>,
      %swap3A_133 = vector.shape_cast %swap3A_132 : vector<1x16xi32> to vector<16xi32>
      %swap3A_134 = vector.shape_cast %select_n3A_128 : vector<16xi32> to vector<1x16xi32>
      tpu.vector_store %arg9[%swap3A_130, %swap3A_131], %swap3A_134 {strides = array<i32>} : memref<1x128xi32, #tpu.memory_space<vmem>>, vector<1x16xi32>,
      %get3A_135 = arith.constant 0 : i32
      %get3A_136 = arith.index_cast %get3A_135 : i32 to index
      %get3A_137 = arith.constant 80 : index
      %get3A_138 = tpu.vector_load %arg8[%get3A_136, %get3A_137] {strides = array<i32>} : memref<1x128xi32, #tpu.memory_space<vmem>>, vector<1x16xi32>,
      %get3A_139 = vector.shape_cast %get3A_138 : vector<1x16xi32> to vector<16xi32>
      %ge3A_140 = arith.cmpi sge, %get3A_139, %broadcast_in_dim3A : vector<16xi32>
      %lt3A_141 = arith.cmpi slt, %get3A_139, %add3A_4 : vector<16xi32>
      %and3A_142 = arith.andi %ge3A_140, %lt3A_141 : vector<16xi1>
      %sub3A_143 = arith.subi %get3A_139, %broadcast_in_dim3A : vector<16xi32>
      %select_n3A_144 = arith.select %and3A_142, %sub3A_143, %broadcast_in_dim3A_6 : vector<16xi1>, vector<16xi32>
      %swap3A_145 = arith.constant 0 : i32
      %swap3A_146 = arith.index_cast %swap3A_145 : i32 to index
      %swap3A_147 = arith.constant 80 : index
      %swap3A_148 = tpu.vector_load %arg9[%swap3A_146, %swap3A_147] {strides = array<i32>} : memref<1x128xi32, #tpu.memory_space<vmem>>, vector<1x16xi32>,
      %swap3A_149 = vector.shape_cast %swap3A_148 : vector<1x16xi32> to vector<16xi32>
      %swap3A_150 = vector.shape_cast %select_n3A_144 : vector<16xi32> to vector<1x16xi32>
      tpu.vector_store %arg9[%swap3A_146, %swap3A_147], %swap3A_150 {strides = array<i32>} : memref<1x128xi32, #tpu.memory_space<vmem>>, vector<1x16xi32>,
      %get3A_151 = arith.constant 0 : i32
      %get3A_152 = arith.index_cast %get3A_151 : i32 to index
      %get3A_153 = arith.constant 96 : index
      %get3A_154 = tpu.vector_load %arg8[%get3A_152, %get3A_153] {strides = array<i32>} : memref<1x128xi32, #tpu.memory_space<vmem>>, vector<1x16xi32>,
      %get3A_155 = vector.shape_cast %get3A_154 : vector<1x16xi32> to vector<16xi32>
      %ge3A_156 = arith.cmpi sge, %get3A_155, %broadcast_in_dim3A : vector<16xi32>
      %lt3A_157 = arith.cmpi slt, %get3A_155, %add3A_4 : vector<16xi32>
      %and3A_158 = arith.andi %ge3A_156, %lt3A_157 : vector<16xi1>
      %sub3A_159 = arith.subi %get3A_155, %broadcast_in_dim3A : vector<16xi32>
      %select_n3A_160 = arith.select %and3A_158, %sub3A_159, %broadcast_in_dim3A_6 : vector<16xi1>, vector<16xi32>
      %swap3A_161 = arith.constant 0 : i32
      %swap3A_162 = arith.index_cast %swap3A_161 : i32 to index
      %swap3A_163 = arith.constant 96 : index
      %swap3A_164 = tpu.vector_load %arg9[%swap3A_162, %swap3A_163] {strides = array<i32>} : memref<1x128xi32, #tpu.memory_space<vmem>>, vector<1x16xi32>,
      %swap3A_165 = vector.shape_cast %swap3A_164 : vector<1x16xi32> to vector<16xi32>
      %swap3A_166 = vector.shape_cast %select_n3A_160 : vector<16xi32> to vector<1x16xi32>
      tpu.vector_store %arg9[%swap3A_162, %swap3A_163], %swap3A_166 {strides = array<i32>} : memref<1x128xi32, #tpu.memory_space<vmem>>, vector<1x16xi32>,
      %get3A_167 = arith.constant 0 : i32
      %get3A_168 = arith.index_cast %get3A_167 : i32 to index
      %get3A_169 = arith.constant 112 : index
      %get3A_170 = tpu.vector_load %arg8[%get3A_168, %get3A_169] {strides = array<i32>} : memref<1x128xi32, #tpu.memory_space<vmem>>, vector<1x16xi32>,
      %get3A_171 = vector.shape_cast %get3A_170 : vector<1x16xi32> to vector<16xi32>
      %ge3A_172 = arith.cmpi sge, %get3A_171, %broadcast_in_dim3A : vector<16xi32>
      %lt3A_173 = arith.cmpi slt, %get3A_171, %add3A_4 : vector<16xi32>
      %and3A_174 = arith.andi %ge3A_172, %lt3A_173 : vector<16xi1>
      %sub3A_175 = arith.subi %get3A_171, %broadcast_in_dim3A : vector<16xi32>
      %select_n3A_176 = arith.select %and3A_174, %sub3A_175, %broadcast_in_dim3A_6 : vector<16xi1>, vector<16xi32>
      %swap3A_177 = arith.constant 0 : i32
      %swap3A_178 = arith.index_cast %swap3A_177 : i32 to index
      %swap3A_179 = arith.constant 112 : index
      %swap3A_180 = tpu.vector_load %arg9[%swap3A_178, %swap3A_179] {strides = array<i32>} : memref<1x128xi32, #tpu.memory_space<vmem>>, vector<1x16xi32>,
      %swap3A_181 = vector.shape_cast %swap3A_180 : vector<1x16xi32> to vector<16xi32>
      %swap3A_182 = vector.shape_cast %select_n3A_176 : vector<16xi32> to vector<1x16xi32>
      tpu.vector_store %arg9[%swap3A_178, %swap3A_179], %swap3A_182 {strides = array<i32>} : memref<1x128xi32, #tpu.memory_space<vmem>>, vector<1x16xi32>,
      %dma_start3A_183 = arith.constant 0 : i32
      %dma_start3A_184 = arith.constant 0 : i32
      %dma_start3A_185 = tpu.memref_slice %arg9[%dma_start3A_183, %dma_start3A_184] : memref<1x128xi32, #tpu.memory_space<vmem>> -> memref<1x128xi32, #tpu.memory_space<vmem>>
      %dma_start3A_186 = tpu.memref_squeeze %dma_start3A_185 : memref<1x128xi32, #tpu.memory_space<vmem>> -> memref<128xi32, #tpu.memory_space<vmem>>
      %dma_start3A_187 = arith.constant 0 : i32
      %dma_start3A_188 = arith.constant 0 : i32
      %dma_start3A_189 = tpu.memref_slice %arg6[%dma_start3A_187, %dma_start3A_188] : memref<5120x128xf32, #tpu.memory_space<vmem_shared>> -> memref<5120x128xf32, #tpu.memory_space<vmem_shared>>
      tpu.enqueue_indirect_dma source(%arg12 : memref<128x128xf32, #tpu.memory_space<vmem>>) target(%dma_start3A_189 : memref<5120x128xf32, #tpu.memory_space<vmem_shared>>) offsets(%dma_start3A_186 : memref<128xi32, #tpu.memory_space<vmem>>) semaphore(%arg16 : memref<!tpu.dma_semaphore, #tpu.memory_space<semaphore_mem>>) {add = true}
      %ge3A_190 = arith.constant 1 : i32
      %ge3A_191 = arith.cmpi sge, %add3A_50, %ge3A_190 : i32
      %convert_element_type3A = arith.extui %ge3A_191 : i1 to i32
      %cond3A = arith.constant 0 : i32
      %cond3A_192 = arith.cmpi ne, %convert_element_type3A, %cond3A : i32
      scf.if %cond3A_192 {
        %dma_wait3A_368 = arith.constant 0 : i32
        %dma_wait3A_369 = arith.constant 0 : i32
        %dma_wait3A_370 = tpu.memref_slice %arg11[%dma_wait3A_368, %dma_wait3A_369] : memref<1x128xi32, #tpu.memory_space<vmem>> -> memref<1x128xi32, #tpu.memory_space<vmem>>
        %dma_wait3A_371 = tpu.memref_squeeze %dma_wait3A_370 : memref<1x128xi32, #tpu.memory_space<vmem>> -> memref<128xi32, #tpu.memory_space<vmem>>
        %dma_wait3A_372 = arith.constant 0 : i32
        %dma_wait3A_373 = arith.constant 0 : i32
        %dma_wait3A_374 = tpu.memref_slice %arg6[%dma_wait3A_372, %dma_wait3A_373] : memref<5120x128xf32, #tpu.memory_space<vmem_shared>> -> memref<5120x128xf32, #tpu.memory_space<vmem_shared>>
        tpu.wait_indirect_dma semaphore(%arg17 : memref<!tpu.dma_semaphore, #tpu.memory_space<semaphore_mem>>) src(%arg13 : memref<128x128xf32, #tpu.memory_space<vmem>>) dst(%dma_wait3A_374 : memref<5120x128xf32, #tpu.memory_space<vmem_shared>>)
      } else {
      }
      %ge3A_193 = arith.constant 1 : i32
      %ge3A_194 = arith.cmpi sge, %add3A_50, %ge3A_193 : i32
      %add3A_195 = arith.constant 1 : i32
      %add3A_196 = arith.addi %add3A_50, %add3A_195 : i32
      %lt3A_197 = arith.constant 160 : i32
      %lt3A_198 = arith.cmpi slt, %add3A_196, %lt3A_197 : i32
      %and3A_199 = arith.andi %ge3A_194, %lt3A_198 : i1
      %convert_element_type3A_200 = arith.extui %and3A_199 : i1 to i32
      %cond3A_201 = arith.constant 0 : i32
      %cond3A_202 = arith.cmpi ne, %convert_element_type3A_200, %cond3A_201 : i32
      scf.if %cond3A_202 {
        %add3A_368 = arith.constant 1 : i32
        %add3A_369 = arith.addi %add3A_51, %add3A_368 : i32
        %dma_start3A_370 = arith.constant 0 : i32
        %dma_start3A_371 = tpu.memref_slice %arg3[%add3A_369, %dma_start3A_370] : memref<2560x128xi32, #tpu.memory_space<hbm>> -> memref<1x128xi32, #tpu.memory_space<hbm>>
        %dma_start3A_372 = arith.constant 0 : i32
        %dma_start3A_373 = tpu.memref_slice %arg3[%add3A_369, %dma_start3A_372] : memref<2560x128xi32, #tpu.memory_space<hbm>> -> memref<1x128xi32, #tpu.memory_space<hbm>>
        tpu.enqueue_dma source(%dma_start3A_373 : memref<1x128xi32, #tpu.memory_space<hbm>>) target(%arg10 : memref<1x128xi32, #tpu.memory_space<vmem>>) target_semaphore(%arg15 : memref<!tpu.dma_semaphore, #tpu.memory_space<semaphore_mem>>)
        %mul3A_374 = arith.constant 128 : i32
        %mul3A_375 = arith.muli %add3A_369, %mul3A_374 : i32
        %dma_start3A_376 = arith.constant 0 : i32
        %dma_start3A_377 = tpu.memref_slice %arg2[%mul3A_375, %dma_start3A_376] : memref<327680x128xf32, #tpu.memory_space<hbm>> -> memref<128x128xf32, #tpu.memory_space<hbm>>
        %dma_start3A_378 = arith.constant 0 : i32
        %dma_start3A_379 = tpu.memref_slice %arg2[%mul3A_375, %dma_start3A_378] : memref<327680x128xf32, #tpu.memory_space<hbm>> -> memref<128x128xf32, #tpu.memory_space<hbm>>
        tpu.enqueue_dma source(%dma_start3A_379 : memref<128x128xf32, #tpu.memory_space<hbm>>) target(%arg13 : memref<128x128xf32, #tpu.memory_space<vmem>>) target_semaphore(%arg15 : memref<!tpu.dma_semaphore, #tpu.memory_space<semaphore_mem>>)
      } else {
      }
      %mul3A_203 = arith.constant 2 : i32
      %mul3A_204 = arith.muli %mul3A_203, %scan3A_46 : i32
      %add3A_205 = arith.constant 1 : i32
      %add3A_206 = arith.addi %mul3A_204, %add3A_205 : i32
      %add3A_207 = arith.addi %mul3A_0, %add3A_206 : i32
      %dma_wait3A_208 = arith.constant 0 : i32
      %dma_wait3A_209 = tpu.memref_slice %arg3[%add3A_207, %dma_wait3A_208] : memref<2560x128xi32, #tpu.memory_space<hbm>> -> memref<1x128xi32, #tpu.memory_space<hbm>>
      %dma_wait3A_210 = arith.constant 0 : i32
      %dma_wait3A_211 = tpu.memref_slice %arg3[%add3A_207, %dma_wait3A_210] : memref<2560x128xi32, #tpu.memory_space<hbm>> -> memref<1x128xi32, #tpu.memory_space<hbm>>
      tpu.wait_dma2 semaphore(%arg15 : memref<!tpu.dma_semaphore, #tpu.memory_space<semaphore_mem>>) src(%dma_wait3A_211 : memref<1x128xi32, #tpu.memory_space<hbm>>) dst(%arg10 : memref<1x128xi32, #tpu.memory_space<vmem>>)
      %mul3A_212 = arith.constant 128 : i32
      %mul3A_213 = arith.muli %add3A_207, %mul3A_212 : i32
      %dma_wait3A_214 = arith.constant 0 : i32
      %dma_wait3A_215 = tpu.memref_slice %arg2[%mul3A_213, %dma_wait3A_214] : memref<327680x128xf32, #tpu.memory_space<hbm>> -> memref<128x128xf32, #tpu.memory_space<hbm>>
      %dma_wait3A_216 = arith.constant 0 : i32
      %dma_wait3A_217 = tpu.memref_slice %arg2[%mul3A_213, %dma_wait3A_216] : memref<327680x128xf32, #tpu.memory_space<hbm>> -> memref<128x128xf32, #tpu.memory_space<hbm>>
      tpu.wait_dma2 semaphore(%arg15 : memref<!tpu.dma_semaphore, #tpu.memory_space<semaphore_mem>>) src(%dma_wait3A_217 : memref<128x128xf32, #tpu.memory_space<hbm>>) dst(%arg13 : memref<128x128xf32, #tpu.memory_space<vmem>>)
      %get3A_218 = arith.constant 0 : i32
      %get3A_219 = arith.index_cast %get3A_218 : i32 to index
      %get3A_220 = arith.constant 0 : index
      %get3A_221 = tpu.vector_load %arg10[%get3A_219, %get3A_220] {strides = array<i32>} : memref<1x128xi32, #tpu.memory_space<vmem>>, vector<1x16xi32>,
      %get3A_222 = vector.shape_cast %get3A_221 : vector<1x16xi32> to vector<16xi32>
      %ge3A_223 = arith.cmpi sge, %get3A_222, %broadcast_in_dim3A : vector<16xi32>
      %lt3A_224 = arith.cmpi slt, %get3A_222, %add3A_4 : vector<16xi32>
      %and3A_225 = arith.andi %ge3A_223, %lt3A_224 : vector<16xi1>
      %sub3A_226 = arith.subi %get3A_222, %broadcast_in_dim3A : vector<16xi32>
      %select_n3A_227 = arith.select %and3A_225, %sub3A_226, %broadcast_in_dim3A_6 : vector<16xi1>, vector<16xi32>
      %swap3A_228 = arith.constant 0 : i32
      %swap3A_229 = arith.index_cast %swap3A_228 : i32 to index
      %swap3A_230 = arith.constant 0 : index
      %swap3A_231 = tpu.vector_load %arg11[%swap3A_229, %swap3A_230] {strides = array<i32>} : memref<1x128xi32, #tpu.memory_space<vmem>>, vector<1x16xi32>,
      %swap3A_232 = vector.shape_cast %swap3A_231 : vector<1x16xi32> to vector<16xi32>
      %swap3A_233 = vector.shape_cast %select_n3A_227 : vector<16xi32> to vector<1x16xi32>
      tpu.vector_store %arg11[%swap3A_229, %swap3A_230], %swap3A_233 {strides = array<i32>} : memref<1x128xi32, #tpu.memory_space<vmem>>, vector<1x16xi32>,
      %get3A_234 = arith.constant 0 : i32
      %get3A_235 = arith.index_cast %get3A_234 : i32 to index
      %get3A_236 = arith.constant 16 : index
      %get3A_237 = tpu.vector_load %arg10[%get3A_235, %get3A_236] {strides = array<i32>} : memref<1x128xi32, #tpu.memory_space<vmem>>, vector<1x16xi32>,
      %get3A_238 = vector.shape_cast %get3A_237 : vector<1x16xi32> to vector<16xi32>
      %ge3A_239 = arith.cmpi sge, %get3A_238, %broadcast_in_dim3A : vector<16xi32>
      %lt3A_240 = arith.cmpi slt, %get3A_238, %add3A_4 : vector<16xi32>
      %and3A_241 = arith.andi %ge3A_239, %lt3A_240 : vector<16xi1>
      %sub3A_242 = arith.subi %get3A_238, %broadcast_in_dim3A : vector<16xi32>
      %select_n3A_243 = arith.select %and3A_241, %sub3A_242, %broadcast_in_dim3A_6 : vector<16xi1>, vector<16xi32>
      %swap3A_244 = arith.constant 0 : i32
      %swap3A_245 = arith.index_cast %swap3A_244 : i32 to index
      %swap3A_246 = arith.constant 16 : index
      %swap3A_247 = tpu.vector_load %arg11[%swap3A_245, %swap3A_246] {strides = array<i32>} : memref<1x128xi32, #tpu.memory_space<vmem>>, vector<1x16xi32>,
      %swap3A_248 = vector.shape_cast %swap3A_247 : vector<1x16xi32> to vector<16xi32>
      %swap3A_249 = vector.shape_cast %select_n3A_243 : vector<16xi32> to vector<1x16xi32>
      tpu.vector_store %arg11[%swap3A_245, %swap3A_246], %swap3A_249 {strides = array<i32>} : memref<1x128xi32, #tpu.memory_space<vmem>>, vector<1x16xi32>,
      %get3A_250 = arith.constant 0 : i32
      %get3A_251 = arith.index_cast %get3A_250 : i32 to index
      %get3A_252 = arith.constant 32 : index
      %get3A_253 = tpu.vector_load %arg10[%get3A_251, %get3A_252] {strides = array<i32>} : memref<1x128xi32, #tpu.memory_space<vmem>>, vector<1x16xi32>,
      %get3A_254 = vector.shape_cast %get3A_253 : vector<1x16xi32> to vector<16xi32>
      %ge3A_255 = arith.cmpi sge, %get3A_254, %broadcast_in_dim3A : vector<16xi32>
      %lt3A_256 = arith.cmpi slt, %get3A_254, %add3A_4 : vector<16xi32>
      %and3A_257 = arith.andi %ge3A_255, %lt3A_256 : vector<16xi1>
      %sub3A_258 = arith.subi %get3A_254, %broadcast_in_dim3A : vector<16xi32>
      %select_n3A_259 = arith.select %and3A_257, %sub3A_258, %broadcast_in_dim3A_6 : vector<16xi1>, vector<16xi32>
      %swap3A_260 = arith.constant 0 : i32
      %swap3A_261 = arith.index_cast %swap3A_260 : i32 to index
      %swap3A_262 = arith.constant 32 : index
      %swap3A_263 = tpu.vector_load %arg11[%swap3A_261, %swap3A_262] {strides = array<i32>} : memref<1x128xi32, #tpu.memory_space<vmem>>, vector<1x16xi32>,
      %swap3A_264 = vector.shape_cast %swap3A_263 : vector<1x16xi32> to vector<16xi32>
      %swap3A_265 = vector.shape_cast %select_n3A_259 : vector<16xi32> to vector<1x16xi32>
      tpu.vector_store %arg11[%swap3A_261, %swap3A_262], %swap3A_265 {strides = array<i32>} : memref<1x128xi32, #tpu.memory_space<vmem>>, vector<1x16xi32>,
      %get3A_266 = arith.constant 0 : i32
      %get3A_267 = arith.index_cast %get3A_266 : i32 to index
      %get3A_268 = arith.constant 48 : index
      %get3A_269 = tpu.vector_load %arg10[%get3A_267, %get3A_268] {strides = array<i32>} : memref<1x128xi32, #tpu.memory_space<vmem>>, vector<1x16xi32>,
      %get3A_270 = vector.shape_cast %get3A_269 : vector<1x16xi32> to vector<16xi32>
      %ge3A_271 = arith.cmpi sge, %get3A_270, %broadcast_in_dim3A : vector<16xi32>
      %lt3A_272 = arith.cmpi slt, %get3A_270, %add3A_4 : vector<16xi32>
      %and3A_273 = arith.andi %ge3A_271, %lt3A_272 : vector<16xi1>
      %sub3A_274 = arith.subi %get3A_270, %broadcast_in_dim3A : vector<16xi32>
      %select_n3A_275 = arith.select %and3A_273, %sub3A_274, %broadcast_in_dim3A_6 : vector<16xi1>, vector<16xi32>
      %swap3A_276 = arith.constant 0 : i32
      %swap3A_277 = arith.index_cast %swap3A_276 : i32 to index
      %swap3A_278 = arith.constant 48 : index
      %swap3A_279 = tpu.vector_load %arg11[%swap3A_277, %swap3A_278] {strides = array<i32>} : memref<1x128xi32, #tpu.memory_space<vmem>>, vector<1x16xi32>,
      %swap3A_280 = vector.shape_cast %swap3A_279 : vector<1x16xi32> to vector<16xi32>
      %swap3A_281 = vector.shape_cast %select_n3A_275 : vector<16xi32> to vector<1x16xi32>
      tpu.vector_store %arg11[%swap3A_277, %swap3A_278], %swap3A_281 {strides = array<i32>} : memref<1x128xi32, #tpu.memory_space<vmem>>, vector<1x16xi32>,
      %get3A_282 = arith.constant 0 : i32
      %get3A_283 = arith.index_cast %get3A_282 : i32 to index
      %get3A_284 = arith.constant 64 : index
      %get3A_285 = tpu.vector_load %arg10[%get3A_283, %get3A_284] {strides = array<i32>} : memref<1x128xi32, #tpu.memory_space<vmem>>, vector<1x16xi32>,
      %get3A_286 = vector.shape_cast %get3A_285 : vector<1x16xi32> to vector<16xi32>
      %ge3A_287 = arith.cmpi sge, %get3A_286, %broadcast_in_dim3A : vector<16xi32>
      %lt3A_288 = arith.cmpi slt, %get3A_286, %add3A_4 : vector<16xi32>
      %and3A_289 = arith.andi %ge3A_287, %lt3A_288 : vector<16xi1>
      %sub3A_290 = arith.subi %get3A_286, %broadcast_in_dim3A : vector<16xi32>
      %select_n3A_291 = arith.select %and3A_289, %sub3A_290, %broadcast_in_dim3A_6 : vector<16xi1>, vector<16xi32>
      %swap3A_292 = arith.constant 0 : i32
      %swap3A_293 = arith.index_cast %swap3A_292 : i32 to index
      %swap3A_294 = arith.constant 64 : index
      %swap3A_295 = tpu.vector_load %arg11[%swap3A_293, %swap3A_294] {strides = array<i32>} : memref<1x128xi32, #tpu.memory_space<vmem>>, vector<1x16xi32>,
      %swap3A_296 = vector.shape_cast %swap3A_295 : vector<1x16xi32> to vector<16xi32>
      %swap3A_297 = vector.shape_cast %select_n3A_291 : vector<16xi32> to vector<1x16xi32>
      tpu.vector_store %arg11[%swap3A_293, %swap3A_294], %swap3A_297 {strides = array<i32>} : memref<1x128xi32, #tpu.memory_space<vmem>>, vector<1x16xi32>,
      %get3A_298 = arith.constant 0 : i32
      %get3A_299 = arith.index_cast %get3A_298 : i32 to index
      %get3A_300 = arith.constant 80 : index
      %get3A_301 = tpu.vector_load %arg10[%get3A_299, %get3A_300] {strides = array<i32>} : memref<1x128xi32, #tpu.memory_space<vmem>>, vector<1x16xi32>,
      %get3A_302 = vector.shape_cast %get3A_301 : vector<1x16xi32> to vector<16xi32>
      %ge3A_303 = arith.cmpi sge, %get3A_302, %broadcast_in_dim3A : vector<16xi32>
      %lt3A_304 = arith.cmpi slt, %get3A_302, %add3A_4 : vector<16xi32>
      %and3A_305 = arith.andi %ge3A_303, %lt3A_304 : vector<16xi1>
      %sub3A_306 = arith.subi %get3A_302, %broadcast_in_dim3A : vector<16xi32>
      %select_n3A_307 = arith.select %and3A_305, %sub3A_306, %broadcast_in_dim3A_6 : vector<16xi1>, vector<16xi32>
      %swap3A_308 = arith.constant 0 : i32
      %swap3A_309 = arith.index_cast %swap3A_308 : i32 to index
      %swap3A_310 = arith.constant 80 : index
      %swap3A_311 = tpu.vector_load %arg11[%swap3A_309, %swap3A_310] {strides = array<i32>} : memref<1x128xi32, #tpu.memory_space<vmem>>, vector<1x16xi32>,
      %swap3A_312 = vector.shape_cast %swap3A_311 : vector<1x16xi32> to vector<16xi32>
      %swap3A_313 = vector.shape_cast %select_n3A_307 : vector<16xi32> to vector<1x16xi32>
      tpu.vector_store %arg11[%swap3A_309, %swap3A_310], %swap3A_313 {strides = array<i32>} : memref<1x128xi32, #tpu.memory_space<vmem>>, vector<1x16xi32>,
      %get3A_314 = arith.constant 0 : i32
      %get3A_315 = arith.index_cast %get3A_314 : i32 to index
      %get3A_316 = arith.constant 96 : index
      %get3A_317 = tpu.vector_load %arg10[%get3A_315, %get3A_316] {strides = array<i32>} : memref<1x128xi32, #tpu.memory_space<vmem>>, vector<1x16xi32>,
      %get3A_318 = vector.shape_cast %get3A_317 : vector<1x16xi32> to vector<16xi32>
      %ge3A_319 = arith.cmpi sge, %get3A_318, %broadcast_in_dim3A : vector<16xi32>
      %lt3A_320 = arith.cmpi slt, %get3A_318, %add3A_4 : vector<16xi32>
      %and3A_321 = arith.andi %ge3A_319, %lt3A_320 : vector<16xi1>
      %sub3A_322 = arith.subi %get3A_318, %broadcast_in_dim3A : vector<16xi32>
      %select_n3A_323 = arith.select %and3A_321, %sub3A_322, %broadcast_in_dim3A_6 : vector<16xi1>, vector<16xi32>
      %swap3A_324 = arith.constant 0 : i32
      %swap3A_325 = arith.index_cast %swap3A_324 : i32 to index
      %swap3A_326 = arith.constant 96 : index
      %swap3A_327 = tpu.vector_load %arg11[%swap3A_325, %swap3A_326] {strides = array<i32>} : memref<1x128xi32, #tpu.memory_space<vmem>>, vector<1x16xi32>,
      %swap3A_328 = vector.shape_cast %swap3A_327 : vector<1x16xi32> to vector<16xi32>
      %swap3A_329 = vector.shape_cast %select_n3A_323 : vector<16xi32> to vector<1x16xi32>
      tpu.vector_store %arg11[%swap3A_325, %swap3A_326], %swap3A_329 {strides = array<i32>} : memref<1x128xi32, #tpu.memory_space<vmem>>, vector<1x16xi32>,
      %get3A_330 = arith.constant 0 : i32
      %get3A_331 = arith.index_cast %get3A_330 : i32 to index
      %get3A_332 = arith.constant 112 : index
      %get3A_333 = tpu.vector_load %arg10[%get3A_331, %get3A_332] {strides = array<i32>} : memref<1x128xi32, #tpu.memory_space<vmem>>, vector<1x16xi32>,
      %get3A_334 = vector.shape_cast %get3A_333 : vector<1x16xi32> to vector<16xi32>
      %ge3A_335 = arith.cmpi sge, %get3A_334, %broadcast_in_dim3A : vector<16xi32>
      %lt3A_336 = arith.cmpi slt, %get3A_334, %add3A_4 : vector<16xi32>
      %and3A_337 = arith.andi %ge3A_335, %lt3A_336 : vector<16xi1>
      %sub3A_338 = arith.subi %get3A_334, %broadcast_in_dim3A : vector<16xi32>
      %select_n3A_339 = arith.select %and3A_337, %sub3A_338, %broadcast_in_dim3A_6 : vector<16xi1>, vector<16xi32>
      %swap3A_340 = arith.constant 0 : i32
      %swap3A_341 = arith.index_cast %swap3A_340 : i32 to index
      %swap3A_342 = arith.constant 112 : index
      %swap3A_343 = tpu.vector_load %arg11[%swap3A_341, %swap3A_342] {strides = array<i32>} : memref<1x128xi32, #tpu.memory_space<vmem>>, vector<1x16xi32>,
      %swap3A_344 = vector.shape_cast %swap3A_343 : vector<1x16xi32> to vector<16xi32>
      %swap3A_345 = vector.shape_cast %select_n3A_339 : vector<16xi32> to vector<1x16xi32>
      tpu.vector_store %arg11[%swap3A_341, %swap3A_342], %swap3A_345 {strides = array<i32>} : memref<1x128xi32, #tpu.memory_space<vmem>>, vector<1x16xi32>,
      %dma_start3A_346 = arith.constant 0 : i32
      %dma_start3A_347 = arith.constant 0 : i32
      %dma_start3A_348 = tpu.memref_slice %arg11[%dma_start3A_346, %dma_start3A_347] : memref<1x128xi32, #tpu.memory_space<vmem>> -> memref<1x128xi32, #tpu.memory_space<vmem>>
      %dma_start3A_349 = tpu.memref_squeeze %dma_start3A_348 : memref<1x128xi32, #tpu.memory_space<vmem>> -> memref<128xi32, #tpu.memory_space<vmem>>
      %dma_start3A_350 = arith.constant 0 : i32
      %dma_start3A_351 = arith.constant 0 : i32
      %dma_start3A_352 = tpu.memref_slice %arg6[%dma_start3A_350, %dma_start3A_351] : memref<5120x128xf32, #tpu.memory_space<vmem_shared>> -> memref<5120x128xf32, #tpu.memory_space<vmem_shared>>
      tpu.enqueue_indirect_dma source(%arg13 : memref<128x128xf32, #tpu.memory_space<vmem>>) target(%dma_start3A_352 : memref<5120x128xf32, #tpu.memory_space<vmem_shared>>) offsets(%dma_start3A_349 : memref<128xi32, #tpu.memory_space<vmem>>) semaphore(%arg17 : memref<!tpu.dma_semaphore, #tpu.memory_space<semaphore_mem>>) {add = true}
      %ge3A_353 = arith.constant 1 : i32
      %ge3A_354 = arith.cmpi sge, %add3A_206, %ge3A_353 : i32
      %convert_element_type3A_355 = arith.extui %ge3A_354 : i1 to i32
      %cond3A_356 = arith.constant 0 : i32
      %cond3A_357 = arith.cmpi ne, %convert_element_type3A_355, %cond3A_356 : i32
      scf.if %cond3A_357 {
        %dma_wait3A_368 = arith.constant 0 : i32
        %dma_wait3A_369 = arith.constant 0 : i32
        %dma_wait3A_370 = tpu.memref_slice %arg9[%dma_wait3A_368, %dma_wait3A_369] : memref<1x128xi32, #tpu.memory_space<vmem>> -> memref<1x128xi32, #tpu.memory_space<vmem>>
        %dma_wait3A_371 = tpu.memref_squeeze %dma_wait3A_370 : memref<1x128xi32, #tpu.memory_space<vmem>> -> memref<128xi32, #tpu.memory_space<vmem>>
        %dma_wait3A_372 = arith.constant 0 : i32
        %dma_wait3A_373 = arith.constant 0 : i32
        %dma_wait3A_374 = tpu.memref_slice %arg6[%dma_wait3A_372, %dma_wait3A_373] : memref<5120x128xf32, #tpu.memory_space<vmem_shared>> -> memref<5120x128xf32, #tpu.memory_space<vmem_shared>>
        tpu.wait_indirect_dma semaphore(%arg16 : memref<!tpu.dma_semaphore, #tpu.memory_space<semaphore_mem>>) src(%arg12 : memref<128x128xf32, #tpu.memory_space<vmem>>) dst(%dma_wait3A_374 : memref<5120x128xf32, #tpu.memory_space<vmem_shared>>)
      } else {
      }
      %ge3A_358 = arith.constant 1 : i32
      %ge3A_359 = arith.cmpi sge, %add3A_206, %ge3A_358 : i32
      %add3A_360 = arith.constant 1 : i32
      %add3A_361 = arith.addi %add3A_206, %add3A_360 : i32
      %lt3A_362 = arith.constant 160 : i32
      %lt3A_363 = arith.cmpi slt, %add3A_361, %lt3A_362 : i32
      %and3A_364 = arith.andi %ge3A_359, %lt3A_363 : i1
      %convert_element_type3A_365 = arith.extui %and3A_364 : i1 to i32
      %cond3A_366 = arith.constant 0 : i32
      %cond3A_367 = arith.cmpi ne, %convert_element_type3A_365, %cond3A_366 : i32
      scf.if %cond3A_367 {
        %add3A_368 = arith.constant 1 : i32
        %add3A_369 = arith.addi %add3A_207, %add3A_368 : i32
        %dma_start3A_370 = arith.constant 0 : i32
        %dma_start3A_371 = tpu.memref_slice %arg3[%add3A_369, %dma_start3A_370] : memref<2560x128xi32, #tpu.memory_space<hbm>> -> memref<1x128xi32, #tpu.memory_space<hbm>>
        %dma_start3A_372 = arith.constant 0 : i32
        %dma_start3A_373 = tpu.memref_slice %arg3[%add3A_369, %dma_start3A_372] : memref<2560x128xi32, #tpu.memory_space<hbm>> -> memref<1x128xi32, #tpu.memory_space<hbm>>
        tpu.enqueue_dma source(%dma_start3A_373 : memref<1x128xi32, #tpu.memory_space<hbm>>) target(%arg8 : memref<1x128xi32, #tpu.memory_space<vmem>>) target_semaphore(%arg14 : memref<!tpu.dma_semaphore, #tpu.memory_space<semaphore_mem>>)
        %mul3A_374 = arith.constant 128 : i32
        %mul3A_375 = arith.muli %add3A_369, %mul3A_374 : i32
        %dma_start3A_376 = arith.constant 0 : i32
        %dma_start3A_377 = tpu.memref_slice %arg2[%mul3A_375, %dma_start3A_376] : memref<327680x128xf32, #tpu.memory_space<hbm>> -> memref<128x128xf32, #tpu.memory_space<hbm>>
        %dma_start3A_378 = arith.constant 0 : i32
        %dma_start3A_379 = tpu.memref_slice %arg2[%mul3A_375, %dma_start3A_378] : memref<327680x128xf32, #tpu.memory_space<hbm>> -> memref<128x128xf32, #tpu.memory_space<hbm>>
        tpu.enqueue_dma source(%dma_start3A_379 : memref<128x128xf32, #tpu.memory_space<hbm>>) target(%arg12 : memref<128x128xf32, #tpu.memory_space<vmem>>) target_semaphore(%arg14 : memref<!tpu.dma_semaphore, #tpu.memory_space<semaphore_mem>>)
      } else {
      }
    }
    %scan3A_34 = arith.constant 80 : i32
    %dma_wait3A = arith.constant 0 : i32
    %dma_wait3A_35 = arith.constant 0 : i32
    %dma_wait3A_36 = tpu.memref_slice %arg11[%dma_wait3A, %dma_wait3A_35] : memref<1x128xi32, #tpu.memory_space<vmem>> -> memref<1x128xi32, #tpu.memory_space<vmem>>
    %dma_wait3A_37 = tpu.memref_squeeze %dma_wait3A_36 : memref<1x128xi32, #tpu.memory_space<vmem>> -> memref<128xi32, #tpu.memory_space<vmem>>
    %dma_wait3A_38 = arith.constant 0 : i32
    %dma_wait3A_39 = arith.constant 0 : i32
    %dma_wait3A_40 = tpu.memref_slice %arg6[%dma_wait3A_38, %dma_wait3A_39] : memref<5120x128xf32, #tpu.memory_space<vmem_shared>> -> memref<5120x128xf32, #tpu.memory_space<vmem_shared>>
    tpu.wait_indirect_dma semaphore(%arg17 : memref<!tpu.dma_semaphore, #tpu.memory_space<semaphore_mem>>) src(%arg13 : memref<128x128xf32, #tpu.memory_space<vmem>>) dst(%dma_wait3A_40 : memref<5120x128xf32, #tpu.memory_space<vmem_shared>>)
    %barrier3A_41 = arith.constant 0 : index
    tpu.barrier barrier_id(%barrier3A_41)
    %mul3A_42 = arith.constant 320 : i32
    %mul3A_43 = arith.muli %arg1, %mul3A_42 : i32
    "tpu.region"() ({
      %run_scoped3A = tpu.sem_alloc : memref<!tpu.dma_semaphore, #tpu.memory_space<semaphore_mem>>
      %dma_start3A_46 = arith.constant 0 : i32
      %dma_start3A_47 = tpu.memref_slice %arg6[%mul3A_43, %dma_start3A_46] : memref<5120x128xf32, #tpu.memory_space<vmem_shared>> -> memref<320x128xf32, #tpu.memory_space<vmem_shared>>
      %dma_start3A_48 = arith.constant 0 : i32
      %dma_start3A_49 = tpu.memref_slice %arg6[%mul3A_43, %dma_start3A_48] : memref<5120x128xf32, #tpu.memory_space<vmem_shared>> -> memref<320x128xf32, #tpu.memory_space<vmem_shared>>
      tpu.enqueue_dma source(%dma_start3A_49 : memref<320x128xf32, #tpu.memory_space<vmem_shared>>) target(%arg7 : memref<320x128xf32, #tpu.memory_space<vmem>>) target_semaphore(%run_scoped3A : memref<!tpu.dma_semaphore, #tpu.memory_space<semaphore_mem>>)
      %dma_wait3A_50 = arith.constant 0 : i32
      %dma_wait3A_51 = tpu.memref_slice %arg6[%mul3A_43, %dma_wait3A_50] : memref<5120x128xf32, #tpu.memory_space<vmem_shared>> -> memref<320x128xf32, #tpu.memory_space<vmem_shared>>
      %dma_wait3A_52 = arith.constant 0 : i32
      %dma_wait3A_53 = tpu.memref_slice %arg6[%mul3A_43, %dma_wait3A_52] : memref<5120x128xf32, #tpu.memory_space<vmem_shared>> -> memref<320x128xf32, #tpu.memory_space<vmem_shared>>
      tpu.wait_dma2 semaphore(%run_scoped3A : memref<!tpu.dma_semaphore, #tpu.memory_space<semaphore_mem>>) src(%dma_wait3A_53 : memref<320x128xf32, #tpu.memory_space<vmem_shared>>) dst(%arg7 : memref<320x128xf32, #tpu.memory_space<vmem>>)
      tpu.yield
    }) : () -> ()
    %mul3A_44 = arith.constant 320 : i32
    %mul3A_45 = arith.muli %arg1, %mul3A_44 : i32
    "tpu.region"() ({
      %run_scoped3A = tpu.sem_alloc : memref<!tpu.dma_semaphore, #tpu.memory_space<semaphore_mem>>
      %dma_start3A_46 = arith.constant 0 : i32
      %dma_start3A_47 = tpu.memref_slice %arg5[%arg0, %mul3A_45, %dma_start3A_46] : memref<2x5120x128xf32, #tpu.memory_space<hbm>> -> memref<1x320x128xf32, #tpu.memory_space<hbm>>
      %dma_start3A_48 = tpu.memref_squeeze %dma_start3A_47 : memref<1x320x128xf32, #tpu.memory_space<hbm>> -> memref<320x128xf32, #tpu.memory_space<hbm>>
      %dma_start3A_49 = arith.constant 0 : i32
      %dma_start3A_50 = tpu.memref_slice %arg5[%arg0, %mul3A_45, %dma_start3A_49] : memref<2x5120x128xf32, #tpu.memory_space<hbm>> -> memref<1x320x128xf32, #tpu.memory_space<hbm>>
      %dma_start3A_51 = tpu.memref_squeeze %dma_start3A_50 : memref<1x320x128xf32, #tpu.memory_space<hbm>> -> memref<320x128xf32, #tpu.memory_space<hbm>>
      tpu.enqueue_dma source(%arg7 : memref<320x128xf32, #tpu.memory_space<vmem>>) target(%dma_start3A_51 : memref<320x128xf32, #tpu.memory_space<hbm>>) target_semaphore(%run_scoped3A : memref<!tpu.dma_semaphore, #tpu.memory_space<semaphore_mem>>)
      %dma_wait3A_52 = arith.constant 0 : i32
      %dma_wait3A_53 = tpu.memref_slice %arg5[%arg0, %mul3A_45, %dma_wait3A_52] : memref<2x5120x128xf32, #tpu.memory_space<hbm>> -> memref<1x320x128xf32, #tpu.memory_space<hbm>>
      %dma_wait3A_54 = tpu.memref_squeeze %dma_wait3A_53 : memref<1x320x128xf32, #tpu.memory_space<hbm>> -> memref<320x128xf32, #tpu.memory_space<hbm>>
      %dma_wait3A_55 = arith.constant 0 : i32
      %dma_wait3A_56 = tpu.memref_slice %arg5[%arg0, %mul3A_45, %dma_wait3A_55] : memref<2x5120x128xf32, #tpu.memory_space<hbm>> -> memref<1x320x128xf32, #tpu.memory_space<hbm>>
      %dma_wait3A_57 = tpu.memref_squeeze %dma_wait3A_56 : memref<1x320x128xf32, #tpu.memory_space<hbm>> -> memref<320x128xf32, #tpu.memory_space<hbm>>
      tpu.wait_dma2 semaphore(%run_scoped3A : memref<!tpu.dma_semaphore, #tpu.memory_space<semaphore_mem>>) src(%arg7 : memref<320x128xf32, #tpu.memory_space<vmem>>) dst(%dma_wait3A_57 : memref<320x128xf32, #tpu.memory_space<hbm>>)
      tpu.yield
    }) : () -> ()
    return
  }
}

#map = affine_map<(d0, d1) -> (0, 0)>
#map1 = affine_map<(d0, d1) -> (0, 0, 0)>
module attributes {stable_mosaic.version = 14 : i64} {
  func.func @_gather_body(%arg0: i32, %arg1: i32, %arg2: memref<10000x128xf32, #tpu.memory_space<hbm>>, %arg3: memref<2560x2x128xi32, #tpu.memory_space<hbm>>, %arg4: memref<327680x128xf32, #tpu.memory_space<hbm>>, %arg5: memref<1x2x128xi32, #tpu.memory_space<vmem>>, %arg6: memref<1x2x128xi32, #tpu.memory_space<vmem>>, %arg7: memref<128x128xf32, #tpu.memory_space<vmem>>, %arg8: memref<128x128xf32, #tpu.memory_space<vmem>>, %arg9: memref<128x128xf32, #tpu.memory_space<vmem>>, %arg10: memref<128x128xf32, #tpu.memory_space<vmem>>, %arg11: memref<!tpu.dma_semaphore, #tpu.memory_space<semaphore_mem>>, %arg12: memref<!tpu.dma_semaphore, #tpu.memory_space<semaphore_mem>>, %arg13: memref<!tpu.dma_semaphore, #tpu.memory_space<semaphore_mem>>, %arg14: memref<!tpu.dma_semaphore, #tpu.memory_space<semaphore_mem>>, %arg15: memref<!tpu.dma_semaphore, #tpu.memory_space<semaphore_mem>>, %arg16: memref<!tpu.dma_semaphore, #tpu.memory_space<semaphore_mem>>) attributes {dimension_semantics = [#tpu.dimension_semantics<core_parallel>, #tpu.dimension_semantics<subcore_parallel>], iteration_bounds = array<i64: 2, 16>, scalar_prefetch = 0 : i64, scratch_operands = 12 : i64, tpu.core_type = #tpu.core_type<sc_vector_subcore>, window_params = [{transform_indices = #map}, {transform_indices = #map1}, {transform_indices = #map}]} {
    %mul3A = arith.constant 2 : i32
    %mul3A_0 = arith.muli %arg1, %mul3A : i32
    %add3A = arith.addi %mul3A_0, %arg0 : i32
    %mul3A_1 = arith.constant 80 : i32
    %mul3A_2 = arith.muli %add3A, %mul3A_1 : i32
    %dma_start3A = arith.constant 0 : i32
    %dma_start3A_3 = arith.constant 0 : i32
    %dma_start3A_4 = tpu.memref_slice %arg3[%mul3A_2, %dma_start3A, %dma_start3A_3] : memref<2560x2x128xi32, #tpu.memory_space<hbm>> -> memref<1x2x128xi32, #tpu.memory_space<hbm>>
    %dma_start3A_5 = arith.constant 0 : i32
    %dma_start3A_6 = arith.constant 0 : i32
    %dma_start3A_7 = tpu.memref_slice %arg3[%mul3A_2, %dma_start3A_5, %dma_start3A_6] : memref<2560x2x128xi32, #tpu.memory_space<hbm>> -> memref<1x2x128xi32, #tpu.memory_space<hbm>>
    tpu.enqueue_dma source(%dma_start3A_7 : memref<1x2x128xi32, #tpu.memory_space<hbm>>) target(%arg5 : memref<1x2x128xi32, #tpu.memory_space<vmem>>) target_semaphore(%arg11 : memref<!tpu.dma_semaphore, #tpu.memory_space<semaphore_mem>>)
    %add3A_8 = arith.constant 1 : i32
    %add3A_9 = arith.addi %mul3A_2, %add3A_8 : i32
    %dma_start3A_10 = arith.constant 0 : i32
    %dma_start3A_11 = arith.constant 0 : i32
    %dma_start3A_12 = tpu.memref_slice %arg3[%add3A_9, %dma_start3A_10, %dma_start3A_11] : memref<2560x2x128xi32, #tpu.memory_space<hbm>> -> memref<1x2x128xi32, #tpu.memory_space<hbm>>
    %dma_start3A_13 = arith.constant 0 : i32
    %dma_start3A_14 = arith.constant 0 : i32
    %dma_start3A_15 = tpu.memref_slice %arg3[%add3A_9, %dma_start3A_13, %dma_start3A_14] : memref<2560x2x128xi32, #tpu.memory_space<hbm>> -> memref<1x2x128xi32, #tpu.memory_space<hbm>>
    tpu.enqueue_dma source(%dma_start3A_15 : memref<1x2x128xi32, #tpu.memory_space<hbm>>) target(%arg6 : memref<1x2x128xi32, #tpu.memory_space<vmem>>) target_semaphore(%arg12 : memref<!tpu.dma_semaphore, #tpu.memory_space<semaphore_mem>>)
    %scan3A = arith.constant 0 : i32
    %scan3A_16 = arith.constant 0 : i32
    %scan3A_17 = arith.constant 40 : i32
    %scan3A_18 = arith.addi %scan3A_16, %scan3A_17 : i32
    %scan3A_19 = arith.constant 1 : i32
    scf.for %scan3A_65 = %scan3A_16 to %scan3A_18 step %scan3A_19  : i32 {
      %mul3A_66 = arith.constant 2 : i32
      %mul3A_67 = arith.muli %mul3A_66, %scan3A_65 : i32
      %add3A_68 = arith.constant 0 : i32
      %add3A_69 = arith.addi %mul3A_67, %add3A_68 : i32
      %add3A_70 = arith.addi %mul3A_2, %add3A_69 : i32
      %dma_wait3A_71 = arith.constant 0 : i32
      %dma_wait3A_72 = arith.constant 0 : i32
      %dma_wait3A_73 = tpu.memref_slice %arg3[%add3A_70, %dma_wait3A_71, %dma_wait3A_72] : memref<2560x2x128xi32, #tpu.memory_space<hbm>> -> memref<1x2x128xi32, #tpu.memory_space<hbm>>
      %dma_wait3A_74 = arith.constant 0 : i32
      %dma_wait3A_75 = arith.constant 0 : i32
      %dma_wait3A_76 = tpu.memref_slice %arg3[%add3A_70, %dma_wait3A_74, %dma_wait3A_75] : memref<2560x2x128xi32, #tpu.memory_space<hbm>> -> memref<1x2x128xi32, #tpu.memory_space<hbm>>
      tpu.wait_dma2 semaphore(%arg11 : memref<!tpu.dma_semaphore, #tpu.memory_space<semaphore_mem>>) src(%dma_wait3A_76 : memref<1x2x128xi32, #tpu.memory_space<hbm>>) dst(%arg5 : memref<1x2x128xi32, #tpu.memory_space<vmem>>)
      %ge3A = arith.constant 2 : i32
      %ge3A_77 = arith.cmpi sge, %add3A_69, %ge3A : i32
      %convert_element_type3A = arith.extui %ge3A_77 : i1 to i32
      %cond3A = arith.constant 0 : i32
      %cond3A_78 = arith.cmpi ne, %convert_element_type3A, %cond3A : i32
      scf.if %cond3A_78 {
        %sub3A_155 = arith.constant 2 : i32
        %sub3A_156 = arith.subi %add3A_70, %sub3A_155 : i32
        %mul3A_157 = arith.constant 128 : i32
        %mul3A_158 = arith.muli %sub3A_156, %mul3A_157 : i32
        %dma_wait3A_159 = arith.constant 0 : i32
        %dma_wait3A_160 = tpu.memref_slice %arg4[%mul3A_158, %dma_wait3A_159] : memref<327680x128xf32, #tpu.memory_space<hbm>> -> memref<128x128xf32, #tpu.memory_space<hbm>>
        %dma_wait3A_161 = arith.constant 0 : i32
        %dma_wait3A_162 = tpu.memref_slice %arg4[%mul3A_158, %dma_wait3A_161] : memref<327680x128xf32, #tpu.memory_space<hbm>> -> memref<128x128xf32, #tpu.memory_space<hbm>>
        tpu.wait_dma2 semaphore(%arg15 : memref<!tpu.dma_semaphore, #tpu.memory_space<semaphore_mem>>) src(%arg7 : memref<128x128xf32, #tpu.memory_space<vmem>>) dst(%dma_wait3A_162 : memref<128x128xf32, #tpu.memory_space<hbm>>)
      } else {
      }
      %dma_start3A_79 = arith.constant 0 : i32
      %dma_start3A_80 = arith.constant 0 : i32
      %dma_start3A_81 = arith.constant 0 : i32
      %dma_start3A_82 = tpu.memref_slice %arg5[%dma_start3A_79, %dma_start3A_80, %dma_start3A_81] : memref<1x2x128xi32, #tpu.memory_space<vmem>> -> memref<1x1x128xi32, #tpu.memory_space<vmem>>
      %dma_start3A_83 = tpu.memref_squeeze %dma_start3A_82 : memref<1x1x128xi32, #tpu.memory_space<vmem>> -> memref<128xi32, #tpu.memory_space<vmem>>
      %dma_start3A_84 = arith.constant 0 : i32
      %dma_start3A_85 = arith.constant 0 : i32
      %dma_start3A_86 = tpu.memref_slice %arg2[%dma_start3A_84, %dma_start3A_85] : memref<10000x128xf32, #tpu.memory_space<hbm>> -> memref<10000x128xf32, #tpu.memory_space<hbm>>
      tpu.enqueue_indirect_dma source(%dma_start3A_86 : memref<10000x128xf32, #tpu.memory_space<hbm>>) target(%arg7 : memref<128x128xf32, #tpu.memory_space<vmem>>) offsets(%dma_start3A_83 : memref<128xi32, #tpu.memory_space<vmem>>) semaphore(%arg13 : memref<!tpu.dma_semaphore, #tpu.memory_space<semaphore_mem>>)
      %dma_start3A_87 = arith.constant 0 : i32
      %dma_start3A_88 = arith.constant 1 : i32
      %dma_start3A_89 = arith.constant 0 : i32
      %dma_start3A_90 = tpu.memref_slice %arg5[%dma_start3A_87, %dma_start3A_88, %dma_start3A_89] : memref<1x2x128xi32, #tpu.memory_space<vmem>> -> memref<1x1x128xi32, #tpu.memory_space<vmem>>
      %dma_start3A_91 = tpu.memref_squeeze %dma_start3A_90 : memref<1x1x128xi32, #tpu.memory_space<vmem>> -> memref<128xi32, #tpu.memory_space<vmem>>
      %dma_start3A_92 = arith.constant 0 : i32
      %dma_start3A_93 = arith.constant 0 : i32
      %dma_start3A_94 = tpu.memref_slice %arg2[%dma_start3A_92, %dma_start3A_93] : memref<10000x128xf32, #tpu.memory_space<hbm>> -> memref<10000x128xf32, #tpu.memory_space<hbm>>
      tpu.enqueue_indirect_dma source(%dma_start3A_94 : memref<10000x128xf32, #tpu.memory_space<hbm>>) target(%arg8 : memref<128x128xf32, #tpu.memory_space<vmem>>) offsets(%dma_start3A_91 : memref<128xi32, #tpu.memory_space<vmem>>) semaphore(%arg13 : memref<!tpu.dma_semaphore, #tpu.memory_space<semaphore_mem>>)
      %ge3A_95 = arith.constant 1 : i32
      %ge3A_96 = arith.cmpi sge, %add3A_69, %ge3A_95 : i32
      %convert_element_type3A_97 = arith.extui %ge3A_96 : i1 to i32
      %cond3A_98 = arith.constant 0 : i32
      %cond3A_99 = arith.cmpi ne, %convert_element_type3A_97, %cond3A_98 : i32
      scf.if %cond3A_99 {
        %dma_wait3A_155 = arith.constant 0 : i32
        %dma_wait3A_156 = arith.constant 0 : i32
        %dma_wait3A_157 = arith.constant 0 : i32
        %dma_wait3A_158 = tpu.memref_slice %arg6[%dma_wait3A_155, %dma_wait3A_156, %dma_wait3A_157] : memref<1x2x128xi32, #tpu.memory_space<vmem>> -> memref<1x1x128xi32, #tpu.memory_space<vmem>>
        %dma_wait3A_159 = tpu.memref_squeeze %dma_wait3A_158 : memref<1x1x128xi32, #tpu.memory_space<vmem>> -> memref<128xi32, #tpu.memory_space<vmem>>
        %dma_wait3A_160 = arith.constant 0 : i32
        %dma_wait3A_161 = arith.constant 0 : i32
        %dma_wait3A_162 = tpu.memref_slice %arg2[%dma_wait3A_160, %dma_wait3A_161] : memref<10000x128xf32, #tpu.memory_space<hbm>> -> memref<10000x128xf32, #tpu.memory_space<hbm>>
        tpu.wait_indirect_dma semaphore(%arg14 : memref<!tpu.dma_semaphore, #tpu.memory_space<semaphore_mem>>) src(%dma_wait3A_162 : memref<10000x128xf32, #tpu.memory_space<hbm>>) dst(%arg9 : memref<128x128xf32, #tpu.memory_space<vmem>>)
        %dma_wait3A_163 = arith.constant 0 : i32
        %dma_wait3A_164 = arith.constant 1 : i32
        %dma_wait3A_165 = arith.constant 0 : i32
        %dma_wait3A_166 = tpu.memref_slice %arg6[%dma_wait3A_163, %dma_wait3A_164, %dma_wait3A_165] : memref<1x2x128xi32, #tpu.memory_space<vmem>> -> memref<1x1x128xi32, #tpu.memory_space<vmem>>
        %dma_wait3A_167 = tpu.memref_squeeze %dma_wait3A_166 : memref<1x1x128xi32, #tpu.memory_space<vmem>> -> memref<128xi32, #tpu.memory_space<vmem>>
        %dma_wait3A_168 = arith.constant 0 : i32
        %dma_wait3A_169 = arith.constant 0 : i32
        %dma_wait3A_170 = tpu.memref_slice %arg2[%dma_wait3A_168, %dma_wait3A_169] : memref<10000x128xf32, #tpu.memory_space<hbm>> -> memref<10000x128xf32, #tpu.memory_space<hbm>>
        tpu.wait_indirect_dma semaphore(%arg14 : memref<!tpu.dma_semaphore, #tpu.memory_space<semaphore_mem>>) src(%dma_wait3A_170 : memref<10000x128xf32, #tpu.memory_space<hbm>>) dst(%arg10 : memref<128x128xf32, #tpu.memory_space<vmem>>)
        %scan3A_171 = arith.constant 0 : i32
        %scan3A_172 = arith.constant 0 : i32
        %scan3A_173 = arith.constant 128 : i32
        %scan3A_174 = arith.addi %scan3A_172, %scan3A_173 : i32
        %scan3A_175 = arith.constant 4 : i32
        scf.for %scan3A_185 = %scan3A_172 to %scan3A_174 step %scan3A_175  : i32 {
          %get3A = arith.index_cast %scan3A_185 : i32 to index
          %get3A_186 = arith.constant 0 : index
          %get3A_187 = tpu.vector_load %arg9[%get3A, %get3A_186] {strides = array<i32>} : memref<128x128xf32, #tpu.memory_space<vmem>>, vector<1x16xf32>,
          %get3A_188 = vector.shape_cast %get3A_187 : vector<1x16xf32> to vector<16xf32>
          %get3A_189 = arith.index_cast %scan3A_185 : i32 to index
          %get3A_190 = arith.constant 64 : index
          %get3A_191 = tpu.vector_load %arg10[%get3A_189, %get3A_190] {strides = array<i32>} : memref<128x128xf32, #tpu.memory_space<vmem>>, vector<1x16xf32>,
          %get3A_192 = vector.shape_cast %get3A_191 : vector<1x16xf32> to vector<16xf32>
          %add3A_193 = arith.addf %get3A_188, %get3A_192 : vector<16xf32>
          %swap3A = arith.index_cast %scan3A_185 : i32 to index
          %swap3A_194 = arith.constant 0 : index
          %swap3A_195 = tpu.vector_load %arg9[%swap3A, %swap3A_194] {strides = array<i32>} : memref<128x128xf32, #tpu.memory_space<vmem>>, vector<1x16xf32>,
          %swap3A_196 = vector.shape_cast %swap3A_195 : vector<1x16xf32> to vector<16xf32>
          %swap3A_197 = vector.shape_cast %add3A_193 : vector<16xf32> to vector<1x16xf32>
          tpu.vector_store %arg9[%swap3A, %swap3A_194], %swap3A_197 {strides = array<i32>} : memref<128x128xf32, #tpu.memory_space<vmem>>, vector<1x16xf32>,
          %get3A_198 = arith.index_cast %scan3A_185 : i32 to index
          %get3A_199 = arith.constant 16 : index
          %get3A_200 = tpu.vector_load %arg9[%get3A_198, %get3A_199] {strides = array<i32>} : memref<128x128xf32, #tpu.memory_space<vmem>>, vector<1x16xf32>,
          %get3A_201 = vector.shape_cast %get3A_200 : vector<1x16xf32> to vector<16xf32>
          %get3A_202 = arith.index_cast %scan3A_185 : i32 to index
          %get3A_203 = arith.constant 80 : index
          %get3A_204 = tpu.vector_load %arg10[%get3A_202, %get3A_203] {strides = array<i32>} : memref<128x128xf32, #tpu.memory_space<vmem>>, vector<1x16xf32>,
          %get3A_205 = vector.shape_cast %get3A_204 : vector<1x16xf32> to vector<16xf32>
          %add3A_206 = arith.addf %get3A_201, %get3A_205 : vector<16xf32>
          %swap3A_207 = arith.index_cast %scan3A_185 : i32 to index
          %swap3A_208 = arith.constant 16 : index
          %swap3A_209 = tpu.vector_load %arg9[%swap3A_207, %swap3A_208] {strides = array<i32>} : memref<128x128xf32, #tpu.memory_space<vmem>>, vector<1x16xf32>,
          %swap3A_210 = vector.shape_cast %swap3A_209 : vector<1x16xf32> to vector<16xf32>
          %swap3A_211 = vector.shape_cast %add3A_206 : vector<16xf32> to vector<1x16xf32>
          tpu.vector_store %arg9[%swap3A_207, %swap3A_208], %swap3A_211 {strides = array<i32>} : memref<128x128xf32, #tpu.memory_space<vmem>>, vector<1x16xf32>,
          %get3A_212 = arith.index_cast %scan3A_185 : i32 to index
          %get3A_213 = arith.constant 32 : index
          %get3A_214 = tpu.vector_load %arg9[%get3A_212, %get3A_213] {strides = array<i32>} : memref<128x128xf32, #tpu.memory_space<vmem>>, vector<1x16xf32>,
          %get3A_215 = vector.shape_cast %get3A_214 : vector<1x16xf32> to vector<16xf32>
          %get3A_216 = arith.index_cast %scan3A_185 : i32 to index
          %get3A_217 = arith.constant 96 : index
          %get3A_218 = tpu.vector_load %arg10[%get3A_216, %get3A_217] {strides = array<i32>} : memref<128x128xf32, #tpu.memory_space<vmem>>, vector<1x16xf32>,
          %get3A_219 = vector.shape_cast %get3A_218 : vector<1x16xf32> to vector<16xf32>
          %add3A_220 = arith.addf %get3A_215, %get3A_219 : vector<16xf32>
          %swap3A_221 = arith.index_cast %scan3A_185 : i32 to index
          %swap3A_222 = arith.constant 32 : index
          %swap3A_223 = tpu.vector_load %arg9[%swap3A_221, %swap3A_222] {strides = array<i32>} : memref<128x128xf32, #tpu.memory_space<vmem>>, vector<1x16xf32>,
          %swap3A_224 = vector.shape_cast %swap3A_223 : vector<1x16xf32> to vector<16xf32>
          %swap3A_225 = vector.shape_cast %add3A_220 : vector<16xf32> to vector<1x16xf32>
          tpu.vector_store %arg9[%swap3A_221, %swap3A_222], %swap3A_225 {strides = array<i32>} : memref<128x128xf32, #tpu.memory_space<vmem>>, vector<1x16xf32>,
          %get3A_226 = arith.index_cast %scan3A_185 : i32 to index
          %get3A_227 = arith.constant 48 : index
          %get3A_228 = tpu.vector_load %arg9[%get3A_226, %get3A_227] {strides = array<i32>} : memref<128x128xf32, #tpu.memory_space<vmem>>, vector<1x16xf32>,
          %get3A_229 = vector.shape_cast %get3A_228 : vector<1x16xf32> to vector<16xf32>
          %get3A_230 = arith.index_cast %scan3A_185 : i32 to index
          %get3A_231 = arith.constant 112 : index
          %get3A_232 = tpu.vector_load %arg10[%get3A_230, %get3A_231] {strides = array<i32>} : memref<128x128xf32, #tpu.memory_space<vmem>>, vector<1x16xf32>,
          %get3A_233 = vector.shape_cast %get3A_232 : vector<1x16xf32> to vector<16xf32>
          %add3A_234 = arith.addf %get3A_229, %get3A_233 : vector<16xf32>
          %swap3A_235 = arith.index_cast %scan3A_185 : i32 to index
          %swap3A_236 = arith.constant 48 : index
          %swap3A_237 = tpu.vector_load %arg9[%swap3A_235, %swap3A_236] {strides = array<i32>} : memref<128x128xf32, #tpu.memory_space<vmem>>, vector<1x16xf32>,
          %swap3A_238 = vector.shape_cast %swap3A_237 : vector<1x16xf32> to vector<16xf32>
          %swap3A_239 = vector.shape_cast %add3A_234 : vector<16xf32> to vector<1x16xf32>
          tpu.vector_store %arg9[%swap3A_235, %swap3A_236], %swap3A_239 {strides = array<i32>} : memref<128x128xf32, #tpu.memory_space<vmem>>, vector<1x16xf32>,
          %scan3A_240 = arith.constant 1 : i32
          %scan3A_241 = arith.addi %scan3A_185, %scan3A_240 : i32
          %get3A_242 = arith.index_cast %scan3A_241 : i32 to index
          %get3A_243 = arith.constant 0 : index
          %get3A_244 = tpu.vector_load %arg9[%get3A_242, %get3A_243] {strides = array<i32>} : memref<128x128xf32, #tpu.memory_space<vmem>>, vector<1x16xf32>,
          %get3A_245 = vector.shape_cast %get3A_244 : vector<1x16xf32> to vector<16xf32>
          %get3A_246 = arith.index_cast %scan3A_241 : i32 to index
          %get3A_247 = arith.constant 64 : index
          %get3A_248 = tpu.vector_load %arg10[%get3A_246, %get3A_247] {strides = array<i32>} : memref<128x128xf32, #tpu.memory_space<vmem>>, vector<1x16xf32>,
          %get3A_249 = vector.shape_cast %get3A_248 : vector<1x16xf32> to vector<16xf32>
          %add3A_250 = arith.addf %get3A_245, %get3A_249 : vector<16xf32>
          %swap3A_251 = arith.index_cast %scan3A_241 : i32 to index
          %swap3A_252 = arith.constant 0 : index
          %swap3A_253 = tpu.vector_load %arg9[%swap3A_251, %swap3A_252] {strides = array<i32>} : memref<128x128xf32, #tpu.memory_space<vmem>>, vector<1x16xf32>,
          %swap3A_254 = vector.shape_cast %swap3A_253 : vector<1x16xf32> to vector<16xf32>
          %swap3A_255 = vector.shape_cast %add3A_250 : vector<16xf32> to vector<1x16xf32>
          tpu.vector_store %arg9[%swap3A_251, %swap3A_252], %swap3A_255 {strides = array<i32>} : memref<128x128xf32, #tpu.memory_space<vmem>>, vector<1x16xf32>,
          %get3A_256 = arith.index_cast %scan3A_241 : i32 to index
          %get3A_257 = arith.constant 16 : index
          %get3A_258 = tpu.vector_load %arg9[%get3A_256, %get3A_257] {strides = array<i32>} : memref<128x128xf32, #tpu.memory_space<vmem>>, vector<1x16xf32>,
          %get3A_259 = vector.shape_cast %get3A_258 : vector<1x16xf32> to vector<16xf32>
          %get3A_260 = arith.index_cast %scan3A_241 : i32 to index
          %get3A_261 = arith.constant 80 : index
          %get3A_262 = tpu.vector_load %arg10[%get3A_260, %get3A_261] {strides = array<i32>} : memref<128x128xf32, #tpu.memory_space<vmem>>, vector<1x16xf32>,
          %get3A_263 = vector.shape_cast %get3A_262 : vector<1x16xf32> to vector<16xf32>
          %add3A_264 = arith.addf %get3A_259, %get3A_263 : vector<16xf32>
          %swap3A_265 = arith.index_cast %scan3A_241 : i32 to index
          %swap3A_266 = arith.constant 16 : index
          %swap3A_267 = tpu.vector_load %arg9[%swap3A_265, %swap3A_266] {strides = array<i32>} : memref<128x128xf32, #tpu.memory_space<vmem>>, vector<1x16xf32>,
          %swap3A_268 = vector.shape_cast %swap3A_267 : vector<1x16xf32> to vector<16xf32>
          %swap3A_269 = vector.shape_cast %add3A_264 : vector<16xf32> to vector<1x16xf32>
          tpu.vector_store %arg9[%swap3A_265, %swap3A_266], %swap3A_269 {strides = array<i32>} : memref<128x128xf32, #tpu.memory_space<vmem>>, vector<1x16xf32>,
          %get3A_270 = arith.index_cast %scan3A_241 : i32 to index
          %get3A_271 = arith.constant 32 : index
          %get3A_272 = tpu.vector_load %arg9[%get3A_270, %get3A_271] {strides = array<i32>} : memref<128x128xf32, #tpu.memory_space<vmem>>, vector<1x16xf32>,
          %get3A_273 = vector.shape_cast %get3A_272 : vector<1x16xf32> to vector<16xf32>
          %get3A_274 = arith.index_cast %scan3A_241 : i32 to index
          %get3A_275 = arith.constant 96 : index
          %get3A_276 = tpu.vector_load %arg10[%get3A_274, %get3A_275] {strides = array<i32>} : memref<128x128xf32, #tpu.memory_space<vmem>>, vector<1x16xf32>,
          %get3A_277 = vector.shape_cast %get3A_276 : vector<1x16xf32> to vector<16xf32>
          %add3A_278 = arith.addf %get3A_273, %get3A_277 : vector<16xf32>
          %swap3A_279 = arith.index_cast %scan3A_241 : i32 to index
          %swap3A_280 = arith.constant 32 : index
          %swap3A_281 = tpu.vector_load %arg9[%swap3A_279, %swap3A_280] {strides = array<i32>} : memref<128x128xf32, #tpu.memory_space<vmem>>, vector<1x16xf32>,
          %swap3A_282 = vector.shape_cast %swap3A_281 : vector<1x16xf32> to vector<16xf32>
          %swap3A_283 = vector.shape_cast %add3A_278 : vector<16xf32> to vector<1x16xf32>
          tpu.vector_store %arg9[%swap3A_279, %swap3A_280], %swap3A_283 {strides = array<i32>} : memref<128x128xf32, #tpu.memory_space<vmem>>, vector<1x16xf32>,
          %get3A_284 = arith.index_cast %scan3A_241 : i32 to index
          %get3A_285 = arith.constant 48 : index
          %get3A_286 = tpu.vector_load %arg9[%get3A_284, %get3A_285] {strides = array<i32>} : memref<128x128xf32, #tpu.memory_space<vmem>>, vector<1x16xf32>,
          %get3A_287 = vector.shape_cast %get3A_286 : vector<1x16xf32> to vector<16xf32>
          %get3A_288 = arith.index_cast %scan3A_241 : i32 to index
          %get3A_289 = arith.constant 112 : index
          %get3A_290 = tpu.vector_load %arg10[%get3A_288, %get3A_289] {strides = array<i32>} : memref<128x128xf32, #tpu.memory_space<vmem>>, vector<1x16xf32>,
          %get3A_291 = vector.shape_cast %get3A_290 : vector<1x16xf32> to vector<16xf32>
          %add3A_292 = arith.addf %get3A_287, %get3A_291 : vector<16xf32>
          %swap3A_293 = arith.index_cast %scan3A_241 : i32 to index
          %swap3A_294 = arith.constant 48 : index
          %swap3A_295 = tpu.vector_load %arg9[%swap3A_293, %swap3A_294] {strides = array<i32>} : memref<128x128xf32, #tpu.memory_space<vmem>>, vector<1x16xf32>,
          %swap3A_296 = vector.shape_cast %swap3A_295 : vector<1x16xf32> to vector<16xf32>
          %swap3A_297 = vector.shape_cast %add3A_292 : vector<16xf32> to vector<1x16xf32>
          tpu.vector_store %arg9[%swap3A_293, %swap3A_294], %swap3A_297 {strides = array<i32>} : memref<128x128xf32, #tpu.memory_space<vmem>>, vector<1x16xf32>,
          %scan3A_298 = arith.constant 2 : i32
          %scan3A_299 = arith.addi %scan3A_185, %scan3A_298 : i32
          %get3A_300 = arith.index_cast %scan3A_299 : i32 to index
          %get3A_301 = arith.constant 0 : index
          %get3A_302 = tpu.vector_load %arg9[%get3A_300, %get3A_301] {strides = array<i32>} : memref<128x128xf32, #tpu.memory_space<vmem>>, vector<1x16xf32>,
          %get3A_303 = vector.shape_cast %get3A_302 : vector<1x16xf32> to vector<16xf32>
          %get3A_304 = arith.index_cast %scan3A_299 : i32 to index
          %get3A_305 = arith.constant 64 : index
          %get3A_306 = tpu.vector_load %arg10[%get3A_304, %get3A_305] {strides = array<i32>} : memref<128x128xf32, #tpu.memory_space<vmem>>, vector<1x16xf32>,
          %get3A_307 = vector.shape_cast %get3A_306 : vector<1x16xf32> to vector<16xf32>
          %add3A_308 = arith.addf %get3A_303, %get3A_307 : vector<16xf32>
          %swap3A_309 = arith.index_cast %scan3A_299 : i32 to index
          %swap3A_310 = arith.constant 0 : index
          %swap3A_311 = tpu.vector_load %arg9[%swap3A_309, %swap3A_310] {strides = array<i32>} : memref<128x128xf32, #tpu.memory_space<vmem>>, vector<1x16xf32>,
          %swap3A_312 = vector.shape_cast %swap3A_311 : vector<1x16xf32> to vector<16xf32>
          %swap3A_313 = vector.shape_cast %add3A_308 : vector<16xf32> to vector<1x16xf32>
          tpu.vector_store %arg9[%swap3A_309, %swap3A_310], %swap3A_313 {strides = array<i32>} : memref<128x128xf32, #tpu.memory_space<vmem>>, vector<1x16xf32>,
          %get3A_314 = arith.index_cast %scan3A_299 : i32 to index
          %get3A_315 = arith.constant 16 : index
          %get3A_316 = tpu.vector_load %arg9[%get3A_314, %get3A_315] {strides = array<i32>} : memref<128x128xf32, #tpu.memory_space<vmem>>, vector<1x16xf32>,
          %get3A_317 = vector.shape_cast %get3A_316 : vector<1x16xf32> to vector<16xf32>
          %get3A_318 = arith.index_cast %scan3A_299 : i32 to index
          %get3A_319 = arith.constant 80 : index
          %get3A_320 = tpu.vector_load %arg10[%get3A_318, %get3A_319] {strides = array<i32>} : memref<128x128xf32, #tpu.memory_space<vmem>>, vector<1x16xf32>,
          %get3A_321 = vector.shape_cast %get3A_320 : vector<1x16xf32> to vector<16xf32>
          %add3A_322 = arith.addf %get3A_317, %get3A_321 : vector<16xf32>
          %swap3A_323 = arith.index_cast %scan3A_299 : i32 to index
          %swap3A_324 = arith.constant 16 : index
          %swap3A_325 = tpu.vector_load %arg9[%swap3A_323, %swap3A_324] {strides = array<i32>} : memref<128x128xf32, #tpu.memory_space<vmem>>, vector<1x16xf32>,
          %swap3A_326 = vector.shape_cast %swap3A_325 : vector<1x16xf32> to vector<16xf32>
          %swap3A_327 = vector.shape_cast %add3A_322 : vector<16xf32> to vector<1x16xf32>
          tpu.vector_store %arg9[%swap3A_323, %swap3A_324], %swap3A_327 {strides = array<i32>} : memref<128x128xf32, #tpu.memory_space<vmem>>, vector<1x16xf32>,
          %get3A_328 = arith.index_cast %scan3A_299 : i32 to index
          %get3A_329 = arith.constant 32 : index
          %get3A_330 = tpu.vector_load %arg9[%get3A_328, %get3A_329] {strides = array<i32>} : memref<128x128xf32, #tpu.memory_space<vmem>>, vector<1x16xf32>,
          %get3A_331 = vector.shape_cast %get3A_330 : vector<1x16xf32> to vector<16xf32>
          %get3A_332 = arith.index_cast %scan3A_299 : i32 to index
          %get3A_333 = arith.constant 96 : index
          %get3A_334 = tpu.vector_load %arg10[%get3A_332, %get3A_333] {strides = array<i32>} : memref<128x128xf32, #tpu.memory_space<vmem>>, vector<1x16xf32>,
          %get3A_335 = vector.shape_cast %get3A_334 : vector<1x16xf32> to vector<16xf32>
          %add3A_336 = arith.addf %get3A_331, %get3A_335 : vector<16xf32>
          %swap3A_337 = arith.index_cast %scan3A_299 : i32 to index
          %swap3A_338 = arith.constant 32 : index
          %swap3A_339 = tpu.vector_load %arg9[%swap3A_337, %swap3A_338] {strides = array<i32>} : memref<128x128xf32, #tpu.memory_space<vmem>>, vector<1x16xf32>,
          %swap3A_340 = vector.shape_cast %swap3A_339 : vector<1x16xf32> to vector<16xf32>
          %swap3A_341 = vector.shape_cast %add3A_336 : vector<16xf32> to vector<1x16xf32>
          tpu.vector_store %arg9[%swap3A_337, %swap3A_338], %swap3A_341 {strides = array<i32>} : memref<128x128xf32, #tpu.memory_space<vmem>>, vector<1x16xf32>,
          %get3A_342 = arith.index_cast %scan3A_299 : i32 to index
          %get3A_343 = arith.constant 48 : index
          %get3A_344 = tpu.vector_load %arg9[%get3A_342, %get3A_343] {strides = array<i32>} : memref<128x128xf32, #tpu.memory_space<vmem>>, vector<1x16xf32>,
          %get3A_345 = vector.shape_cast %get3A_344 : vector<1x16xf32> to vector<16xf32>
          %get3A_346 = arith.index_cast %scan3A_299 : i32 to index
          %get3A_347 = arith.constant 112 : index
          %get3A_348 = tpu.vector_load %arg10[%get3A_346, %get3A_347] {strides = array<i32>} : memref<128x128xf32, #tpu.memory_space<vmem>>, vector<1x16xf32>,
          %get3A_349 = vector.shape_cast %get3A_348 : vector<1x16xf32> to vector<16xf32>
          %add3A_350 = arith.addf %get3A_345, %get3A_349 : vector<16xf32>
          %swap3A_351 = arith.index_cast %scan3A_299 : i32 to index
          %swap3A_352 = arith.constant 48 : index
          %swap3A_353 = tpu.vector_load %arg9[%swap3A_351, %swap3A_352] {strides = array<i32>} : memref<128x128xf32, #tpu.memory_space<vmem>>, vector<1x16xf32>,
          %swap3A_354 = vector.shape_cast %swap3A_353 : vector<1x16xf32> to vector<16xf32>
          %swap3A_355 = vector.shape_cast %add3A_350 : vector<16xf32> to vector<1x16xf32>
          tpu.vector_store %arg9[%swap3A_351, %swap3A_352], %swap3A_355 {strides = array<i32>} : memref<128x128xf32, #tpu.memory_space<vmem>>, vector<1x16xf32>,
          %scan3A_356 = arith.constant 3 : i32
          %scan3A_357 = arith.addi %scan3A_185, %scan3A_356 : i32
          %get3A_358 = arith.index_cast %scan3A_357 : i32 to index
          %get3A_359 = arith.constant 0 : index
          %get3A_360 = tpu.vector_load %arg9[%get3A_358, %get3A_359] {strides = array<i32>} : memref<128x128xf32, #tpu.memory_space<vmem>>, vector<1x16xf32>,
          %get3A_361 = vector.shape_cast %get3A_360 : vector<1x16xf32> to vector<16xf32>
          %get3A_362 = arith.index_cast %scan3A_357 : i32 to index
          %get3A_363 = arith.constant 64 : index
          %get3A_364 = tpu.vector_load %arg10[%get3A_362, %get3A_363] {strides = array<i32>} : memref<128x128xf32, #tpu.memory_space<vmem>>, vector<1x16xf32>,
          %get3A_365 = vector.shape_cast %get3A_364 : vector<1x16xf32> to vector<16xf32>
          %add3A_366 = arith.addf %get3A_361, %get3A_365 : vector<16xf32>
          %swap3A_367 = arith.index_cast %scan3A_357 : i32 to index
          %swap3A_368 = arith.constant 0 : index
          %swap3A_369 = tpu.vector_load %arg9[%swap3A_367, %swap3A_368] {strides = array<i32>} : memref<128x128xf32, #tpu.memory_space<vmem>>, vector<1x16xf32>,
          %swap3A_370 = vector.shape_cast %swap3A_369 : vector<1x16xf32> to vector<16xf32>
          %swap3A_371 = vector.shape_cast %add3A_366 : vector<16xf32> to vector<1x16xf32>
          tpu.vector_store %arg9[%swap3A_367, %swap3A_368], %swap3A_371 {strides = array<i32>} : memref<128x128xf32, #tpu.memory_space<vmem>>, vector<1x16xf32>,
          %get3A_372 = arith.index_cast %scan3A_357 : i32 to index
          %get3A_373 = arith.constant 16 : index
          %get3A_374 = tpu.vector_load %arg9[%get3A_372, %get3A_373] {strides = array<i32>} : memref<128x128xf32, #tpu.memory_space<vmem>>, vector<1x16xf32>,
          %get3A_375 = vector.shape_cast %get3A_374 : vector<1x16xf32> to vector<16xf32>
          %get3A_376 = arith.index_cast %scan3A_357 : i32 to index
          %get3A_377 = arith.constant 80 : index
          %get3A_378 = tpu.vector_load %arg10[%get3A_376, %get3A_377] {strides = array<i32>} : memref<128x128xf32, #tpu.memory_space<vmem>>, vector<1x16xf32>,
          %get3A_379 = vector.shape_cast %get3A_378 : vector<1x16xf32> to vector<16xf32>
          %add3A_380 = arith.addf %get3A_375, %get3A_379 : vector<16xf32>
          %swap3A_381 = arith.index_cast %scan3A_357 : i32 to index
          %swap3A_382 = arith.constant 16 : index
          %swap3A_383 = tpu.vector_load %arg9[%swap3A_381, %swap3A_382] {strides = array<i32>} : memref<128x128xf32, #tpu.memory_space<vmem>>, vector<1x16xf32>,
          %swap3A_384 = vector.shape_cast %swap3A_383 : vector<1x16xf32> to vector<16xf32>
          %swap3A_385 = vector.shape_cast %add3A_380 : vector<16xf32> to vector<1x16xf32>
          tpu.vector_store %arg9[%swap3A_381, %swap3A_382], %swap3A_385 {strides = array<i32>} : memref<128x128xf32, #tpu.memory_space<vmem>>, vector<1x16xf32>,
          %get3A_386 = arith.index_cast %scan3A_357 : i32 to index
          %get3A_387 = arith.constant 32 : index
          %get3A_388 = tpu.vector_load %arg9[%get3A_386, %get3A_387] {strides = array<i32>} : memref<128x128xf32, #tpu.memory_space<vmem>>, vector<1x16xf32>,
          %get3A_389 = vector.shape_cast %get3A_388 : vector<1x16xf32> to vector<16xf32>
          %get3A_390 = arith.index_cast %scan3A_357 : i32 to index
          %get3A_391 = arith.constant 96 : index
          %get3A_392 = tpu.vector_load %arg10[%get3A_390, %get3A_391] {strides = array<i32>} : memref<128x128xf32, #tpu.memory_space<vmem>>, vector<1x16xf32>,
          %get3A_393 = vector.shape_cast %get3A_392 : vector<1x16xf32> to vector<16xf32>
          %add3A_394 = arith.addf %get3A_389, %get3A_393 : vector<16xf32>
          %swap3A_395 = arith.index_cast %scan3A_357 : i32 to index
          %swap3A_396 = arith.constant 32 : index
          %swap3A_397 = tpu.vector_load %arg9[%swap3A_395, %swap3A_396] {strides = array<i32>} : memref<128x128xf32, #tpu.memory_space<vmem>>, vector<1x16xf32>,
          %swap3A_398 = vector.shape_cast %swap3A_397 : vector<1x16xf32> to vector<16xf32>
          %swap3A_399 = vector.shape_cast %add3A_394 : vector<16xf32> to vector<1x16xf32>
          tpu.vector_store %arg9[%swap3A_395, %swap3A_396], %swap3A_399 {strides = array<i32>} : memref<128x128xf32, #tpu.memory_space<vmem>>, vector<1x16xf32>,
          %get3A_400 = arith.index_cast %scan3A_357 : i32 to index
          %get3A_401 = arith.constant 48 : index
          %get3A_402 = tpu.vector_load %arg9[%get3A_400, %get3A_401] {strides = array<i32>} : memref<128x128xf32, #tpu.memory_space<vmem>>, vector<1x16xf32>,
          %get3A_403 = vector.shape_cast %get3A_402 : vector<1x16xf32> to vector<16xf32>
          %get3A_404 = arith.index_cast %scan3A_357 : i32 to index
          %get3A_405 = arith.constant 112 : index
          %get3A_406 = tpu.vector_load %arg10[%get3A_404, %get3A_405] {strides = array<i32>} : memref<128x128xf32, #tpu.memory_space<vmem>>, vector<1x16xf32>,
          %get3A_407 = vector.shape_cast %get3A_406 : vector<1x16xf32> to vector<16xf32>
          %add3A_408 = arith.addf %get3A_403, %get3A_407 : vector<16xf32>
          %swap3A_409 = arith.index_cast %scan3A_357 : i32 to index
          %swap3A_410 = arith.constant 48 : index
          %swap3A_411 = tpu.vector_load %arg9[%swap3A_409, %swap3A_410] {strides = array<i32>} : memref<128x128xf32, #tpu.memory_space<vmem>>, vector<1x16xf32>,
          %swap3A_412 = vector.shape_cast %swap3A_411 : vector<1x16xf32> to vector<16xf32>
          %swap3A_413 = vector.shape_cast %add3A_408 : vector<16xf32> to vector<1x16xf32>
          tpu.vector_store %arg9[%swap3A_409, %swap3A_410], %swap3A_413 {strides = array<i32>} : memref<128x128xf32, #tpu.memory_space<vmem>>, vector<1x16xf32>,
        }
        %scan3A_176 = arith.constant 128 : i32
        %sub3A_177 = arith.constant 1 : i32
        %sub3A_178 = arith.subi %add3A_70, %sub3A_177 : i32
        %mul3A_179 = arith.constant 128 : i32
        %mul3A_180 = arith.muli %sub3A_178, %mul3A_179 : i32
        %dma_start3A_181 = arith.constant 0 : i32
        %dma_start3A_182 = tpu.memref_slice %arg4[%mul3A_180, %dma_start3A_181] : memref<327680x128xf32, #tpu.memory_space<hbm>> -> memref<128x128xf32, #tpu.memory_space<hbm>>
        %dma_start3A_183 = arith.constant 0 : i32
        %dma_start3A_184 = tpu.memref_slice %arg4[%mul3A_180, %dma_start3A_183] : memref<327680x128xf32, #tpu.memory_space<hbm>> -> memref<128x128xf32, #tpu.memory_space<hbm>>
        tpu.enqueue_dma source(%arg9 : memref<128x128xf32, #tpu.memory_space<vmem>>) target(%dma_start3A_184 : memref<128x128xf32, #tpu.memory_space<hbm>>) target_semaphore(%arg16 : memref<!tpu.dma_semaphore, #tpu.memory_space<semaphore_mem>>)
      } else {
      }
      %ge3A_100 = arith.constant 1 : i32
      %ge3A_101 = arith.cmpi sge, %add3A_69, %ge3A_100 : i32
      %add3A_102 = arith.constant 1 : i32
      %add3A_103 = arith.addi %add3A_69, %add3A_102 : i32
      %lt3A = arith.constant 80 : i32
      %lt3A_104 = arith.cmpi slt, %add3A_103, %lt3A : i32
      %and3A = arith.andi %ge3A_101, %lt3A_104 : i1
      %convert_element_type3A_105 = arith.extui %and3A : i1 to i32
      %cond3A_106 = arith.constant 0 : i32
      %cond3A_107 = arith.cmpi ne, %convert_element_type3A_105, %cond3A_106 : i32
      scf.if %cond3A_107 {
        %add3A_155 = arith.constant 1 : i32
        %add3A_156 = arith.addi %add3A_70, %add3A_155 : i32
        %dma_start3A_157 = arith.constant 0 : i32
        %dma_start3A_158 = arith.constant 0 : i32
        %dma_start3A_159 = tpu.memref_slice %arg3[%add3A_156, %dma_start3A_157, %dma_start3A_158] : memref<2560x2x128xi32, #tpu.memory_space<hbm>> -> memref<1x2x128xi32, #tpu.memory_space<hbm>>
        %dma_start3A_160 = arith.constant 0 : i32
        %dma_start3A_161 = arith.constant 0 : i32
        %dma_start3A_162 = tpu.memref_slice %arg3[%add3A_156, %dma_start3A_160, %dma_start3A_161] : memref<2560x2x128xi32, #tpu.memory_space<hbm>> -> memref<1x2x128xi32, #tpu.memory_space<hbm>>
        tpu.enqueue_dma source(%dma_start3A_162 : memref<1x2x128xi32, #tpu.memory_space<hbm>>) target(%arg6 : memref<1x2x128xi32, #tpu.memory_space<vmem>>) target_semaphore(%arg12 : memref<!tpu.dma_semaphore, #tpu.memory_space<semaphore_mem>>)
      } else {
      }
      %mul3A_108 = arith.constant 2 : i32
      %mul3A_109 = arith.muli %mul3A_108, %scan3A_65 : i32
      %add3A_110 = arith.constant 1 : i32
      %add3A_111 = arith.addi %mul3A_109, %add3A_110 : i32
      %add3A_112 = arith.addi %mul3A_2, %add3A_111 : i32
      %dma_wait3A_113 = arith.constant 0 : i32
      %dma_wait3A_114 = arith.constant 0 : i32
      %dma_wait3A_115 = tpu.memref_slice %arg3[%add3A_112, %dma_wait3A_113, %dma_wait3A_114] : memref<2560x2x128xi32, #tpu.memory_space<hbm>> -> memref<1x2x128xi32, #tpu.memory_space<hbm>>
      %dma_wait3A_116 = arith.constant 0 : i32
      %dma_wait3A_117 = arith.constant 0 : i32
      %dma_wait3A_118 = tpu.memref_slice %arg3[%add3A_112, %dma_wait3A_116, %dma_wait3A_117] : memref<2560x2x128xi32, #tpu.memory_space<hbm>> -> memref<1x2x128xi32, #tpu.memory_space<hbm>>
      tpu.wait_dma2 semaphore(%arg12 : memref<!tpu.dma_semaphore, #tpu.memory_space<semaphore_mem>>) src(%dma_wait3A_118 : memref<1x2x128xi32, #tpu.memory_space<hbm>>) dst(%arg6 : memref<1x2x128xi32, #tpu.memory_space<vmem>>)
      %ge3A_119 = arith.constant 2 : i32
      %ge3A_120 = arith.cmpi sge, %add3A_111, %ge3A_119 : i32
      %convert_element_type3A_121 = arith.extui %ge3A_120 : i1 to i32
      %cond3A_122 = arith.constant 0 : i32
      %cond3A_123 = arith.cmpi ne, %convert_element_type3A_121, %cond3A_122 : i32
      scf.if %cond3A_123 {
        %sub3A_155 = arith.constant 2 : i32
        %sub3A_156 = arith.subi %add3A_112, %sub3A_155 : i32
        %mul3A_157 = arith.constant 128 : i32
        %mul3A_158 = arith.muli %sub3A_156, %mul3A_157 : i32
        %dma_wait3A_159 = arith.constant 0 : i32
        %dma_wait3A_160 = tpu.memref_slice %arg4[%mul3A_158, %dma_wait3A_159] : memref<327680x128xf32, #tpu.memory_space<hbm>> -> memref<128x128xf32, #tpu.memory_space<hbm>>
        %dma_wait3A_161 = arith.constant 0 : i32
        %dma_wait3A_162 = tpu.memref_slice %arg4[%mul3A_158, %dma_wait3A_161] : memref<327680x128xf32, #tpu.memory_space<hbm>> -> memref<128x128xf32, #tpu.memory_space<hbm>>
        tpu.wait_dma2 semaphore(%arg16 : memref<!tpu.dma_semaphore, #tpu.memory_space<semaphore_mem>>) src(%arg9 : memref<128x128xf32, #tpu.memory_space<vmem>>) dst(%dma_wait3A_162 : memref<128x128xf32, #tpu.memory_space<hbm>>)
      } else {
      }
      %dma_start3A_124 = arith.constant 0 : i32
      %dma_start3A_125 = arith.constant 0 : i32
      %dma_start3A_126 = arith.constant 0 : i32
      %dma_start3A_127 = tpu.memref_slice %arg6[%dma_start3A_124, %dma_start3A_125, %dma_start3A_126] : memref<1x2x128xi32, #tpu.memory_space<vmem>> -> memref<1x1x128xi32, #tpu.memory_space<vmem>>
      %dma_start3A_128 = tpu.memref_squeeze %dma_start3A_127 : memref<1x1x128xi32, #tpu.memory_space<vmem>> -> memref<128xi32, #tpu.memory_space<vmem>>
      %dma_start3A_129 = arith.constant 0 : i32
      %dma_start3A_130 = arith.constant 0 : i32
      %dma_start3A_131 = tpu.memref_slice %arg2[%dma_start3A_129, %dma_start3A_130] : memref<10000x128xf32, #tpu.memory_space<hbm>> -> memref<10000x128xf32, #tpu.memory_space<hbm>>
      tpu.enqueue_indirect_dma source(%dma_start3A_131 : memref<10000x128xf32, #tpu.memory_space<hbm>>) target(%arg9 : memref<128x128xf32, #tpu.memory_space<vmem>>) offsets(%dma_start3A_128 : memref<128xi32, #tpu.memory_space<vmem>>) semaphore(%arg14 : memref<!tpu.dma_semaphore, #tpu.memory_space<semaphore_mem>>)
      %dma_start3A_132 = arith.constant 0 : i32
      %dma_start3A_133 = arith.constant 1 : i32
      %dma_start3A_134 = arith.constant 0 : i32
      %dma_start3A_135 = tpu.memref_slice %arg6[%dma_start3A_132, %dma_start3A_133, %dma_start3A_134] : memref<1x2x128xi32, #tpu.memory_space<vmem>> -> memref<1x1x128xi32, #tpu.memory_space<vmem>>
      %dma_start3A_136 = tpu.memref_squeeze %dma_start3A_135 : memref<1x1x128xi32, #tpu.memory_space<vmem>> -> memref<128xi32, #tpu.memory_space<vmem>>
      %dma_start3A_137 = arith.constant 0 : i32
      %dma_start3A_138 = arith.constant 0 : i32
      %dma_start3A_139 = tpu.memref_slice %arg2[%dma_start3A_137, %dma_start3A_138] : memref<10000x128xf32, #tpu.memory_space<hbm>> -> memref<10000x128xf32, #tpu.memory_space<hbm>>
      tpu.enqueue_indirect_dma source(%dma_start3A_139 : memref<10000x128xf32, #tpu.memory_space<hbm>>) target(%arg10 : memref<128x128xf32, #tpu.memory_space<vmem>>) offsets(%dma_start3A_136 : memref<128xi32, #tpu.memory_space<vmem>>) semaphore(%arg14 : memref<!tpu.dma_semaphore, #tpu.memory_space<semaphore_mem>>)
      %ge3A_140 = arith.constant 1 : i32
      %ge3A_141 = arith.cmpi sge, %add3A_111, %ge3A_140 : i32
      %convert_element_type3A_142 = arith.extui %ge3A_141 : i1 to i32
      %cond3A_143 = arith.constant 0 : i32
      %cond3A_144 = arith.cmpi ne, %convert_element_type3A_142, %cond3A_143 : i32
      scf.if %cond3A_144 {
        %dma_wait3A_155 = arith.constant 0 : i32
        %dma_wait3A_156 = arith.constant 0 : i32
        %dma_wait3A_157 = arith.constant 0 : i32
        %dma_wait3A_158 = tpu.memref_slice %arg5[%dma_wait3A_155, %dma_wait3A_156, %dma_wait3A_157] : memref<1x2x128xi32, #tpu.memory_space<vmem>> -> memref<1x1x128xi32, #tpu.memory_space<vmem>>
        %dma_wait3A_159 = tpu.memref_squeeze %dma_wait3A_158 : memref<1x1x128xi32, #tpu.memory_space<vmem>> -> memref<128xi32, #tpu.memory_space<vmem>>
        %dma_wait3A_160 = arith.constant 0 : i32
        %dma_wait3A_161 = arith.constant 0 : i32
        %dma_wait3A_162 = tpu.memref_slice %arg2[%dma_wait3A_160, %dma_wait3A_161] : memref<10000x128xf32, #tpu.memory_space<hbm>> -> memref<10000x128xf32, #tpu.memory_space<hbm>>
        tpu.wait_indirect_dma semaphore(%arg13 : memref<!tpu.dma_semaphore, #tpu.memory_space<semaphore_mem>>) src(%dma_wait3A_162 : memref<10000x128xf32, #tpu.memory_space<hbm>>) dst(%arg7 : memref<128x128xf32, #tpu.memory_space<vmem>>)
        %dma_wait3A_163 = arith.constant 0 : i32
        %dma_wait3A_164 = arith.constant 1 : i32
        %dma_wait3A_165 = arith.constant 0 : i32
        %dma_wait3A_166 = tpu.memref_slice %arg5[%dma_wait3A_163, %dma_wait3A_164, %dma_wait3A_165] : memref<1x2x128xi32, #tpu.memory_space<vmem>> -> memref<1x1x128xi32, #tpu.memory_space<vmem>>
        %dma_wait3A_167 = tpu.memref_squeeze %dma_wait3A_166 : memref<1x1x128xi32, #tpu.memory_space<vmem>> -> memref<128xi32, #tpu.memory_space<vmem>>
        %dma_wait3A_168 = arith.constant 0 : i32
        %dma_wait3A_169 = arith.constant 0 : i32
        %dma_wait3A_170 = tpu.memref_slice %arg2[%dma_wait3A_168, %dma_wait3A_169] : memref<10000x128xf32, #tpu.memory_space<hbm>> -> memref<10000x128xf32, #tpu.memory_space<hbm>>
        tpu.wait_indirect_dma semaphore(%arg13 : memref<!tpu.dma_semaphore, #tpu.memory_space<semaphore_mem>>) src(%dma_wait3A_170 : memref<10000x128xf32, #tpu.memory_space<hbm>>) dst(%arg8 : memref<128x128xf32, #tpu.memory_space<vmem>>)
        %scan3A_171 = arith.constant 0 : i32
        %scan3A_172 = arith.constant 0 : i32
        %scan3A_173 = arith.constant 128 : i32
        %scan3A_174 = arith.addi %scan3A_172, %scan3A_173 : i32
        %scan3A_175 = arith.constant 4 : i32
        scf.for %scan3A_185 = %scan3A_172 to %scan3A_174 step %scan3A_175  : i32 {
          %get3A = arith.index_cast %scan3A_185 : i32 to index
          %get3A_186 = arith.constant 0 : index
          %get3A_187 = tpu.vector_load %arg7[%get3A, %get3A_186] {strides = array<i32>} : memref<128x128xf32, #tpu.memory_space<vmem>>, vector<1x16xf32>,
          %get3A_188 = vector.shape_cast %get3A_187 : vector<1x16xf32> to vector<16xf32>
          %get3A_189 = arith.index_cast %scan3A_185 : i32 to index
          %get3A_190 = arith.constant 64 : index
          %get3A_191 = tpu.vector_load %arg8[%get3A_189, %get3A_190] {strides = array<i32>} : memref<128x128xf32, #tpu.memory_space<vmem>>, vector<1x16xf32>,
          %get3A_192 = vector.shape_cast %get3A_191 : vector<1x16xf32> to vector<16xf32>
          %add3A_193 = arith.addf %get3A_188, %get3A_192 : vector<16xf32>
          %swap3A = arith.index_cast %scan3A_185 : i32 to index
          %swap3A_194 = arith.constant 0 : index
          %swap3A_195 = tpu.vector_load %arg7[%swap3A, %swap3A_194] {strides = array<i32>} : memref<128x128xf32, #tpu.memory_space<vmem>>, vector<1x16xf32>,
          %swap3A_196 = vector.shape_cast %swap3A_195 : vector<1x16xf32> to vector<16xf32>
          %swap3A_197 = vector.shape_cast %add3A_193 : vector<16xf32> to vector<1x16xf32>
          tpu.vector_store %arg7[%swap3A, %swap3A_194], %swap3A_197 {strides = array<i32>} : memref<128x128xf32, #tpu.memory_space<vmem>>, vector<1x16xf32>,
          %get3A_198 = arith.index_cast %scan3A_185 : i32 to index
          %get3A_199 = arith.constant 16 : index
          %get3A_200 = tpu.vector_load %arg7[%get3A_198, %get3A_199] {strides = array<i32>} : memref<128x128xf32, #tpu.memory_space<vmem>>, vector<1x16xf32>,
          %get3A_201 = vector.shape_cast %get3A_200 : vector<1x16xf32> to vector<16xf32>
          %get3A_202 = arith.index_cast %scan3A_185 : i32 to index
          %get3A_203 = arith.constant 80 : index
          %get3A_204 = tpu.vector_load %arg8[%get3A_202, %get3A_203] {strides = array<i32>} : memref<128x128xf32, #tpu.memory_space<vmem>>, vector<1x16xf32>,
          %get3A_205 = vector.shape_cast %get3A_204 : vector<1x16xf32> to vector<16xf32>
          %add3A_206 = arith.addf %get3A_201, %get3A_205 : vector<16xf32>
          %swap3A_207 = arith.index_cast %scan3A_185 : i32 to index
          %swap3A_208 = arith.constant 16 : index
          %swap3A_209 = tpu.vector_load %arg7[%swap3A_207, %swap3A_208] {strides = array<i32>} : memref<128x128xf32, #tpu.memory_space<vmem>>, vector<1x16xf32>,
          %swap3A_210 = vector.shape_cast %swap3A_209 : vector<1x16xf32> to vector<16xf32>
          %swap3A_211 = vector.shape_cast %add3A_206 : vector<16xf32> to vector<1x16xf32>
          tpu.vector_store %arg7[%swap3A_207, %swap3A_208], %swap3A_211 {strides = array<i32>} : memref<128x128xf32, #tpu.memory_space<vmem>>, vector<1x16xf32>,
          %get3A_212 = arith.index_cast %scan3A_185 : i32 to index
          %get3A_213 = arith.constant 32 : index
          %get3A_214 = tpu.vector_load %arg7[%get3A_212, %get3A_213] {strides = array<i32>} : memref<128x128xf32, #tpu.memory_space<vmem>>, vector<1x16xf32>,
          %get3A_215 = vector.shape_cast %get3A_214 : vector<1x16xf32> to vector<16xf32>
          %get3A_216 = arith.index_cast %scan3A_185 : i32 to index
          %get3A_217 = arith.constant 96 : index
          %get3A_218 = tpu.vector_load %arg8[%get3A_216, %get3A_217] {strides = array<i32>} : memref<128x128xf32, #tpu.memory_space<vmem>>, vector<1x16xf32>,
          %get3A_219 = vector.shape_cast %get3A_218 : vector<1x16xf32> to vector<16xf32>
          %add3A_220 = arith.addf %get3A_215, %get3A_219 : vector<16xf32>
          %swap3A_221 = arith.index_cast %scan3A_185 : i32 to index
          %swap3A_222 = arith.constant 32 : index
          %swap3A_223 = tpu.vector_load %arg7[%swap3A_221, %swap3A_222] {strides = array<i32>} : memref<128x128xf32, #tpu.memory_space<vmem>>, vector<1x16xf32>,
          %swap3A_224 = vector.shape_cast %swap3A_223 : vector<1x16xf32> to vector<16xf32>
          %swap3A_225 = vector.shape_cast %add3A_220 : vector<16xf32> to vector<1x16xf32>
          tpu.vector_store %arg7[%swap3A_221, %swap3A_222], %swap3A_225 {strides = array<i32>} : memref<128x128xf32, #tpu.memory_space<vmem>>, vector<1x16xf32>,
          %get3A_226 = arith.index_cast %scan3A_185 : i32 to index
          %get3A_227 = arith.constant 48 : index
          %get3A_228 = tpu.vector_load %arg7[%get3A_226, %get3A_227] {strides = array<i32>} : memref<128x128xf32, #tpu.memory_space<vmem>>, vector<1x16xf32>,
          %get3A_229 = vector.shape_cast %get3A_228 : vector<1x16xf32> to vector<16xf32>
          %get3A_230 = arith.index_cast %scan3A_185 : i32 to index
          %get3A_231 = arith.constant 112 : index
          %get3A_232 = tpu.vector_load %arg8[%get3A_230, %get3A_231] {strides = array<i32>} : memref<128x128xf32, #tpu.memory_space<vmem>>, vector<1x16xf32>,
          %get3A_233 = vector.shape_cast %get3A_232 : vector<1x16xf32> to vector<16xf32>
          %add3A_234 = arith.addf %get3A_229, %get3A_233 : vector<16xf32>
          %swap3A_235 = arith.index_cast %scan3A_185 : i32 to index
          %swap3A_236 = arith.constant 48 : index
          %swap3A_237 = tpu.vector_load %arg7[%swap3A_235, %swap3A_236] {strides = array<i32>} : memref<128x128xf32, #tpu.memory_space<vmem>>, vector<1x16xf32>,
          %swap3A_238 = vector.shape_cast %swap3A_237 : vector<1x16xf32> to vector<16xf32>
          %swap3A_239 = vector.shape_cast %add3A_234 : vector<16xf32> to vector<1x16xf32>
          tpu.vector_store %arg7[%swap3A_235, %swap3A_236], %swap3A_239 {strides = array<i32>} : memref<128x128xf32, #tpu.memory_space<vmem>>, vector<1x16xf32>,
          %scan3A_240 = arith.constant 1 : i32
          %scan3A_241 = arith.addi %scan3A_185, %scan3A_240 : i32
          %get3A_242 = arith.index_cast %scan3A_241 : i32 to index
          %get3A_243 = arith.constant 0 : index
          %get3A_244 = tpu.vector_load %arg7[%get3A_242, %get3A_243] {strides = array<i32>} : memref<128x128xf32, #tpu.memory_space<vmem>>, vector<1x16xf32>,
          %get3A_245 = vector.shape_cast %get3A_244 : vector<1x16xf32> to vector<16xf32>
          %get3A_246 = arith.index_cast %scan3A_241 : i32 to index
          %get3A_247 = arith.constant 64 : index
          %get3A_248 = tpu.vector_load %arg8[%get3A_246, %get3A_247] {strides = array<i32>} : memref<128x128xf32, #tpu.memory_space<vmem>>, vector<1x16xf32>,
          %get3A_249 = vector.shape_cast %get3A_248 : vector<1x16xf32> to vector<16xf32>
          %add3A_250 = arith.addf %get3A_245, %get3A_249 : vector<16xf32>
          %swap3A_251 = arith.index_cast %scan3A_241 : i32 to index
          %swap3A_252 = arith.constant 0 : index
          %swap3A_253 = tpu.vector_load %arg7[%swap3A_251, %swap3A_252] {strides = array<i32>} : memref<128x128xf32, #tpu.memory_space<vmem>>, vector<1x16xf32>,
          %swap3A_254 = vector.shape_cast %swap3A_253 : vector<1x16xf32> to vector<16xf32>
          %swap3A_255 = vector.shape_cast %add3A_250 : vector<16xf32> to vector<1x16xf32>
          tpu.vector_store %arg7[%swap3A_251, %swap3A_252], %swap3A_255 {strides = array<i32>} : memref<128x128xf32, #tpu.memory_space<vmem>>, vector<1x16xf32>,
          %get3A_256 = arith.index_cast %scan3A_241 : i32 to index
          %get3A_257 = arith.constant 16 : index
          %get3A_258 = tpu.vector_load %arg7[%get3A_256, %get3A_257] {strides = array<i32>} : memref<128x128xf32, #tpu.memory_space<vmem>>, vector<1x16xf32>,
          %get3A_259 = vector.shape_cast %get3A_258 : vector<1x16xf32> to vector<16xf32>
          %get3A_260 = arith.index_cast %scan3A_241 : i32 to index
          %get3A_261 = arith.constant 80 : index
          %get3A_262 = tpu.vector_load %arg8[%get3A_260, %get3A_261] {strides = array<i32>} : memref<128x128xf32, #tpu.memory_space<vmem>>, vector<1x16xf32>,
          %get3A_263 = vector.shape_cast %get3A_262 : vector<1x16xf32> to vector<16xf32>
          %add3A_264 = arith.addf %get3A_259, %get3A_263 : vector<16xf32>
          %swap3A_265 = arith.index_cast %scan3A_241 : i32 to index
          %swap3A_266 = arith.constant 16 : index
          %swap3A_267 = tpu.vector_load %arg7[%swap3A_265, %swap3A_266] {strides = array<i32>} : memref<128x128xf32, #tpu.memory_space<vmem>>, vector<1x16xf32>,
          %swap3A_268 = vector.shape_cast %swap3A_267 : vector<1x16xf32> to vector<16xf32>
          %swap3A_269 = vector.shape_cast %add3A_264 : vector<16xf32> to vector<1x16xf32>
          tpu.vector_store %arg7[%swap3A_265, %swap3A_266], %swap3A_269 {strides = array<i32>} : memref<128x128xf32, #tpu.memory_space<vmem>>, vector<1x16xf32>,
          %get3A_270 = arith.index_cast %scan3A_241 : i32 to index
          %get3A_271 = arith.constant 32 : index
          %get3A_272 = tpu.vector_load %arg7[%get3A_270, %get3A_271] {strides = array<i32>} : memref<128x128xf32, #tpu.memory_space<vmem>>, vector<1x16xf32>,
          %get3A_273 = vector.shape_cast %get3A_272 : vector<1x16xf32> to vector<16xf32>
          %get3A_274 = arith.index_cast %scan3A_241 : i32 to index
          %get3A_275 = arith.constant 96 : index
          %get3A_276 = tpu.vector_load %arg8[%get3A_274, %get3A_275] {strides = array<i32>} : memref<128x128xf32, #tpu.memory_space<vmem>>, vector<1x16xf32>,
          %get3A_277 = vector.shape_cast %get3A_276 : vector<1x16xf32> to vector<16xf32>
          %add3A_278 = arith.addf %get3A_273, %get3A_277 : vector<16xf32>
          %swap3A_279 = arith.index_cast %scan3A_241 : i32 to index
          %swap3A_280 = arith.constant 32 : index
          %swap3A_281 = tpu.vector_load %arg7[%swap3A_279, %swap3A_280] {strides = array<i32>} : memref<128x128xf32, #tpu.memory_space<vmem>>, vector<1x16xf32>,
          %swap3A_282 = vector.shape_cast %swap3A_281 : vector<1x16xf32> to vector<16xf32>
          %swap3A_283 = vector.shape_cast %add3A_278 : vector<16xf32> to vector<1x16xf32>
          tpu.vector_store %arg7[%swap3A_279, %swap3A_280], %swap3A_283 {strides = array<i32>} : memref<128x128xf32, #tpu.memory_space<vmem>>, vector<1x16xf32>,
          %get3A_284 = arith.index_cast %scan3A_241 : i32 to index
          %get3A_285 = arith.constant 48 : index
          %get3A_286 = tpu.vector_load %arg7[%get3A_284, %get3A_285] {strides = array<i32>} : memref<128x128xf32, #tpu.memory_space<vmem>>, vector<1x16xf32>,
          %get3A_287 = vector.shape_cast %get3A_286 : vector<1x16xf32> to vector<16xf32>
          %get3A_288 = arith.index_cast %scan3A_241 : i32 to index
          %get3A_289 = arith.constant 112 : index
          %get3A_290 = tpu.vector_load %arg8[%get3A_288, %get3A_289] {strides = array<i32>} : memref<128x128xf32, #tpu.memory_space<vmem>>, vector<1x16xf32>,
          %get3A_291 = vector.shape_cast %get3A_290 : vector<1x16xf32> to vector<16xf32>
          %add3A_292 = arith.addf %get3A_287, %get3A_291 : vector<16xf32>
          %swap3A_293 = arith.index_cast %scan3A_241 : i32 to index
          %swap3A_294 = arith.constant 48 : index
          %swap3A_295 = tpu.vector_load %arg7[%swap3A_293, %swap3A_294] {strides = array<i32>} : memref<128x128xf32, #tpu.memory_space<vmem>>, vector<1x16xf32>,
          %swap3A_296 = vector.shape_cast %swap3A_295 : vector<1x16xf32> to vector<16xf32>
          %swap3A_297 = vector.shape_cast %add3A_292 : vector<16xf32> to vector<1x16xf32>
          tpu.vector_store %arg7[%swap3A_293, %swap3A_294], %swap3A_297 {strides = array<i32>} : memref<128x128xf32, #tpu.memory_space<vmem>>, vector<1x16xf32>,
          %scan3A_298 = arith.constant 2 : i32
          %scan3A_299 = arith.addi %scan3A_185, %scan3A_298 : i32
          %get3A_300 = arith.index_cast %scan3A_299 : i32 to index
          %get3A_301 = arith.constant 0 : index
          %get3A_302 = tpu.vector_load %arg7[%get3A_300, %get3A_301] {strides = array<i32>} : memref<128x128xf32, #tpu.memory_space<vmem>>, vector<1x16xf32>,
          %get3A_303 = vector.shape_cast %get3A_302 : vector<1x16xf32> to vector<16xf32>
          %get3A_304 = arith.index_cast %scan3A_299 : i32 to index
          %get3A_305 = arith.constant 64 : index
          %get3A_306 = tpu.vector_load %arg8[%get3A_304, %get3A_305] {strides = array<i32>} : memref<128x128xf32, #tpu.memory_space<vmem>>, vector<1x16xf32>,
          %get3A_307 = vector.shape_cast %get3A_306 : vector<1x16xf32> to vector<16xf32>
          %add3A_308 = arith.addf %get3A_303, %get3A_307 : vector<16xf32>
          %swap3A_309 = arith.index_cast %scan3A_299 : i32 to index
          %swap3A_310 = arith.constant 0 : index
          %swap3A_311 = tpu.vector_load %arg7[%swap3A_309, %swap3A_310] {strides = array<i32>} : memref<128x128xf32, #tpu.memory_space<vmem>>, vector<1x16xf32>,
          %swap3A_312 = vector.shape_cast %swap3A_311 : vector<1x16xf32> to vector<16xf32>
          %swap3A_313 = vector.shape_cast %add3A_308 : vector<16xf32> to vector<1x16xf32>
          tpu.vector_store %arg7[%swap3A_309, %swap3A_310], %swap3A_313 {strides = array<i32>} : memref<128x128xf32, #tpu.memory_space<vmem>>, vector<1x16xf32>,
          %get3A_314 = arith.index_cast %scan3A_299 : i32 to index
          %get3A_315 = arith.constant 16 : index
          %get3A_316 = tpu.vector_load %arg7[%get3A_314, %get3A_315] {strides = array<i32>} : memref<128x128xf32, #tpu.memory_space<vmem>>, vector<1x16xf32>,
          %get3A_317 = vector.shape_cast %get3A_316 : vector<1x16xf32> to vector<16xf32>
          %get3A_318 = arith.index_cast %scan3A_299 : i32 to index
          %get3A_319 = arith.constant 80 : index
          %get3A_320 = tpu.vector_load %arg8[%get3A_318, %get3A_319] {strides = array<i32>} : memref<128x128xf32, #tpu.memory_space<vmem>>, vector<1x16xf32>,
          %get3A_321 = vector.shape_cast %get3A_320 : vector<1x16xf32> to vector<16xf32>
          %add3A_322 = arith.addf %get3A_317, %get3A_321 : vector<16xf32>
          %swap3A_323 = arith.index_cast %scan3A_299 : i32 to index
          %swap3A_324 = arith.constant 16 : index
          %swap3A_325 = tpu.vector_load %arg7[%swap3A_323, %swap3A_324] {strides = array<i32>} : memref<128x128xf32, #tpu.memory_space<vmem>>, vector<1x16xf32>,
          %swap3A_326 = vector.shape_cast %swap3A_325 : vector<1x16xf32> to vector<16xf32>
          %swap3A_327 = vector.shape_cast %add3A_322 : vector<16xf32> to vector<1x16xf32>
          tpu.vector_store %arg7[%swap3A_323, %swap3A_324], %swap3A_327 {strides = array<i32>} : memref<128x128xf32, #tpu.memory_space<vmem>>, vector<1x16xf32>,
          %get3A_328 = arith.index_cast %scan3A_299 : i32 to index
          %get3A_329 = arith.constant 32 : index
          %get3A_330 = tpu.vector_load %arg7[%get3A_328, %get3A_329] {strides = array<i32>} : memref<128x128xf32, #tpu.memory_space<vmem>>, vector<1x16xf32>,
          %get3A_331 = vector.shape_cast %get3A_330 : vector<1x16xf32> to vector<16xf32>
          %get3A_332 = arith.index_cast %scan3A_299 : i32 to index
          %get3A_333 = arith.constant 96 : index
          %get3A_334 = tpu.vector_load %arg8[%get3A_332, %get3A_333] {strides = array<i32>} : memref<128x128xf32, #tpu.memory_space<vmem>>, vector<1x16xf32>,
          %get3A_335 = vector.shape_cast %get3A_334 : vector<1x16xf32> to vector<16xf32>
          %add3A_336 = arith.addf %get3A_331, %get3A_335 : vector<16xf32>
          %swap3A_337 = arith.index_cast %scan3A_299 : i32 to index
          %swap3A_338 = arith.constant 32 : index
          %swap3A_339 = tpu.vector_load %arg7[%swap3A_337, %swap3A_338] {strides = array<i32>} : memref<128x128xf32, #tpu.memory_space<vmem>>, vector<1x16xf32>,
          %swap3A_340 = vector.shape_cast %swap3A_339 : vector<1x16xf32> to vector<16xf32>
          %swap3A_341 = vector.shape_cast %add3A_336 : vector<16xf32> to vector<1x16xf32>
          tpu.vector_store %arg7[%swap3A_337, %swap3A_338], %swap3A_341 {strides = array<i32>} : memref<128x128xf32, #tpu.memory_space<vmem>>, vector<1x16xf32>,
          %get3A_342 = arith.index_cast %scan3A_299 : i32 to index
          %get3A_343 = arith.constant 48 : index
          %get3A_344 = tpu.vector_load %arg7[%get3A_342, %get3A_343] {strides = array<i32>} : memref<128x128xf32, #tpu.memory_space<vmem>>, vector<1x16xf32>,
          %get3A_345 = vector.shape_cast %get3A_344 : vector<1x16xf32> to vector<16xf32>
          %get3A_346 = arith.index_cast %scan3A_299 : i32 to index
          %get3A_347 = arith.constant 112 : index
          %get3A_348 = tpu.vector_load %arg8[%get3A_346, %get3A_347] {strides = array<i32>} : memref<128x128xf32, #tpu.memory_space<vmem>>, vector<1x16xf32>,
          %get3A_349 = vector.shape_cast %get3A_348 : vector<1x16xf32> to vector<16xf32>
          %add3A_350 = arith.addf %get3A_345, %get3A_349 : vector<16xf32>
          %swap3A_351 = arith.index_cast %scan3A_299 : i32 to index
          %swap3A_352 = arith.constant 48 : index
          %swap3A_353 = tpu.vector_load %arg7[%swap3A_351, %swap3A_352] {strides = array<i32>} : memref<128x128xf32, #tpu.memory_space<vmem>>, vector<1x16xf32>,
          %swap3A_354 = vector.shape_cast %swap3A_353 : vector<1x16xf32> to vector<16xf32>
          %swap3A_355 = vector.shape_cast %add3A_350 : vector<16xf32> to vector<1x16xf32>
          tpu.vector_store %arg7[%swap3A_351, %swap3A_352], %swap3A_355 {strides = array<i32>} : memref<128x128xf32, #tpu.memory_space<vmem>>, vector<1x16xf32>,
          %scan3A_356 = arith.constant 3 : i32
          %scan3A_357 = arith.addi %scan3A_185, %scan3A_356 : i32
          %get3A_358 = arith.index_cast %scan3A_357 : i32 to index
          %get3A_359 = arith.constant 0 : index
          %get3A_360 = tpu.vector_load %arg7[%get3A_358, %get3A_359] {strides = array<i32>} : memref<128x128xf32, #tpu.memory_space<vmem>>, vector<1x16xf32>,
          %get3A_361 = vector.shape_cast %get3A_360 : vector<1x16xf32> to vector<16xf32>
          %get3A_362 = arith.index_cast %scan3A_357 : i32 to index
          %get3A_363 = arith.constant 64 : index
          %get3A_364 = tpu.vector_load %arg8[%get3A_362, %get3A_363] {strides = array<i32>} : memref<128x128xf32, #tpu.memory_space<vmem>>, vector<1x16xf32>,
          %get3A_365 = vector.shape_cast %get3A_364 : vector<1x16xf32> to vector<16xf32>
          %add3A_366 = arith.addf %get3A_361, %get3A_365 : vector<16xf32>
          %swap3A_367 = arith.index_cast %scan3A_357 : i32 to index
          %swap3A_368 = arith.constant 0 : index
          %swap3A_369 = tpu.vector_load %arg7[%swap3A_367, %swap3A_368] {strides = array<i32>} : memref<128x128xf32, #tpu.memory_space<vmem>>, vector<1x16xf32>,
          %swap3A_370 = vector.shape_cast %swap3A_369 : vector<1x16xf32> to vector<16xf32>
          %swap3A_371 = vector.shape_cast %add3A_366 : vector<16xf32> to vector<1x16xf32>
          tpu.vector_store %arg7[%swap3A_367, %swap3A_368], %swap3A_371 {strides = array<i32>} : memref<128x128xf32, #tpu.memory_space<vmem>>, vector<1x16xf32>,
          %get3A_372 = arith.index_cast %scan3A_357 : i32 to index
          %get3A_373 = arith.constant 16 : index
          %get3A_374 = tpu.vector_load %arg7[%get3A_372, %get3A_373] {strides = array<i32>} : memref<128x128xf32, #tpu.memory_space<vmem>>, vector<1x16xf32>,
          %get3A_375 = vector.shape_cast %get3A_374 : vector<1x16xf32> to vector<16xf32>
          %get3A_376 = arith.index_cast %scan3A_357 : i32 to index
          %get3A_377 = arith.constant 80 : index
          %get3A_378 = tpu.vector_load %arg8[%get3A_376, %get3A_377] {strides = array<i32>} : memref<128x128xf32, #tpu.memory_space<vmem>>, vector<1x16xf32>,
          %get3A_379 = vector.shape_cast %get3A_378 : vector<1x16xf32> to vector<16xf32>
          %add3A_380 = arith.addf %get3A_375, %get3A_379 : vector<16xf32>
          %swap3A_381 = arith.index_cast %scan3A_357 : i32 to index
          %swap3A_382 = arith.constant 16 : index
          %swap3A_383 = tpu.vector_load %arg7[%swap3A_381, %swap3A_382] {strides = array<i32>} : memref<128x128xf32, #tpu.memory_space<vmem>>, vector<1x16xf32>,
          %swap3A_384 = vector.shape_cast %swap3A_383 : vector<1x16xf32> to vector<16xf32>
          %swap3A_385 = vector.shape_cast %add3A_380 : vector<16xf32> to vector<1x16xf32>
          tpu.vector_store %arg7[%swap3A_381, %swap3A_382], %swap3A_385 {strides = array<i32>} : memref<128x128xf32, #tpu.memory_space<vmem>>, vector<1x16xf32>,
          %get3A_386 = arith.index_cast %scan3A_357 : i32 to index
          %get3A_387 = arith.constant 32 : index
          %get3A_388 = tpu.vector_load %arg7[%get3A_386, %get3A_387] {strides = array<i32>} : memref<128x128xf32, #tpu.memory_space<vmem>>, vector<1x16xf32>,
          %get3A_389 = vector.shape_cast %get3A_388 : vector<1x16xf32> to vector<16xf32>
          %get3A_390 = arith.index_cast %scan3A_357 : i32 to index
          %get3A_391 = arith.constant 96 : index
          %get3A_392 = tpu.vector_load %arg8[%get3A_390, %get3A_391] {strides = array<i32>} : memref<128x128xf32, #tpu.memory_space<vmem>>, vector<1x16xf32>,
          %get3A_393 = vector.shape_cast %get3A_392 : vector<1x16xf32> to vector<16xf32>
          %add3A_394 = arith.addf %get3A_389, %get3A_393 : vector<16xf32>
          %swap3A_395 = arith.index_cast %scan3A_357 : i32 to index
          %swap3A_396 = arith.constant 32 : index
          %swap3A_397 = tpu.vector_load %arg7[%swap3A_395, %swap3A_396] {strides = array<i32>} : memref<128x128xf32, #tpu.memory_space<vmem>>, vector<1x16xf32>,
          %swap3A_398 = vector.shape_cast %swap3A_397 : vector<1x16xf32> to vector<16xf32>
          %swap3A_399 = vector.shape_cast %add3A_394 : vector<16xf32> to vector<1x16xf32>
          tpu.vector_store %arg7[%swap3A_395, %swap3A_396], %swap3A_399 {strides = array<i32>} : memref<128x128xf32, #tpu.memory_space<vmem>>, vector<1x16xf32>,
          %get3A_400 = arith.index_cast %scan3A_357 : i32 to index
          %get3A_401 = arith.constant 48 : index
          %get3A_402 = tpu.vector_load %arg7[%get3A_400, %get3A_401] {strides = array<i32>} : memref<128x128xf32, #tpu.memory_space<vmem>>, vector<1x16xf32>,
          %get3A_403 = vector.shape_cast %get3A_402 : vector<1x16xf32> to vector<16xf32>
          %get3A_404 = arith.index_cast %scan3A_357 : i32 to index
          %get3A_405 = arith.constant 112 : index
          %get3A_406 = tpu.vector_load %arg8[%get3A_404, %get3A_405] {strides = array<i32>} : memref<128x128xf32, #tpu.memory_space<vmem>>, vector<1x16xf32>,
          %get3A_407 = vector.shape_cast %get3A_406 : vector<1x16xf32> to vector<16xf32>
          %add3A_408 = arith.addf %get3A_403, %get3A_407 : vector<16xf32>
          %swap3A_409 = arith.index_cast %scan3A_357 : i32 to index
          %swap3A_410 = arith.constant 48 : index
          %swap3A_411 = tpu.vector_load %arg7[%swap3A_409, %swap3A_410] {strides = array<i32>} : memref<128x128xf32, #tpu.memory_space<vmem>>, vector<1x16xf32>,
          %swap3A_412 = vector.shape_cast %swap3A_411 : vector<1x16xf32> to vector<16xf32>
          %swap3A_413 = vector.shape_cast %add3A_408 : vector<16xf32> to vector<1x16xf32>
          tpu.vector_store %arg7[%swap3A_409, %swap3A_410], %swap3A_413 {strides = array<i32>} : memref<128x128xf32, #tpu.memory_space<vmem>>, vector<1x16xf32>,
        }
        %scan3A_176 = arith.constant 128 : i32
        %sub3A_177 = arith.constant 1 : i32
        %sub3A_178 = arith.subi %add3A_112, %sub3A_177 : i32
        %mul3A_179 = arith.constant 128 : i32
        %mul3A_180 = arith.muli %sub3A_178, %mul3A_179 : i32
        %dma_start3A_181 = arith.constant 0 : i32
        %dma_start3A_182 = tpu.memref_slice %arg4[%mul3A_180, %dma_start3A_181] : memref<327680x128xf32, #tpu.memory_space<hbm>> -> memref<128x128xf32, #tpu.memory_space<hbm>>
        %dma_start3A_183 = arith.constant 0 : i32
        %dma_start3A_184 = tpu.memref_slice %arg4[%mul3A_180, %dma_start3A_183] : memref<327680x128xf32, #tpu.memory_space<hbm>> -> memref<128x128xf32, #tpu.memory_space<hbm>>
        tpu.enqueue_dma source(%arg7 : memref<128x128xf32, #tpu.memory_space<vmem>>) target(%dma_start3A_184 : memref<128x128xf32, #tpu.memory_space<hbm>>) target_semaphore(%arg15 : memref<!tpu.dma_semaphore, #tpu.memory_space<semaphore_mem>>)
      } else {
      }
      %ge3A_145 = arith.constant 1 : i32
      %ge3A_146 = arith.cmpi sge, %add3A_111, %ge3A_145 : i32
      %add3A_147 = arith.constant 1 : i32
      %add3A_148 = arith.addi %add3A_111, %add3A_147 : i32
      %lt3A_149 = arith.constant 80 : i32
      %lt3A_150 = arith.cmpi slt, %add3A_148, %lt3A_149 : i32
      %and3A_151 = arith.andi %ge3A_146, %lt3A_150 : i1
      %convert_element_type3A_152 = arith.extui %and3A_151 : i1 to i32
      %cond3A_153 = arith.constant 0 : i32
      %cond3A_154 = arith.cmpi ne, %convert_element_type3A_152, %cond3A_153 : i32
      scf.if %cond3A_154 {
        %add3A_155 = arith.constant 1 : i32
        %add3A_156 = arith.addi %add3A_112, %add3A_155 : i32
        %dma_start3A_157 = arith.constant 0 : i32
        %dma_start3A_158 = arith.constant 0 : i32
        %dma_start3A_159 = tpu.memref_slice %arg3[%add3A_156, %dma_start3A_157, %dma_start3A_158] : memref<2560x2x128xi32, #tpu.memory_space<hbm>> -> memref<1x2x128xi32, #tpu.memory_space<hbm>>
        %dma_start3A_160 = arith.constant 0 : i32
        %dma_start3A_161 = arith.constant 0 : i32
        %dma_start3A_162 = tpu.memref_slice %arg3[%add3A_156, %dma_start3A_160, %dma_start3A_161] : memref<2560x2x128xi32, #tpu.memory_space<hbm>> -> memref<1x2x128xi32, #tpu.memory_space<hbm>>
        tpu.enqueue_dma source(%dma_start3A_162 : memref<1x2x128xi32, #tpu.memory_space<hbm>>) target(%arg5 : memref<1x2x128xi32, #tpu.memory_space<vmem>>) target_semaphore(%arg11 : memref<!tpu.dma_semaphore, #tpu.memory_space<semaphore_mem>>)
      } else {
      }
    }
    %scan3A_20 = arith.constant 40 : i32
    %add3A_21 = arith.constant 80 : i32
    %add3A_22 = arith.addi %mul3A_2, %add3A_21 : i32
    %sub3A = arith.constant 1 : i32
    %sub3A_23 = arith.subi %add3A_22, %sub3A : i32
    %dma_wait3A = arith.constant 0 : i32
    %dma_wait3A_24 = arith.constant 0 : i32
    %dma_wait3A_25 = arith.constant 0 : i32
    %dma_wait3A_26 = tpu.memref_slice %arg6[%dma_wait3A, %dma_wait3A_24, %dma_wait3A_25] : memref<1x2x128xi32, #tpu.memory_space<vmem>> -> memref<1x1x128xi32, #tpu.memory_space<vmem>>
    %dma_wait3A_27 = tpu.memref_squeeze %dma_wait3A_26 : memref<1x1x128xi32, #tpu.memory_space<vmem>> -> memref<128xi32, #tpu.memory_space<vmem>>
    %dma_wait3A_28 = arith.constant 0 : i32
    %dma_wait3A_29 = arith.constant 0 : i32
    %dma_wait3A_30 = tpu.memref_slice %arg2[%dma_wait3A_28, %dma_wait3A_29] : memref<10000x128xf32, #tpu.memory_space<hbm>> -> memref<10000x128xf32, #tpu.memory_space<hbm>>
    tpu.wait_indirect_dma semaphore(%arg14 : memref<!tpu.dma_semaphore, #tpu.memory_space<semaphore_mem>>) src(%dma_wait3A_30 : memref<10000x128xf32, #tpu.memory_space<hbm>>) dst(%arg9 : memref<128x128xf32, #tpu.memory_space<vmem>>)
    %dma_wait3A_31 = arith.constant 0 : i32
    %dma_wait3A_32 = arith.constant 1 : i32
    %dma_wait3A_33 = arith.constant 0 : i32
    %dma_wait3A_34 = tpu.memref_slice %arg6[%dma_wait3A_31, %dma_wait3A_32, %dma_wait3A_33] : memref<1x2x128xi32, #tpu.memory_space<vmem>> -> memref<1x1x128xi32, #tpu.memory_space<vmem>>
    %dma_wait3A_35 = tpu.memref_squeeze %dma_wait3A_34 : memref<1x1x128xi32, #tpu.memory_space<vmem>> -> memref<128xi32, #tpu.memory_space<vmem>>
    %dma_wait3A_36 = arith.constant 0 : i32
    %dma_wait3A_37 = arith.constant 0 : i32
    %dma_wait3A_38 = tpu.memref_slice %arg2[%dma_wait3A_36, %dma_wait3A_37] : memref<10000x128xf32, #tpu.memory_space<hbm>> -> memref<10000x128xf32, #tpu.memory_space<hbm>>
    tpu.wait_indirect_dma semaphore(%arg14 : memref<!tpu.dma_semaphore, #tpu.memory_space<semaphore_mem>>) src(%dma_wait3A_38 : memref<10000x128xf32, #tpu.memory_space<hbm>>) dst(%arg10 : memref<128x128xf32, #tpu.memory_space<vmem>>)
    %scan3A_39 = arith.constant 0 : i32
    %scan3A_40 = arith.constant 0 : i32
    %scan3A_41 = arith.constant 128 : i32
    %scan3A_42 = arith.addi %scan3A_40, %scan3A_41 : i32
    %scan3A_43 = arith.constant 4 : i32
    scf.for %scan3A_65 = %scan3A_40 to %scan3A_42 step %scan3A_43  : i32 {
      %get3A = arith.index_cast %scan3A_65 : i32 to index
      %get3A_66 = arith.constant 0 : index
      %get3A_67 = tpu.vector_load %arg9[%get3A, %get3A_66] {strides = array<i32>} : memref<128x128xf32, #tpu.memory_space<vmem>>, vector<1x16xf32>,
      %get3A_68 = vector.shape_cast %get3A_67 : vector<1x16xf32> to vector<16xf32>
      %get3A_69 = arith.index_cast %scan3A_65 : i32 to index
      %get3A_70 = arith.constant 64 : index
      %get3A_71 = tpu.vector_load %arg10[%get3A_69, %get3A_70] {strides = array<i32>} : memref<128x128xf32, #tpu.memory_space<vmem>>, vector<1x16xf32>,
      %get3A_72 = vector.shape_cast %get3A_71 : vector<1x16xf32> to vector<16xf32>
      %add3A_73 = arith.addf %get3A_68, %get3A_72 : vector<16xf32>
      %swap3A = arith.index_cast %scan3A_65 : i32 to index
      %swap3A_74 = arith.constant 0 : index
      %swap3A_75 = tpu.vector_load %arg9[%swap3A, %swap3A_74] {strides = array<i32>} : memref<128x128xf32, #tpu.memory_space<vmem>>, vector<1x16xf32>,
      %swap3A_76 = vector.shape_cast %swap3A_75 : vector<1x16xf32> to vector<16xf32>
      %swap3A_77 = vector.shape_cast %add3A_73 : vector<16xf32> to vector<1x16xf32>
      tpu.vector_store %arg9[%swap3A, %swap3A_74], %swap3A_77 {strides = array<i32>} : memref<128x128xf32, #tpu.memory_space<vmem>>, vector<1x16xf32>,
      %get3A_78 = arith.index_cast %scan3A_65 : i32 to index
      %get3A_79 = arith.constant 16 : index
      %get3A_80 = tpu.vector_load %arg9[%get3A_78, %get3A_79] {strides = array<i32>} : memref<128x128xf32, #tpu.memory_space<vmem>>, vector<1x16xf32>,
      %get3A_81 = vector.shape_cast %get3A_80 : vector<1x16xf32> to vector<16xf32>
      %get3A_82 = arith.index_cast %scan3A_65 : i32 to index
      %get3A_83 = arith.constant 80 : index
      %get3A_84 = tpu.vector_load %arg10[%get3A_82, %get3A_83] {strides = array<i32>} : memref<128x128xf32, #tpu.memory_space<vmem>>, vector<1x16xf32>,
      %get3A_85 = vector.shape_cast %get3A_84 : vector<1x16xf32> to vector<16xf32>
      %add3A_86 = arith.addf %get3A_81, %get3A_85 : vector<16xf32>
      %swap3A_87 = arith.index_cast %scan3A_65 : i32 to index
      %swap3A_88 = arith.constant 16 : index
      %swap3A_89 = tpu.vector_load %arg9[%swap3A_87, %swap3A_88] {strides = array<i32>} : memref<128x128xf32, #tpu.memory_space<vmem>>, vector<1x16xf32>,
      %swap3A_90 = vector.shape_cast %swap3A_89 : vector<1x16xf32> to vector<16xf32>
      %swap3A_91 = vector.shape_cast %add3A_86 : vector<16xf32> to vector<1x16xf32>
      tpu.vector_store %arg9[%swap3A_87, %swap3A_88], %swap3A_91 {strides = array<i32>} : memref<128x128xf32, #tpu.memory_space<vmem>>, vector<1x16xf32>,
      %get3A_92 = arith.index_cast %scan3A_65 : i32 to index
      %get3A_93 = arith.constant 32 : index
      %get3A_94 = tpu.vector_load %arg9[%get3A_92, %get3A_93] {strides = array<i32>} : memref<128x128xf32, #tpu.memory_space<vmem>>, vector<1x16xf32>,
      %get3A_95 = vector.shape_cast %get3A_94 : vector<1x16xf32> to vector<16xf32>
      %get3A_96 = arith.index_cast %scan3A_65 : i32 to index
      %get3A_97 = arith.constant 96 : index
      %get3A_98 = tpu.vector_load %arg10[%get3A_96, %get3A_97] {strides = array<i32>} : memref<128x128xf32, #tpu.memory_space<vmem>>, vector<1x16xf32>,
      %get3A_99 = vector.shape_cast %get3A_98 : vector<1x16xf32> to vector<16xf32>
      %add3A_100 = arith.addf %get3A_95, %get3A_99 : vector<16xf32>
      %swap3A_101 = arith.index_cast %scan3A_65 : i32 to index
      %swap3A_102 = arith.constant 32 : index
      %swap3A_103 = tpu.vector_load %arg9[%swap3A_101, %swap3A_102] {strides = array<i32>} : memref<128x128xf32, #tpu.memory_space<vmem>>, vector<1x16xf32>,
      %swap3A_104 = vector.shape_cast %swap3A_103 : vector<1x16xf32> to vector<16xf32>
      %swap3A_105 = vector.shape_cast %add3A_100 : vector<16xf32> to vector<1x16xf32>
      tpu.vector_store %arg9[%swap3A_101, %swap3A_102], %swap3A_105 {strides = array<i32>} : memref<128x128xf32, #tpu.memory_space<vmem>>, vector<1x16xf32>,
      %get3A_106 = arith.index_cast %scan3A_65 : i32 to index
      %get3A_107 = arith.constant 48 : index
      %get3A_108 = tpu.vector_load %arg9[%get3A_106, %get3A_107] {strides = array<i32>} : memref<128x128xf32, #tpu.memory_space<vmem>>, vector<1x16xf32>,
      %get3A_109 = vector.shape_cast %get3A_108 : vector<1x16xf32> to vector<16xf32>
      %get3A_110 = arith.index_cast %scan3A_65 : i32 to index
      %get3A_111 = arith.constant 112 : index
      %get3A_112 = tpu.vector_load %arg10[%get3A_110, %get3A_111] {strides = array<i32>} : memref<128x128xf32, #tpu.memory_space<vmem>>, vector<1x16xf32>,
      %get3A_113 = vector.shape_cast %get3A_112 : vector<1x16xf32> to vector<16xf32>
      %add3A_114 = arith.addf %get3A_109, %get3A_113 : vector<16xf32>
      %swap3A_115 = arith.index_cast %scan3A_65 : i32 to index
      %swap3A_116 = arith.constant 48 : index
      %swap3A_117 = tpu.vector_load %arg9[%swap3A_115, %swap3A_116] {strides = array<i32>} : memref<128x128xf32, #tpu.memory_space<vmem>>, vector<1x16xf32>,
      %swap3A_118 = vector.shape_cast %swap3A_117 : vector<1x16xf32> to vector<16xf32>
      %swap3A_119 = vector.shape_cast %add3A_114 : vector<16xf32> to vector<1x16xf32>
      tpu.vector_store %arg9[%swap3A_115, %swap3A_116], %swap3A_119 {strides = array<i32>} : memref<128x128xf32, #tpu.memory_space<vmem>>, vector<1x16xf32>,
      %scan3A_120 = arith.constant 1 : i32
      %scan3A_121 = arith.addi %scan3A_65, %scan3A_120 : i32
      %get3A_122 = arith.index_cast %scan3A_121 : i32 to index
      %get3A_123 = arith.constant 0 : index
      %get3A_124 = tpu.vector_load %arg9[%get3A_122, %get3A_123] {strides = array<i32>} : memref<128x128xf32, #tpu.memory_space<vmem>>, vector<1x16xf32>,
      %get3A_125 = vector.shape_cast %get3A_124 : vector<1x16xf32> to vector<16xf32>
      %get3A_126 = arith.index_cast %scan3A_121 : i32 to index
      %get3A_127 = arith.constant 64 : index
      %get3A_128 = tpu.vector_load %arg10[%get3A_126, %get3A_127] {strides = array<i32>} : memref<128x128xf32, #tpu.memory_space<vmem>>, vector<1x16xf32>,
      %get3A_129 = vector.shape_cast %get3A_128 : vector<1x16xf32> to vector<16xf32>
      %add3A_130 = arith.addf %get3A_125, %get3A_129 : vector<16xf32>
      %swap3A_131 = arith.index_cast %scan3A_121 : i32 to index
      %swap3A_132 = arith.constant 0 : index
      %swap3A_133 = tpu.vector_load %arg9[%swap3A_131, %swap3A_132] {strides = array<i32>} : memref<128x128xf32, #tpu.memory_space<vmem>>, vector<1x16xf32>,
      %swap3A_134 = vector.shape_cast %swap3A_133 : vector<1x16xf32> to vector<16xf32>
      %swap3A_135 = vector.shape_cast %add3A_130 : vector<16xf32> to vector<1x16xf32>
      tpu.vector_store %arg9[%swap3A_131, %swap3A_132], %swap3A_135 {strides = array<i32>} : memref<128x128xf32, #tpu.memory_space<vmem>>, vector<1x16xf32>,
      %get3A_136 = arith.index_cast %scan3A_121 : i32 to index
      %get3A_137 = arith.constant 16 : index
      %get3A_138 = tpu.vector_load %arg9[%get3A_136, %get3A_137] {strides = array<i32>} : memref<128x128xf32, #tpu.memory_space<vmem>>, vector<1x16xf32>,
      %get3A_139 = vector.shape_cast %get3A_138 : vector<1x16xf32> to vector<16xf32>
      %get3A_140 = arith.index_cast %scan3A_121 : i32 to index
      %get3A_141 = arith.constant 80 : index
      %get3A_142 = tpu.vector_load %arg10[%get3A_140, %get3A_141] {strides = array<i32>} : memref<128x128xf32, #tpu.memory_space<vmem>>, vector<1x16xf32>,
      %get3A_143 = vector.shape_cast %get3A_142 : vector<1x16xf32> to vector<16xf32>
      %add3A_144 = arith.addf %get3A_139, %get3A_143 : vector<16xf32>
      %swap3A_145 = arith.index_cast %scan3A_121 : i32 to index
      %swap3A_146 = arith.constant 16 : index
      %swap3A_147 = tpu.vector_load %arg9[%swap3A_145, %swap3A_146] {strides = array<i32>} : memref<128x128xf32, #tpu.memory_space<vmem>>, vector<1x16xf32>,
      %swap3A_148 = vector.shape_cast %swap3A_147 : vector<1x16xf32> to vector<16xf32>
      %swap3A_149 = vector.shape_cast %add3A_144 : vector<16xf32> to vector<1x16xf32>
      tpu.vector_store %arg9[%swap3A_145, %swap3A_146], %swap3A_149 {strides = array<i32>} : memref<128x128xf32, #tpu.memory_space<vmem>>, vector<1x16xf32>,
      %get3A_150 = arith.index_cast %scan3A_121 : i32 to index
      %get3A_151 = arith.constant 32 : index
      %get3A_152 = tpu.vector_load %arg9[%get3A_150, %get3A_151] {strides = array<i32>} : memref<128x128xf32, #tpu.memory_space<vmem>>, vector<1x16xf32>,
      %get3A_153 = vector.shape_cast %get3A_152 : vector<1x16xf32> to vector<16xf32>
      %get3A_154 = arith.index_cast %scan3A_121 : i32 to index
      %get3A_155 = arith.constant 96 : index
      %get3A_156 = tpu.vector_load %arg10[%get3A_154, %get3A_155] {strides = array<i32>} : memref<128x128xf32, #tpu.memory_space<vmem>>, vector<1x16xf32>,
      %get3A_157 = vector.shape_cast %get3A_156 : vector<1x16xf32> to vector<16xf32>
      %add3A_158 = arith.addf %get3A_153, %get3A_157 : vector<16xf32>
      %swap3A_159 = arith.index_cast %scan3A_121 : i32 to index
      %swap3A_160 = arith.constant 32 : index
      %swap3A_161 = tpu.vector_load %arg9[%swap3A_159, %swap3A_160] {strides = array<i32>} : memref<128x128xf32, #tpu.memory_space<vmem>>, vector<1x16xf32>,
      %swap3A_162 = vector.shape_cast %swap3A_161 : vector<1x16xf32> to vector<16xf32>
      %swap3A_163 = vector.shape_cast %add3A_158 : vector<16xf32> to vector<1x16xf32>
      tpu.vector_store %arg9[%swap3A_159, %swap3A_160], %swap3A_163 {strides = array<i32>} : memref<128x128xf32, #tpu.memory_space<vmem>>, vector<1x16xf32>,
      %get3A_164 = arith.index_cast %scan3A_121 : i32 to index
      %get3A_165 = arith.constant 48 : index
      %get3A_166 = tpu.vector_load %arg9[%get3A_164, %get3A_165] {strides = array<i32>} : memref<128x128xf32, #tpu.memory_space<vmem>>, vector<1x16xf32>,
      %get3A_167 = vector.shape_cast %get3A_166 : vector<1x16xf32> to vector<16xf32>
      %get3A_168 = arith.index_cast %scan3A_121 : i32 to index
      %get3A_169 = arith.constant 112 : index
      %get3A_170 = tpu.vector_load %arg10[%get3A_168, %get3A_169] {strides = array<i32>} : memref<128x128xf32, #tpu.memory_space<vmem>>, vector<1x16xf32>,
      %get3A_171 = vector.shape_cast %get3A_170 : vector<1x16xf32> to vector<16xf32>
      %add3A_172 = arith.addf %get3A_167, %get3A_171 : vector<16xf32>
      %swap3A_173 = arith.index_cast %scan3A_121 : i32 to index
      %swap3A_174 = arith.constant 48 : index
      %swap3A_175 = tpu.vector_load %arg9[%swap3A_173, %swap3A_174] {strides = array<i32>} : memref<128x128xf32, #tpu.memory_space<vmem>>, vector<1x16xf32>,
      %swap3A_176 = vector.shape_cast %swap3A_175 : vector<1x16xf32> to vector<16xf32>
      %swap3A_177 = vector.shape_cast %add3A_172 : vector<16xf32> to vector<1x16xf32>
      tpu.vector_store %arg9[%swap3A_173, %swap3A_174], %swap3A_177 {strides = array<i32>} : memref<128x128xf32, #tpu.memory_space<vmem>>, vector<1x16xf32>,
      %scan3A_178 = arith.constant 2 : i32
      %scan3A_179 = arith.addi %scan3A_65, %scan3A_178 : i32
      %get3A_180 = arith.index_cast %scan3A_179 : i32 to index
      %get3A_181 = arith.constant 0 : index
      %get3A_182 = tpu.vector_load %arg9[%get3A_180, %get3A_181] {strides = array<i32>} : memref<128x128xf32, #tpu.memory_space<vmem>>, vector<1x16xf32>,
      %get3A_183 = vector.shape_cast %get3A_182 : vector<1x16xf32> to vector<16xf32>
      %get3A_184 = arith.index_cast %scan3A_179 : i32 to index
      %get3A_185 = arith.constant 64 : index
      %get3A_186 = tpu.vector_load %arg10[%get3A_184, %get3A_185] {strides = array<i32>} : memref<128x128xf32, #tpu.memory_space<vmem>>, vector<1x16xf32>,
      %get3A_187 = vector.shape_cast %get3A_186 : vector<1x16xf32> to vector<16xf32>
      %add3A_188 = arith.addf %get3A_183, %get3A_187 : vector<16xf32>
      %swap3A_189 = arith.index_cast %scan3A_179 : i32 to index
      %swap3A_190 = arith.constant 0 : index
      %swap3A_191 = tpu.vector_load %arg9[%swap3A_189, %swap3A_190] {strides = array<i32>} : memref<128x128xf32, #tpu.memory_space<vmem>>, vector<1x16xf32>,
      %swap3A_192 = vector.shape_cast %swap3A_191 : vector<1x16xf32> to vector<16xf32>
      %swap3A_193 = vector.shape_cast %add3A_188 : vector<16xf32> to vector<1x16xf32>
      tpu.vector_store %arg9[%swap3A_189, %swap3A_190], %swap3A_193 {strides = array<i32>} : memref<128x128xf32, #tpu.memory_space<vmem>>, vector<1x16xf32>,
      %get3A_194 = arith.index_cast %scan3A_179 : i32 to index
      %get3A_195 = arith.constant 16 : index
      %get3A_196 = tpu.vector_load %arg9[%get3A_194, %get3A_195] {strides = array<i32>} : memref<128x128xf32, #tpu.memory_space<vmem>>, vector<1x16xf32>,
      %get3A_197 = vector.shape_cast %get3A_196 : vector<1x16xf32> to vector<16xf32>
      %get3A_198 = arith.index_cast %scan3A_179 : i32 to index
      %get3A_199 = arith.constant 80 : index
      %get3A_200 = tpu.vector_load %arg10[%get3A_198, %get3A_199] {strides = array<i32>} : memref<128x128xf32, #tpu.memory_space<vmem>>, vector<1x16xf32>,
      %get3A_201 = vector.shape_cast %get3A_200 : vector<1x16xf32> to vector<16xf32>
      %add3A_202 = arith.addf %get3A_197, %get3A_201 : vector<16xf32>
      %swap3A_203 = arith.index_cast %scan3A_179 : i32 to index
      %swap3A_204 = arith.constant 16 : index
      %swap3A_205 = tpu.vector_load %arg9[%swap3A_203, %swap3A_204] {strides = array<i32>} : memref<128x128xf32, #tpu.memory_space<vmem>>, vector<1x16xf32>,
      %swap3A_206 = vector.shape_cast %swap3A_205 : vector<1x16xf32> to vector<16xf32>
      %swap3A_207 = vector.shape_cast %add3A_202 : vector<16xf32> to vector<1x16xf32>
      tpu.vector_store %arg9[%swap3A_203, %swap3A_204], %swap3A_207 {strides = array<i32>} : memref<128x128xf32, #tpu.memory_space<vmem>>, vector<1x16xf32>,
      %get3A_208 = arith.index_cast %scan3A_179 : i32 to index
      %get3A_209 = arith.constant 32 : index
      %get3A_210 = tpu.vector_load %arg9[%get3A_208, %get3A_209] {strides = array<i32>} : memref<128x128xf32, #tpu.memory_space<vmem>>, vector<1x16xf32>,
      %get3A_211 = vector.shape_cast %get3A_210 : vector<1x16xf32> to vector<16xf32>
      %get3A_212 = arith.index_cast %scan3A_179 : i32 to index
      %get3A_213 = arith.constant 96 : index
      %get3A_214 = tpu.vector_load %arg10[%get3A_212, %get3A_213] {strides = array<i32>} : memref<128x128xf32, #tpu.memory_space<vmem>>, vector<1x16xf32>,
      %get3A_215 = vector.shape_cast %get3A_214 : vector<1x16xf32> to vector<16xf32>
      %add3A_216 = arith.addf %get3A_211, %get3A_215 : vector<16xf32>
      %swap3A_217 = arith.index_cast %scan3A_179 : i32 to index
      %swap3A_218 = arith.constant 32 : index
      %swap3A_219 = tpu.vector_load %arg9[%swap3A_217, %swap3A_218] {strides = array<i32>} : memref<128x128xf32, #tpu.memory_space<vmem>>, vector<1x16xf32>,
      %swap3A_220 = vector.shape_cast %swap3A_219 : vector<1x16xf32> to vector<16xf32>
      %swap3A_221 = vector.shape_cast %add3A_216 : vector<16xf32> to vector<1x16xf32>
      tpu.vector_store %arg9[%swap3A_217, %swap3A_218], %swap3A_221 {strides = array<i32>} : memref<128x128xf32, #tpu.memory_space<vmem>>, vector<1x16xf32>,
      %get3A_222 = arith.index_cast %scan3A_179 : i32 to index
      %get3A_223 = arith.constant 48 : index
      %get3A_224 = tpu.vector_load %arg9[%get3A_222, %get3A_223] {strides = array<i32>} : memref<128x128xf32, #tpu.memory_space<vmem>>, vector<1x16xf32>,
      %get3A_225 = vector.shape_cast %get3A_224 : vector<1x16xf32> to vector<16xf32>
      %get3A_226 = arith.index_cast %scan3A_179 : i32 to index
      %get3A_227 = arith.constant 112 : index
      %get3A_228 = tpu.vector_load %arg10[%get3A_226, %get3A_227] {strides = array<i32>} : memref<128x128xf32, #tpu.memory_space<vmem>>, vector<1x16xf32>,
      %get3A_229 = vector.shape_cast %get3A_228 : vector<1x16xf32> to vector<16xf32>
      %add3A_230 = arith.addf %get3A_225, %get3A_229 : vector<16xf32>
      %swap3A_231 = arith.index_cast %scan3A_179 : i32 to index
      %swap3A_232 = arith.constant 48 : index
      %swap3A_233 = tpu.vector_load %arg9[%swap3A_231, %swap3A_232] {strides = array<i32>} : memref<128x128xf32, #tpu.memory_space<vmem>>, vector<1x16xf32>,
      %swap3A_234 = vector.shape_cast %swap3A_233 : vector<1x16xf32> to vector<16xf32>
      %swap3A_235 = vector.shape_cast %add3A_230 : vector<16xf32> to vector<1x16xf32>
      tpu.vector_store %arg9[%swap3A_231, %swap3A_232], %swap3A_235 {strides = array<i32>} : memref<128x128xf32, #tpu.memory_space<vmem>>, vector<1x16xf32>,
      %scan3A_236 = arith.constant 3 : i32
      %scan3A_237 = arith.addi %scan3A_65, %scan3A_236 : i32
      %get3A_238 = arith.index_cast %scan3A_237 : i32 to index
      %get3A_239 = arith.constant 0 : index
      %get3A_240 = tpu.vector_load %arg9[%get3A_238, %get3A_239] {strides = array<i32>} : memref<128x128xf32, #tpu.memory_space<vmem>>, vector<1x16xf32>,
      %get3A_241 = vector.shape_cast %get3A_240 : vector<1x16xf32> to vector<16xf32>
      %get3A_242 = arith.index_cast %scan3A_237 : i32 to index
      %get3A_243 = arith.constant 64 : index
      %get3A_244 = tpu.vector_load %arg10[%get3A_242, %get3A_243] {strides = array<i32>} : memref<128x128xf32, #tpu.memory_space<vmem>>, vector<1x16xf32>,
      %get3A_245 = vector.shape_cast %get3A_244 : vector<1x16xf32> to vector<16xf32>
      %add3A_246 = arith.addf %get3A_241, %get3A_245 : vector<16xf32>
      %swap3A_247 = arith.index_cast %scan3A_237 : i32 to index
      %swap3A_248 = arith.constant 0 : index
      %swap3A_249 = tpu.vector_load %arg9[%swap3A_247, %swap3A_248] {strides = array<i32>} : memref<128x128xf32, #tpu.memory_space<vmem>>, vector<1x16xf32>,
      %swap3A_250 = vector.shape_cast %swap3A_249 : vector<1x16xf32> to vector<16xf32>
      %swap3A_251 = vector.shape_cast %add3A_246 : vector<16xf32> to vector<1x16xf32>
      tpu.vector_store %arg9[%swap3A_247, %swap3A_248], %swap3A_251 {strides = array<i32>} : memref<128x128xf32, #tpu.memory_space<vmem>>, vector<1x16xf32>,
      %get3A_252 = arith.index_cast %scan3A_237 : i32 to index
      %get3A_253 = arith.constant 16 : index
      %get3A_254 = tpu.vector_load %arg9[%get3A_252, %get3A_253] {strides = array<i32>} : memref<128x128xf32, #tpu.memory_space<vmem>>, vector<1x16xf32>,
      %get3A_255 = vector.shape_cast %get3A_254 : vector<1x16xf32> to vector<16xf32>
      %get3A_256 = arith.index_cast %scan3A_237 : i32 to index
      %get3A_257 = arith.constant 80 : index
      %get3A_258 = tpu.vector_load %arg10[%get3A_256, %get3A_257] {strides = array<i32>} : memref<128x128xf32, #tpu.memory_space<vmem>>, vector<1x16xf32>,
      %get3A_259 = vector.shape_cast %get3A_258 : vector<1x16xf32> to vector<16xf32>
      %add3A_260 = arith.addf %get3A_255, %get3A_259 : vector<16xf32>
      %swap3A_261 = arith.index_cast %scan3A_237 : i32 to index
      %swap3A_262 = arith.constant 16 : index
      %swap3A_263 = tpu.vector_load %arg9[%swap3A_261, %swap3A_262] {strides = array<i32>} : memref<128x128xf32, #tpu.memory_space<vmem>>, vector<1x16xf32>,
      %swap3A_264 = vector.shape_cast %swap3A_263 : vector<1x16xf32> to vector<16xf32>
      %swap3A_265 = vector.shape_cast %add3A_260 : vector<16xf32> to vector<1x16xf32>
      tpu.vector_store %arg9[%swap3A_261, %swap3A_262], %swap3A_265 {strides = array<i32>} : memref<128x128xf32, #tpu.memory_space<vmem>>, vector<1x16xf32>,
      %get3A_266 = arith.index_cast %scan3A_237 : i32 to index
      %get3A_267 = arith.constant 32 : index
      %get3A_268 = tpu.vector_load %arg9[%get3A_266, %get3A_267] {strides = array<i32>} : memref<128x128xf32, #tpu.memory_space<vmem>>, vector<1x16xf32>,
      %get3A_269 = vector.shape_cast %get3A_268 : vector<1x16xf32> to vector<16xf32>
      %get3A_270 = arith.index_cast %scan3A_237 : i32 to index
      %get3A_271 = arith.constant 96 : index
      %get3A_272 = tpu.vector_load %arg10[%get3A_270, %get3A_271] {strides = array<i32>} : memref<128x128xf32, #tpu.memory_space<vmem>>, vector<1x16xf32>,
      %get3A_273 = vector.shape_cast %get3A_272 : vector<1x16xf32> to vector<16xf32>
      %add3A_274 = arith.addf %get3A_269, %get3A_273 : vector<16xf32>
      %swap3A_275 = arith.index_cast %scan3A_237 : i32 to index
      %swap3A_276 = arith.constant 32 : index
      %swap3A_277 = tpu.vector_load %arg9[%swap3A_275, %swap3A_276] {strides = array<i32>} : memref<128x128xf32, #tpu.memory_space<vmem>>, vector<1x16xf32>,
      %swap3A_278 = vector.shape_cast %swap3A_277 : vector<1x16xf32> to vector<16xf32>
      %swap3A_279 = vector.shape_cast %add3A_274 : vector<16xf32> to vector<1x16xf32>
      tpu.vector_store %arg9[%swap3A_275, %swap3A_276], %swap3A_279 {strides = array<i32>} : memref<128x128xf32, #tpu.memory_space<vmem>>, vector<1x16xf32>,
      %get3A_280 = arith.index_cast %scan3A_237 : i32 to index
      %get3A_281 = arith.constant 48 : index
      %get3A_282 = tpu.vector_load %arg9[%get3A_280, %get3A_281] {strides = array<i32>} : memref<128x128xf32, #tpu.memory_space<vmem>>, vector<1x16xf32>,
      %get3A_283 = vector.shape_cast %get3A_282 : vector<1x16xf32> to vector<16xf32>
      %get3A_284 = arith.index_cast %scan3A_237 : i32 to index
      %get3A_285 = arith.constant 112 : index
      %get3A_286 = tpu.vector_load %arg10[%get3A_284, %get3A_285] {strides = array<i32>} : memref<128x128xf32, #tpu.memory_space<vmem>>, vector<1x16xf32>,
      %get3A_287 = vector.shape_cast %get3A_286 : vector<1x16xf32> to vector<16xf32>
      %add3A_288 = arith.addf %get3A_283, %get3A_287 : vector<16xf32>
      %swap3A_289 = arith.index_cast %scan3A_237 : i32 to index
      %swap3A_290 = arith.constant 48 : index
      %swap3A_291 = tpu.vector_load %arg9[%swap3A_289, %swap3A_290] {strides = array<i32>} : memref<128x128xf32, #tpu.memory_space<vmem>>, vector<1x16xf32>,
      %swap3A_292 = vector.shape_cast %swap3A_291 : vector<1x16xf32> to vector<16xf32>
      %swap3A_293 = vector.shape_cast %add3A_288 : vector<16xf32> to vector<1x16xf32>
      tpu.vector_store %arg9[%swap3A_289, %swap3A_290], %swap3A_293 {strides = array<i32>} : memref<128x128xf32, #tpu.memory_space<vmem>>, vector<1x16xf32>,
    }
    %scan3A_44 = arith.constant 128 : i32
    %mul3A_45 = arith.constant 128 : i32
    %mul3A_46 = arith.muli %sub3A_23, %mul3A_45 : i32
    %dma_start3A_47 = arith.constant 0 : i32
    %dma_start3A_48 = tpu.memref_slice %arg4[%mul3A_46, %dma_start3A_47] : memref<327680x128xf32, #tpu.memory_space<hbm>> -> memref<128x128xf32, #tpu.memory_space<hbm>>
    %dma_start3A_49 = arith.constant 0 : i32
    %dma_start3A_50 = tpu.memref_slice %arg4[%mul3A_46, %dma_start3A_49] : memref<327680x128xf32, #tpu.memory_space<hbm>> -> memref<128x128xf32, #tpu.memory_space<hbm>>
    tpu.enqueue_dma source(%arg9 : memref<128x128xf32, #tpu.memory_space<vmem>>) target(%dma_start3A_50 : memref<128x128xf32, #tpu.memory_space<hbm>>) target_semaphore(%arg16 : memref<!tpu.dma_semaphore, #tpu.memory_space<semaphore_mem>>)
    %sub3A_51 = arith.constant 1 : i32
    %sub3A_52 = arith.subi %sub3A_23, %sub3A_51 : i32
    %mul3A_53 = arith.constant 128 : i32
    %mul3A_54 = arith.muli %sub3A_52, %mul3A_53 : i32
    %dma_wait3A_55 = arith.constant 0 : i32
    %dma_wait3A_56 = tpu.memref_slice %arg4[%mul3A_54, %dma_wait3A_55] : memref<327680x128xf32, #tpu.memory_space<hbm>> -> memref<128x128xf32, #tpu.memory_space<hbm>>
    %dma_wait3A_57 = arith.constant 0 : i32
    %dma_wait3A_58 = tpu.memref_slice %arg4[%mul3A_54, %dma_wait3A_57] : memref<327680x128xf32, #tpu.memory_space<hbm>> -> memref<128x128xf32, #tpu.memory_space<hbm>>
    tpu.wait_dma2 semaphore(%arg15 : memref<!tpu.dma_semaphore, #tpu.memory_space<semaphore_mem>>) src(%arg7 : memref<128x128xf32, #tpu.memory_space<vmem>>) dst(%dma_wait3A_58 : memref<128x128xf32, #tpu.memory_space<hbm>>)
    %mul3A_59 = arith.constant 128 : i32
    %mul3A_60 = arith.muli %sub3A_23, %mul3A_59 : i32
    %dma_wait3A_61 = arith.constant 0 : i32
    %dma_wait3A_62 = tpu.memref_slice %arg4[%mul3A_60, %dma_wait3A_61] : memref<327680x128xf32, #tpu.memory_space<hbm>> -> memref<128x128xf32, #tpu.memory_space<hbm>>
    %dma_wait3A_63 = arith.constant 0 : i32
    %dma_wait3A_64 = tpu.memref_slice %arg4[%mul3A_60, %dma_wait3A_63] : memref<327680x128xf32, #tpu.memory_space<hbm>> -> memref<128x128xf32, #tpu.memory_space<hbm>>
    tpu.wait_dma2 semaphore(%arg16 : memref<!tpu.dma_semaphore, #tpu.memory_space<semaphore_mem>>) src(%arg9 : memref<128x128xf32, #tpu.memory_space<vmem>>) dst(%dma_wait3A_64 : memref<128x128xf32, #tpu.memory_space<hbm>>)
    return
  }
}

#map = affine_map<(d0, d1) -> (0, 0)>
#map1 = affine_map<(d0, d1) -> (0, 0, 0)>
module attributes {stable_mosaic.version = 14 : i64} {
  func.func @_scatter_body(%arg0: i32, %arg1: i32, %arg2: memref<327680x128xf32, #tpu.memory_space<hbm>>, %arg3: memref<2560x128xi32, #tpu.memory_space<hbm>>, %arg4: memref<320x128xf32, #tpu.memory_space<hbm>>, %arg5: memref<2x5120x128xf32, #tpu.memory_space<hbm>>, %arg6: memref<5120x128xf32, #tpu.memory_space<vmem_shared>>, %arg7: memref<320x128xf32, #tpu.memory_space<vmem>>, %arg8: memref<1x128xi32, #tpu.memory_space<vmem>>, %arg9: memref<1x128xi32, #tpu.memory_space<vmem>>, %arg10: memref<1x128xi32, #tpu.memory_space<vmem>>, %arg11: memref<1x128xi32, #tpu.memory_space<vmem>>, %arg12: memref<128x128xf32, #tpu.memory_space<vmem>>, %arg13: memref<128x128xf32, #tpu.memory_space<vmem>>, %arg14: memref<!tpu.dma_semaphore, #tpu.memory_space<semaphore_mem>>, %arg15: memref<!tpu.dma_semaphore, #tpu.memory_space<semaphore_mem>>, %arg16: memref<!tpu.dma_semaphore, #tpu.memory_space<semaphore_mem>>, %arg17: memref<!tpu.dma_semaphore, #tpu.memory_space<semaphore_mem>>) attributes {dimension_semantics = [#tpu.dimension_semantics<core_parallel>, #tpu.dimension_semantics<subcore_parallel>], iteration_bounds = array<i64: 2, 16>, scalar_prefetch = 0 : i64, scratch_operands = 12 : i64, tpu.core_type = #tpu.core_type<sc_vector_subcore>, window_params = [{transform_indices = #map}, {transform_indices = #map}, {transform_indices = #map}, {transform_indices = #map1}]} {
    %mul3A = arith.constant 160 : i32
    %mul3A_0 = arith.muli %arg1, %mul3A : i32
    %mul3A_1 = arith.constant 5000 : i32
    %mul3A_2 = arith.muli %arg0, %mul3A_1 : i32
    %broadcast_in_dim3A = vector.broadcast %mul3A_2 : i32 to vector<16xi32>
    %add3A = arith.constant 5000 : i32
    %add3A_3 = vector.broadcast %add3A : i32 to vector<16xi32>
    %add3A_4 = arith.addi %broadcast_in_dim3A, %add3A_3 : vector<16xi32>
    %broadcast_in_dim3A_5 = arith.constant 5000 : i32
    %broadcast_in_dim3A_6 = vector.broadcast %broadcast_in_dim3A_5 : i32 to vector<16xi32>
    "tpu.region"() ({
      %run_scoped3A = tpu.sem_alloc : memref<!tpu.dma_semaphore, #tpu.memory_space<semaphore_mem>>
      tpu.enqueue_dma source(%arg4 : memref<320x128xf32, #tpu.memory_space<hbm>>) target(%arg7 : memref<320x128xf32, #tpu.memory_space<vmem>>) target_semaphore(%run_scoped3A : memref<!tpu.dma_semaphore, #tpu.memory_space<semaphore_mem>>)
      tpu.wait_dma2 semaphore(%run_scoped3A : memref<!tpu.dma_semaphore, #tpu.memory_space<semaphore_mem>>) src(%arg4 : memref<320x128xf32, #tpu.memory_space<hbm>>) dst(%arg7 : memref<320x128xf32, #tpu.memory_space<vmem>>)
      tpu.yield
    }) : () -> ()
    %mul3A_7 = arith.constant 320 : i32
    %mul3A_8 = arith.muli %arg1, %mul3A_7 : i32
    "tpu.region"() ({
      %run_scoped3A = tpu.sem_alloc : memref<!tpu.dma_semaphore, #tpu.memory_space<semaphore_mem>>
      %dma_start3A_46 = arith.constant 0 : i32
      %dma_start3A_47 = tpu.memref_slice %arg6[%mul3A_8, %dma_start3A_46] : memref<5120x128xf32, #tpu.memory_space<vmem_shared>> -> memref<320x128xf32, #tpu.memory_space<vmem_shared>>
      %dma_start3A_48 = arith.constant 0 : i32
      %dma_start3A_49 = tpu.memref_slice %arg6[%mul3A_8, %dma_start3A_48] : memref<5120x128xf32, #tpu.memory_space<vmem_shared>> -> memref<320x128xf32, #tpu.memory_space<vmem_shared>>
      tpu.enqueue_dma source(%arg7 : memref<320x128xf32, #tpu.memory_space<vmem>>) target(%dma_start3A_49 : memref<320x128xf32, #tpu.memory_space<vmem_shared>>) target_semaphore(%run_scoped3A : memref<!tpu.dma_semaphore, #tpu.memory_space<semaphore_mem>>)
      %dma_wait3A_50 = arith.constant 0 : i32
      %dma_wait3A_51 = tpu.memref_slice %arg6[%mul3A_8, %dma_wait3A_50] : memref<5120x128xf32, #tpu.memory_space<vmem_shared>> -> memref<320x128xf32, #tpu.memory_space<vmem_shared>>
      %dma_wait3A_52 = arith.constant 0 : i32
      %dma_wait3A_53 = tpu.memref_slice %arg6[%mul3A_8, %dma_wait3A_52] : memref<5120x128xf32, #tpu.memory_space<vmem_shared>> -> memref<320x128xf32, #tpu.memory_space<vmem_shared>>
      tpu.wait_dma2 semaphore(%run_scoped3A : memref<!tpu.dma_semaphore, #tpu.memory_space<semaphore_mem>>) src(%arg7 : memref<320x128xf32, #tpu.memory_space<vmem>>) dst(%dma_wait3A_53 : memref<320x128xf32, #tpu.memory_space<vmem_shared>>)
      tpu.yield
    }) : () -> ()
    %barrier3A = arith.constant 0 : index
    tpu.barrier barrier_id(%barrier3A)
    %dma_start3A = arith.constant 0 : i32
    %dma_start3A_9 = tpu.memref_slice %arg3[%mul3A_0, %dma_start3A] : memref<2560x128xi32, #tpu.memory_space<hbm>> -> memref<1x128xi32, #tpu.memory_space<hbm>>
    %dma_start3A_10 = arith.constant 0 : i32
    %dma_start3A_11 = tpu.memref_slice %arg3[%mul3A_0, %dma_start3A_10] : memref<2560x128xi32, #tpu.memory_space<hbm>> -> memref<1x128xi32, #tpu.memory_space<hbm>>
    tpu.enqueue_dma source(%dma_start3A_11 : memref<1x128xi32, #tpu.memory_space<hbm>>) target(%arg8 : memref<1x128xi32, #tpu.memory_space<vmem>>) target_semaphore(%arg14 : memref<!tpu.dma_semaphore, #tpu.memory_space<semaphore_mem>>)
    %mul3A_12 = arith.constant 128 : i32
    %mul3A_13 = arith.muli %mul3A_0, %mul3A_12 : i32
    %dma_start3A_14 = arith.constant 0 : i32
    %dma_start3A_15 = tpu.memref_slice %arg2[%mul3A_13, %dma_start3A_14] : memref<327680x128xf32, #tpu.memory_space<hbm>> -> memref<128x128xf32, #tpu.memory_space<hbm>>
    %dma_start3A_16 = arith.constant 0 : i32
    %dma_start3A_17 = tpu.memref_slice %arg2[%mul3A_13, %dma_start3A_16] : memref<327680x128xf32, #tpu.memory_space<hbm>> -> memref<128x128xf32, #tpu.memory_space<hbm>>
    tpu.enqueue_dma source(%dma_start3A_17 : memref<128x128xf32, #tpu.memory_space<hbm>>) target(%arg12 : memref<128x128xf32, #tpu.memory_space<vmem>>) target_semaphore(%arg14 : memref<!tpu.dma_semaphore, #tpu.memory_space<semaphore_mem>>)
    %add3A_18 = arith.constant 1 : i32
    %add3A_19 = arith.addi %mul3A_0, %add3A_18 : i32
    %dma_start3A_20 = arith.constant 0 : i32
    %dma_start3A_21 = tpu.memref_slice %arg3[%add3A_19, %dma_start3A_20] : memref<2560x128xi32, #tpu.memory_space<hbm>> -> memref<1x128xi32, #tpu.memory_space<hbm>>
    %dma_start3A_22 = arith.constant 0 : i32
    %dma_start3A_23 = tpu.memref_slice %arg3[%add3A_19, %dma_start3A_22] : memref<2560x128xi32, #tpu.memory_space<hbm>> -> memref<1x128xi32, #tpu.memory_space<hbm>>
    tpu.enqueue_dma source(%dma_start3A_23 : memref<1x128xi32, #tpu.memory_space<hbm>>) target(%arg10 : memref<1x128xi32, #tpu.memory_space<vmem>>) target_semaphore(%arg15 : memref<!tpu.dma_semaphore, #tpu.memory_space<semaphore_mem>>)
    %mul3A_24 = arith.constant 128 : i32
    %mul3A_25 = arith.muli %add3A_19, %mul3A_24 : i32
    %dma_start3A_26 = arith.constant 0 : i32
    %dma_start3A_27 = tpu.memref_slice %arg2[%mul3A_25, %dma_start3A_26] : memref<327680x128xf32, #tpu.memory_space<hbm>> -> memref<128x128xf32, #tpu.memory_space<hbm>>
    %dma_start3A_28 = arith.constant 0 : i32
    %dma_start3A_29 = tpu.memref_slice %arg2[%mul3A_25, %dma_start3A_28] : memref<327680x128xf32, #tpu.memory_space<hbm>> -> memref<128x128xf32, #tpu.memory_space<hbm>>
    tpu.enqueue_dma source(%dma_start3A_29 : memref<128x128xf32, #tpu.memory_space<hbm>>) target(%arg13 : memref<128x128xf32, #tpu.memory_space<vmem>>) target_semaphore(%arg15 : memref<!tpu.dma_semaphore, #tpu.memory_space<semaphore_mem>>)
    %scan3A = arith.constant 0 : i32
    %scan3A_30 = arith.constant 0 : i32
    %scan3A_31 = arith.constant 80 : i32
    %scan3A_32 = arith.addi %scan3A_30, %scan3A_31 : i32
    %scan3A_33 = arith.constant 1 : i32
    scf.for %scan3A_46 = %scan3A_30 to %scan3A_32 step %scan3A_33  : i32 {
      %mul3A_47 = arith.constant 2 : i32
      %mul3A_48 = arith.muli %mul3A_47, %scan3A_46 : i32
      %add3A_49 = arith.constant 0 : i32
      %add3A_50 = arith.addi %mul3A_48, %add3A_49 : i32
      %add3A_51 = arith.addi %mul3A_0, %add3A_50 : i32
      %dma_wait3A_52 = arith.constant 0 : i32
      %dma_wait3A_53 = tpu.memref_slice %arg3[%add3A_51, %dma_wait3A_52] : memref<2560x128xi32, #tpu.memory_space<hbm>> -> memref<1x128xi32, #tpu.memory_space<hbm>>
      %dma_wait3A_54 = arith.constant 0 : i32
      %dma_wait3A_55 = tpu.memref_slice %arg3[%add3A_51, %dma_wait3A_54] : memref<2560x128xi32, #tpu.memory_space<hbm>> -> memref<1x128xi32, #tpu.memory_space<hbm>>
      tpu.wait_dma2 semaphore(%arg14 : memref<!tpu.dma_semaphore, #tpu.memory_space<semaphore_mem>>) src(%dma_wait3A_55 : memref<1x128xi32, #tpu.memory_space<hbm>>) dst(%arg8 : memref<1x128xi32, #tpu.memory_space<vmem>>)
      %mul3A_56 = arith.constant 128 : i32
      %mul3A_57 = arith.muli %add3A_51, %mul3A_56 : i32
      %dma_wait3A_58 = arith.constant 0 : i32
      %dma_wait3A_59 = tpu.memref_slice %arg2[%mul3A_57, %dma_wait3A_58] : memref<327680x128xf32, #tpu.memory_space<hbm>> -> memref<128x128xf32, #tpu.memory_space<hbm>>
      %dma_wait3A_60 = arith.constant 0 : i32
      %dma_wait3A_61 = tpu.memref_slice %arg2[%mul3A_57, %dma_wait3A_60] : memref<327680x128xf32, #tpu.memory_space<hbm>> -> memref<128x128xf32, #tpu.memory_space<hbm>>
      tpu.wait_dma2 semaphore(%arg14 : memref<!tpu.dma_semaphore, #tpu.memory_space<semaphore_mem>>) src(%dma_wait3A_61 : memref<128x128xf32, #tpu.memory_space<hbm>>) dst(%arg12 : memref<128x128xf32, #tpu.memory_space<vmem>>)
      %get3A = arith.constant 0 : i32
      %get3A_62 = arith.index_cast %get3A : i32 to index
      %get3A_63 = arith.constant 0 : index
      %get3A_64 = tpu.vector_load %arg8[%get3A_62, %get3A_63] {strides = array<i32>} : memref<1x128xi32, #tpu.memory_space<vmem>>, vector<1x16xi32>,
      %get3A_65 = vector.shape_cast %get3A_64 : vector<1x16xi32> to vector<16xi32>
      %ge3A = arith.cmpi sge, %get3A_65, %broadcast_in_dim3A : vector<16xi32>
      %lt3A = arith.cmpi slt, %get3A_65, %add3A_4 : vector<16xi32>
      %and3A = arith.andi %ge3A, %lt3A : vector<16xi1>
      %sub3A = arith.subi %get3A_65, %broadcast_in_dim3A : vector<16xi32>
      %select_n3A = arith.select %and3A, %sub3A, %broadcast_in_dim3A_6 : vector<16xi1>, vector<16xi32>
      %swap3A = arith.constant 0 : i32
      %swap3A_66 = arith.index_cast %swap3A : i32 to index
      %swap3A_67 = arith.constant 0 : index
      %swap3A_68 = tpu.vector_load %arg9[%swap3A_66, %swap3A_67] {strides = array<i32>} : memref<1x128xi32, #tpu.memory_space<vmem>>, vector<1x16xi32>,
      %swap3A_69 = vector.shape_cast %swap3A_68 : vector<1x16xi32> to vector<16xi32>
      %swap3A_70 = vector.shape_cast %select_n3A : vector<16xi32> to vector<1x16xi32>
      tpu.vector_store %arg9[%swap3A_66, %swap3A_67], %swap3A_70 {strides = array<i32>} : memref<1x128xi32, #tpu.memory_space<vmem>>, vector<1x16xi32>,
      %get3A_71 = arith.constant 0 : i32
      %get3A_72 = arith.index_cast %get3A_71 : i32 to index
      %get3A_73 = arith.constant 16 : index
      %get3A_74 = tpu.vector_load %arg8[%get3A_72, %get3A_73] {strides = array<i32>} : memref<1x128xi32, #tpu.memory_space<vmem>>, vector<1x16xi32>,
      %get3A_75 = vector.shape_cast %get3A_74 : vector<1x16xi32> to vector<16xi32>
      %ge3A_76 = arith.cmpi sge, %get3A_75, %broadcast_in_dim3A : vector<16xi32>
      %lt3A_77 = arith.cmpi slt, %get3A_75, %add3A_4 : vector<16xi32>
      %and3A_78 = arith.andi %ge3A_76, %lt3A_77 : vector<16xi1>
      %sub3A_79 = arith.subi %get3A_75, %broadcast_in_dim3A : vector<16xi32>
      %select_n3A_80 = arith.select %and3A_78, %sub3A_79, %broadcast_in_dim3A_6 : vector<16xi1>, vector<16xi32>
      %swap3A_81 = arith.constant 0 : i32
      %swap3A_82 = arith.index_cast %swap3A_81 : i32 to index
      %swap3A_83 = arith.constant 16 : index
      %swap3A_84 = tpu.vector_load %arg9[%swap3A_82, %swap3A_83] {strides = array<i32>} : memref<1x128xi32, #tpu.memory_space<vmem>>, vector<1x16xi32>,
      %swap3A_85 = vector.shape_cast %swap3A_84 : vector<1x16xi32> to vector<16xi32>
      %swap3A_86 = vector.shape_cast %select_n3A_80 : vector<16xi32> to vector<1x16xi32>
      tpu.vector_store %arg9[%swap3A_82, %swap3A_83], %swap3A_86 {strides = array<i32>} : memref<1x128xi32, #tpu.memory_space<vmem>>, vector<1x16xi32>,
      %get3A_87 = arith.constant 0 : i32
      %get3A_88 = arith.index_cast %get3A_87 : i32 to index
      %get3A_89 = arith.constant 32 : index
      %get3A_90 = tpu.vector_load %arg8[%get3A_88, %get3A_89] {strides = array<i32>} : memref<1x128xi32, #tpu.memory_space<vmem>>, vector<1x16xi32>,
      %get3A_91 = vector.shape_cast %get3A_90 : vector<1x16xi32> to vector<16xi32>
      %ge3A_92 = arith.cmpi sge, %get3A_91, %broadcast_in_dim3A : vector<16xi32>
      %lt3A_93 = arith.cmpi slt, %get3A_91, %add3A_4 : vector<16xi32>
      %and3A_94 = arith.andi %ge3A_92, %lt3A_93 : vector<16xi1>
      %sub3A_95 = arith.subi %get3A_91, %broadcast_in_dim3A : vector<16xi32>
      %select_n3A_96 = arith.select %and3A_94, %sub3A_95, %broadcast_in_dim3A_6 : vector<16xi1>, vector<16xi32>
      %swap3A_97 = arith.constant 0 : i32
      %swap3A_98 = arith.index_cast %swap3A_97 : i32 to index
      %swap3A_99 = arith.constant 32 : index
      %swap3A_100 = tpu.vector_load %arg9[%swap3A_98, %swap3A_99] {strides = array<i32>} : memref<1x128xi32, #tpu.memory_space<vmem>>, vector<1x16xi32>,
      %swap3A_101 = vector.shape_cast %swap3A_100 : vector<1x16xi32> to vector<16xi32>
      %swap3A_102 = vector.shape_cast %select_n3A_96 : vector<16xi32> to vector<1x16xi32>
      tpu.vector_store %arg9[%swap3A_98, %swap3A_99], %swap3A_102 {strides = array<i32>} : memref<1x128xi32, #tpu.memory_space<vmem>>, vector<1x16xi32>,
      %get3A_103 = arith.constant 0 : i32
      %get3A_104 = arith.index_cast %get3A_103 : i32 to index
      %get3A_105 = arith.constant 48 : index
      %get3A_106 = tpu.vector_load %arg8[%get3A_104, %get3A_105] {strides = array<i32>} : memref<1x128xi32, #tpu.memory_space<vmem>>, vector<1x16xi32>,
      %get3A_107 = vector.shape_cast %get3A_106 : vector<1x16xi32> to vector<16xi32>
      %ge3A_108 = arith.cmpi sge, %get3A_107, %broadcast_in_dim3A : vector<16xi32>
      %lt3A_109 = arith.cmpi slt, %get3A_107, %add3A_4 : vector<16xi32>
      %and3A_110 = arith.andi %ge3A_108, %lt3A_109 : vector<16xi1>
      %sub3A_111 = arith.subi %get3A_107, %broadcast_in_dim3A : vector<16xi32>
      %select_n3A_112 = arith.select %and3A_110, %sub3A_111, %broadcast_in_dim3A_6 : vector<16xi1>, vector<16xi32>
      %swap3A_113 = arith.constant 0 : i32
      %swap3A_114 = arith.index_cast %swap3A_113 : i32 to index
      %swap3A_115 = arith.constant 48 : index
      %swap3A_116 = tpu.vector_load %arg9[%swap3A_114, %swap3A_115] {strides = array<i32>} : memref<1x128xi32, #tpu.memory_space<vmem>>, vector<1x16xi32>,
      %swap3A_117 = vector.shape_cast %swap3A_116 : vector<1x16xi32> to vector<16xi32>
      %swap3A_118 = vector.shape_cast %select_n3A_112 : vector<16xi32> to vector<1x16xi32>
      tpu.vector_store %arg9[%swap3A_114, %swap3A_115], %swap3A_118 {strides = array<i32>} : memref<1x128xi32, #tpu.memory_space<vmem>>, vector<1x16xi32>,
      %get3A_119 = arith.constant 0 : i32
      %get3A_120 = arith.index_cast %get3A_119 : i32 to index
      %get3A_121 = arith.constant 64 : index
      %get3A_122 = tpu.vector_load %arg8[%get3A_120, %get3A_121] {strides = array<i32>} : memref<1x128xi32, #tpu.memory_space<vmem>>, vector<1x16xi32>,
      %get3A_123 = vector.shape_cast %get3A_122 : vector<1x16xi32> to vector<16xi32>
      %ge3A_124 = arith.cmpi sge, %get3A_123, %broadcast_in_dim3A : vector<16xi32>
      %lt3A_125 = arith.cmpi slt, %get3A_123, %add3A_4 : vector<16xi32>
      %and3A_126 = arith.andi %ge3A_124, %lt3A_125 : vector<16xi1>
      %sub3A_127 = arith.subi %get3A_123, %broadcast_in_dim3A : vector<16xi32>
      %select_n3A_128 = arith.select %and3A_126, %sub3A_127, %broadcast_in_dim3A_6 : vector<16xi1>, vector<16xi32>
      %swap3A_129 = arith.constant 0 : i32
      %swap3A_130 = arith.index_cast %swap3A_129 : i32 to index
      %swap3A_131 = arith.constant 64 : index
      %swap3A_132 = tpu.vector_load %arg9[%swap3A_130, %swap3A_131] {strides = array<i32>} : memref<1x128xi32, #tpu.memory_space<vmem>>, vector<1x16xi32>,
      %swap3A_133 = vector.shape_cast %swap3A_132 : vector<1x16xi32> to vector<16xi32>
      %swap3A_134 = vector.shape_cast %select_n3A_128 : vector<16xi32> to vector<1x16xi32>
      tpu.vector_store %arg9[%swap3A_130, %swap3A_131], %swap3A_134 {strides = array<i32>} : memref<1x128xi32, #tpu.memory_space<vmem>>, vector<1x16xi32>,
      %get3A_135 = arith.constant 0 : i32
      %get3A_136 = arith.index_cast %get3A_135 : i32 to index
      %get3A_137 = arith.constant 80 : index
      %get3A_138 = tpu.vector_load %arg8[%get3A_136, %get3A_137] {strides = array<i32>} : memref<1x128xi32, #tpu.memory_space<vmem>>, vector<1x16xi32>,
      %get3A_139 = vector.shape_cast %get3A_138 : vector<1x16xi32> to vector<16xi32>
      %ge3A_140 = arith.cmpi sge, %get3A_139, %broadcast_in_dim3A : vector<16xi32>
      %lt3A_141 = arith.cmpi slt, %get3A_139, %add3A_4 : vector<16xi32>
      %and3A_142 = arith.andi %ge3A_140, %lt3A_141 : vector<16xi1>
      %sub3A_143 = arith.subi %get3A_139, %broadcast_in_dim3A : vector<16xi32>
      %select_n3A_144 = arith.select %and3A_142, %sub3A_143, %broadcast_in_dim3A_6 : vector<16xi1>, vector<16xi32>
      %swap3A_145 = arith.constant 0 : i32
      %swap3A_146 = arith.index_cast %swap3A_145 : i32 to index
      %swap3A_147 = arith.constant 80 : index
      %swap3A_148 = tpu.vector_load %arg9[%swap3A_146, %swap3A_147] {strides = array<i32>} : memref<1x128xi32, #tpu.memory_space<vmem>>, vector<1x16xi32>,
      %swap3A_149 = vector.shape_cast %swap3A_148 : vector<1x16xi32> to vector<16xi32>
      %swap3A_150 = vector.shape_cast %select_n3A_144 : vector<16xi32> to vector<1x16xi32>
      tpu.vector_store %arg9[%swap3A_146, %swap3A_147], %swap3A_150 {strides = array<i32>} : memref<1x128xi32, #tpu.memory_space<vmem>>, vector<1x16xi32>,
      %get3A_151 = arith.constant 0 : i32
      %get3A_152 = arith.index_cast %get3A_151 : i32 to index
      %get3A_153 = arith.constant 96 : index
      %get3A_154 = tpu.vector_load %arg8[%get3A_152, %get3A_153] {strides = array<i32>} : memref<1x128xi32, #tpu.memory_space<vmem>>, vector<1x16xi32>,
      %get3A_155 = vector.shape_cast %get3A_154 : vector<1x16xi32> to vector<16xi32>
      %ge3A_156 = arith.cmpi sge, %get3A_155, %broadcast_in_dim3A : vector<16xi32>
      %lt3A_157 = arith.cmpi slt, %get3A_155, %add3A_4 : vector<16xi32>
      %and3A_158 = arith.andi %ge3A_156, %lt3A_157 : vector<16xi1>
      %sub3A_159 = arith.subi %get3A_155, %broadcast_in_dim3A : vector<16xi32>
      %select_n3A_160 = arith.select %and3A_158, %sub3A_159, %broadcast_in_dim3A_6 : vector<16xi1>, vector<16xi32>
      %swap3A_161 = arith.constant 0 : i32
      %swap3A_162 = arith.index_cast %swap3A_161 : i32 to index
      %swap3A_163 = arith.constant 96 : index
      %swap3A_164 = tpu.vector_load %arg9[%swap3A_162, %swap3A_163] {strides = array<i32>} : memref<1x128xi32, #tpu.memory_space<vmem>>, vector<1x16xi32>,
      %swap3A_165 = vector.shape_cast %swap3A_164 : vector<1x16xi32> to vector<16xi32>
      %swap3A_166 = vector.shape_cast %select_n3A_160 : vector<16xi32> to vector<1x16xi32>
      tpu.vector_store %arg9[%swap3A_162, %swap3A_163], %swap3A_166 {strides = array<i32>} : memref<1x128xi32, #tpu.memory_space<vmem>>, vector<1x16xi32>,
      %get3A_167 = arith.constant 0 : i32
      %get3A_168 = arith.index_cast %get3A_167 : i32 to index
      %get3A_169 = arith.constant 112 : index
      %get3A_170 = tpu.vector_load %arg8[%get3A_168, %get3A_169] {strides = array<i32>} : memref<1x128xi32, #tpu.memory_space<vmem>>, vector<1x16xi32>,
      %get3A_171 = vector.shape_cast %get3A_170 : vector<1x16xi32> to vector<16xi32>
      %ge3A_172 = arith.cmpi sge, %get3A_171, %broadcast_in_dim3A : vector<16xi32>
      %lt3A_173 = arith.cmpi slt, %get3A_171, %add3A_4 : vector<16xi32>
      %and3A_174 = arith.andi %ge3A_172, %lt3A_173 : vector<16xi1>
      %sub3A_175 = arith.subi %get3A_171, %broadcast_in_dim3A : vector<16xi32>
      %select_n3A_176 = arith.select %and3A_174, %sub3A_175, %broadcast_in_dim3A_6 : vector<16xi1>, vector<16xi32>
      %swap3A_177 = arith.constant 0 : i32
      %swap3A_178 = arith.index_cast %swap3A_177 : i32 to index
      %swap3A_179 = arith.constant 112 : index
      %swap3A_180 = tpu.vector_load %arg9[%swap3A_178, %swap3A_179] {strides = array<i32>} : memref<1x128xi32, #tpu.memory_space<vmem>>, vector<1x16xi32>,
      %swap3A_181 = vector.shape_cast %swap3A_180 : vector<1x16xi32> to vector<16xi32>
      %swap3A_182 = vector.shape_cast %select_n3A_176 : vector<16xi32> to vector<1x16xi32>
      tpu.vector_store %arg9[%swap3A_178, %swap3A_179], %swap3A_182 {strides = array<i32>} : memref<1x128xi32, #tpu.memory_space<vmem>>, vector<1x16xi32>,
      %dma_start3A_183 = arith.constant 0 : i32
      %dma_start3A_184 = arith.constant 0 : i32
      %dma_start3A_185 = tpu.memref_slice %arg9[%dma_start3A_183, %dma_start3A_184] : memref<1x128xi32, #tpu.memory_space<vmem>> -> memref<1x128xi32, #tpu.memory_space<vmem>>
      %dma_start3A_186 = tpu.memref_squeeze %dma_start3A_185 : memref<1x128xi32, #tpu.memory_space<vmem>> -> memref<128xi32, #tpu.memory_space<vmem>>
      %dma_start3A_187 = arith.constant 0 : i32
      %dma_start3A_188 = arith.constant 0 : i32
      %dma_start3A_189 = tpu.memref_slice %arg6[%dma_start3A_187, %dma_start3A_188] : memref<5120x128xf32, #tpu.memory_space<vmem_shared>> -> memref<5120x128xf32, #tpu.memory_space<vmem_shared>>
      tpu.enqueue_indirect_dma source(%arg12 : memref<128x128xf32, #tpu.memory_space<vmem>>) target(%dma_start3A_189 : memref<5120x128xf32, #tpu.memory_space<vmem_shared>>) offsets(%dma_start3A_186 : memref<128xi32, #tpu.memory_space<vmem>>) semaphore(%arg16 : memref<!tpu.dma_semaphore, #tpu.memory_space<semaphore_mem>>) {add = true}
      %ge3A_190 = arith.constant 1 : i32
      %ge3A_191 = arith.cmpi sge, %add3A_50, %ge3A_190 : i32
      %convert_element_type3A = arith.extui %ge3A_191 : i1 to i32
      %cond3A = arith.constant 0 : i32
      %cond3A_192 = arith.cmpi ne, %convert_element_type3A, %cond3A : i32
      scf.if %cond3A_192 {
        %dma_wait3A_368 = arith.constant 0 : i32
        %dma_wait3A_369 = arith.constant 0 : i32
        %dma_wait3A_370 = tpu.memref_slice %arg11[%dma_wait3A_368, %dma_wait3A_369] : memref<1x128xi32, #tpu.memory_space<vmem>> -> memref<1x128xi32, #tpu.memory_space<vmem>>
        %dma_wait3A_371 = tpu.memref_squeeze %dma_wait3A_370 : memref<1x128xi32, #tpu.memory_space<vmem>> -> memref<128xi32, #tpu.memory_space<vmem>>
        %dma_wait3A_372 = arith.constant 0 : i32
        %dma_wait3A_373 = arith.constant 0 : i32
        %dma_wait3A_374 = tpu.memref_slice %arg6[%dma_wait3A_372, %dma_wait3A_373] : memref<5120x128xf32, #tpu.memory_space<vmem_shared>> -> memref<5120x128xf32, #tpu.memory_space<vmem_shared>>
        tpu.wait_indirect_dma semaphore(%arg17 : memref<!tpu.dma_semaphore, #tpu.memory_space<semaphore_mem>>) src(%arg13 : memref<128x128xf32, #tpu.memory_space<vmem>>) dst(%dma_wait3A_374 : memref<5120x128xf32, #tpu.memory_space<vmem_shared>>)
      } else {
      }
      %ge3A_193 = arith.constant 1 : i32
      %ge3A_194 = arith.cmpi sge, %add3A_50, %ge3A_193 : i32
      %add3A_195 = arith.constant 1 : i32
      %add3A_196 = arith.addi %add3A_50, %add3A_195 : i32
      %lt3A_197 = arith.constant 160 : i32
      %lt3A_198 = arith.cmpi slt, %add3A_196, %lt3A_197 : i32
      %and3A_199 = arith.andi %ge3A_194, %lt3A_198 : i1
      %convert_element_type3A_200 = arith.extui %and3A_199 : i1 to i32
      %cond3A_201 = arith.constant 0 : i32
      %cond3A_202 = arith.cmpi ne, %convert_element_type3A_200, %cond3A_201 : i32
      scf.if %cond3A_202 {
        %add3A_368 = arith.constant 1 : i32
        %add3A_369 = arith.addi %add3A_51, %add3A_368 : i32
        %dma_start3A_370 = arith.constant 0 : i32
        %dma_start3A_371 = tpu.memref_slice %arg3[%add3A_369, %dma_start3A_370] : memref<2560x128xi32, #tpu.memory_space<hbm>> -> memref<1x128xi32, #tpu.memory_space<hbm>>
        %dma_start3A_372 = arith.constant 0 : i32
        %dma_start3A_373 = tpu.memref_slice %arg3[%add3A_369, %dma_start3A_372] : memref<2560x128xi32, #tpu.memory_space<hbm>> -> memref<1x128xi32, #tpu.memory_space<hbm>>
        tpu.enqueue_dma source(%dma_start3A_373 : memref<1x128xi32, #tpu.memory_space<hbm>>) target(%arg10 : memref<1x128xi32, #tpu.memory_space<vmem>>) target_semaphore(%arg15 : memref<!tpu.dma_semaphore, #tpu.memory_space<semaphore_mem>>)
        %mul3A_374 = arith.constant 128 : i32
        %mul3A_375 = arith.muli %add3A_369, %mul3A_374 : i32
        %dma_start3A_376 = arith.constant 0 : i32
        %dma_start3A_377 = tpu.memref_slice %arg2[%mul3A_375, %dma_start3A_376] : memref<327680x128xf32, #tpu.memory_space<hbm>> -> memref<128x128xf32, #tpu.memory_space<hbm>>
        %dma_start3A_378 = arith.constant 0 : i32
        %dma_start3A_379 = tpu.memref_slice %arg2[%mul3A_375, %dma_start3A_378] : memref<327680x128xf32, #tpu.memory_space<hbm>> -> memref<128x128xf32, #tpu.memory_space<hbm>>
        tpu.enqueue_dma source(%dma_start3A_379 : memref<128x128xf32, #tpu.memory_space<hbm>>) target(%arg13 : memref<128x128xf32, #tpu.memory_space<vmem>>) target_semaphore(%arg15 : memref<!tpu.dma_semaphore, #tpu.memory_space<semaphore_mem>>)
      } else {
      }
      %mul3A_203 = arith.constant 2 : i32
      %mul3A_204 = arith.muli %mul3A_203, %scan3A_46 : i32
      %add3A_205 = arith.constant 1 : i32
      %add3A_206 = arith.addi %mul3A_204, %add3A_205 : i32
      %add3A_207 = arith.addi %mul3A_0, %add3A_206 : i32
      %dma_wait3A_208 = arith.constant 0 : i32
      %dma_wait3A_209 = tpu.memref_slice %arg3[%add3A_207, %dma_wait3A_208] : memref<2560x128xi32, #tpu.memory_space<hbm>> -> memref<1x128xi32, #tpu.memory_space<hbm>>
      %dma_wait3A_210 = arith.constant 0 : i32
      %dma_wait3A_211 = tpu.memref_slice %arg3[%add3A_207, %dma_wait3A_210] : memref<2560x128xi32, #tpu.memory_space<hbm>> -> memref<1x128xi32, #tpu.memory_space<hbm>>
      tpu.wait_dma2 semaphore(%arg15 : memref<!tpu.dma_semaphore, #tpu.memory_space<semaphore_mem>>) src(%dma_wait3A_211 : memref<1x128xi32, #tpu.memory_space<hbm>>) dst(%arg10 : memref<1x128xi32, #tpu.memory_space<vmem>>)
      %mul3A_212 = arith.constant 128 : i32
      %mul3A_213 = arith.muli %add3A_207, %mul3A_212 : i32
      %dma_wait3A_214 = arith.constant 0 : i32
      %dma_wait3A_215 = tpu.memref_slice %arg2[%mul3A_213, %dma_wait3A_214] : memref<327680x128xf32, #tpu.memory_space<hbm>> -> memref<128x128xf32, #tpu.memory_space<hbm>>
      %dma_wait3A_216 = arith.constant 0 : i32
      %dma_wait3A_217 = tpu.memref_slice %arg2[%mul3A_213, %dma_wait3A_216] : memref<327680x128xf32, #tpu.memory_space<hbm>> -> memref<128x128xf32, #tpu.memory_space<hbm>>
      tpu.wait_dma2 semaphore(%arg15 : memref<!tpu.dma_semaphore, #tpu.memory_space<semaphore_mem>>) src(%dma_wait3A_217 : memref<128x128xf32, #tpu.memory_space<hbm>>) dst(%arg13 : memref<128x128xf32, #tpu.memory_space<vmem>>)
      %get3A_218 = arith.constant 0 : i32
      %get3A_219 = arith.index_cast %get3A_218 : i32 to index
      %get3A_220 = arith.constant 0 : index
      %get3A_221 = tpu.vector_load %arg10[%get3A_219, %get3A_220] {strides = array<i32>} : memref<1x128xi32, #tpu.memory_space<vmem>>, vector<1x16xi32>,
      %get3A_222 = vector.shape_cast %get3A_221 : vector<1x16xi32> to vector<16xi32>
      %ge3A_223 = arith.cmpi sge, %get3A_222, %broadcast_in_dim3A : vector<16xi32>
      %lt3A_224 = arith.cmpi slt, %get3A_222, %add3A_4 : vector<16xi32>
      %and3A_225 = arith.andi %ge3A_223, %lt3A_224 : vector<16xi1>
      %sub3A_226 = arith.subi %get3A_222, %broadcast_in_dim3A : vector<16xi32>
      %select_n3A_227 = arith.select %and3A_225, %sub3A_226, %broadcast_in_dim3A_6 : vector<16xi1>, vector<16xi32>
      %swap3A_228 = arith.constant 0 : i32
      %swap3A_229 = arith.index_cast %swap3A_228 : i32 to index
      %swap3A_230 = arith.constant 0 : index
      %swap3A_231 = tpu.vector_load %arg11[%swap3A_229, %swap3A_230] {strides = array<i32>} : memref<1x128xi32, #tpu.memory_space<vmem>>, vector<1x16xi32>,
      %swap3A_232 = vector.shape_cast %swap3A_231 : vector<1x16xi32> to vector<16xi32>
      %swap3A_233 = vector.shape_cast %select_n3A_227 : vector<16xi32> to vector<1x16xi32>
      tpu.vector_store %arg11[%swap3A_229, %swap3A_230], %swap3A_233 {strides = array<i32>} : memref<1x128xi32, #tpu.memory_space<vmem>>, vector<1x16xi32>,
      %get3A_234 = arith.constant 0 : i32
      %get3A_235 = arith.index_cast %get3A_234 : i32 to index
      %get3A_236 = arith.constant 16 : index
      %get3A_237 = tpu.vector_load %arg10[%get3A_235, %get3A_236] {strides = array<i32>} : memref<1x128xi32, #tpu.memory_space<vmem>>, vector<1x16xi32>,
      %get3A_238 = vector.shape_cast %get3A_237 : vector<1x16xi32> to vector<16xi32>
      %ge3A_239 = arith.cmpi sge, %get3A_238, %broadcast_in_dim3A : vector<16xi32>
      %lt3A_240 = arith.cmpi slt, %get3A_238, %add3A_4 : vector<16xi32>
      %and3A_241 = arith.andi %ge3A_239, %lt3A_240 : vector<16xi1>
      %sub3A_242 = arith.subi %get3A_238, %broadcast_in_dim3A : vector<16xi32>
      %select_n3A_243 = arith.select %and3A_241, %sub3A_242, %broadcast_in_dim3A_6 : vector<16xi1>, vector<16xi32>
      %swap3A_244 = arith.constant 0 : i32
      %swap3A_245 = arith.index_cast %swap3A_244 : i32 to index
      %swap3A_246 = arith.constant 16 : index
      %swap3A_247 = tpu.vector_load %arg11[%swap3A_245, %swap3A_246] {strides = array<i32>} : memref<1x128xi32, #tpu.memory_space<vmem>>, vector<1x16xi32>,
      %swap3A_248 = vector.shape_cast %swap3A_247 : vector<1x16xi32> to vector<16xi32>
      %swap3A_249 = vector.shape_cast %select_n3A_243 : vector<16xi32> to vector<1x16xi32>
      tpu.vector_store %arg11[%swap3A_245, %swap3A_246], %swap3A_249 {strides = array<i32>} : memref<1x128xi32, #tpu.memory_space<vmem>>, vector<1x16xi32>,
      %get3A_250 = arith.constant 0 : i32
      %get3A_251 = arith.index_cast %get3A_250 : i32 to index
      %get3A_252 = arith.constant 32 : index
      %get3A_253 = tpu.vector_load %arg10[%get3A_251, %get3A_252] {strides = array<i32>} : memref<1x128xi32, #tpu.memory_space<vmem>>, vector<1x16xi32>,
      %get3A_254 = vector.shape_cast %get3A_253 : vector<1x16xi32> to vector<16xi32>
      %ge3A_255 = arith.cmpi sge, %get3A_254, %broadcast_in_dim3A : vector<16xi32>
      %lt3A_256 = arith.cmpi slt, %get3A_254, %add3A_4 : vector<16xi32>
      %and3A_257 = arith.andi %ge3A_255, %lt3A_256 : vector<16xi1>
      %sub3A_258 = arith.subi %get3A_254, %broadcast_in_dim3A : vector<16xi32>
      %select_n3A_259 = arith.select %and3A_257, %sub3A_258, %broadcast_in_dim3A_6 : vector<16xi1>, vector<16xi32>
      %swap3A_260 = arith.constant 0 : i32
      %swap3A_261 = arith.index_cast %swap3A_260 : i32 to index
      %swap3A_262 = arith.constant 32 : index
      %swap3A_263 = tpu.vector_load %arg11[%swap3A_261, %swap3A_262] {strides = array<i32>} : memref<1x128xi32, #tpu.memory_space<vmem>>, vector<1x16xi32>,
      %swap3A_264 = vector.shape_cast %swap3A_263 : vector<1x16xi32> to vector<16xi32>
      %swap3A_265 = vector.shape_cast %select_n3A_259 : vector<16xi32> to vector<1x16xi32>
      tpu.vector_store %arg11[%swap3A_261, %swap3A_262], %swap3A_265 {strides = array<i32>} : memref<1x128xi32, #tpu.memory_space<vmem>>, vector<1x16xi32>,
      %get3A_266 = arith.constant 0 : i32
      %get3A_267 = arith.index_cast %get3A_266 : i32 to index
      %get3A_268 = arith.constant 48 : index
      %get3A_269 = tpu.vector_load %arg10[%get3A_267, %get3A_268] {strides = array<i32>} : memref<1x128xi32, #tpu.memory_space<vmem>>, vector<1x16xi32>,
      %get3A_270 = vector.shape_cast %get3A_269 : vector<1x16xi32> to vector<16xi32>
      %ge3A_271 = arith.cmpi sge, %get3A_270, %broadcast_in_dim3A : vector<16xi32>
      %lt3A_272 = arith.cmpi slt, %get3A_270, %add3A_4 : vector<16xi32>
      %and3A_273 = arith.andi %ge3A_271, %lt3A_272 : vector<16xi1>
      %sub3A_274 = arith.subi %get3A_270, %broadcast_in_dim3A : vector<16xi32>
      %select_n3A_275 = arith.select %and3A_273, %sub3A_274, %broadcast_in_dim3A_6 : vector<16xi1>, vector<16xi32>
      %swap3A_276 = arith.constant 0 : i32
      %swap3A_277 = arith.index_cast %swap3A_276 : i32 to index
      %swap3A_278 = arith.constant 48 : index
      %swap3A_279 = tpu.vector_load %arg11[%swap3A_277, %swap3A_278] {strides = array<i32>} : memref<1x128xi32, #tpu.memory_space<vmem>>, vector<1x16xi32>,
      %swap3A_280 = vector.shape_cast %swap3A_279 : vector<1x16xi32> to vector<16xi32>
      %swap3A_281 = vector.shape_cast %select_n3A_275 : vector<16xi32> to vector<1x16xi32>
      tpu.vector_store %arg11[%swap3A_277, %swap3A_278], %swap3A_281 {strides = array<i32>} : memref<1x128xi32, #tpu.memory_space<vmem>>, vector<1x16xi32>,
      %get3A_282 = arith.constant 0 : i32
      %get3A_283 = arith.index_cast %get3A_282 : i32 to index
      %get3A_284 = arith.constant 64 : index
      %get3A_285 = tpu.vector_load %arg10[%get3A_283, %get3A_284] {strides = array<i32>} : memref<1x128xi32, #tpu.memory_space<vmem>>, vector<1x16xi32>,
      %get3A_286 = vector.shape_cast %get3A_285 : vector<1x16xi32> to vector<16xi32>
      %ge3A_287 = arith.cmpi sge, %get3A_286, %broadcast_in_dim3A : vector<16xi32>
      %lt3A_288 = arith.cmpi slt, %get3A_286, %add3A_4 : vector<16xi32>
      %and3A_289 = arith.andi %ge3A_287, %lt3A_288 : vector<16xi1>
      %sub3A_290 = arith.subi %get3A_286, %broadcast_in_dim3A : vector<16xi32>
      %select_n3A_291 = arith.select %and3A_289, %sub3A_290, %broadcast_in_dim3A_6 : vector<16xi1>, vector<16xi32>
      %swap3A_292 = arith.constant 0 : i32
      %swap3A_293 = arith.index_cast %swap3A_292 : i32 to index
      %swap3A_294 = arith.constant 64 : index
      %swap3A_295 = tpu.vector_load %arg11[%swap3A_293, %swap3A_294] {strides = array<i32>} : memref<1x128xi32, #tpu.memory_space<vmem>>, vector<1x16xi32>,
      %swap3A_296 = vector.shape_cast %swap3A_295 : vector<1x16xi32> to vector<16xi32>
      %swap3A_297 = vector.shape_cast %select_n3A_291 : vector<16xi32> to vector<1x16xi32>
      tpu.vector_store %arg11[%swap3A_293, %swap3A_294], %swap3A_297 {strides = array<i32>} : memref<1x128xi32, #tpu.memory_space<vmem>>, vector<1x16xi32>,
      %get3A_298 = arith.constant 0 : i32
      %get3A_299 = arith.index_cast %get3A_298 : i32 to index
      %get3A_300 = arith.constant 80 : index
      %get3A_301 = tpu.vector_load %arg10[%get3A_299, %get3A_300] {strides = array<i32>} : memref<1x128xi32, #tpu.memory_space<vmem>>, vector<1x16xi32>,
      %get3A_302 = vector.shape_cast %get3A_301 : vector<1x16xi32> to vector<16xi32>
      %ge3A_303 = arith.cmpi sge, %get3A_302, %broadcast_in_dim3A : vector<16xi32>
      %lt3A_304 = arith.cmpi slt, %get3A_302, %add3A_4 : vector<16xi32>
      %and3A_305 = arith.andi %ge3A_303, %lt3A_304 : vector<16xi1>
      %sub3A_306 = arith.subi %get3A_302, %broadcast_in_dim3A : vector<16xi32>
      %select_n3A_307 = arith.select %and3A_305, %sub3A_306, %broadcast_in_dim3A_6 : vector<16xi1>, vector<16xi32>
      %swap3A_308 = arith.constant 0 : i32
      %swap3A_309 = arith.index_cast %swap3A_308 : i32 to index
      %swap3A_310 = arith.constant 80 : index
      %swap3A_311 = tpu.vector_load %arg11[%swap3A_309, %swap3A_310] {strides = array<i32>} : memref<1x128xi32, #tpu.memory_space<vmem>>, vector<1x16xi32>,
      %swap3A_312 = vector.shape_cast %swap3A_311 : vector<1x16xi32> to vector<16xi32>
      %swap3A_313 = vector.shape_cast %select_n3A_307 : vector<16xi32> to vector<1x16xi32>
      tpu.vector_store %arg11[%swap3A_309, %swap3A_310], %swap3A_313 {strides = array<i32>} : memref<1x128xi32, #tpu.memory_space<vmem>>, vector<1x16xi32>,
      %get3A_314 = arith.constant 0 : i32
      %get3A_315 = arith.index_cast %get3A_314 : i32 to index
      %get3A_316 = arith.constant 96 : index
      %get3A_317 = tpu.vector_load %arg10[%get3A_315, %get3A_316] {strides = array<i32>} : memref<1x128xi32, #tpu.memory_space<vmem>>, vector<1x16xi32>,
      %get3A_318 = vector.shape_cast %get3A_317 : vector<1x16xi32> to vector<16xi32>
      %ge3A_319 = arith.cmpi sge, %get3A_318, %broadcast_in_dim3A : vector<16xi32>
      %lt3A_320 = arith.cmpi slt, %get3A_318, %add3A_4 : vector<16xi32>
      %and3A_321 = arith.andi %ge3A_319, %lt3A_320 : vector<16xi1>
      %sub3A_322 = arith.subi %get3A_318, %broadcast_in_dim3A : vector<16xi32>
      %select_n3A_323 = arith.select %and3A_321, %sub3A_322, %broadcast_in_dim3A_6 : vector<16xi1>, vector<16xi32>
      %swap3A_324 = arith.constant 0 : i32
      %swap3A_325 = arith.index_cast %swap3A_324 : i32 to index
      %swap3A_326 = arith.constant 96 : index
      %swap3A_327 = tpu.vector_load %arg11[%swap3A_325, %swap3A_326] {strides = array<i32>} : memref<1x128xi32, #tpu.memory_space<vmem>>, vector<1x16xi32>,
      %swap3A_328 = vector.shape_cast %swap3A_327 : vector<1x16xi32> to vector<16xi32>
      %swap3A_329 = vector.shape_cast %select_n3A_323 : vector<16xi32> to vector<1x16xi32>
      tpu.vector_store %arg11[%swap3A_325, %swap3A_326], %swap3A_329 {strides = array<i32>} : memref<1x128xi32, #tpu.memory_space<vmem>>, vector<1x16xi32>,
      %get3A_330 = arith.constant 0 : i32
      %get3A_331 = arith.index_cast %get3A_330 : i32 to index
      %get3A_332 = arith.constant 112 : index
      %get3A_333 = tpu.vector_load %arg10[%get3A_331, %get3A_332] {strides = array<i32>} : memref<1x128xi32, #tpu.memory_space<vmem>>, vector<1x16xi32>,
      %get3A_334 = vector.shape_cast %get3A_333 : vector<1x16xi32> to vector<16xi32>
      %ge3A_335 = arith.cmpi sge, %get3A_334, %broadcast_in_dim3A : vector<16xi32>
      %lt3A_336 = arith.cmpi slt, %get3A_334, %add3A_4 : vector<16xi32>
      %and3A_337 = arith.andi %ge3A_335, %lt3A_336 : vector<16xi1>
      %sub3A_338 = arith.subi %get3A_334, %broadcast_in_dim3A : vector<16xi32>
      %select_n3A_339 = arith.select %and3A_337, %sub3A_338, %broadcast_in_dim3A_6 : vector<16xi1>, vector<16xi32>
      %swap3A_340 = arith.constant 0 : i32
      %swap3A_341 = arith.index_cast %swap3A_340 : i32 to index
      %swap3A_342 = arith.constant 112 : index
      %swap3A_343 = tpu.vector_load %arg11[%swap3A_341, %swap3A_342] {strides = array<i32>} : memref<1x128xi32, #tpu.memory_space<vmem>>, vector<1x16xi32>,
      %swap3A_344 = vector.shape_cast %swap3A_343 : vector<1x16xi32> to vector<16xi32>
      %swap3A_345 = vector.shape_cast %select_n3A_339 : vector<16xi32> to vector<1x16xi32>
      tpu.vector_store %arg11[%swap3A_341, %swap3A_342], %swap3A_345 {strides = array<i32>} : memref<1x128xi32, #tpu.memory_space<vmem>>, vector<1x16xi32>,
      %dma_start3A_346 = arith.constant 0 : i32
      %dma_start3A_347 = arith.constant 0 : i32
      %dma_start3A_348 = tpu.memref_slice %arg11[%dma_start3A_346, %dma_start3A_347] : memref<1x128xi32, #tpu.memory_space<vmem>> -> memref<1x128xi32, #tpu.memory_space<vmem>>
      %dma_start3A_349 = tpu.memref_squeeze %dma_start3A_348 : memref<1x128xi32, #tpu.memory_space<vmem>> -> memref<128xi32, #tpu.memory_space<vmem>>
      %dma_start3A_350 = arith.constant 0 : i32
      %dma_start3A_351 = arith.constant 0 : i32
      %dma_start3A_352 = tpu.memref_slice %arg6[%dma_start3A_350, %dma_start3A_351] : memref<5120x128xf32, #tpu.memory_space<vmem_shared>> -> memref<5120x128xf32, #tpu.memory_space<vmem_shared>>
      tpu.enqueue_indirect_dma source(%arg13 : memref<128x128xf32, #tpu.memory_space<vmem>>) target(%dma_start3A_352 : memref<5120x128xf32, #tpu.memory_space<vmem_shared>>) offsets(%dma_start3A_349 : memref<128xi32, #tpu.memory_space<vmem>>) semaphore(%arg17 : memref<!tpu.dma_semaphore, #tpu.memory_space<semaphore_mem>>) {add = true}
      %ge3A_353 = arith.constant 1 : i32
      %ge3A_354 = arith.cmpi sge, %add3A_206, %ge3A_353 : i32
      %convert_element_type3A_355 = arith.extui %ge3A_354 : i1 to i32
      %cond3A_356 = arith.constant 0 : i32
      %cond3A_357 = arith.cmpi ne, %convert_element_type3A_355, %cond3A_356 : i32
      scf.if %cond3A_357 {
        %dma_wait3A_368 = arith.constant 0 : i32
        %dma_wait3A_369 = arith.constant 0 : i32
        %dma_wait3A_370 = tpu.memref_slice %arg9[%dma_wait3A_368, %dma_wait3A_369] : memref<1x128xi32, #tpu.memory_space<vmem>> -> memref<1x128xi32, #tpu.memory_space<vmem>>
        %dma_wait3A_371 = tpu.memref_squeeze %dma_wait3A_370 : memref<1x128xi32, #tpu.memory_space<vmem>> -> memref<128xi32, #tpu.memory_space<vmem>>
        %dma_wait3A_372 = arith.constant 0 : i32
        %dma_wait3A_373 = arith.constant 0 : i32
        %dma_wait3A_374 = tpu.memref_slice %arg6[%dma_wait3A_372, %dma_wait3A_373] : memref<5120x128xf32, #tpu.memory_space<vmem_shared>> -> memref<5120x128xf32, #tpu.memory_space<vmem_shared>>
        tpu.wait_indirect_dma semaphore(%arg16 : memref<!tpu.dma_semaphore, #tpu.memory_space<semaphore_mem>>) src(%arg12 : memref<128x128xf32, #tpu.memory_space<vmem>>) dst(%dma_wait3A_374 : memref<5120x128xf32, #tpu.memory_space<vmem_shared>>)
      } else {
      }
      %ge3A_358 = arith.constant 1 : i32
      %ge3A_359 = arith.cmpi sge, %add3A_206, %ge3A_358 : i32
      %add3A_360 = arith.constant 1 : i32
      %add3A_361 = arith.addi %add3A_206, %add3A_360 : i32
      %lt3A_362 = arith.constant 160 : i32
      %lt3A_363 = arith.cmpi slt, %add3A_361, %lt3A_362 : i32
      %and3A_364 = arith.andi %ge3A_359, %lt3A_363 : i1
      %convert_element_type3A_365 = arith.extui %and3A_364 : i1 to i32
      %cond3A_366 = arith.constant 0 : i32
      %cond3A_367 = arith.cmpi ne, %convert_element_type3A_365, %cond3A_366 : i32
      scf.if %cond3A_367 {
        %add3A_368 = arith.constant 1 : i32
        %add3A_369 = arith.addi %add3A_207, %add3A_368 : i32
        %dma_start3A_370 = arith.constant 0 : i32
        %dma_start3A_371 = tpu.memref_slice %arg3[%add3A_369, %dma_start3A_370] : memref<2560x128xi32, #tpu.memory_space<hbm>> -> memref<1x128xi32, #tpu.memory_space<hbm>>
        %dma_start3A_372 = arith.constant 0 : i32
        %dma_start3A_373 = tpu.memref_slice %arg3[%add3A_369, %dma_start3A_372] : memref<2560x128xi32, #tpu.memory_space<hbm>> -> memref<1x128xi32, #tpu.memory_space<hbm>>
        tpu.enqueue_dma source(%dma_start3A_373 : memref<1x128xi32, #tpu.memory_space<hbm>>) target(%arg8 : memref<1x128xi32, #tpu.memory_space<vmem>>) target_semaphore(%arg14 : memref<!tpu.dma_semaphore, #tpu.memory_space<semaphore_mem>>)
        %mul3A_374 = arith.constant 128 : i32
        %mul3A_375 = arith.muli %add3A_369, %mul3A_374 : i32
        %dma_start3A_376 = arith.constant 0 : i32
        %dma_start3A_377 = tpu.memref_slice %arg2[%mul3A_375, %dma_start3A_376] : memref<327680x128xf32, #tpu.memory_space<hbm>> -> memref<128x128xf32, #tpu.memory_space<hbm>>
        %dma_start3A_378 = arith.constant 0 : i32
        %dma_start3A_379 = tpu.memref_slice %arg2[%mul3A_375, %dma_start3A_378] : memref<327680x128xf32, #tpu.memory_space<hbm>> -> memref<128x128xf32, #tpu.memory_space<hbm>>
        tpu.enqueue_dma source(%dma_start3A_379 : memref<128x128xf32, #tpu.memory_space<hbm>>) target(%arg12 : memref<128x128xf32, #tpu.memory_space<vmem>>) target_semaphore(%arg14 : memref<!tpu.dma_semaphore, #tpu.memory_space<semaphore_mem>>)
      } else {
      }
    }
    %scan3A_34 = arith.constant 80 : i32
    %dma_wait3A = arith.constant 0 : i32
    %dma_wait3A_35 = arith.constant 0 : i32
    %dma_wait3A_36 = tpu.memref_slice %arg11[%dma_wait3A, %dma_wait3A_35] : memref<1x128xi32, #tpu.memory_space<vmem>> -> memref<1x128xi32, #tpu.memory_space<vmem>>
    %dma_wait3A_37 = tpu.memref_squeeze %dma_wait3A_36 : memref<1x128xi32, #tpu.memory_space<vmem>> -> memref<128xi32, #tpu.memory_space<vmem>>
    %dma_wait3A_38 = arith.constant 0 : i32
    %dma_wait3A_39 = arith.constant 0 : i32
    %dma_wait3A_40 = tpu.memref_slice %arg6[%dma_wait3A_38, %dma_wait3A_39] : memref<5120x128xf32, #tpu.memory_space<vmem_shared>> -> memref<5120x128xf32, #tpu.memory_space<vmem_shared>>
    tpu.wait_indirect_dma semaphore(%arg17 : memref<!tpu.dma_semaphore, #tpu.memory_space<semaphore_mem>>) src(%arg13 : memref<128x128xf32, #tpu.memory_space<vmem>>) dst(%dma_wait3A_40 : memref<5120x128xf32, #tpu.memory_space<vmem_shared>>)
    %barrier3A_41 = arith.constant 0 : index
    tpu.barrier barrier_id(%barrier3A_41)
    %mul3A_42 = arith.constant 320 : i32
    %mul3A_43 = arith.muli %arg1, %mul3A_42 : i32
    "tpu.region"() ({
      %run_scoped3A = tpu.sem_alloc : memref<!tpu.dma_semaphore, #tpu.memory_space<semaphore_mem>>
      %dma_start3A_46 = arith.constant 0 : i32
      %dma_start3A_47 = tpu.memref_slice %arg6[%mul3A_43, %dma_start3A_46] : memref<5120x128xf32, #tpu.memory_space<vmem_shared>> -> memref<320x128xf32, #tpu.memory_space<vmem_shared>>
      %dma_start3A_48 = arith.constant 0 : i32
      %dma_start3A_49 = tpu.memref_slice %arg6[%mul3A_43, %dma_start3A_48] : memref<5120x128xf32, #tpu.memory_space<vmem_shared>> -> memref<320x128xf32, #tpu.memory_space<vmem_shared>>
      tpu.enqueue_dma source(%dma_start3A_49 : memref<320x128xf32, #tpu.memory_space<vmem_shared>>) target(%arg7 : memref<320x128xf32, #tpu.memory_space<vmem>>) target_semaphore(%run_scoped3A : memref<!tpu.dma_semaphore, #tpu.memory_space<semaphore_mem>>)
      %dma_wait3A_50 = arith.constant 0 : i32
      %dma_wait3A_51 = tpu.memref_slice %arg6[%mul3A_43, %dma_wait3A_50] : memref<5120x128xf32, #tpu.memory_space<vmem_shared>> -> memref<320x128xf32, #tpu.memory_space<vmem_shared>>
      %dma_wait3A_52 = arith.constant 0 : i32
      %dma_wait3A_53 = tpu.memref_slice %arg6[%mul3A_43, %dma_wait3A_52] : memref<5120x128xf32, #tpu.memory_space<vmem_shared>> -> memref<320x128xf32, #tpu.memory_space<vmem_shared>>
      tpu.wait_dma2 semaphore(%run_scoped3A : memref<!tpu.dma_semaphore, #tpu.memory_space<semaphore_mem>>) src(%dma_wait3A_53 : memref<320x128xf32, #tpu.memory_space<vmem_shared>>) dst(%arg7 : memref<320x128xf32, #tpu.memory_space<vmem>>)
      tpu.yield
    }) : () -> ()
    %mul3A_44 = arith.constant 320 : i32
    %mul3A_45 = arith.muli %arg1, %mul3A_44 : i32
    "tpu.region"() ({
      %run_scoped3A = tpu.sem_alloc : memref<!tpu.dma_semaphore, #tpu.memory_space<semaphore_mem>>
      %dma_start3A_46 = arith.constant 0 : i32
      %dma_start3A_47 = tpu.memref_slice %arg5[%arg0, %mul3A_45, %dma_start3A_46] : memref<2x5120x128xf32, #tpu.memory_space<hbm>> -> memref<1x320x128xf32, #tpu.memory_space<hbm>>
      %dma_start3A_48 = tpu.memref_squeeze %dma_start3A_47 : memref<1x320x128xf32, #tpu.memory_space<hbm>> -> memref<320x128xf32, #tpu.memory_space<hbm>>
      %dma_start3A_49 = arith.constant 0 : i32
      %dma_start3A_50 = tpu.memref_slice %arg5[%arg0, %mul3A_45, %dma_start3A_49] : memref<2x5120x128xf32, #tpu.memory_space<hbm>> -> memref<1x320x128xf32, #tpu.memory_space<hbm>>
      %dma_start3A_51 = tpu.memref_squeeze %dma_start3A_50 : memref<1x320x128xf32, #tpu.memory_space<hbm>> -> memref<320x128xf32, #tpu.memory_space<hbm>>
      tpu.enqueue_dma source(%arg7 : memref<320x128xf32, #tpu.memory_space<vmem>>) target(%dma_start3A_51 : memref<320x128xf32, #tpu.memory_space<hbm>>) target_semaphore(%run_scoped3A : memref<!tpu.dma_semaphore, #tpu.memory_space<semaphore_mem>>)
      %dma_wait3A_52 = arith.constant 0 : i32
      %dma_wait3A_53 = tpu.memref_slice %arg5[%arg0, %mul3A_45, %dma_wait3A_52] : memref<2x5120x128xf32, #tpu.memory_space<hbm>> -> memref<1x320x128xf32, #tpu.memory_space<hbm>>
      %dma_wait3A_54 = tpu.memref_squeeze %dma_wait3A_53 : memref<1x320x128xf32, #tpu.memory_space<hbm>> -> memref<320x128xf32, #tpu.memory_space<hbm>>
      %dma_wait3A_55 = arith.constant 0 : i32
      %dma_wait3A_56 = tpu.memref_slice %arg5[%arg0, %mul3A_45, %dma_wait3A_55] : memref<2x5120x128xf32, #tpu.memory_space<hbm>> -> memref<1x320x128xf32, #tpu.memory_space<hbm>>
      %dma_wait3A_57 = tpu.memref_squeeze %dma_wait3A_56 : memref<1x320x128xf32, #tpu.memory_space<hbm>> -> memref<320x128xf32, #tpu.memory_space<hbm>>
      tpu.wait_dma2 semaphore(%run_scoped3A : memref<!tpu.dma_semaphore, #tpu.memory_space<semaphore_mem>>) src(%arg7 : memref<320x128xf32, #tpu.memory_space<vmem>>) dst(%dma_wait3A_57 : memref<320x128xf32, #tpu.memory_space<hbm>>)
      tpu.yield
    }) : () -> ()
    return
  }
}

#map = affine_map<(d0, d1) -> (0, 0)>
#map1 = affine_map<(d0, d1) -> (0, 0, 0)>
module attributes {stable_mosaic.version = 14 : i64} {
  func.func @_gather_body(%arg0: i32, %arg1: i32, %arg2: memref<10000x128xf32, #tpu.memory_space<hbm>>, %arg3: memref<2560x2x128xi32, #tpu.memory_space<hbm>>, %arg4: memref<327680x128xf32, #tpu.memory_space<hbm>>, %arg5: memref<1x2x128xi32, #tpu.memory_space<vmem>>, %arg6: memref<1x2x128xi32, #tpu.memory_space<vmem>>, %arg7: memref<128x128xf32, #tpu.memory_space<vmem>>, %arg8: memref<128x128xf32, #tpu.memory_space<vmem>>, %arg9: memref<128x128xf32, #tpu.memory_space<vmem>>, %arg10: memref<128x128xf32, #tpu.memory_space<vmem>>, %arg11: memref<!tpu.dma_semaphore, #tpu.memory_space<semaphore_mem>>, %arg12: memref<!tpu.dma_semaphore, #tpu.memory_space<semaphore_mem>>, %arg13: memref<!tpu.dma_semaphore, #tpu.memory_space<semaphore_mem>>, %arg14: memref<!tpu.dma_semaphore, #tpu.memory_space<semaphore_mem>>, %arg15: memref<!tpu.dma_semaphore, #tpu.memory_space<semaphore_mem>>, %arg16: memref<!tpu.dma_semaphore, #tpu.memory_space<semaphore_mem>>) attributes {dimension_semantics = [#tpu.dimension_semantics<core_parallel>, #tpu.dimension_semantics<subcore_parallel>], iteration_bounds = array<i64: 2, 16>, scalar_prefetch = 0 : i64, scratch_operands = 12 : i64, tpu.core_type = #tpu.core_type<sc_vector_subcore>, window_params = [{transform_indices = #map}, {transform_indices = #map1}, {transform_indices = #map}]} {
    %mul3A = arith.constant 2 : i32
    %mul3A_0 = arith.muli %arg1, %mul3A : i32
    %add3A = arith.addi %mul3A_0, %arg0 : i32
    %mul3A_1 = arith.constant 80 : i32
    %mul3A_2 = arith.muli %add3A, %mul3A_1 : i32
    %dma_start3A = arith.constant 0 : i32
    %dma_start3A_3 = arith.constant 0 : i32
    %dma_start3A_4 = tpu.memref_slice %arg3[%mul3A_2, %dma_start3A, %dma_start3A_3] : memref<2560x2x128xi32, #tpu.memory_space<hbm>> -> memref<1x2x128xi32, #tpu.memory_space<hbm>>
    %dma_start3A_5 = arith.constant 0 : i32
    %dma_start3A_6 = arith.constant 0 : i32
    %dma_start3A_7 = tpu.memref_slice %arg3[%mul3A_2, %dma_start3A_5, %dma_start3A_6] : memref<2560x2x128xi32, #tpu.memory_space<hbm>> -> memref<1x2x128xi32, #tpu.memory_space<hbm>>
    tpu.enqueue_dma source(%dma_start3A_7 : memref<1x2x128xi32, #tpu.memory_space<hbm>>) target(%arg5 : memref<1x2x128xi32, #tpu.memory_space<vmem>>) target_semaphore(%arg11 : memref<!tpu.dma_semaphore, #tpu.memory_space<semaphore_mem>>)
    %add3A_8 = arith.constant 1 : i32
    %add3A_9 = arith.addi %mul3A_2, %add3A_8 : i32
    %dma_start3A_10 = arith.constant 0 : i32
    %dma_start3A_11 = arith.constant 0 : i32
    %dma_start3A_12 = tpu.memref_slice %arg3[%add3A_9, %dma_start3A_10, %dma_start3A_11] : memref<2560x2x128xi32, #tpu.memory_space<hbm>> -> memref<1x2x128xi32, #tpu.memory_space<hbm>>
    %dma_start3A_13 = arith.constant 0 : i32
    %dma_start3A_14 = arith.constant 0 : i32
    %dma_start3A_15 = tpu.memref_slice %arg3[%add3A_9, %dma_start3A_13, %dma_start3A_14] : memref<2560x2x128xi32, #tpu.memory_space<hbm>> -> memref<1x2x128xi32, #tpu.memory_space<hbm>>
    tpu.enqueue_dma source(%dma_start3A_15 : memref<1x2x128xi32, #tpu.memory_space<hbm>>) target(%arg6 : memref<1x2x128xi32, #tpu.memory_space<vmem>>) target_semaphore(%arg12 : memref<!tpu.dma_semaphore, #tpu.memory_space<semaphore_mem>>)
    %scan3A = arith.constant 0 : i32
    %scan3A_16 = arith.constant 0 : i32
    %scan3A_17 = arith.constant 40 : i32
    %scan3A_18 = arith.addi %scan3A_16, %scan3A_17 : i32
    %scan3A_19 = arith.constant 1 : i32
    scf.for %scan3A_65 = %scan3A_16 to %scan3A_18 step %scan3A_19  : i32 {
      %mul3A_66 = arith.constant 2 : i32
      %mul3A_67 = arith.muli %mul3A_66, %scan3A_65 : i32
      %add3A_68 = arith.constant 0 : i32
      %add3A_69 = arith.addi %mul3A_67, %add3A_68 : i32
      %add3A_70 = arith.addi %mul3A_2, %add3A_69 : i32
      %dma_wait3A_71 = arith.constant 0 : i32
      %dma_wait3A_72 = arith.constant 0 : i32
      %dma_wait3A_73 = tpu.memref_slice %arg3[%add3A_70, %dma_wait3A_71, %dma_wait3A_72] : memref<2560x2x128xi32, #tpu.memory_space<hbm>> -> memref<1x2x128xi32, #tpu.memory_space<hbm>>
      %dma_wait3A_74 = arith.constant 0 : i32
      %dma_wait3A_75 = arith.constant 0 : i32
      %dma_wait3A_76 = tpu.memref_slice %arg3[%add3A_70, %dma_wait3A_74, %dma_wait3A_75] : memref<2560x2x128xi32, #tpu.memory_space<hbm>> -> memref<1x2x128xi32, #tpu.memory_space<hbm>>
      tpu.wait_dma2 semaphore(%arg11 : memref<!tpu.dma_semaphore, #tpu.memory_space<semaphore_mem>>) src(%dma_wait3A_76 : memref<1x2x128xi32, #tpu.memory_space<hbm>>) dst(%arg5 : memref<1x2x128xi32, #tpu.memory_space<vmem>>)
      %ge3A = arith.constant 2 : i32
      %ge3A_77 = arith.cmpi sge, %add3A_69, %ge3A : i32
      %convert_element_type3A = arith.extui %ge3A_77 : i1 to i32
      %cond3A = arith.constant 0 : i32
      %cond3A_78 = arith.cmpi ne, %convert_element_type3A, %cond3A : i32
      scf.if %cond3A_78 {
        %sub3A_155 = arith.constant 2 : i32
        %sub3A_156 = arith.subi %add3A_70, %sub3A_155 : i32
        %mul3A_157 = arith.constant 128 : i32
        %mul3A_158 = arith.muli %sub3A_156, %mul3A_157 : i32
        %dma_wait3A_159 = arith.constant 0 : i32
        %dma_wait3A_160 = tpu.memref_slice %arg4[%mul3A_158, %dma_wait3A_159] : memref<327680x128xf32, #tpu.memory_space<hbm>> -> memref<128x128xf32, #tpu.memory_space<hbm>>
        %dma_wait3A_161 = arith.constant 0 : i32
        %dma_wait3A_162 = tpu.memref_slice %arg4[%mul3A_158, %dma_wait3A_161] : memref<327680x128xf32, #tpu.memory_space<hbm>> -> memref<128x128xf32, #tpu.memory_space<hbm>>
        tpu.wait_dma2 semaphore(%arg15 : memref<!tpu.dma_semaphore, #tpu.memory_space<semaphore_mem>>) src(%arg7 : memref<128x128xf32, #tpu.memory_space<vmem>>) dst(%dma_wait3A_162 : memref<128x128xf32, #tpu.memory_space<hbm>>)
      } else {
      }
      %dma_start3A_79 = arith.constant 0 : i32
      %dma_start3A_80 = arith.constant 0 : i32
      %dma_start3A_81 = arith.constant 0 : i32
      %dma_start3A_82 = tpu.memref_slice %arg5[%dma_start3A_79, %dma_start3A_80, %dma_start3A_81] : memref<1x2x128xi32, #tpu.memory_space<vmem>> -> memref<1x1x128xi32, #tpu.memory_space<vmem>>
      %dma_start3A_83 = tpu.memref_squeeze %dma_start3A_82 : memref<1x1x128xi32, #tpu.memory_space<vmem>> -> memref<128xi32, #tpu.memory_space<vmem>>
      %dma_start3A_84 = arith.constant 0 : i32
      %dma_start3A_85 = arith.constant 0 : i32
      %dma_start3A_86 = tpu.memref_slice %arg2[%dma_start3A_84, %dma_start3A_85] : memref<10000x128xf32, #tpu.memory_space<hbm>> -> memref<10000x128xf32, #tpu.memory_space<hbm>>
      tpu.enqueue_indirect_dma source(%dma_start3A_86 : memref<10000x128xf32, #tpu.memory_space<hbm>>) target(%arg7 : memref<128x128xf32, #tpu.memory_space<vmem>>) offsets(%dma_start3A_83 : memref<128xi32, #tpu.memory_space<vmem>>) semaphore(%arg13 : memref<!tpu.dma_semaphore, #tpu.memory_space<semaphore_mem>>)
      %dma_start3A_87 = arith.constant 0 : i32
      %dma_start3A_88 = arith.constant 1 : i32
      %dma_start3A_89 = arith.constant 0 : i32
      %dma_start3A_90 = tpu.memref_slice %arg5[%dma_start3A_87, %dma_start3A_88, %dma_start3A_89] : memref<1x2x128xi32, #tpu.memory_space<vmem>> -> memref<1x1x128xi32, #tpu.memory_space<vmem>>
      %dma_start3A_91 = tpu.memref_squeeze %dma_start3A_90 : memref<1x1x128xi32, #tpu.memory_space<vmem>> -> memref<128xi32, #tpu.memory_space<vmem>>
      %dma_start3A_92 = arith.constant 0 : i32
      %dma_start3A_93 = arith.constant 0 : i32
      %dma_start3A_94 = tpu.memref_slice %arg2[%dma_start3A_92, %dma_start3A_93] : memref<10000x128xf32, #tpu.memory_space<hbm>> -> memref<10000x128xf32, #tpu.memory_space<hbm>>
      tpu.enqueue_indirect_dma source(%dma_start3A_94 : memref<10000x128xf32, #tpu.memory_space<hbm>>) target(%arg8 : memref<128x128xf32, #tpu.memory_space<vmem>>) offsets(%dma_start3A_91 : memref<128xi32, #tpu.memory_space<vmem>>) semaphore(%arg13 : memref<!tpu.dma_semaphore, #tpu.memory_space<semaphore_mem>>)
      %ge3A_95 = arith.constant 1 : i32
      %ge3A_96 = arith.cmpi sge, %add3A_69, %ge3A_95 : i32
      %convert_element_type3A_97 = arith.extui %ge3A_96 : i1 to i32
      %cond3A_98 = arith.constant 0 : i32
      %cond3A_99 = arith.cmpi ne, %convert_element_type3A_97, %cond3A_98 : i32
      scf.if %cond3A_99 {
        %dma_wait3A_155 = arith.constant 0 : i32
        %dma_wait3A_156 = arith.constant 0 : i32
        %dma_wait3A_157 = arith.constant 0 : i32
        %dma_wait3A_158 = tpu.memref_slice %arg6[%dma_wait3A_155, %dma_wait3A_156, %dma_wait3A_157] : memref<1x2x128xi32, #tpu.memory_space<vmem>> -> memref<1x1x128xi32, #tpu.memory_space<vmem>>
        %dma_wait3A_159 = tpu.memref_squeeze %dma_wait3A_158 : memref<1x1x128xi32, #tpu.memory_space<vmem>> -> memref<128xi32, #tpu.memory_space<vmem>>
        %dma_wait3A_160 = arith.constant 0 : i32
        %dma_wait3A_161 = arith.constant 0 : i32
        %dma_wait3A_162 = tpu.memref_slice %arg2[%dma_wait3A_160, %dma_wait3A_161] : memref<10000x128xf32, #tpu.memory_space<hbm>> -> memref<10000x128xf32, #tpu.memory_space<hbm>>
        tpu.wait_indirect_dma semaphore(%arg14 : memref<!tpu.dma_semaphore, #tpu.memory_space<semaphore_mem>>) src(%dma_wait3A_162 : memref<10000x128xf32, #tpu.memory_space<hbm>>) dst(%arg9 : memref<128x128xf32, #tpu.memory_space<vmem>>)
        %dma_wait3A_163 = arith.constant 0 : i32
        %dma_wait3A_164 = arith.constant 1 : i32
        %dma_wait3A_165 = arith.constant 0 : i32
        %dma_wait3A_166 = tpu.memref_slice %arg6[%dma_wait3A_163, %dma_wait3A_164, %dma_wait3A_165] : memref<1x2x128xi32, #tpu.memory_space<vmem>> -> memref<1x1x128xi32, #tpu.memory_space<vmem>>
        %dma_wait3A_167 = tpu.memref_squeeze %dma_wait3A_166 : memref<1x1x128xi32, #tpu.memory_space<vmem>> -> memref<128xi32, #tpu.memory_space<vmem>>
        %dma_wait3A_168 = arith.constant 0 : i32
        %dma_wait3A_169 = arith.constant 0 : i32
        %dma_wait3A_170 = tpu.memref_slice %arg2[%dma_wait3A_168, %dma_wait3A_169] : memref<10000x128xf32, #tpu.memory_space<hbm>> -> memref<10000x128xf32, #tpu.memory_space<hbm>>
        tpu.wait_indirect_dma semaphore(%arg14 : memref<!tpu.dma_semaphore, #tpu.memory_space<semaphore_mem>>) src(%dma_wait3A_170 : memref<10000x128xf32, #tpu.memory_space<hbm>>) dst(%arg10 : memref<128x128xf32, #tpu.memory_space<vmem>>)
        %scan3A_171 = arith.constant 0 : i32
        %scan3A_172 = arith.constant 0 : i32
        %scan3A_173 = arith.constant 128 : i32
        %scan3A_174 = arith.addi %scan3A_172, %scan3A_173 : i32
        %scan3A_175 = arith.constant 4 : i32
        scf.for %scan3A_185 = %scan3A_172 to %scan3A_174 step %scan3A_175  : i32 {
          %get3A = arith.index_cast %scan3A_185 : i32 to index
          %get3A_186 = arith.constant 0 : index
          %get3A_187 = tpu.vector_load %arg9[%get3A, %get3A_186] {strides = array<i32>} : memref<128x128xf32, #tpu.memory_space<vmem>>, vector<1x16xf32>,
          %get3A_188 = vector.shape_cast %get3A_187 : vector<1x16xf32> to vector<16xf32>
          %get3A_189 = arith.index_cast %scan3A_185 : i32 to index
          %get3A_190 = arith.constant 64 : index
          %get3A_191 = tpu.vector_load %arg10[%get3A_189, %get3A_190] {strides = array<i32>} : memref<128x128xf32, #tpu.memory_space<vmem>>, vector<1x16xf32>,
          %get3A_192 = vector.shape_cast %get3A_191 : vector<1x16xf32> to vector<16xf32>
          %add3A_193 = arith.addf %get3A_188, %get3A_192 : vector<16xf32>
          %swap3A = arith.index_cast %scan3A_185 : i32 to index
          %swap3A_194 = arith.constant 0 : index
          %swap3A_195 = tpu.vector_load %arg9[%swap3A, %swap3A_194] {strides = array<i32>} : memref<128x128xf32, #tpu.memory_space<vmem>>, vector<1x16xf32>,
          %swap3A_196 = vector.shape_cast %swap3A_195 : vector<1x16xf32> to vector<16xf32>
          %swap3A_197 = vector.shape_cast %add3A_193 : vector<16xf32> to vector<1x16xf32>
          tpu.vector_store %arg9[%swap3A, %swap3A_194], %swap3A_197 {strides = array<i32>} : memref<128x128xf32, #tpu.memory_space<vmem>>, vector<1x16xf32>,
          %get3A_198 = arith.index_cast %scan3A_185 : i32 to index
          %get3A_199 = arith.constant 16 : index
          %get3A_200 = tpu.vector_load %arg9[%get3A_198, %get3A_199] {strides = array<i32>} : memref<128x128xf32, #tpu.memory_space<vmem>>, vector<1x16xf32>,
          %get3A_201 = vector.shape_cast %get3A_200 : vector<1x16xf32> to vector<16xf32>
          %get3A_202 = arith.index_cast %scan3A_185 : i32 to index
          %get3A_203 = arith.constant 80 : index
          %get3A_204 = tpu.vector_load %arg10[%get3A_202, %get3A_203] {strides = array<i32>} : memref<128x128xf32, #tpu.memory_space<vmem>>, vector<1x16xf32>,
          %get3A_205 = vector.shape_cast %get3A_204 : vector<1x16xf32> to vector<16xf32>
          %add3A_206 = arith.addf %get3A_201, %get3A_205 : vector<16xf32>
          %swap3A_207 = arith.index_cast %scan3A_185 : i32 to index
          %swap3A_208 = arith.constant 16 : index
          %swap3A_209 = tpu.vector_load %arg9[%swap3A_207, %swap3A_208] {strides = array<i32>} : memref<128x128xf32, #tpu.memory_space<vmem>>, vector<1x16xf32>,
          %swap3A_210 = vector.shape_cast %swap3A_209 : vector<1x16xf32> to vector<16xf32>
          %swap3A_211 = vector.shape_cast %add3A_206 : vector<16xf32> to vector<1x16xf32>
          tpu.vector_store %arg9[%swap3A_207, %swap3A_208], %swap3A_211 {strides = array<i32>} : memref<128x128xf32, #tpu.memory_space<vmem>>, vector<1x16xf32>,
          %get3A_212 = arith.index_cast %scan3A_185 : i32 to index
          %get3A_213 = arith.constant 32 : index
          %get3A_214 = tpu.vector_load %arg9[%get3A_212, %get3A_213] {strides = array<i32>} : memref<128x128xf32, #tpu.memory_space<vmem>>, vector<1x16xf32>,
          %get3A_215 = vector.shape_cast %get3A_214 : vector<1x16xf32> to vector<16xf32>
          %get3A_216 = arith.index_cast %scan3A_185 : i32 to index
          %get3A_217 = arith.constant 96 : index
          %get3A_218 = tpu.vector_load %arg10[%get3A_216, %get3A_217] {strides = array<i32>} : memref<128x128xf32, #tpu.memory_space<vmem>>, vector<1x16xf32>,
          %get3A_219 = vector.shape_cast %get3A_218 : vector<1x16xf32> to vector<16xf32>
          %add3A_220 = arith.addf %get3A_215, %get3A_219 : vector<16xf32>
          %swap3A_221 = arith.index_cast %scan3A_185 : i32 to index
          %swap3A_222 = arith.constant 32 : index
          %swap3A_223 = tpu.vector_load %arg9[%swap3A_221, %swap3A_222] {strides = array<i32>} : memref<128x128xf32, #tpu.memory_space<vmem>>, vector<1x16xf32>,
          %swap3A_224 = vector.shape_cast %swap3A_223 : vector<1x16xf32> to vector<16xf32>
          %swap3A_225 = vector.shape_cast %add3A_220 : vector<16xf32> to vector<1x16xf32>
          tpu.vector_store %arg9[%swap3A_221, %swap3A_222], %swap3A_225 {strides = array<i32>} : memref<128x128xf32, #tpu.memory_space<vmem>>, vector<1x16xf32>,
          %get3A_226 = arith.index_cast %scan3A_185 : i32 to index
          %get3A_227 = arith.constant 48 : index
          %get3A_228 = tpu.vector_load %arg9[%get3A_226, %get3A_227] {strides = array<i32>} : memref<128x128xf32, #tpu.memory_space<vmem>>, vector<1x16xf32>,
          %get3A_229 = vector.shape_cast %get3A_228 : vector<1x16xf32> to vector<16xf32>
          %get3A_230 = arith.index_cast %scan3A_185 : i32 to index
          %get3A_231 = arith.constant 112 : index
          %get3A_232 = tpu.vector_load %arg10[%get3A_230, %get3A_231] {strides = array<i32>} : memref<128x128xf32, #tpu.memory_space<vmem>>, vector<1x16xf32>,
          %get3A_233 = vector.shape_cast %get3A_232 : vector<1x16xf32> to vector<16xf32>
          %add3A_234 = arith.addf %get3A_229, %get3A_233 : vector<16xf32>
          %swap3A_235 = arith.index_cast %scan3A_185 : i32 to index
          %swap3A_236 = arith.constant 48 : index
          %swap3A_237 = tpu.vector_load %arg9[%swap3A_235, %swap3A_236] {strides = array<i32>} : memref<128x128xf32, #tpu.memory_space<vmem>>, vector<1x16xf32>,
          %swap3A_238 = vector.shape_cast %swap3A_237 : vector<1x16xf32> to vector<16xf32>
          %swap3A_239 = vector.shape_cast %add3A_234 : vector<16xf32> to vector<1x16xf32>
          tpu.vector_store %arg9[%swap3A_235, %swap3A_236], %swap3A_239 {strides = array<i32>} : memref<128x128xf32, #tpu.memory_space<vmem>>, vector<1x16xf32>,
          %scan3A_240 = arith.constant 1 : i32
          %scan3A_241 = arith.addi %scan3A_185, %scan3A_240 : i32
          %get3A_242 = arith.index_cast %scan3A_241 : i32 to index
          %get3A_243 = arith.constant 0 : index
          %get3A_244 = tpu.vector_load %arg9[%get3A_242, %get3A_243] {strides = array<i32>} : memref<128x128xf32, #tpu.memory_space<vmem>>, vector<1x16xf32>,
          %get3A_245 = vector.shape_cast %get3A_244 : vector<1x16xf32> to vector<16xf32>
          %get3A_246 = arith.index_cast %scan3A_241 : i32 to index
          %get3A_247 = arith.constant 64 : index
          %get3A_248 = tpu.vector_load %arg10[%get3A_246, %get3A_247] {strides = array<i32>} : memref<128x128xf32, #tpu.memory_space<vmem>>, vector<1x16xf32>,
          %get3A_249 = vector.shape_cast %get3A_248 : vector<1x16xf32> to vector<16xf32>
          %add3A_250 = arith.addf %get3A_245, %get3A_249 : vector<16xf32>
          %swap3A_251 = arith.index_cast %scan3A_241 : i32 to index
          %swap3A_252 = arith.constant 0 : index
          %swap3A_253 = tpu.vector_load %arg9[%swap3A_251, %swap3A_252] {strides = array<i32>} : memref<128x128xf32, #tpu.memory_space<vmem>>, vector<1x16xf32>,
          %swap3A_254 = vector.shape_cast %swap3A_253 : vector<1x16xf32> to vector<16xf32>
          %swap3A_255 = vector.shape_cast %add3A_250 : vector<16xf32> to vector<1x16xf32>
          tpu.vector_store %arg9[%swap3A_251, %swap3A_252], %swap3A_255 {strides = array<i32>} : memref<128x128xf32, #tpu.memory_space<vmem>>, vector<1x16xf32>,
          %get3A_256 = arith.index_cast %scan3A_241 : i32 to index
          %get3A_257 = arith.constant 16 : index
          %get3A_258 = tpu.vector_load %arg9[%get3A_256, %get3A_257] {strides = array<i32>} : memref<128x128xf32, #tpu.memory_space<vmem>>, vector<1x16xf32>,
          %get3A_259 = vector.shape_cast %get3A_258 : vector<1x16xf32> to vector<16xf32>
          %get3A_260 = arith.index_cast %scan3A_241 : i32 to index
          %get3A_261 = arith.constant 80 : index
          %get3A_262 = tpu.vector_load %arg10[%get3A_260, %get3A_261] {strides = array<i32>} : memref<128x128xf32, #tpu.memory_space<vmem>>, vector<1x16xf32>,
          %get3A_263 = vector.shape_cast %get3A_262 : vector<1x16xf32> to vector<16xf32>
          %add3A_264 = arith.addf %get3A_259, %get3A_263 : vector<16xf32>
          %swap3A_265 = arith.index_cast %scan3A_241 : i32 to index
          %swap3A_266 = arith.constant 16 : index
          %swap3A_267 = tpu.vector_load %arg9[%swap3A_265, %swap3A_266] {strides = array<i32>} : memref<128x128xf32, #tpu.memory_space<vmem>>, vector<1x16xf32>,
          %swap3A_268 = vector.shape_cast %swap3A_267 : vector<1x16xf32> to vector<16xf32>
          %swap3A_269 = vector.shape_cast %add3A_264 : vector<16xf32> to vector<1x16xf32>
          tpu.vector_store %arg9[%swap3A_265, %swap3A_266], %swap3A_269 {strides = array<i32>} : memref<128x128xf32, #tpu.memory_space<vmem>>, vector<1x16xf32>,
          %get3A_270 = arith.index_cast %scan3A_241 : i32 to index
          %get3A_271 = arith.constant 32 : index
          %get3A_272 = tpu.vector_load %arg9[%get3A_270, %get3A_271] {strides = array<i32>} : memref<128x128xf32, #tpu.memory_space<vmem>>, vector<1x16xf32>,
          %get3A_273 = vector.shape_cast %get3A_272 : vector<1x16xf32> to vector<16xf32>
          %get3A_274 = arith.index_cast %scan3A_241 : i32 to index
          %get3A_275 = arith.constant 96 : index
          %get3A_276 = tpu.vector_load %arg10[%get3A_274, %get3A_275] {strides = array<i32>} : memref<128x128xf32, #tpu.memory_space<vmem>>, vector<1x16xf32>,
          %get3A_277 = vector.shape_cast %get3A_276 : vector<1x16xf32> to vector<16xf32>
          %add3A_278 = arith.addf %get3A_273, %get3A_277 : vector<16xf32>
          %swap3A_279 = arith.index_cast %scan3A_241 : i32 to index
          %swap3A_280 = arith.constant 32 : index
          %swap3A_281 = tpu.vector_load %arg9[%swap3A_279, %swap3A_280] {strides = array<i32>} : memref<128x128xf32, #tpu.memory_space<vmem>>, vector<1x16xf32>,
          %swap3A_282 = vector.shape_cast %swap3A_281 : vector<1x16xf32> to vector<16xf32>
          %swap3A_283 = vector.shape_cast %add3A_278 : vector<16xf32> to vector<1x16xf32>
          tpu.vector_store %arg9[%swap3A_279, %swap3A_280], %swap3A_283 {strides = array<i32>} : memref<128x128xf32, #tpu.memory_space<vmem>>, vector<1x16xf32>,
          %get3A_284 = arith.index_cast %scan3A_241 : i32 to index
          %get3A_285 = arith.constant 48 : index
          %get3A_286 = tpu.vector_load %arg9[%get3A_284, %get3A_285] {strides = array<i32>} : memref<128x128xf32, #tpu.memory_space<vmem>>, vector<1x16xf32>,
          %get3A_287 = vector.shape_cast %get3A_286 : vector<1x16xf32> to vector<16xf32>
          %get3A_288 = arith.index_cast %scan3A_241 : i32 to index
          %get3A_289 = arith.constant 112 : index
          %get3A_290 = tpu.vector_load %arg10[%get3A_288, %get3A_289] {strides = array<i32>} : memref<128x128xf32, #tpu.memory_space<vmem>>, vector<1x16xf32>,
          %get3A_291 = vector.shape_cast %get3A_290 : vector<1x16xf32> to vector<16xf32>
          %add3A_292 = arith.addf %get3A_287, %get3A_291 : vector<16xf32>
          %swap3A_293 = arith.index_cast %scan3A_241 : i32 to index
          %swap3A_294 = arith.constant 48 : index
          %swap3A_295 = tpu.vector_load %arg9[%swap3A_293, %swap3A_294] {strides = array<i32>} : memref<128x128xf32, #tpu.memory_space<vmem>>, vector<1x16xf32>,
          %swap3A_296 = vector.shape_cast %swap3A_295 : vector<1x16xf32> to vector<16xf32>
          %swap3A_297 = vector.shape_cast %add3A_292 : vector<16xf32> to vector<1x16xf32>
          tpu.vector_store %arg9[%swap3A_293, %swap3A_294], %swap3A_297 {strides = array<i32>} : memref<128x128xf32, #tpu.memory_space<vmem>>, vector<1x16xf32>,
          %scan3A_298 = arith.constant 2 : i32
          %scan3A_299 = arith.addi %scan3A_185, %scan3A_298 : i32
          %get3A_300 = arith.index_cast %scan3A_299 : i32 to index
          %get3A_301 = arith.constant 0 : index
          %get3A_302 = tpu.vector_load %arg9[%get3A_300, %get3A_301] {strides = array<i32>} : memref<128x128xf32, #tpu.memory_space<vmem>>, vector<1x16xf32>,
          %get3A_303 = vector.shape_cast %get3A_302 : vector<1x16xf32> to vector<16xf32>
          %get3A_304 = arith.index_cast %scan3A_299 : i32 to index
          %get3A_305 = arith.constant 64 : index
          %get3A_306 = tpu.vector_load %arg10[%get3A_304, %get3A_305] {strides = array<i32>} : memref<128x128xf32, #tpu.memory_space<vmem>>, vector<1x16xf32>,
          %get3A_307 = vector.shape_cast %get3A_306 : vector<1x16xf32> to vector<16xf32>
          %add3A_308 = arith.addf %get3A_303, %get3A_307 : vector<16xf32>
          %swap3A_309 = arith.index_cast %scan3A_299 : i32 to index
          %swap3A_310 = arith.constant 0 : index
          %swap3A_311 = tpu.vector_load %arg9[%swap3A_309, %swap3A_310] {strides = array<i32>} : memref<128x128xf32, #tpu.memory_space<vmem>>, vector<1x16xf32>,
          %swap3A_312 = vector.shape_cast %swap3A_311 : vector<1x16xf32> to vector<16xf32>
          %swap3A_313 = vector.shape_cast %add3A_308 : vector<16xf32> to vector<1x16xf32>
          tpu.vector_store %arg9[%swap3A_309, %swap3A_310], %swap3A_313 {strides = array<i32>} : memref<128x128xf32, #tpu.memory_space<vmem>>, vector<1x16xf32>,
          %get3A_314 = arith.index_cast %scan3A_299 : i32 to index
          %get3A_315 = arith.constant 16 : index
          %get3A_316 = tpu.vector_load %arg9[%get3A_314, %get3A_315] {strides = array<i32>} : memref<128x128xf32, #tpu.memory_space<vmem>>, vector<1x16xf32>,
          %get3A_317 = vector.shape_cast %get3A_316 : vector<1x16xf32> to vector<16xf32>
          %get3A_318 = arith.index_cast %scan3A_299 : i32 to index
          %get3A_319 = arith.constant 80 : index
          %get3A_320 = tpu.vector_load %arg10[%get3A_318, %get3A_319] {strides = array<i32>} : memref<128x128xf32, #tpu.memory_space<vmem>>, vector<1x16xf32>,
          %get3A_321 = vector.shape_cast %get3A_320 : vector<1x16xf32> to vector<16xf32>
          %add3A_322 = arith.addf %get3A_317, %get3A_321 : vector<16xf32>
          %swap3A_323 = arith.index_cast %scan3A_299 : i32 to index
          %swap3A_324 = arith.constant 16 : index
          %swap3A_325 = tpu.vector_load %arg9[%swap3A_323, %swap3A_324] {strides = array<i32>} : memref<128x128xf32, #tpu.memory_space<vmem>>, vector<1x16xf32>,
          %swap3A_326 = vector.shape_cast %swap3A_325 : vector<1x16xf32> to vector<16xf32>
          %swap3A_327 = vector.shape_cast %add3A_322 : vector<16xf32> to vector<1x16xf32>
          tpu.vector_store %arg9[%swap3A_323, %swap3A_324], %swap3A_327 {strides = array<i32>} : memref<128x128xf32, #tpu.memory_space<vmem>>, vector<1x16xf32>,
          %get3A_328 = arith.index_cast %scan3A_299 : i32 to index
          %get3A_329 = arith.constant 32 : index
          %get3A_330 = tpu.vector_load %arg9[%get3A_328, %get3A_329] {strides = array<i32>} : memref<128x128xf32, #tpu.memory_space<vmem>>, vector<1x16xf32>,
          %get3A_331 = vector.shape_cast %get3A_330 : vector<1x16xf32> to vector<16xf32>
          %get3A_332 = arith.index_cast %scan3A_299 : i32 to index
          %get3A_333 = arith.constant 96 : index
          %get3A_334 = tpu.vector_load %arg10[%get3A_332, %get3A_333] {strides = array<i32>} : memref<128x128xf32, #tpu.memory_space<vmem>>, vector<1x16xf32>,
          %get3A_335 = vector.shape_cast %get3A_334 : vector<1x16xf32> to vector<16xf32>
          %add3A_336 = arith.addf %get3A_331, %get3A_335 : vector<16xf32>
          %swap3A_337 = arith.index_cast %scan3A_299 : i32 to index
          %swap3A_338 = arith.constant 32 : index
          %swap3A_339 = tpu.vector_load %arg9[%swap3A_337, %swap3A_338] {strides = array<i32>} : memref<128x128xf32, #tpu.memory_space<vmem>>, vector<1x16xf32>,
          %swap3A_340 = vector.shape_cast %swap3A_339 : vector<1x16xf32> to vector<16xf32>
          %swap3A_341 = vector.shape_cast %add3A_336 : vector<16xf32> to vector<1x16xf32>
          tpu.vector_store %arg9[%swap3A_337, %swap3A_338], %swap3A_341 {strides = array<i32>} : memref<128x128xf32, #tpu.memory_space<vmem>>, vector<1x16xf32>,
          %get3A_342 = arith.index_cast %scan3A_299 : i32 to index
          %get3A_343 = arith.constant 48 : index
          %get3A_344 = tpu.vector_load %arg9[%get3A_342, %get3A_343] {strides = array<i32>} : memref<128x128xf32, #tpu.memory_space<vmem>>, vector<1x16xf32>,
          %get3A_345 = vector.shape_cast %get3A_344 : vector<1x16xf32> to vector<16xf32>
          %get3A_346 = arith.index_cast %scan3A_299 : i32 to index
          %get3A_347 = arith.constant 112 : index
          %get3A_348 = tpu.vector_load %arg10[%get3A_346, %get3A_347] {strides = array<i32>} : memref<128x128xf32, #tpu.memory_space<vmem>>, vector<1x16xf32>,
          %get3A_349 = vector.shape_cast %get3A_348 : vector<1x16xf32> to vector<16xf32>
          %add3A_350 = arith.addf %get3A_345, %get3A_349 : vector<16xf32>
          %swap3A_351 = arith.index_cast %scan3A_299 : i32 to index
          %swap3A_352 = arith.constant 48 : index
          %swap3A_353 = tpu.vector_load %arg9[%swap3A_351, %swap3A_352] {strides = array<i32>} : memref<128x128xf32, #tpu.memory_space<vmem>>, vector<1x16xf32>,
          %swap3A_354 = vector.shape_cast %swap3A_353 : vector<1x16xf32> to vector<16xf32>
          %swap3A_355 = vector.shape_cast %add3A_350 : vector<16xf32> to vector<1x16xf32>
          tpu.vector_store %arg9[%swap3A_351, %swap3A_352], %swap3A_355 {strides = array<i32>} : memref<128x128xf32, #tpu.memory_space<vmem>>, vector<1x16xf32>,
          %scan3A_356 = arith.constant 3 : i32
          %scan3A_357 = arith.addi %scan3A_185, %scan3A_356 : i32
          %get3A_358 = arith.index_cast %scan3A_357 : i32 to index
          %get3A_359 = arith.constant 0 : index
          %get3A_360 = tpu.vector_load %arg9[%get3A_358, %get3A_359] {strides = array<i32>} : memref<128x128xf32, #tpu.memory_space<vmem>>, vector<1x16xf32>,
          %get3A_361 = vector.shape_cast %get3A_360 : vector<1x16xf32> to vector<16xf32>
          %get3A_362 = arith.index_cast %scan3A_357 : i32 to index
          %get3A_363 = arith.constant 64 : index
          %get3A_364 = tpu.vector_load %arg10[%get3A_362, %get3A_363] {strides = array<i32>} : memref<128x128xf32, #tpu.memory_space<vmem>>, vector<1x16xf32>,
          %get3A_365 = vector.shape_cast %get3A_364 : vector<1x16xf32> to vector<16xf32>
          %add3A_366 = arith.addf %get3A_361, %get3A_365 : vector<16xf32>
          %swap3A_367 = arith.index_cast %scan3A_357 : i32 to index
          %swap3A_368 = arith.constant 0 : index
          %swap3A_369 = tpu.vector_load %arg9[%swap3A_367, %swap3A_368] {strides = array<i32>} : memref<128x128xf32, #tpu.memory_space<vmem>>, vector<1x16xf32>,
          %swap3A_370 = vector.shape_cast %swap3A_369 : vector<1x16xf32> to vector<16xf32>
          %swap3A_371 = vector.shape_cast %add3A_366 : vector<16xf32> to vector<1x16xf32>
          tpu.vector_store %arg9[%swap3A_367, %swap3A_368], %swap3A_371 {strides = array<i32>} : memref<128x128xf32, #tpu.memory_space<vmem>>, vector<1x16xf32>,
          %get3A_372 = arith.index_cast %scan3A_357 : i32 to index
          %get3A_373 = arith.constant 16 : index
          %get3A_374 = tpu.vector_load %arg9[%get3A_372, %get3A_373] {strides = array<i32>} : memref<128x128xf32, #tpu.memory_space<vmem>>, vector<1x16xf32>,
          %get3A_375 = vector.shape_cast %get3A_374 : vector<1x16xf32> to vector<16xf32>
          %get3A_376 = arith.index_cast %scan3A_357 : i32 to index
          %get3A_377 = arith.constant 80 : index
          %get3A_378 = tpu.vector_load %arg10[%get3A_376, %get3A_377] {strides = array<i32>} : memref<128x128xf32, #tpu.memory_space<vmem>>, vector<1x16xf32>,
          %get3A_379 = vector.shape_cast %get3A_378 : vector<1x16xf32> to vector<16xf32>
          %add3A_380 = arith.addf %get3A_375, %get3A_379 : vector<16xf32>
          %swap3A_381 = arith.index_cast %scan3A_357 : i32 to index
          %swap3A_382 = arith.constant 16 : index
          %swap3A_383 = tpu.vector_load %arg9[%swap3A_381, %swap3A_382] {strides = array<i32>} : memref<128x128xf32, #tpu.memory_space<vmem>>, vector<1x16xf32>,
          %swap3A_384 = vector.shape_cast %swap3A_383 : vector<1x16xf32> to vector<16xf32>
          %swap3A_385 = vector.shape_cast %add3A_380 : vector<16xf32> to vector<1x16xf32>
          tpu.vector_store %arg9[%swap3A_381, %swap3A_382], %swap3A_385 {strides = array<i32>} : memref<128x128xf32, #tpu.memory_space<vmem>>, vector<1x16xf32>,
          %get3A_386 = arith.index_cast %scan3A_357 : i32 to index
          %get3A_387 = arith.constant 32 : index
          %get3A_388 = tpu.vector_load %arg9[%get3A_386, %get3A_387] {strides = array<i32>} : memref<128x128xf32, #tpu.memory_space<vmem>>, vector<1x16xf32>,
          %get3A_389 = vector.shape_cast %get3A_388 : vector<1x16xf32> to vector<16xf32>
          %get3A_390 = arith.index_cast %scan3A_357 : i32 to index
          %get3A_391 = arith.constant 96 : index
          %get3A_392 = tpu.vector_load %arg10[%get3A_390, %get3A_391] {strides = array<i32>} : memref<128x128xf32, #tpu.memory_space<vmem>>, vector<1x16xf32>,
          %get3A_393 = vector.shape_cast %get3A_392 : vector<1x16xf32> to vector<16xf32>
          %add3A_394 = arith.addf %get3A_389, %get3A_393 : vector<16xf32>
          %swap3A_395 = arith.index_cast %scan3A_357 : i32 to index
          %swap3A_396 = arith.constant 32 : index
          %swap3A_397 = tpu.vector_load %arg9[%swap3A_395, %swap3A_396] {strides = array<i32>} : memref<128x128xf32, #tpu.memory_space<vmem>>, vector<1x16xf32>,
          %swap3A_398 = vector.shape_cast %swap3A_397 : vector<1x16xf32> to vector<16xf32>
          %swap3A_399 = vector.shape_cast %add3A_394 : vector<16xf32> to vector<1x16xf32>
          tpu.vector_store %arg9[%swap3A_395, %swap3A_396], %swap3A_399 {strides = array<i32>} : memref<128x128xf32, #tpu.memory_space<vmem>>, vector<1x16xf32>,
          %get3A_400 = arith.index_cast %scan3A_357 : i32 to index
          %get3A_401 = arith.constant 48 : index
          %get3A_402 = tpu.vector_load %arg9[%get3A_400, %get3A_401] {strides = array<i32>} : memref<128x128xf32, #tpu.memory_space<vmem>>, vector<1x16xf32>,
          %get3A_403 = vector.shape_cast %get3A_402 : vector<1x16xf32> to vector<16xf32>
          %get3A_404 = arith.index_cast %scan3A_357 : i32 to index
          %get3A_405 = arith.constant 112 : index
          %get3A_406 = tpu.vector_load %arg10[%get3A_404, %get3A_405] {strides = array<i32>} : memref<128x128xf32, #tpu.memory_space<vmem>>, vector<1x16xf32>,
          %get3A_407 = vector.shape_cast %get3A_406 : vector<1x16xf32> to vector<16xf32>
          %add3A_408 = arith.addf %get3A_403, %get3A_407 : vector<16xf32>
          %swap3A_409 = arith.index_cast %scan3A_357 : i32 to index
          %swap3A_410 = arith.constant 48 : index
          %swap3A_411 = tpu.vector_load %arg9[%swap3A_409, %swap3A_410] {strides = array<i32>} : memref<128x128xf32, #tpu.memory_space<vmem>>, vector<1x16xf32>,
          %swap3A_412 = vector.shape_cast %swap3A_411 : vector<1x16xf32> to vector<16xf32>
          %swap3A_413 = vector.shape_cast %add3A_408 : vector<16xf32> to vector<1x16xf32>
          tpu.vector_store %arg9[%swap3A_409, %swap3A_410], %swap3A_413 {strides = array<i32>} : memref<128x128xf32, #tpu.memory_space<vmem>>, vector<1x16xf32>,
        }
        %scan3A_176 = arith.constant 128 : i32
        %sub3A_177 = arith.constant 1 : i32
        %sub3A_178 = arith.subi %add3A_70, %sub3A_177 : i32
        %mul3A_179 = arith.constant 128 : i32
        %mul3A_180 = arith.muli %sub3A_178, %mul3A_179 : i32
        %dma_start3A_181 = arith.constant 0 : i32
        %dma_start3A_182 = tpu.memref_slice %arg4[%mul3A_180, %dma_start3A_181] : memref<327680x128xf32, #tpu.memory_space<hbm>> -> memref<128x128xf32, #tpu.memory_space<hbm>>
        %dma_start3A_183 = arith.constant 0 : i32
        %dma_start3A_184 = tpu.memref_slice %arg4[%mul3A_180, %dma_start3A_183] : memref<327680x128xf32, #tpu.memory_space<hbm>> -> memref<128x128xf32, #tpu.memory_space<hbm>>
        tpu.enqueue_dma source(%arg9 : memref<128x128xf32, #tpu.memory_space<vmem>>) target(%dma_start3A_184 : memref<128x128xf32, #tpu.memory_space<hbm>>) target_semaphore(%arg16 : memref<!tpu.dma_semaphore, #tpu.memory_space<semaphore_mem>>)
      } else {
      }
      %ge3A_100 = arith.constant 1 : i32
      %ge3A_101 = arith.cmpi sge, %add3A_69, %ge3A_100 : i32
      %add3A_102 = arith.constant 1 : i32
      %add3A_103 = arith.addi %add3A_69, %add3A_102 : i32
      %lt3A = arith.constant 80 : i32
      %lt3A_104 = arith.cmpi slt, %add3A_103, %lt3A : i32
      %and3A = arith.andi %ge3A_101, %lt3A_104 : i1
      %convert_element_type3A_105 = arith.extui %and3A : i1 to i32
      %cond3A_106 = arith.constant 0 : i32
      %cond3A_107 = arith.cmpi ne, %convert_element_type3A_105, %cond3A_106 : i32
      scf.if %cond3A_107 {
        %add3A_155 = arith.constant 1 : i32
        %add3A_156 = arith.addi %add3A_70, %add3A_155 : i32
        %dma_start3A_157 = arith.constant 0 : i32
        %dma_start3A_158 = arith.constant 0 : i32
        %dma_start3A_159 = tpu.memref_slice %arg3[%add3A_156, %dma_start3A_157, %dma_start3A_158] : memref<2560x2x128xi32, #tpu.memory_space<hbm>> -> memref<1x2x128xi32, #tpu.memory_space<hbm>>
        %dma_start3A_160 = arith.constant 0 : i32
        %dma_start3A_161 = arith.constant 0 : i32
        %dma_start3A_162 = tpu.memref_slice %arg3[%add3A_156, %dma_start3A_160, %dma_start3A_161] : memref<2560x2x128xi32, #tpu.memory_space<hbm>> -> memref<1x2x128xi32, #tpu.memory_space<hbm>>
        tpu.enqueue_dma source(%dma_start3A_162 : memref<1x2x128xi32, #tpu.memory_space<hbm>>) target(%arg6 : memref<1x2x128xi32, #tpu.memory_space<vmem>>) target_semaphore(%arg12 : memref<!tpu.dma_semaphore, #tpu.memory_space<semaphore_mem>>)
      } else {
      }
      %mul3A_108 = arith.constant 2 : i32
      %mul3A_109 = arith.muli %mul3A_108, %scan3A_65 : i32
      %add3A_110 = arith.constant 1 : i32
      %add3A_111 = arith.addi %mul3A_109, %add3A_110 : i32
      %add3A_112 = arith.addi %mul3A_2, %add3A_111 : i32
      %dma_wait3A_113 = arith.constant 0 : i32
      %dma_wait3A_114 = arith.constant 0 : i32
      %dma_wait3A_115 = tpu.memref_slice %arg3[%add3A_112, %dma_wait3A_113, %dma_wait3A_114] : memref<2560x2x128xi32, #tpu.memory_space<hbm>> -> memref<1x2x128xi32, #tpu.memory_space<hbm>>
      %dma_wait3A_116 = arith.constant 0 : i32
      %dma_wait3A_117 = arith.constant 0 : i32
      %dma_wait3A_118 = tpu.memref_slice %arg3[%add3A_112, %dma_wait3A_116, %dma_wait3A_117] : memref<2560x2x128xi32, #tpu.memory_space<hbm>> -> memref<1x2x128xi32, #tpu.memory_space<hbm>>
      tpu.wait_dma2 semaphore(%arg12 : memref<!tpu.dma_semaphore, #tpu.memory_space<semaphore_mem>>) src(%dma_wait3A_118 : memref<1x2x128xi32, #tpu.memory_space<hbm>>) dst(%arg6 : memref<1x2x128xi32, #tpu.memory_space<vmem>>)
      %ge3A_119 = arith.constant 2 : i32
      %ge3A_120 = arith.cmpi sge, %add3A_111, %ge3A_119 : i32
      %convert_element_type3A_121 = arith.extui %ge3A_120 : i1 to i32
      %cond3A_122 = arith.constant 0 : i32
      %cond3A_123 = arith.cmpi ne, %convert_element_type3A_121, %cond3A_122 : i32
      scf.if %cond3A_123 {
        %sub3A_155 = arith.constant 2 : i32
        %sub3A_156 = arith.subi %add3A_112, %sub3A_155 : i32
        %mul3A_157 = arith.constant 128 : i32
        %mul3A_158 = arith.muli %sub3A_156, %mul3A_157 : i32
        %dma_wait3A_159 = arith.constant 0 : i32
        %dma_wait3A_160 = tpu.memref_slice %arg4[%mul3A_158, %dma_wait3A_159] : memref<327680x128xf32, #tpu.memory_space<hbm>> -> memref<128x128xf32, #tpu.memory_space<hbm>>
        %dma_wait3A_161 = arith.constant 0 : i32
        %dma_wait3A_162 = tpu.memref_slice %arg4[%mul3A_158, %dma_wait3A_161] : memref<327680x128xf32, #tpu.memory_space<hbm>> -> memref<128x128xf32, #tpu.memory_space<hbm>>
        tpu.wait_dma2 semaphore(%arg16 : memref<!tpu.dma_semaphore, #tpu.memory_space<semaphore_mem>>) src(%arg9 : memref<128x128xf32, #tpu.memory_space<vmem>>) dst(%dma_wait3A_162 : memref<128x128xf32, #tpu.memory_space<hbm>>)
      } else {
      }
      %dma_start3A_124 = arith.constant 0 : i32
      %dma_start3A_125 = arith.constant 0 : i32
      %dma_start3A_126 = arith.constant 0 : i32
      %dma_start3A_127 = tpu.memref_slice %arg6[%dma_start3A_124, %dma_start3A_125, %dma_start3A_126] : memref<1x2x128xi32, #tpu.memory_space<vmem>> -> memref<1x1x128xi32, #tpu.memory_space<vmem>>
      %dma_start3A_128 = tpu.memref_squeeze %dma_start3A_127 : memref<1x1x128xi32, #tpu.memory_space<vmem>> -> memref<128xi32, #tpu.memory_space<vmem>>
      %dma_start3A_129 = arith.constant 0 : i32
      %dma_start3A_130 = arith.constant 0 : i32
      %dma_start3A_131 = tpu.memref_slice %arg2[%dma_start3A_129, %dma_start3A_130] : memref<10000x128xf32, #tpu.memory_space<hbm>> -> memref<10000x128xf32, #tpu.memory_space<hbm>>
      tpu.enqueue_indirect_dma source(%dma_start3A_131 : memref<10000x128xf32, #tpu.memory_space<hbm>>) target(%arg9 : memref<128x128xf32, #tpu.memory_space<vmem>>) offsets(%dma_start3A_128 : memref<128xi32, #tpu.memory_space<vmem>>) semaphore(%arg14 : memref<!tpu.dma_semaphore, #tpu.memory_space<semaphore_mem>>)
      %dma_start3A_132 = arith.constant 0 : i32
      %dma_start3A_133 = arith.constant 1 : i32
      %dma_start3A_134 = arith.constant 0 : i32
      %dma_start3A_135 = tpu.memref_slice %arg6[%dma_start3A_132, %dma_start3A_133, %dma_start3A_134] : memref<1x2x128xi32, #tpu.memory_space<vmem>> -> memref<1x1x128xi32, #tpu.memory_space<vmem>>
      %dma_start3A_136 = tpu.memref_squeeze %dma_start3A_135 : memref<1x1x128xi32, #tpu.memory_space<vmem>> -> memref<128xi32, #tpu.memory_space<vmem>>
      %dma_start3A_137 = arith.constant 0 : i32
      %dma_start3A_138 = arith.constant 0 : i32
      %dma_start3A_139 = tpu.memref_slice %arg2[%dma_start3A_137, %dma_start3A_138] : memref<10000x128xf32, #tpu.memory_space<hbm>> -> memref<10000x128xf32, #tpu.memory_space<hbm>>
      tpu.enqueue_indirect_dma source(%dma_start3A_139 : memref<10000x128xf32, #tpu.memory_space<hbm>>) target(%arg10 : memref<128x128xf32, #tpu.memory_space<vmem>>) offsets(%dma_start3A_136 : memref<128xi32, #tpu.memory_space<vmem>>) semaphore(%arg14 : memref<!tpu.dma_semaphore, #tpu.memory_space<semaphore_mem>>)
      %ge3A_140 = arith.constant 1 : i32
      %ge3A_141 = arith.cmpi sge, %add3A_111, %ge3A_140 : i32
      %convert_element_type3A_142 = arith.extui %ge3A_141 : i1 to i32
      %cond3A_143 = arith.constant 0 : i32
      %cond3A_144 = arith.cmpi ne, %convert_element_type3A_142, %cond3A_143 : i32
      scf.if %cond3A_144 {
        %dma_wait3A_155 = arith.constant 0 : i32
        %dma_wait3A_156 = arith.constant 0 : i32
        %dma_wait3A_157 = arith.constant 0 : i32
        %dma_wait3A_158 = tpu.memref_slice %arg5[%dma_wait3A_155, %dma_wait3A_156, %dma_wait3A_157] : memref<1x2x128xi32, #tpu.memory_space<vmem>> -> memref<1x1x128xi32, #tpu.memory_space<vmem>>
        %dma_wait3A_159 = tpu.memref_squeeze %dma_wait3A_158 : memref<1x1x128xi32, #tpu.memory_space<vmem>> -> memref<128xi32, #tpu.memory_space<vmem>>
        %dma_wait3A_160 = arith.constant 0 : i32
        %dma_wait3A_161 = arith.constant 0 : i32
        %dma_wait3A_162 = tpu.memref_slice %arg2[%dma_wait3A_160, %dma_wait3A_161] : memref<10000x128xf32, #tpu.memory_space<hbm>> -> memref<10000x128xf32, #tpu.memory_space<hbm>>
        tpu.wait_indirect_dma semaphore(%arg13 : memref<!tpu.dma_semaphore, #tpu.memory_space<semaphore_mem>>) src(%dma_wait3A_162 : memref<10000x128xf32, #tpu.memory_space<hbm>>) dst(%arg7 : memref<128x128xf32, #tpu.memory_space<vmem>>)
        %dma_wait3A_163 = arith.constant 0 : i32
        %dma_wait3A_164 = arith.constant 1 : i32
        %dma_wait3A_165 = arith.constant 0 : i32
        %dma_wait3A_166 = tpu.memref_slice %arg5[%dma_wait3A_163, %dma_wait3A_164, %dma_wait3A_165] : memref<1x2x128xi32, #tpu.memory_space<vmem>> -> memref<1x1x128xi32, #tpu.memory_space<vmem>>
        %dma_wait3A_167 = tpu.memref_squeeze %dma_wait3A_166 : memref<1x1x128xi32, #tpu.memory_space<vmem>> -> memref<128xi32, #tpu.memory_space<vmem>>
        %dma_wait3A_168 = arith.constant 0 : i32
        %dma_wait3A_169 = arith.constant 0 : i32
        %dma_wait3A_170 = tpu.memref_slice %arg2[%dma_wait3A_168, %dma_wait3A_169] : memref<10000x128xf32, #tpu.memory_space<hbm>> -> memref<10000x128xf32, #tpu.memory_space<hbm>>
        tpu.wait_indirect_dma semaphore(%arg13 : memref<!tpu.dma_semaphore, #tpu.memory_space<semaphore_mem>>) src(%dma_wait3A_170 : memref<10000x128xf32, #tpu.memory_space<hbm>>) dst(%arg8 : memref<128x128xf32, #tpu.memory_space<vmem>>)
        %scan3A_171 = arith.constant 0 : i32
        %scan3A_172 = arith.constant 0 : i32
        %scan3A_173 = arith.constant 128 : i32
        %scan3A_174 = arith.addi %scan3A_172, %scan3A_173 : i32
        %scan3A_175 = arith.constant 4 : i32
        scf.for %scan3A_185 = %scan3A_172 to %scan3A_174 step %scan3A_175  : i32 {
          %get3A = arith.index_cast %scan3A_185 : i32 to index
          %get3A_186 = arith.constant 0 : index
          %get3A_187 = tpu.vector_load %arg7[%get3A, %get3A_186] {strides = array<i32>} : memref<128x128xf32, #tpu.memory_space<vmem>>, vector<1x16xf32>,
          %get3A_188 = vector.shape_cast %get3A_187 : vector<1x16xf32> to vector<16xf32>
          %get3A_189 = arith.index_cast %scan3A_185 : i32 to index
          %get3A_190 = arith.constant 64 : index
          %get3A_191 = tpu.vector_load %arg8[%get3A_189, %get3A_190] {strides = array<i32>} : memref<128x128xf32, #tpu.memory_space<vmem>>, vector<1x16xf32>,
          %get3A_192 = vector.shape_cast %get3A_191 : vector<1x16xf32> to vector<16xf32>
          %add3A_193 = arith.addf %get3A_188, %get3A_192 : vector<16xf32>
          %swap3A = arith.index_cast %scan3A_185 : i32 to index
          %swap3A_194 = arith.constant 0 : index
          %swap3A_195 = tpu.vector_load %arg7[%swap3A, %swap3A_194] {strides = array<i32>} : memref<128x128xf32, #tpu.memory_space<vmem>>, vector<1x16xf32>,
          %swap3A_196 = vector.shape_cast %swap3A_195 : vector<1x16xf32> to vector<16xf32>
          %swap3A_197 = vector.shape_cast %add3A_193 : vector<16xf32> to vector<1x16xf32>
          tpu.vector_store %arg7[%swap3A, %swap3A_194], %swap3A_197 {strides = array<i32>} : memref<128x128xf32, #tpu.memory_space<vmem>>, vector<1x16xf32>,
          %get3A_198 = arith.index_cast %scan3A_185 : i32 to index
          %get3A_199 = arith.constant 16 : index
          %get3A_200 = tpu.vector_load %arg7[%get3A_198, %get3A_199] {strides = array<i32>} : memref<128x128xf32, #tpu.memory_space<vmem>>, vector<1x16xf32>,
          %get3A_201 = vector.shape_cast %get3A_200 : vector<1x16xf32> to vector<16xf32>
          %get3A_202 = arith.index_cast %scan3A_185 : i32 to index
          %get3A_203 = arith.constant 80 : index
          %get3A_204 = tpu.vector_load %arg8[%get3A_202, %get3A_203] {strides = array<i32>} : memref<128x128xf32, #tpu.memory_space<vmem>>, vector<1x16xf32>,
          %get3A_205 = vector.shape_cast %get3A_204 : vector<1x16xf32> to vector<16xf32>
          %add3A_206 = arith.addf %get3A_201, %get3A_205 : vector<16xf32>
          %swap3A_207 = arith.index_cast %scan3A_185 : i32 to index
          %swap3A_208 = arith.constant 16 : index
          %swap3A_209 = tpu.vector_load %arg7[%swap3A_207, %swap3A_208] {strides = array<i32>} : memref<128x128xf32, #tpu.memory_space<vmem>>, vector<1x16xf32>,
          %swap3A_210 = vector.shape_cast %swap3A_209 : vector<1x16xf32> to vector<16xf32>
          %swap3A_211 = vector.shape_cast %add3A_206 : vector<16xf32> to vector<1x16xf32>
          tpu.vector_store %arg7[%swap3A_207, %swap3A_208], %swap3A_211 {strides = array<i32>} : memref<128x128xf32, #tpu.memory_space<vmem>>, vector<1x16xf32>,
          %get3A_212 = arith.index_cast %scan3A_185 : i32 to index
          %get3A_213 = arith.constant 32 : index
          %get3A_214 = tpu.vector_load %arg7[%get3A_212, %get3A_213] {strides = array<i32>} : memref<128x128xf32, #tpu.memory_space<vmem>>, vector<1x16xf32>,
          %get3A_215 = vector.shape_cast %get3A_214 : vector<1x16xf32> to vector<16xf32>
          %get3A_216 = arith.index_cast %scan3A_185 : i32 to index
          %get3A_217 = arith.constant 96 : index
          %get3A_218 = tpu.vector_load %arg8[%get3A_216, %get3A_217] {strides = array<i32>} : memref<128x128xf32, #tpu.memory_space<vmem>>, vector<1x16xf32>,
          %get3A_219 = vector.shape_cast %get3A_218 : vector<1x16xf32> to vector<16xf32>
          %add3A_220 = arith.addf %get3A_215, %get3A_219 : vector<16xf32>
          %swap3A_221 = arith.index_cast %scan3A_185 : i32 to index
          %swap3A_222 = arith.constant 32 : index
          %swap3A_223 = tpu.vector_load %arg7[%swap3A_221, %swap3A_222] {strides = array<i32>} : memref<128x128xf32, #tpu.memory_space<vmem>>, vector<1x16xf32>,
          %swap3A_224 = vector.shape_cast %swap3A_223 : vector<1x16xf32> to vector<16xf32>
          %swap3A_225 = vector.shape_cast %add3A_220 : vector<16xf32> to vector<1x16xf32>
          tpu.vector_store %arg7[%swap3A_221, %swap3A_222], %swap3A_225 {strides = array<i32>} : memref<128x128xf32, #tpu.memory_space<vmem>>, vector<1x16xf32>,
          %get3A_226 = arith.index_cast %scan3A_185 : i32 to index
          %get3A_227 = arith.constant 48 : index
          %get3A_228 = tpu.vector_load %arg7[%get3A_226, %get3A_227] {strides = array<i32>} : memref<128x128xf32, #tpu.memory_space<vmem>>, vector<1x16xf32>,
          %get3A_229 = vector.shape_cast %get3A_228 : vector<1x16xf32> to vector<16xf32>
          %get3A_230 = arith.index_cast %scan3A_185 : i32 to index
          %get3A_231 = arith.constant 112 : index
          %get3A_232 = tpu.vector_load %arg8[%get3A_230, %get3A_231] {strides = array<i32>} : memref<128x128xf32, #tpu.memory_space<vmem>>, vector<1x16xf32>,
          %get3A_233 = vector.shape_cast %get3A_232 : vector<1x16xf32> to vector<16xf32>
          %add3A_234 = arith.addf %get3A_229, %get3A_233 : vector<16xf32>
          %swap3A_235 = arith.index_cast %scan3A_185 : i32 to index
          %swap3A_236 = arith.constant 48 : index
          %swap3A_237 = tpu.vector_load %arg7[%swap3A_235, %swap3A_236] {strides = array<i32>} : memref<128x128xf32, #tpu.memory_space<vmem>>, vector<1x16xf32>,
          %swap3A_238 = vector.shape_cast %swap3A_237 : vector<1x16xf32> to vector<16xf32>
          %swap3A_239 = vector.shape_cast %add3A_234 : vector<16xf32> to vector<1x16xf32>
          tpu.vector_store %arg7[%swap3A_235, %swap3A_236], %swap3A_239 {strides = array<i32>} : memref<128x128xf32, #tpu.memory_space<vmem>>, vector<1x16xf32>,
          %scan3A_240 = arith.constant 1 : i32
          %scan3A_241 = arith.addi %scan3A_185, %scan3A_240 : i32
          %get3A_242 = arith.index_cast %scan3A_241 : i32 to index
          %get3A_243 = arith.constant 0 : index
          %get3A_244 = tpu.vector_load %arg7[%get3A_242, %get3A_243] {strides = array<i32>} : memref<128x128xf32, #tpu.memory_space<vmem>>, vector<1x16xf32>,
          %get3A_245 = vector.shape_cast %get3A_244 : vector<1x16xf32> to vector<16xf32>
          %get3A_246 = arith.index_cast %scan3A_241 : i32 to index
          %get3A_247 = arith.constant 64 : index
          %get3A_248 = tpu.vector_load %arg8[%get3A_246, %get3A_247] {strides = array<i32>} : memref<128x128xf32, #tpu.memory_space<vmem>>, vector<1x16xf32>,
          %get3A_249 = vector.shape_cast %get3A_248 : vector<1x16xf32> to vector<16xf32>
          %add3A_250 = arith.addf %get3A_245, %get3A_249 : vector<16xf32>
          %swap3A_251 = arith.index_cast %scan3A_241 : i32 to index
          %swap3A_252 = arith.constant 0 : index
          %swap3A_253 = tpu.vector_load %arg7[%swap3A_251, %swap3A_252] {strides = array<i32>} : memref<128x128xf32, #tpu.memory_space<vmem>>, vector<1x16xf32>,
          %swap3A_254 = vector.shape_cast %swap3A_253 : vector<1x16xf32> to vector<16xf32>
          %swap3A_255 = vector.shape_cast %add3A_250 : vector<16xf32> to vector<1x16xf32>
          tpu.vector_store %arg7[%swap3A_251, %swap3A_252], %swap3A_255 {strides = array<i32>} : memref<128x128xf32, #tpu.memory_space<vmem>>, vector<1x16xf32>,
          %get3A_256 = arith.index_cast %scan3A_241 : i32 to index
          %get3A_257 = arith.constant 16 : index
          %get3A_258 = tpu.vector_load %arg7[%get3A_256, %get3A_257] {strides = array<i32>} : memref<128x128xf32, #tpu.memory_space<vmem>>, vector<1x16xf32>,
          %get3A_259 = vector.shape_cast %get3A_258 : vector<1x16xf32> to vector<16xf32>
          %get3A_260 = arith.index_cast %scan3A_241 : i32 to index
          %get3A_261 = arith.constant 80 : index
          %get3A_262 = tpu.vector_load %arg8[%get3A_260, %get3A_261] {strides = array<i32>} : memref<128x128xf32, #tpu.memory_space<vmem>>, vector<1x16xf32>,
          %get3A_263 = vector.shape_cast %get3A_262 : vector<1x16xf32> to vector<16xf32>
          %add3A_264 = arith.addf %get3A_259, %get3A_263 : vector<16xf32>
          %swap3A_265 = arith.index_cast %scan3A_241 : i32 to index
          %swap3A_266 = arith.constant 16 : index
          %swap3A_267 = tpu.vector_load %arg7[%swap3A_265, %swap3A_266] {strides = array<i32>} : memref<128x128xf32, #tpu.memory_space<vmem>>, vector<1x16xf32>,
          %swap3A_268 = vector.shape_cast %swap3A_267 : vector<1x16xf32> to vector<16xf32>
          %swap3A_269 = vector.shape_cast %add3A_264 : vector<16xf32> to vector<1x16xf32>
          tpu.vector_store %arg7[%swap3A_265, %swap3A_266], %swap3A_269 {strides = array<i32>} : memref<128x128xf32, #tpu.memory_space<vmem>>, vector<1x16xf32>,
          %get3A_270 = arith.index_cast %scan3A_241 : i32 to index
          %get3A_271 = arith.constant 32 : index
          %get3A_272 = tpu.vector_load %arg7[%get3A_270, %get3A_271] {strides = array<i32>} : memref<128x128xf32, #tpu.memory_space<vmem>>, vector<1x16xf32>,
          %get3A_273 = vector.shape_cast %get3A_272 : vector<1x16xf32> to vector<16xf32>
          %get3A_274 = arith.index_cast %scan3A_241 : i32 to index
          %get3A_275 = arith.constant 96 : index
          %get3A_276 = tpu.vector_load %arg8[%get3A_274, %get3A_275] {strides = array<i32>} : memref<128x128xf32, #tpu.memory_space<vmem>>, vector<1x16xf32>,
          %get3A_277 = vector.shape_cast %get3A_276 : vector<1x16xf32> to vector<16xf32>
          %add3A_278 = arith.addf %get3A_273, %get3A_277 : vector<16xf32>
          %swap3A_279 = arith.index_cast %scan3A_241 : i32 to index
          %swap3A_280 = arith.constant 32 : index
          %swap3A_281 = tpu.vector_load %arg7[%swap3A_279, %swap3A_280] {strides = array<i32>} : memref<128x128xf32, #tpu.memory_space<vmem>>, vector<1x16xf32>,
          %swap3A_282 = vector.shape_cast %swap3A_281 : vector<1x16xf32> to vector<16xf32>
          %swap3A_283 = vector.shape_cast %add3A_278 : vector<16xf32> to vector<1x16xf32>
          tpu.vector_store %arg7[%swap3A_279, %swap3A_280], %swap3A_283 {strides = array<i32>} : memref<128x128xf32, #tpu.memory_space<vmem>>, vector<1x16xf32>,
          %get3A_284 = arith.index_cast %scan3A_241 : i32 to index
          %get3A_285 = arith.constant 48 : index
          %get3A_286 = tpu.vector_load %arg7[%get3A_284, %get3A_285] {strides = array<i32>} : memref<128x128xf32, #tpu.memory_space<vmem>>, vector<1x16xf32>,
          %get3A_287 = vector.shape_cast %get3A_286 : vector<1x16xf32> to vector<16xf32>
          %get3A_288 = arith.index_cast %scan3A_241 : i32 to index
          %get3A_289 = arith.constant 112 : index
          %get3A_290 = tpu.vector_load %arg8[%get3A_288, %get3A_289] {strides = array<i32>} : memref<128x128xf32, #tpu.memory_space<vmem>>, vector<1x16xf32>,
          %get3A_291 = vector.shape_cast %get3A_290 : vector<1x16xf32> to vector<16xf32>
          %add3A_292 = arith.addf %get3A_287, %get3A_291 : vector<16xf32>
          %swap3A_293 = arith.index_cast %scan3A_241 : i32 to index
          %swap3A_294 = arith.constant 48 : index
          %swap3A_295 = tpu.vector_load %arg7[%swap3A_293, %swap3A_294] {strides = array<i32>} : memref<128x128xf32, #tpu.memory_space<vmem>>, vector<1x16xf32>,
          %swap3A_296 = vector.shape_cast %swap3A_295 : vector<1x16xf32> to vector<16xf32>
          %swap3A_297 = vector.shape_cast %add3A_292 : vector<16xf32> to vector<1x16xf32>
          tpu.vector_store %arg7[%swap3A_293, %swap3A_294], %swap3A_297 {strides = array<i32>} : memref<128x128xf32, #tpu.memory_space<vmem>>, vector<1x16xf32>,
          %scan3A_298 = arith.constant 2 : i32
          %scan3A_299 = arith.addi %scan3A_185, %scan3A_298 : i32
          %get3A_300 = arith.index_cast %scan3A_299 : i32 to index
          %get3A_301 = arith.constant 0 : index
          %get3A_302 = tpu.vector_load %arg7[%get3A_300, %get3A_301] {strides = array<i32>} : memref<128x128xf32, #tpu.memory_space<vmem>>, vector<1x16xf32>,
          %get3A_303 = vector.shape_cast %get3A_302 : vector<1x16xf32> to vector<16xf32>
          %get3A_304 = arith.index_cast %scan3A_299 : i32 to index
          %get3A_305 = arith.constant 64 : index
          %get3A_306 = tpu.vector_load %arg8[%get3A_304, %get3A_305] {strides = array<i32>} : memref<128x128xf32, #tpu.memory_space<vmem>>, vector<1x16xf32>,
          %get3A_307 = vector.shape_cast %get3A_306 : vector<1x16xf32> to vector<16xf32>
          %add3A_308 = arith.addf %get3A_303, %get3A_307 : vector<16xf32>
          %swap3A_309 = arith.index_cast %scan3A_299 : i32 to index
          %swap3A_310 = arith.constant 0 : index
          %swap3A_311 = tpu.vector_load %arg7[%swap3A_309, %swap3A_310] {strides = array<i32>} : memref<128x128xf32, #tpu.memory_space<vmem>>, vector<1x16xf32>,
          %swap3A_312 = vector.shape_cast %swap3A_311 : vector<1x16xf32> to vector<16xf32>
          %swap3A_313 = vector.shape_cast %add3A_308 : vector<16xf32> to vector<1x16xf32>
          tpu.vector_store %arg7[%swap3A_309, %swap3A_310], %swap3A_313 {strides = array<i32>} : memref<128x128xf32, #tpu.memory_space<vmem>>, vector<1x16xf32>,
          %get3A_314 = arith.index_cast %scan3A_299 : i32 to index
          %get3A_315 = arith.constant 16 : index
          %get3A_316 = tpu.vector_load %arg7[%get3A_314, %get3A_315] {strides = array<i32>} : memref<128x128xf32, #tpu.memory_space<vmem>>, vector<1x16xf32>,
          %get3A_317 = vector.shape_cast %get3A_316 : vector<1x16xf32> to vector<16xf32>
          %get3A_318 = arith.index_cast %scan3A_299 : i32 to index
          %get3A_319 = arith.constant 80 : index
          %get3A_320 = tpu.vector_load %arg8[%get3A_318, %get3A_319] {strides = array<i32>} : memref<128x128xf32, #tpu.memory_space<vmem>>, vector<1x16xf32>,
          %get3A_321 = vector.shape_cast %get3A_320 : vector<1x16xf32> to vector<16xf32>
          %add3A_322 = arith.addf %get3A_317, %get3A_321 : vector<16xf32>
          %swap3A_323 = arith.index_cast %scan3A_299 : i32 to index
          %swap3A_324 = arith.constant 16 : index
          %swap3A_325 = tpu.vector_load %arg7[%swap3A_323, %swap3A_324] {strides = array<i32>} : memref<128x128xf32, #tpu.memory_space<vmem>>, vector<1x16xf32>,
          %swap3A_326 = vector.shape_cast %swap3A_325 : vector<1x16xf32> to vector<16xf32>
          %swap3A_327 = vector.shape_cast %add3A_322 : vector<16xf32> to vector<1x16xf32>
          tpu.vector_store %arg7[%swap3A_323, %swap3A_324], %swap3A_327 {strides = array<i32>} : memref<128x128xf32, #tpu.memory_space<vmem>>, vector<1x16xf32>,
          %get3A_328 = arith.index_cast %scan3A_299 : i32 to index
          %get3A_329 = arith.constant 32 : index
          %get3A_330 = tpu.vector_load %arg7[%get3A_328, %get3A_329] {strides = array<i32>} : memref<128x128xf32, #tpu.memory_space<vmem>>, vector<1x16xf32>,
          %get3A_331 = vector.shape_cast %get3A_330 : vector<1x16xf32> to vector<16xf32>
          %get3A_332 = arith.index_cast %scan3A_299 : i32 to index
          %get3A_333 = arith.constant 96 : index
          %get3A_334 = tpu.vector_load %arg8[%get3A_332, %get3A_333] {strides = array<i32>} : memref<128x128xf32, #tpu.memory_space<vmem>>, vector<1x16xf32>,
          %get3A_335 = vector.shape_cast %get3A_334 : vector<1x16xf32> to vector<16xf32>
          %add3A_336 = arith.addf %get3A_331, %get3A_335 : vector<16xf32>
          %swap3A_337 = arith.index_cast %scan3A_299 : i32 to index
          %swap3A_338 = arith.constant 32 : index
          %swap3A_339 = tpu.vector_load %arg7[%swap3A_337, %swap3A_338] {strides = array<i32>} : memref<128x128xf32, #tpu.memory_space<vmem>>, vector<1x16xf32>,
          %swap3A_340 = vector.shape_cast %swap3A_339 : vector<1x16xf32> to vector<16xf32>
          %swap3A_341 = vector.shape_cast %add3A_336 : vector<16xf32> to vector<1x16xf32>
          tpu.vector_store %arg7[%swap3A_337, %swap3A_338], %swap3A_341 {strides = array<i32>} : memref<128x128xf32, #tpu.memory_space<vmem>>, vector<1x16xf32>,
          %get3A_342 = arith.index_cast %scan3A_299 : i32 to index
          %get3A_343 = arith.constant 48 : index
          %get3A_344 = tpu.vector_load %arg7[%get3A_342, %get3A_343] {strides = array<i32>} : memref<128x128xf32, #tpu.memory_space<vmem>>, vector<1x16xf32>,
          %get3A_345 = vector.shape_cast %get3A_344 : vector<1x16xf32> to vector<16xf32>
          %get3A_346 = arith.index_cast %scan3A_299 : i32 to index
          %get3A_347 = arith.constant 112 : index
          %get3A_348 = tpu.vector_load %arg8[%get3A_346, %get3A_347] {strides = array<i32>} : memref<128x128xf32, #tpu.memory_space<vmem>>, vector<1x16xf32>,
          %get3A_349 = vector.shape_cast %get3A_348 : vector<1x16xf32> to vector<16xf32>
          %add3A_350 = arith.addf %get3A_345, %get3A_349 : vector<16xf32>
          %swap3A_351 = arith.index_cast %scan3A_299 : i32 to index
          %swap3A_352 = arith.constant 48 : index
          %swap3A_353 = tpu.vector_load %arg7[%swap3A_351, %swap3A_352] {strides = array<i32>} : memref<128x128xf32, #tpu.memory_space<vmem>>, vector<1x16xf32>,
          %swap3A_354 = vector.shape_cast %swap3A_353 : vector<1x16xf32> to vector<16xf32>
          %swap3A_355 = vector.shape_cast %add3A_350 : vector<16xf32> to vector<1x16xf32>
          tpu.vector_store %arg7[%swap3A_351, %swap3A_352], %swap3A_355 {strides = array<i32>} : memref<128x128xf32, #tpu.memory_space<vmem>>, vector<1x16xf32>,
          %scan3A_356 = arith.constant 3 : i32
          %scan3A_357 = arith.addi %scan3A_185, %scan3A_356 : i32
          %get3A_358 = arith.index_cast %scan3A_357 : i32 to index
          %get3A_359 = arith.constant 0 : index
          %get3A_360 = tpu.vector_load %arg7[%get3A_358, %get3A_359] {strides = array<i32>} : memref<128x128xf32, #tpu.memory_space<vmem>>, vector<1x16xf32>,
          %get3A_361 = vector.shape_cast %get3A_360 : vector<1x16xf32> to vector<16xf32>
          %get3A_362 = arith.index_cast %scan3A_357 : i32 to index
          %get3A_363 = arith.constant 64 : index
          %get3A_364 = tpu.vector_load %arg8[%get3A_362, %get3A_363] {strides = array<i32>} : memref<128x128xf32, #tpu.memory_space<vmem>>, vector<1x16xf32>,
          %get3A_365 = vector.shape_cast %get3A_364 : vector<1x16xf32> to vector<16xf32>
          %add3A_366 = arith.addf %get3A_361, %get3A_365 : vector<16xf32>
          %swap3A_367 = arith.index_cast %scan3A_357 : i32 to index
          %swap3A_368 = arith.constant 0 : index
          %swap3A_369 = tpu.vector_load %arg7[%swap3A_367, %swap3A_368] {strides = array<i32>} : memref<128x128xf32, #tpu.memory_space<vmem>>, vector<1x16xf32>,
          %swap3A_370 = vector.shape_cast %swap3A_369 : vector<1x16xf32> to vector<16xf32>
          %swap3A_371 = vector.shape_cast %add3A_366 : vector<16xf32> to vector<1x16xf32>
          tpu.vector_store %arg7[%swap3A_367, %swap3A_368], %swap3A_371 {strides = array<i32>} : memref<128x128xf32, #tpu.memory_space<vmem>>, vector<1x16xf32>,
          %get3A_372 = arith.index_cast %scan3A_357 : i32 to index
          %get3A_373 = arith.constant 16 : index
          %get3A_374 = tpu.vector_load %arg7[%get3A_372, %get3A_373] {strides = array<i32>} : memref<128x128xf32, #tpu.memory_space<vmem>>, vector<1x16xf32>,
          %get3A_375 = vector.shape_cast %get3A_374 : vector<1x16xf32> to vector<16xf32>
          %get3A_376 = arith.index_cast %scan3A_357 : i32 to index
          %get3A_377 = arith.constant 80 : index
          %get3A_378 = tpu.vector_load %arg8[%get3A_376, %get3A_377] {strides = array<i32>} : memref<128x128xf32, #tpu.memory_space<vmem>>, vector<1x16xf32>,
          %get3A_379 = vector.shape_cast %get3A_378 : vector<1x16xf32> to vector<16xf32>
          %add3A_380 = arith.addf %get3A_375, %get3A_379 : vector<16xf32>
          %swap3A_381 = arith.index_cast %scan3A_357 : i32 to index
          %swap3A_382 = arith.constant 16 : index
          %swap3A_383 = tpu.vector_load %arg7[%swap3A_381, %swap3A_382] {strides = array<i32>} : memref<128x128xf32, #tpu.memory_space<vmem>>, vector<1x16xf32>,
          %swap3A_384 = vector.shape_cast %swap3A_383 : vector<1x16xf32> to vector<16xf32>
          %swap3A_385 = vector.shape_cast %add3A_380 : vector<16xf32> to vector<1x16xf32>
          tpu.vector_store %arg7[%swap3A_381, %swap3A_382], %swap3A_385 {strides = array<i32>} : memref<128x128xf32, #tpu.memory_space<vmem>>, vector<1x16xf32>,
          %get3A_386 = arith.index_cast %scan3A_357 : i32 to index
          %get3A_387 = arith.constant 32 : index
          %get3A_388 = tpu.vector_load %arg7[%get3A_386, %get3A_387] {strides = array<i32>} : memref<128x128xf32, #tpu.memory_space<vmem>>, vector<1x16xf32>,
          %get3A_389 = vector.shape_cast %get3A_388 : vector<1x16xf32> to vector<16xf32>
          %get3A_390 = arith.index_cast %scan3A_357 : i32 to index
          %get3A_391 = arith.constant 96 : index
          %get3A_392 = tpu.vector_load %arg8[%get3A_390, %get3A_391] {strides = array<i32>} : memref<128x128xf32, #tpu.memory_space<vmem>>, vector<1x16xf32>,
          %get3A_393 = vector.shape_cast %get3A_392 : vector<1x16xf32> to vector<16xf32>
          %add3A_394 = arith.addf %get3A_389, %get3A_393 : vector<16xf32>
          %swap3A_395 = arith.index_cast %scan3A_357 : i32 to index
          %swap3A_396 = arith.constant 32 : index
          %swap3A_397 = tpu.vector_load %arg7[%swap3A_395, %swap3A_396] {strides = array<i32>} : memref<128x128xf32, #tpu.memory_space<vmem>>, vector<1x16xf32>,
          %swap3A_398 = vector.shape_cast %swap3A_397 : vector<1x16xf32> to vector<16xf32>
          %swap3A_399 = vector.shape_cast %add3A_394 : vector<16xf32> to vector<1x16xf32>
          tpu.vector_store %arg7[%swap3A_395, %swap3A_396], %swap3A_399 {strides = array<i32>} : memref<128x128xf32, #tpu.memory_space<vmem>>, vector<1x16xf32>,
          %get3A_400 = arith.index_cast %scan3A_357 : i32 to index
          %get3A_401 = arith.constant 48 : index
          %get3A_402 = tpu.vector_load %arg7[%get3A_400, %get3A_401] {strides = array<i32>} : memref<128x128xf32, #tpu.memory_space<vmem>>, vector<1x16xf32>,
          %get3A_403 = vector.shape_cast %get3A_402 : vector<1x16xf32> to vector<16xf32>
          %get3A_404 = arith.index_cast %scan3A_357 : i32 to index
          %get3A_405 = arith.constant 112 : index
          %get3A_406 = tpu.vector_load %arg8[%get3A_404, %get3A_405] {strides = array<i32>} : memref<128x128xf32, #tpu.memory_space<vmem>>, vector<1x16xf32>,
          %get3A_407 = vector.shape_cast %get3A_406 : vector<1x16xf32> to vector<16xf32>
          %add3A_408 = arith.addf %get3A_403, %get3A_407 : vector<16xf32>
          %swap3A_409 = arith.index_cast %scan3A_357 : i32 to index
          %swap3A_410 = arith.constant 48 : index
          %swap3A_411 = tpu.vector_load %arg7[%swap3A_409, %swap3A_410] {strides = array<i32>} : memref<128x128xf32, #tpu.memory_space<vmem>>, vector<1x16xf32>,
          %swap3A_412 = vector.shape_cast %swap3A_411 : vector<1x16xf32> to vector<16xf32>
          %swap3A_413 = vector.shape_cast %add3A_408 : vector<16xf32> to vector<1x16xf32>
          tpu.vector_store %arg7[%swap3A_409, %swap3A_410], %swap3A_413 {strides = array<i32>} : memref<128x128xf32, #tpu.memory_space<vmem>>, vector<1x16xf32>,
        }
        %scan3A_176 = arith.constant 128 : i32
        %sub3A_177 = arith.constant 1 : i32
        %sub3A_178 = arith.subi %add3A_112, %sub3A_177 : i32
        %mul3A_179 = arith.constant 128 : i32
        %mul3A_180 = arith.muli %sub3A_178, %mul3A_179 : i32
        %dma_start3A_181 = arith.constant 0 : i32
        %dma_start3A_182 = tpu.memref_slice %arg4[%mul3A_180, %dma_start3A_181] : memref<327680x128xf32, #tpu.memory_space<hbm>> -> memref<128x128xf32, #tpu.memory_space<hbm>>
        %dma_start3A_183 = arith.constant 0 : i32
        %dma_start3A_184 = tpu.memref_slice %arg4[%mul3A_180, %dma_start3A_183] : memref<327680x128xf32, #tpu.memory_space<hbm>> -> memref<128x128xf32, #tpu.memory_space<hbm>>
        tpu.enqueue_dma source(%arg7 : memref<128x128xf32, #tpu.memory_space<vmem>>) target(%dma_start3A_184 : memref<128x128xf32, #tpu.memory_space<hbm>>) target_semaphore(%arg15 : memref<!tpu.dma_semaphore, #tpu.memory_space<semaphore_mem>>)
      } else {
      }
      %ge3A_145 = arith.constant 1 : i32
      %ge3A_146 = arith.cmpi sge, %add3A_111, %ge3A_145 : i32
      %add3A_147 = arith.constant 1 : i32
      %add3A_148 = arith.addi %add3A_111, %add3A_147 : i32
      %lt3A_149 = arith.constant 80 : i32
      %lt3A_150 = arith.cmpi slt, %add3A_148, %lt3A_149 : i32
      %and3A_151 = arith.andi %ge3A_146, %lt3A_150 : i1
      %convert_element_type3A_152 = arith.extui %and3A_151 : i1 to i32
      %cond3A_153 = arith.constant 0 : i32
      %cond3A_154 = arith.cmpi ne, %convert_element_type3A_152, %cond3A_153 : i32
      scf.if %cond3A_154 {
        %add3A_155 = arith.constant 1 : i32
        %add3A_156 = arith.addi %add3A_112, %add3A_155 : i32
        %dma_start3A_157 = arith.constant 0 : i32
        %dma_start3A_158 = arith.constant 0 : i32
        %dma_start3A_159 = tpu.memref_slice %arg3[%add3A_156, %dma_start3A_157, %dma_start3A_158] : memref<2560x2x128xi32, #tpu.memory_space<hbm>> -> memref<1x2x128xi32, #tpu.memory_space<hbm>>
        %dma_start3A_160 = arith.constant 0 : i32
        %dma_start3A_161 = arith.constant 0 : i32
        %dma_start3A_162 = tpu.memref_slice %arg3[%add3A_156, %dma_start3A_160, %dma_start3A_161] : memref<2560x2x128xi32, #tpu.memory_space<hbm>> -> memref<1x2x128xi32, #tpu.memory_space<hbm>>
        tpu.enqueue_dma source(%dma_start3A_162 : memref<1x2x128xi32, #tpu.memory_space<hbm>>) target(%arg5 : memref<1x2x128xi32, #tpu.memory_space<vmem>>) target_semaphore(%arg11 : memref<!tpu.dma_semaphore, #tpu.memory_space<semaphore_mem>>)
      } else {
      }
    }
    %scan3A_20 = arith.constant 40 : i32
    %add3A_21 = arith.constant 80 : i32
    %add3A_22 = arith.addi %mul3A_2, %add3A_21 : i32
    %sub3A = arith.constant 1 : i32
    %sub3A_23 = arith.subi %add3A_22, %sub3A : i32
    %dma_wait3A = arith.constant 0 : i32
    %dma_wait3A_24 = arith.constant 0 : i32
    %dma_wait3A_25 = arith.constant 0 : i32
    %dma_wait3A_26 = tpu.memref_slice %arg6[%dma_wait3A, %dma_wait3A_24, %dma_wait3A_25] : memref<1x2x128xi32, #tpu.memory_space<vmem>> -> memref<1x1x128xi32, #tpu.memory_space<vmem>>
    %dma_wait3A_27 = tpu.memref_squeeze %dma_wait3A_26 : memref<1x1x128xi32, #tpu.memory_space<vmem>> -> memref<128xi32, #tpu.memory_space<vmem>>
    %dma_wait3A_28 = arith.constant 0 : i32
    %dma_wait3A_29 = arith.constant 0 : i32
    %dma_wait3A_30 = tpu.memref_slice %arg2[%dma_wait3A_28, %dma_wait3A_29] : memref<10000x128xf32, #tpu.memory_space<hbm>> -> memref<10000x128xf32, #tpu.memory_space<hbm>>
    tpu.wait_indirect_dma semaphore(%arg14 : memref<!tpu.dma_semaphore, #tpu.memory_space<semaphore_mem>>) src(%dma_wait3A_30 : memref<10000x128xf32, #tpu.memory_space<hbm>>) dst(%arg9 : memref<128x128xf32, #tpu.memory_space<vmem>>)
    %dma_wait3A_31 = arith.constant 0 : i32
    %dma_wait3A_32 = arith.constant 1 : i32
    %dma_wait3A_33 = arith.constant 0 : i32
    %dma_wait3A_34 = tpu.memref_slice %arg6[%dma_wait3A_31, %dma_wait3A_32, %dma_wait3A_33] : memref<1x2x128xi32, #tpu.memory_space<vmem>> -> memref<1x1x128xi32, #tpu.memory_space<vmem>>
    %dma_wait3A_35 = tpu.memref_squeeze %dma_wait3A_34 : memref<1x1x128xi32, #tpu.memory_space<vmem>> -> memref<128xi32, #tpu.memory_space<vmem>>
    %dma_wait3A_36 = arith.constant 0 : i32
    %dma_wait3A_37 = arith.constant 0 : i32
    %dma_wait3A_38 = tpu.memref_slice %arg2[%dma_wait3A_36, %dma_wait3A_37] : memref<10000x128xf32, #tpu.memory_space<hbm>> -> memref<10000x128xf32, #tpu.memory_space<hbm>>
    tpu.wait_indirect_dma semaphore(%arg14 : memref<!tpu.dma_semaphore, #tpu.memory_space<semaphore_mem>>) src(%dma_wait3A_38 : memref<10000x128xf32, #tpu.memory_space<hbm>>) dst(%arg10 : memref<128x128xf32, #tpu.memory_space<vmem>>)
    %scan3A_39 = arith.constant 0 : i32
    %scan3A_40 = arith.constant 0 : i32
    %scan3A_41 = arith.constant 128 : i32
    %scan3A_42 = arith.addi %scan3A_40, %scan3A_41 : i32
    %scan3A_43 = arith.constant 4 : i32
    scf.for %scan3A_65 = %scan3A_40 to %scan3A_42 step %scan3A_43  : i32 {
      %get3A = arith.index_cast %scan3A_65 : i32 to index
      %get3A_66 = arith.constant 0 : index
      %get3A_67 = tpu.vector_load %arg9[%get3A, %get3A_66] {strides = array<i32>} : memref<128x128xf32, #tpu.memory_space<vmem>>, vector<1x16xf32>,
      %get3A_68 = vector.shape_cast %get3A_67 : vector<1x16xf32> to vector<16xf32>
      %get3A_69 = arith.index_cast %scan3A_65 : i32 to index
      %get3A_70 = arith.constant 64 : index
      %get3A_71 = tpu.vector_load %arg10[%get3A_69, %get3A_70] {strides = array<i32>} : memref<128x128xf32, #tpu.memory_space<vmem>>, vector<1x16xf32>,
      %get3A_72 = vector.shape_cast %get3A_71 : vector<1x16xf32> to vector<16xf32>
      %add3A_73 = arith.addf %get3A_68, %get3A_72 : vector<16xf32>
      %swap3A = arith.index_cast %scan3A_65 : i32 to index
      %swap3A_74 = arith.constant 0 : index
      %swap3A_75 = tpu.vector_load %arg9[%swap3A, %swap3A_74] {strides = array<i32>} : memref<128x128xf32, #tpu.memory_space<vmem>>, vector<1x16xf32>,
      %swap3A_76 = vector.shape_cast %swap3A_75 : vector<1x16xf32> to vector<16xf32>
      %swap3A_77 = vector.shape_cast %add3A_73 : vector<16xf32> to vector<1x16xf32>
      tpu.vector_store %arg9[%swap3A, %swap3A_74], %swap3A_77 {strides = array<i32>} : memref<128x128xf32, #tpu.memory_space<vmem>>, vector<1x16xf32>,
      %get3A_78 = arith.index_cast %scan3A_65 : i32 to index
      %get3A_79 = arith.constant 16 : index
      %get3A_80 = tpu.vector_load %arg9[%get3A_78, %get3A_79] {strides = array<i32>} : memref<128x128xf32, #tpu.memory_space<vmem>>, vector<1x16xf32>,
      %get3A_81 = vector.shape_cast %get3A_80 : vector<1x16xf32> to vector<16xf32>
      %get3A_82 = arith.index_cast %scan3A_65 : i32 to index
      %get3A_83 = arith.constant 80 : index
      %get3A_84 = tpu.vector_load %arg10[%get3A_82, %get3A_83] {strides = array<i32>} : memref<128x128xf32, #tpu.memory_space<vmem>>, vector<1x16xf32>,
      %get3A_85 = vector.shape_cast %get3A_84 : vector<1x16xf32> to vector<16xf32>
      %add3A_86 = arith.addf %get3A_81, %get3A_85 : vector<16xf32>
      %swap3A_87 = arith.index_cast %scan3A_65 : i32 to index
      %swap3A_88 = arith.constant 16 : index
      %swap3A_89 = tpu.vector_load %arg9[%swap3A_87, %swap3A_88] {strides = array<i32>} : memref<128x128xf32, #tpu.memory_space<vmem>>, vector<1x16xf32>,
      %swap3A_90 = vector.shape_cast %swap3A_89 : vector<1x16xf32> to vector<16xf32>
      %swap3A_91 = vector.shape_cast %add3A_86 : vector<16xf32> to vector<1x16xf32>
      tpu.vector_store %arg9[%swap3A_87, %swap3A_88], %swap3A_91 {strides = array<i32>} : memref<128x128xf32, #tpu.memory_space<vmem>>, vector<1x16xf32>,
      %get3A_92 = arith.index_cast %scan3A_65 : i32 to index
      %get3A_93 = arith.constant 32 : index
      %get3A_94 = tpu.vector_load %arg9[%get3A_92, %get3A_93] {strides = array<i32>} : memref<128x128xf32, #tpu.memory_space<vmem>>, vector<1x16xf32>,
      %get3A_95 = vector.shape_cast %get3A_94 : vector<1x16xf32> to vector<16xf32>
      %get3A_96 = arith.index_cast %scan3A_65 : i32 to index
      %get3A_97 = arith.constant 96 : index
      %get3A_98 = tpu.vector_load %arg10[%get3A_96, %get3A_97] {strides = array<i32>} : memref<128x128xf32, #tpu.memory_space<vmem>>, vector<1x16xf32>,
      %get3A_99 = vector.shape_cast %get3A_98 : vector<1x16xf32> to vector<16xf32>
      %add3A_100 = arith.addf %get3A_95, %get3A_99 : vector<16xf32>
      %swap3A_101 = arith.index_cast %scan3A_65 : i32 to index
      %swap3A_102 = arith.constant 32 : index
      %swap3A_103 = tpu.vector_load %arg9[%swap3A_101, %swap3A_102] {strides = array<i32>} : memref<128x128xf32, #tpu.memory_space<vmem>>, vector<1x16xf32>,
      %swap3A_104 = vector.shape_cast %swap3A_103 : vector<1x16xf32> to vector<16xf32>
      %swap3A_105 = vector.shape_cast %add3A_100 : vector<16xf32> to vector<1x16xf32>
      tpu.vector_store %arg9[%swap3A_101, %swap3A_102], %swap3A_105 {strides = array<i32>} : memref<128x128xf32, #tpu.memory_space<vmem>>, vector<1x16xf32>,
      %get3A_106 = arith.index_cast %scan3A_65 : i32 to index
      %get3A_107 = arith.constant 48 : index
      %get3A_108 = tpu.vector_load %arg9[%get3A_106, %get3A_107] {strides = array<i32>} : memref<128x128xf32, #tpu.memory_space<vmem>>, vector<1x16xf32>,
      %get3A_109 = vector.shape_cast %get3A_108 : vector<1x16xf32> to vector<16xf32>
      %get3A_110 = arith.index_cast %scan3A_65 : i32 to index
      %get3A_111 = arith.constant 112 : index
      %get3A_112 = tpu.vector_load %arg10[%get3A_110, %get3A_111] {strides = array<i32>} : memref<128x128xf32, #tpu.memory_space<vmem>>, vector<1x16xf32>,
      %get3A_113 = vector.shape_cast %get3A_112 : vector<1x16xf32> to vector<16xf32>
      %add3A_114 = arith.addf %get3A_109, %get3A_113 : vector<16xf32>
      %swap3A_115 = arith.index_cast %scan3A_65 : i32 to index
      %swap3A_116 = arith.constant 48 : index
      %swap3A_117 = tpu.vector_load %arg9[%swap3A_115, %swap3A_116] {strides = array<i32>} : memref<128x128xf32, #tpu.memory_space<vmem>>, vector<1x16xf32>,
      %swap3A_118 = vector.shape_cast %swap3A_117 : vector<1x16xf32> to vector<16xf32>
      %swap3A_119 = vector.shape_cast %add3A_114 : vector<16xf32> to vector<1x16xf32>
      tpu.vector_store %arg9[%swap3A_115, %swap3A_116], %swap3A_119 {strides = array<i32>} : memref<128x128xf32, #tpu.memory_space<vmem>>, vector<1x16xf32>,
      %scan3A_120 = arith.constant 1 : i32
      %scan3A_121 = arith.addi %scan3A_65, %scan3A_120 : i32
      %get3A_122 = arith.index_cast %scan3A_121 : i32 to index
      %get3A_123 = arith.constant 0 : index
      %get3A_124 = tpu.vector_load %arg9[%get3A_122, %get3A_123] {strides = array<i32>} : memref<128x128xf32, #tpu.memory_space<vmem>>, vector<1x16xf32>,
      %get3A_125 = vector.shape_cast %get3A_124 : vector<1x16xf32> to vector<16xf32>
      %get3A_126 = arith.index_cast %scan3A_121 : i32 to index
      %get3A_127 = arith.constant 64 : index
      %get3A_128 = tpu.vector_load %arg10[%get3A_126, %get3A_127] {strides = array<i32>} : memref<128x128xf32, #tpu.memory_space<vmem>>, vector<1x16xf32>,
      %get3A_129 = vector.shape_cast %get3A_128 : vector<1x16xf32> to vector<16xf32>
      %add3A_130 = arith.addf %get3A_125, %get3A_129 : vector<16xf32>
      %swap3A_131 = arith.index_cast %scan3A_121 : i32 to index
      %swap3A_132 = arith.constant 0 : index
      %swap3A_133 = tpu.vector_load %arg9[%swap3A_131, %swap3A_132] {strides = array<i32>} : memref<128x128xf32, #tpu.memory_space<vmem>>, vector<1x16xf32>,
      %swap3A_134 = vector.shape_cast %swap3A_133 : vector<1x16xf32> to vector<16xf32>
      %swap3A_135 = vector.shape_cast %add3A_130 : vector<16xf32> to vector<1x16xf32>
      tpu.vector_store %arg9[%swap3A_131, %swap3A_132], %swap3A_135 {strides = array<i32>} : memref<128x128xf32, #tpu.memory_space<vmem>>, vector<1x16xf32>,
      %get3A_136 = arith.index_cast %scan3A_121 : i32 to index
      %get3A_137 = arith.constant 16 : index
      %get3A_138 = tpu.vector_load %arg9[%get3A_136, %get3A_137] {strides = array<i32>} : memref<128x128xf32, #tpu.memory_space<vmem>>, vector<1x16xf32>,
      %get3A_139 = vector.shape_cast %get3A_138 : vector<1x16xf32> to vector<16xf32>
      %get3A_140 = arith.index_cast %scan3A_121 : i32 to index
      %get3A_141 = arith.constant 80 : index
      %get3A_142 = tpu.vector_load %arg10[%get3A_140, %get3A_141] {strides = array<i32>} : memref<128x128xf32, #tpu.memory_space<vmem>>, vector<1x16xf32>,
      %get3A_143 = vector.shape_cast %get3A_142 : vector<1x16xf32> to vector<16xf32>
      %add3A_144 = arith.addf %get3A_139, %get3A_143 : vector<16xf32>
      %swap3A_145 = arith.index_cast %scan3A_121 : i32 to index
      %swap3A_146 = arith.constant 16 : index
      %swap3A_147 = tpu.vector_load %arg9[%swap3A_145, %swap3A_146] {strides = array<i32>} : memref<128x128xf32, #tpu.memory_space<vmem>>, vector<1x16xf32>,
      %swap3A_148 = vector.shape_cast %swap3A_147 : vector<1x16xf32> to vector<16xf32>
      %swap3A_149 = vector.shape_cast %add3A_144 : vector<16xf32> to vector<1x16xf32>
      tpu.vector_store %arg9[%swap3A_145, %swap3A_146], %swap3A_149 {strides = array<i32>} : memref<128x128xf32, #tpu.memory_space<vmem>>, vector<1x16xf32>,
      %get3A_150 = arith.index_cast %scan3A_121 : i32 to index
      %get3A_151 = arith.constant 32 : index
      %get3A_152 = tpu.vector_load %arg9[%get3A_150, %get3A_151] {strides = array<i32>} : memref<128x128xf32, #tpu.memory_space<vmem>>, vector<1x16xf32>,
      %get3A_153 = vector.shape_cast %get3A_152 : vector<1x16xf32> to vector<16xf32>
      %get3A_154 = arith.index_cast %scan3A_121 : i32 to index
      %get3A_155 = arith.constant 96 : index
      %get3A_156 = tpu.vector_load %arg10[%get3A_154, %get3A_155] {strides = array<i32>} : memref<128x128xf32, #tpu.memory_space<vmem>>, vector<1x16xf32>,
      %get3A_157 = vector.shape_cast %get3A_156 : vector<1x16xf32> to vector<16xf32>
      %add3A_158 = arith.addf %get3A_153, %get3A_157 : vector<16xf32>
      %swap3A_159 = arith.index_cast %scan3A_121 : i32 to index
      %swap3A_160 = arith.constant 32 : index
      %swap3A_161 = tpu.vector_load %arg9[%swap3A_159, %swap3A_160] {strides = array<i32>} : memref<128x128xf32, #tpu.memory_space<vmem>>, vector<1x16xf32>,
      %swap3A_162 = vector.shape_cast %swap3A_161 : vector<1x16xf32> to vector<16xf32>
      %swap3A_163 = vector.shape_cast %add3A_158 : vector<16xf32> to vector<1x16xf32>
      tpu.vector_store %arg9[%swap3A_159, %swap3A_160], %swap3A_163 {strides = array<i32>} : memref<128x128xf32, #tpu.memory_space<vmem>>, vector<1x16xf32>,
      %get3A_164 = arith.index_cast %scan3A_121 : i32 to index
      %get3A_165 = arith.constant 48 : index
      %get3A_166 = tpu.vector_load %arg9[%get3A_164, %get3A_165] {strides = array<i32>} : memref<128x128xf32, #tpu.memory_space<vmem>>, vector<1x16xf32>,
      %get3A_167 = vector.shape_cast %get3A_166 : vector<1x16xf32> to vector<16xf32>
      %get3A_168 = arith.index_cast %scan3A_121 : i32 to index
      %get3A_169 = arith.constant 112 : index
      %get3A_170 = tpu.vector_load %arg10[%get3A_168, %get3A_169] {strides = array<i32>} : memref<128x128xf32, #tpu.memory_space<vmem>>, vector<1x16xf32>,
      %get3A_171 = vector.shape_cast %get3A_170 : vector<1x16xf32> to vector<16xf32>
      %add3A_172 = arith.addf %get3A_167, %get3A_171 : vector<16xf32>
      %swap3A_173 = arith.index_cast %scan3A_121 : i32 to index
      %swap3A_174 = arith.constant 48 : index
      %swap3A_175 = tpu.vector_load %arg9[%swap3A_173, %swap3A_174] {strides = array<i32>} : memref<128x128xf32, #tpu.memory_space<vmem>>, vector<1x16xf32>,
      %swap3A_176 = vector.shape_cast %swap3A_175 : vector<1x16xf32> to vector<16xf32>
      %swap3A_177 = vector.shape_cast %add3A_172 : vector<16xf32> to vector<1x16xf32>
      tpu.vector_store %arg9[%swap3A_173, %swap3A_174], %swap3A_177 {strides = array<i32>} : memref<128x128xf32, #tpu.memory_space<vmem>>, vector<1x16xf32>,
      %scan3A_178 = arith.constant 2 : i32
      %scan3A_179 = arith.addi %scan3A_65, %scan3A_178 : i32
      %get3A_180 = arith.index_cast %scan3A_179 : i32 to index
      %get3A_181 = arith.constant 0 : index
      %get3A_182 = tpu.vector_load %arg9[%get3A_180, %get3A_181] {strides = array<i32>} : memref<128x128xf32, #tpu.memory_space<vmem>>, vector<1x16xf32>,
      %get3A_183 = vector.shape_cast %get3A_182 : vector<1x16xf32> to vector<16xf32>
      %get3A_184 = arith.index_cast %scan3A_179 : i32 to index
      %get3A_185 = arith.constant 64 : index
      %get3A_186 = tpu.vector_load %arg10[%get3A_184, %get3A_185] {strides = array<i32>} : memref<128x128xf32, #tpu.memory_space<vmem>>, vector<1x16xf32>,
      %get3A_187 = vector.shape_cast %get3A_186 : vector<1x16xf32> to vector<16xf32>
      %add3A_188 = arith.addf %get3A_183, %get3A_187 : vector<16xf32>
      %swap3A_189 = arith.index_cast %scan3A_179 : i32 to index
      %swap3A_190 = arith.constant 0 : index
      %swap3A_191 = tpu.vector_load %arg9[%swap3A_189, %swap3A_190] {strides = array<i32>} : memref<128x128xf32, #tpu.memory_space<vmem>>, vector<1x16xf32>,
      %swap3A_192 = vector.shape_cast %swap3A_191 : vector<1x16xf32> to vector<16xf32>
      %swap3A_193 = vector.shape_cast %add3A_188 : vector<16xf32> to vector<1x16xf32>
      tpu.vector_store %arg9[%swap3A_189, %swap3A_190], %swap3A_193 {strides = array<i32>} : memref<128x128xf32, #tpu.memory_space<vmem>>, vector<1x16xf32>,
      %get3A_194 = arith.index_cast %scan3A_179 : i32 to index
      %get3A_195 = arith.constant 16 : index
      %get3A_196 = tpu.vector_load %arg9[%get3A_194, %get3A_195] {strides = array<i32>} : memref<128x128xf32, #tpu.memory_space<vmem>>, vector<1x16xf32>,
      %get3A_197 = vector.shape_cast %get3A_196 : vector<1x16xf32> to vector<16xf32>
      %get3A_198 = arith.index_cast %scan3A_179 : i32 to index
      %get3A_199 = arith.constant 80 : index
      %get3A_200 = tpu.vector_load %arg10[%get3A_198, %get3A_199] {strides = array<i32>} : memref<128x128xf32, #tpu.memory_space<vmem>>, vector<1x16xf32>,
      %get3A_201 = vector.shape_cast %get3A_200 : vector<1x16xf32> to vector<16xf32>
      %add3A_202 = arith.addf %get3A_197, %get3A_201 : vector<16xf32>
      %swap3A_203 = arith.index_cast %scan3A_179 : i32 to index
      %swap3A_204 = arith.constant 16 : index
      %swap3A_205 = tpu.vector_load %arg9[%swap3A_203, %swap3A_204] {strides = array<i32>} : memref<128x128xf32, #tpu.memory_space<vmem>>, vector<1x16xf32>,
      %swap3A_206 = vector.shape_cast %swap3A_205 : vector<1x16xf32> to vector<16xf32>
      %swap3A_207 = vector.shape_cast %add3A_202 : vector<16xf32> to vector<1x16xf32>
      tpu.vector_store %arg9[%swap3A_203, %swap3A_204], %swap3A_207 {strides = array<i32>} : memref<128x128xf32, #tpu.memory_space<vmem>>, vector<1x16xf32>,
      %get3A_208 = arith.index_cast %scan3A_179 : i32 to index
      %get3A_209 = arith.constant 32 : index
      %get3A_210 = tpu.vector_load %arg9[%get3A_208, %get3A_209] {strides = array<i32>} : memref<128x128xf32, #tpu.memory_space<vmem>>, vector<1x16xf32>,
      %get3A_211 = vector.shape_cast %get3A_210 : vector<1x16xf32> to vector<16xf32>
      %get3A_212 = arith.index_cast %scan3A_179 : i32 to index
      %get3A_213 = arith.constant 96 : index
      %get3A_214 = tpu.vector_load %arg10[%get3A_212, %get3A_213] {strides = array<i32>} : memref<128x128xf32, #tpu.memory_space<vmem>>, vector<1x16xf32>,
      %get3A_215 = vector.shape_cast %get3A_214 : vector<1x16xf32> to vector<16xf32>
      %add3A_216 = arith.addf %get3A_211, %get3A_215 : vector<16xf32>
      %swap3A_217 = arith.index_cast %scan3A_179 : i32 to index
      %swap3A_218 = arith.constant 32 : index
      %swap3A_219 = tpu.vector_load %arg9[%swap3A_217, %swap3A_218] {strides = array<i32>} : memref<128x128xf32, #tpu.memory_space<vmem>>, vector<1x16xf32>,
      %swap3A_220 = vector.shape_cast %swap3A_219 : vector<1x16xf32> to vector<16xf32>
      %swap3A_221 = vector.shape_cast %add3A_216 : vector<16xf32> to vector<1x16xf32>
      tpu.vector_store %arg9[%swap3A_217, %swap3A_218], %swap3A_221 {strides = array<i32>} : memref<128x128xf32, #tpu.memory_space<vmem>>, vector<1x16xf32>,
      %get3A_222 = arith.index_cast %scan3A_179 : i32 to index
      %get3A_223 = arith.constant 48 : index
      %get3A_224 = tpu.vector_load %arg9[%get3A_222, %get3A_223] {strides = array<i32>} : memref<128x128xf32, #tpu.memory_space<vmem>>, vector<1x16xf32>,
      %get3A_225 = vector.shape_cast %get3A_224 : vector<1x16xf32> to vector<16xf32>
      %get3A_226 = arith.index_cast %scan3A_179 : i32 to index
      %get3A_227 = arith.constant 112 : index
      %get3A_228 = tpu.vector_load %arg10[%get3A_226, %get3A_227] {strides = array<i32>} : memref<128x128xf32, #tpu.memory_space<vmem>>, vector<1x16xf32>,
      %get3A_229 = vector.shape_cast %get3A_228 : vector<1x16xf32> to vector<16xf32>
      %add3A_230 = arith.addf %get3A_225, %get3A_229 : vector<16xf32>
      %swap3A_231 = arith.index_cast %scan3A_179 : i32 to index
      %swap3A_232 = arith.constant 48 : index
      %swap3A_233 = tpu.vector_load %arg9[%swap3A_231, %swap3A_232] {strides = array<i32>} : memref<128x128xf32, #tpu.memory_space<vmem>>, vector<1x16xf32>,
      %swap3A_234 = vector.shape_cast %swap3A_233 : vector<1x16xf32> to vector<16xf32>
      %swap3A_235 = vector.shape_cast %add3A_230 : vector<16xf32> to vector<1x16xf32>
      tpu.vector_store %arg9[%swap3A_231, %swap3A_232], %swap3A_235 {strides = array<i32>} : memref<128x128xf32, #tpu.memory_space<vmem>>, vector<1x16xf32>,
      %scan3A_236 = arith.constant 3 : i32
      %scan3A_237 = arith.addi %scan3A_65, %scan3A_236 : i32
      %get3A_238 = arith.index_cast %scan3A_237 : i32 to index
      %get3A_239 = arith.constant 0 : index
      %get3A_240 = tpu.vector_load %arg9[%get3A_238, %get3A_239] {strides = array<i32>} : memref<128x128xf32, #tpu.memory_space<vmem>>, vector<1x16xf32>,
      %get3A_241 = vector.shape_cast %get3A_240 : vector<1x16xf32> to vector<16xf32>
      %get3A_242 = arith.index_cast %scan3A_237 : i32 to index
      %get3A_243 = arith.constant 64 : index
      %get3A_244 = tpu.vector_load %arg10[%get3A_242, %get3A_243] {strides = array<i32>} : memref<128x128xf32, #tpu.memory_space<vmem>>, vector<1x16xf32>,
      %get3A_245 = vector.shape_cast %get3A_244 : vector<1x16xf32> to vector<16xf32>
      %add3A_246 = arith.addf %get3A_241, %get3A_245 : vector<16xf32>
      %swap3A_247 = arith.index_cast %scan3A_237 : i32 to index
      %swap3A_248 = arith.constant 0 : index
      %swap3A_249 = tpu.vector_load %arg9[%swap3A_247, %swap3A_248] {strides = array<i32>} : memref<128x128xf32, #tpu.memory_space<vmem>>, vector<1x16xf32>,
      %swap3A_250 = vector.shape_cast %swap3A_249 : vector<1x16xf32> to vector<16xf32>
      %swap3A_251 = vector.shape_cast %add3A_246 : vector<16xf32> to vector<1x16xf32>
      tpu.vector_store %arg9[%swap3A_247, %swap3A_248], %swap3A_251 {strides = array<i32>} : memref<128x128xf32, #tpu.memory_space<vmem>>, vector<1x16xf32>,
      %get3A_252 = arith.index_cast %scan3A_237 : i32 to index
      %get3A_253 = arith.constant 16 : index
      %get3A_254 = tpu.vector_load %arg9[%get3A_252, %get3A_253] {strides = array<i32>} : memref<128x128xf32, #tpu.memory_space<vmem>>, vector<1x16xf32>,
      %get3A_255 = vector.shape_cast %get3A_254 : vector<1x16xf32> to vector<16xf32>
      %get3A_256 = arith.index_cast %scan3A_237 : i32 to index
      %get3A_257 = arith.constant 80 : index
      %get3A_258 = tpu.vector_load %arg10[%get3A_256, %get3A_257] {strides = array<i32>} : memref<128x128xf32, #tpu.memory_space<vmem>>, vector<1x16xf32>,
      %get3A_259 = vector.shape_cast %get3A_258 : vector<1x16xf32> to vector<16xf32>
      %add3A_260 = arith.addf %get3A_255, %get3A_259 : vector<16xf32>
      %swap3A_261 = arith.index_cast %scan3A_237 : i32 to index
      %swap3A_262 = arith.constant 16 : index
      %swap3A_263 = tpu.vector_load %arg9[%swap3A_261, %swap3A_262] {strides = array<i32>} : memref<128x128xf32, #tpu.memory_space<vmem>>, vector<1x16xf32>,
      %swap3A_264 = vector.shape_cast %swap3A_263 : vector<1x16xf32> to vector<16xf32>
      %swap3A_265 = vector.shape_cast %add3A_260 : vector<16xf32> to vector<1x16xf32>
      tpu.vector_store %arg9[%swap3A_261, %swap3A_262], %swap3A_265 {strides = array<i32>} : memref<128x128xf32, #tpu.memory_space<vmem>>, vector<1x16xf32>,
      %get3A_266 = arith.index_cast %scan3A_237 : i32 to index
      %get3A_267 = arith.constant 32 : index
      %get3A_268 = tpu.vector_load %arg9[%get3A_266, %get3A_267] {strides = array<i32>} : memref<128x128xf32, #tpu.memory_space<vmem>>, vector<1x16xf32>,
      %get3A_269 = vector.shape_cast %get3A_268 : vector<1x16xf32> to vector<16xf32>
      %get3A_270 = arith.index_cast %scan3A_237 : i32 to index
      %get3A_271 = arith.constant 96 : index
      %get3A_272 = tpu.vector_load %arg10[%get3A_270, %get3A_271] {strides = array<i32>} : memref<128x128xf32, #tpu.memory_space<vmem>>, vector<1x16xf32>,
      %get3A_273 = vector.shape_cast %get3A_272 : vector<1x16xf32> to vector<16xf32>
      %add3A_274 = arith.addf %get3A_269, %get3A_273 : vector<16xf32>
      %swap3A_275 = arith.index_cast %scan3A_237 : i32 to index
      %swap3A_276 = arith.constant 32 : index
      %swap3A_277 = tpu.vector_load %arg9[%swap3A_275, %swap3A_276] {strides = array<i32>} : memref<128x128xf32, #tpu.memory_space<vmem>>, vector<1x16xf32>,
      %swap3A_278 = vector.shape_cast %swap3A_277 : vector<1x16xf32> to vector<16xf32>
      %swap3A_279 = vector.shape_cast %add3A_274 : vector<16xf32> to vector<1x16xf32>
      tpu.vector_store %arg9[%swap3A_275, %swap3A_276], %swap3A_279 {strides = array<i32>} : memref<128x128xf32, #tpu.memory_space<vmem>>, vector<1x16xf32>,
      %get3A_280 = arith.index_cast %scan3A_237 : i32 to index
      %get3A_281 = arith.constant 48 : index
      %get3A_282 = tpu.vector_load %arg9[%get3A_280, %get3A_281] {strides = array<i32>} : memref<128x128xf32, #tpu.memory_space<vmem>>, vector<1x16xf32>,
      %get3A_283 = vector.shape_cast %get3A_282 : vector<1x16xf32> to vector<16xf32>
      %get3A_284 = arith.index_cast %scan3A_237 : i32 to index
      %get3A_285 = arith.constant 112 : index
      %get3A_286 = tpu.vector_load %arg10[%get3A_284, %get3A_285] {strides = array<i32>} : memref<128x128xf32, #tpu.memory_space<vmem>>, vector<1x16xf32>,
      %get3A_287 = vector.shape_cast %get3A_286 : vector<1x16xf32> to vector<16xf32>
      %add3A_288 = arith.addf %get3A_283, %get3A_287 : vector<16xf32>
      %swap3A_289 = arith.index_cast %scan3A_237 : i32 to index
      %swap3A_290 = arith.constant 48 : index
      %swap3A_291 = tpu.vector_load %arg9[%swap3A_289, %swap3A_290] {strides = array<i32>} : memref<128x128xf32, #tpu.memory_space<vmem>>, vector<1x16xf32>,
      %swap3A_292 = vector.shape_cast %swap3A_291 : vector<1x16xf32> to vector<16xf32>
      %swap3A_293 = vector.shape_cast %add3A_288 : vector<16xf32> to vector<1x16xf32>
      tpu.vector_store %arg9[%swap3A_289, %swap3A_290], %swap3A_293 {strides = array<i32>} : memref<128x128xf32, #tpu.memory_space<vmem>>, vector<1x16xf32>,
    }
    %scan3A_44 = arith.constant 128 : i32
    %mul3A_45 = arith.constant 128 : i32
    %mul3A_46 = arith.muli %sub3A_23, %mul3A_45 : i32
    %dma_start3A_47 = arith.constant 0 : i32
    %dma_start3A_48 = tpu.memref_slice %arg4[%mul3A_46, %dma_start3A_47] : memref<327680x128xf32, #tpu.memory_space<hbm>> -> memref<128x128xf32, #tpu.memory_space<hbm>>
    %dma_start3A_49 = arith.constant 0 : i32
    %dma_start3A_50 = tpu.memref_slice %arg4[%mul3A_46, %dma_start3A_49] : memref<327680x128xf32, #tpu.memory_space<hbm>> -> memref<128x128xf32, #tpu.memory_space<hbm>>
    tpu.enqueue_dma source(%arg9 : memref<128x128xf32, #tpu.memory_space<vmem>>) target(%dma_start3A_50 : memref<128x128xf32, #tpu.memory_space<hbm>>) target_semaphore(%arg16 : memref<!tpu.dma_semaphore, #tpu.memory_space<semaphore_mem>>)
    %sub3A_51 = arith.constant 1 : i32
    %sub3A_52 = arith.subi %sub3A_23, %sub3A_51 : i32
    %mul3A_53 = arith.constant 128 : i32
    %mul3A_54 = arith.muli %sub3A_52, %mul3A_53 : i32
    %dma_wait3A_55 = arith.constant 0 : i32
    %dma_wait3A_56 = tpu.memref_slice %arg4[%mul3A_54, %dma_wait3A_55] : memref<327680x128xf32, #tpu.memory_space<hbm>> -> memref<128x128xf32, #tpu.memory_space<hbm>>
    %dma_wait3A_57 = arith.constant 0 : i32
    %dma_wait3A_58 = tpu.memref_slice %arg4[%mul3A_54, %dma_wait3A_57] : memref<327680x128xf32, #tpu.memory_space<hbm>> -> memref<128x128xf32, #tpu.memory_space<hbm>>
    tpu.wait_dma2 semaphore(%arg15 : memref<!tpu.dma_semaphore, #tpu.memory_space<semaphore_mem>>) src(%arg7 : memref<128x128xf32, #tpu.memory_space<vmem>>) dst(%dma_wait3A_58 : memref<128x128xf32, #tpu.memory_space<hbm>>)
    %mul3A_59 = arith.constant 128 : i32
    %mul3A_60 = arith.muli %sub3A_23, %mul3A_59 : i32
    %dma_wait3A_61 = arith.constant 0 : i32
    %dma_wait3A_62 = tpu.memref_slice %arg4[%mul3A_60, %dma_wait3A_61] : memref<327680x128xf32, #tpu.memory_space<hbm>> -> memref<128x128xf32, #tpu.memory_space<hbm>>
    %dma_wait3A_63 = arith.constant 0 : i32
    %dma_wait3A_64 = tpu.memref_slice %arg4[%mul3A_60, %dma_wait3A_63] : memref<327680x128xf32, #tpu.memory_space<hbm>> -> memref<128x128xf32, #tpu.memory_space<hbm>>
    tpu.wait_dma2 semaphore(%arg16 : memref<!tpu.dma_semaphore, #tpu.memory_space<semaphore_mem>>) src(%arg9 : memref<128x128xf32, #tpu.memory_space<vmem>>) dst(%dma_wait3A_64 : memref<128x128xf32, #tpu.memory_space<hbm>>)
    return
  }
}

module attributes {stable_mosaic.version = 14 : i64} {
  func.func @_embed_body(%arg0: i32, %arg1: memref<1000x30xf32, #tpu.memory_space<vmem>>, %arg2: memref<30x64xf32, #tpu.memory_space<vmem>>, %arg3: memref<1x64xf32, #tpu.memory_space<vmem>>, %arg4: memref<64x128xf32, #tpu.memory_space<vmem>>, %arg5: memref<1x128xf32, #tpu.memory_space<vmem>>, %arg6: memref<1000x64xf32, #tpu.memory_space<vmem>>, %arg7: memref<1000x128xf32, #tpu.memory_space<vmem>>) attributes {dimension_semantics = [#tpu.dimension_semantics<arbitrary>], iteration_bounds = array<i64: 10>, scalar_prefetch = 0 : i64, scratch_operands = 0 : i64, tpu.core_type = #tpu.core_type<tc>, window_params = [{transform_indices = @transform_0, window_bounds = array<i64: 1000, 30>}, {pipeline_mode = #tpu.pipeline_mode<synchronous>, transform_indices = @transform_1, window_bounds = array<i64: 30, 64>}, {pipeline_mode = #tpu.pipeline_mode<synchronous>, transform_indices = @transform_2, window_bounds = array<i64: 1, 64>}, {pipeline_mode = #tpu.pipeline_mode<synchronous>, transform_indices = @transform_3, window_bounds = array<i64: 64, 128>}, {pipeline_mode = #tpu.pipeline_mode<synchronous>, transform_indices = @transform_4, window_bounds = array<i64: 1, 128>}, {transform_indices = @transform_5, window_bounds = array<i64: 1000, 64>}, {transform_indices = @transform_6, window_bounds = array<i64: 1000, 128>}]} {
    %get3A = arith.constant 0 : index
    %get3A_0 = arith.constant 0 : index
    %get3A_1 = vector.load %arg1[%get3A, %get3A_0] : memref<1000x30xf32, #tpu.memory_space<vmem>>, vector<1000x30xf32>
    %get3A_2 = arith.constant 0 : index
    %get3A_3 = arith.constant 0 : index
    %get3A_4 = vector.load %arg2[%get3A_2, %get3A_3] : memref<30x64xf32, #tpu.memory_space<vmem>>, vector<30x64xf32>
    %dot_general3A = arith.constant dense<0.000000e+00> : vector<1000x64xf32>
    %dot_general3A_5 = tpu.matmul %get3A_1, %get3A_4, %dot_general3A {dimension_numbers = #tpu.dot_dimension_numbers<[1], [0], [0], [1], [0, 0, 1, 1], [], []>, transpose_lhs_hint = false} : vector<1000x30xf32>, vector<30x64xf32>, vector<1000x64xf32> -> vector<1000x64xf32>
    %get3A_6 = arith.constant 0 : index
    %get3A_7 = arith.constant 0 : index
    %get3A_8 = vector.load %arg3[%get3A_6, %get3A_7] : memref<1x64xf32, #tpu.memory_space<vmem>>, vector<1x64xf32>
    %add3A = vector.broadcast %get3A_8 : vector<1x64xf32> to vector<1000x64xf32>
    %add3A_9 = arith.addf %dot_general3A_5, %add3A : vector<1000x64xf32>
    %swap3A = arith.constant 0 : index
    %swap3A_10 = arith.constant 0 : index
    %swap3A_11 = vector.load %arg6[%swap3A, %swap3A_10] : memref<1000x64xf32, #tpu.memory_space<vmem>>, vector<1000x64xf32>
    tpu.vector_store %arg6[%swap3A, %swap3A_10], %add3A_9 {strides = array<i32>} : memref<1000x64xf32, #tpu.memory_space<vmem>>, vector<1000x64xf32>,
    %get3A_12 = arith.constant 0 : index
    %get3A_13 = arith.constant 0 : index
    %get3A_14 = vector.load %arg4[%get3A_12, %get3A_13] : memref<64x128xf32, #tpu.memory_space<vmem>>, vector<64x128xf32>
    %dot_general3A_15 = arith.constant dense<0.000000e+00> : vector<1000x128xf32>
    %dot_general3A_16 = tpu.matmul %add3A_9, %get3A_14, %dot_general3A_15 {dimension_numbers = #tpu.dot_dimension_numbers<[1], [0], [0], [1], [0, 0, 1, 1], [], []>, transpose_lhs_hint = false} : vector<1000x64xf32>, vector<64x128xf32>, vector<1000x128xf32> -> vector<1000x128xf32>
    %get3A_17 = arith.constant 0 : index
    %get3A_18 = arith.constant 0 : index
    %get3A_19 = vector.load %arg5[%get3A_17, %get3A_18] : memref<1x128xf32, #tpu.memory_space<vmem>>, vector<1x128xf32>
    %add3A_20 = vector.broadcast %get3A_19 : vector<1x128xf32> to vector<1000x128xf32>
    %add3A_21 = arith.addf %dot_general3A_16, %add3A_20 : vector<1000x128xf32>
    %swap3A_22 = arith.constant 0 : index
    %swap3A_23 = arith.constant 0 : index
    %swap3A_24 = vector.load %arg7[%swap3A_22, %swap3A_23] : memref<1000x128xf32, #tpu.memory_space<vmem>>, vector<1000x128xf32>
    tpu.vector_store %arg7[%swap3A_22, %swap3A_23], %add3A_21 {strides = array<i32>} : memref<1000x128xf32, #tpu.memory_space<vmem>>, vector<1000x128xf32>,
    return
  }
  func.func @transform_0(%arg0: i32) -> (i32, i32) {
    %c0_i32 = arith.constant 0 : i32
    %c0_i32_0 = arith.constant 0 : i32
    return %arg0, %c0_i32 : i32, i32
  }
  func.func @transform_1(%arg0: i32) -> (i32, i32) {
    %c0_i32 = arith.constant 0 : i32
    %c0_i32_0 = arith.constant 0 : i32
    %c0_i32_1 = arith.constant 0 : i32
    return %c0_i32, %c0_i32_0 : i32, i32
  }
  func.func @transform_2(%arg0: i32) -> (i32, i32) {
    %c0_i32 = arith.constant 0 : i32
    %c0_i32_0 = arith.constant 0 : i32
    %c0_i32_1 = arith.constant 0 : i32
    return %c0_i32, %c0_i32_0 : i32, i32
  }
  func.func @transform_3(%arg0: i32) -> (i32, i32) {
    %c0_i32 = arith.constant 0 : i32
    %c0_i32_0 = arith.constant 0 : i32
    %c0_i32_1 = arith.constant 0 : i32
    return %c0_i32, %c0_i32_0 : i32, i32
  }
  func.func @transform_4(%arg0: i32) -> (i32, i32) {
    %c0_i32 = arith.constant 0 : i32
    %c0_i32_0 = arith.constant 0 : i32
    %c0_i32_1 = arith.constant 0 : i32
    return %c0_i32, %c0_i32_0 : i32, i32
  }
  func.func @transform_5(%arg0: i32) -> (i32, i32) {
    %c0_i32 = arith.constant 0 : i32
    %c0_i32_0 = arith.constant 0 : i32
    return %arg0, %c0_i32 : i32, i32
  }
  func.func @transform_6(%arg0: i32) -> (i32, i32) {
    %c0_i32 = arith.constant 0 : i32
    %c0_i32_0 = arith.constant 0 : i32
    return %arg0, %c0_i32 : i32, i32
  }
}

module attributes {stable_mosaic.version = 14 : i64} {
  func.func @_msg_body(%arg0: i32, %arg1: memref<2048x128xf32, #tpu.memory_space<vmem>>, %arg2: memref<2048x10xf32, #tpu.memory_space<vmem>>, %arg3: memref<10x64xf32, #tpu.memory_space<vmem>>, %arg4: memref<64x64xf32, #tpu.memory_space<vmem>>, %arg5: memref<1x64xf32, #tpu.memory_space<vmem>>, %arg6: memref<2048x128xf32, #tpu.memory_space<vmem>>) attributes {dimension_semantics = [#tpu.dimension_semantics<arbitrary>], iteration_bounds = array<i64: 160>, scalar_prefetch = 0 : i64, scratch_operands = 0 : i64, tpu.core_type = #tpu.core_type<tc>, window_params = [{transform_indices = @transform_0, window_bounds = array<i64: 2048, 128>}, {transform_indices = @transform_1, window_bounds = array<i64: 2048, 10>}, {pipeline_mode = #tpu.pipeline_mode<synchronous>, transform_indices = @transform_2, window_bounds = array<i64: 10, 64>}, {pipeline_mode = #tpu.pipeline_mode<synchronous>, transform_indices = @transform_3, window_bounds = array<i64: 64, 64>}, {pipeline_mode = #tpu.pipeline_mode<synchronous>, transform_indices = @transform_4, window_bounds = array<i64: 1, 64>}, {transform_indices = @transform_5, window_bounds = array<i64: 2048, 128>}]} {
    %get3A = arith.constant 0 : index
    %get3A_0 = arith.constant 0 : index
    %get3A_1 = vector.load %arg1[%get3A, %get3A_0] : memref<2048x128xf32, #tpu.memory_space<vmem>>, vector<2048x64xf32>
    %get3A_2 = arith.constant 0 : index
    %get3A_3 = arith.constant 0 : index
    %get3A_4 = vector.load %arg2[%get3A_2, %get3A_3] : memref<2048x10xf32, #tpu.memory_space<vmem>>, vector<2048x10xf32>
    %get3A_5 = arith.constant 0 : index
    %get3A_6 = arith.constant 0 : index
    %get3A_7 = vector.load %arg3[%get3A_5, %get3A_6] : memref<10x64xf32, #tpu.memory_space<vmem>>, vector<10x64xf32>
    %dot_general3A = arith.constant dense<0.000000e+00> : vector<2048x64xf32>
    %dot_general3A_8 = tpu.matmul %get3A_4, %get3A_7, %dot_general3A {dimension_numbers = #tpu.dot_dimension_numbers<[1], [0], [0], [1], [0, 0, 1, 1], [], []>, transpose_lhs_hint = false} : vector<2048x10xf32>, vector<10x64xf32>, vector<2048x64xf32> -> vector<2048x64xf32>
    %add3A = arith.addf %get3A_1, %dot_general3A_8 : vector<2048x64xf32>
    %max3A = arith.constant 0.000000e+00 : f32
    %max3A_9 = vector.broadcast %max3A : f32 to vector<2048x64xf32>
    %max3A_10 = arith.maximumf %add3A, %max3A_9 : vector<2048x64xf32>
    %get3A_11 = arith.constant 0 : index
    %get3A_12 = arith.constant 0 : index
    %get3A_13 = vector.load %arg4[%get3A_11, %get3A_12] : memref<64x64xf32, #tpu.memory_space<vmem>>, vector<64x64xf32>
    %dot_general3A_14 = arith.constant dense<0.000000e+00> : vector<2048x64xf32>
    %dot_general3A_15 = tpu.matmul %max3A_10, %get3A_13, %dot_general3A_14 {dimension_numbers = #tpu.dot_dimension_numbers<[1], [0], [0], [1], [0, 0, 1, 1], [], []>, transpose_lhs_hint = false} : vector<2048x64xf32>, vector<64x64xf32>, vector<2048x64xf32> -> vector<2048x64xf32>
    %get3A_16 = arith.constant 0 : index
    %get3A_17 = arith.constant 0 : index
    %get3A_18 = vector.load %arg5[%get3A_16, %get3A_17] : memref<1x64xf32, #tpu.memory_space<vmem>>, vector<1x64xf32>
    %add3A_19 = vector.broadcast %get3A_18 : vector<1x64xf32> to vector<2048x64xf32>
    %add3A_20 = arith.addf %dot_general3A_15, %add3A_19 : vector<2048x64xf32>
    %broadcast_in_dim3A = arith.constant 0.000000e+00 : f32
    %broadcast_in_dim3A_21 = vector.broadcast %broadcast_in_dim3A : f32 to vector<2048x64xf32>
    %concatenate3A = tpu.concatenate %add3A_20, %broadcast_in_dim3A_21 in 1 : vector<2048x64xf32>, vector<2048x64xf32> -> vector<2048x128xf32>
    %swap3A = arith.constant 0 : index
    %swap3A_22 = arith.constant 0 : index
    %swap3A_23 = vector.load %arg6[%swap3A, %swap3A_22] : memref<2048x128xf32, #tpu.memory_space<vmem>>, vector<2048x128xf32>
    tpu.vector_store %arg6[%swap3A, %swap3A_22], %concatenate3A {strides = array<i32>} : memref<2048x128xf32, #tpu.memory_space<vmem>>, vector<2048x128xf32>,
    return
  }
  func.func @transform_0(%arg0: i32) -> (i32, i32) {
    %c0_i32 = arith.constant 0 : i32
    %c0_i32_0 = arith.constant 0 : i32
    return %arg0, %c0_i32 : i32, i32
  }
  func.func @transform_1(%arg0: i32) -> (i32, i32) {
    %c0_i32 = arith.constant 0 : i32
    %c0_i32_0 = arith.constant 0 : i32
    return %arg0, %c0_i32 : i32, i32
  }
  func.func @transform_2(%arg0: i32) -> (i32, i32) {
    %c0_i32 = arith.constant 0 : i32
    %c0_i32_0 = arith.constant 0 : i32
    %c0_i32_1 = arith.constant 0 : i32
    return %c0_i32, %c0_i32_0 : i32, i32
  }
  func.func @transform_3(%arg0: i32) -> (i32, i32) {
    %c0_i32 = arith.constant 0 : i32
    %c0_i32_0 = arith.constant 0 : i32
    %c0_i32_1 = arith.constant 0 : i32
    return %c0_i32, %c0_i32_0 : i32, i32
  }
  func.func @transform_4(%arg0: i32) -> (i32, i32) {
    %c0_i32 = arith.constant 0 : i32
    %c0_i32_0 = arith.constant 0 : i32
    %c0_i32_1 = arith.constant 0 : i32
    return %c0_i32, %c0_i32_0 : i32, i32
  }
  func.func @transform_5(%arg0: i32) -> (i32, i32) {
    %c0_i32 = arith.constant 0 : i32
    %c0_i32_0 = arith.constant 0 : i32
    return %arg0, %c0_i32 : i32, i32
  }
}

module attributes {stable_mosaic.version = 14 : i64} {
  func.func @_update_body(%arg0: i32, %arg1: memref<1000x64xf32, #tpu.memory_space<vmem>>, %arg2: memref<1000x128xf32, #tpu.memory_space<vmem>>, %arg3: memref<1000x128xf32, #tpu.memory_space<vmem>>, %arg4: memref<64x64xf32, #tpu.memory_space<vmem>>, %arg5: memref<64x64xf32, #tpu.memory_space<vmem>>, %arg6: memref<1x64xf32, #tpu.memory_space<vmem>>, %arg7: memref<64x64xf32, #tpu.memory_space<vmem>>, %arg8: memref<1x64xf32, #tpu.memory_space<vmem>>, %arg9: memref<64x128xf32, #tpu.memory_space<vmem>>, %arg10: memref<1x128xf32, #tpu.memory_space<vmem>>, %arg11: memref<1000x64xf32, #tpu.memory_space<vmem>>, %arg12: memref<1000x128xf32, #tpu.memory_space<vmem>>) attributes {dimension_semantics = [#tpu.dimension_semantics<arbitrary>], iteration_bounds = array<i64: 10>, scalar_prefetch = 0 : i64, scratch_operands = 0 : i64, tpu.core_type = #tpu.core_type<tc>, window_params = [{transform_indices = @transform_0, window_bounds = array<i64: 1000, 64>}, {transform_indices = @transform_1, window_bounds = array<i64: 1000, 128>}, {transform_indices = @transform_2, window_bounds = array<i64: 1000, 128>}, {pipeline_mode = #tpu.pipeline_mode<synchronous>, transform_indices = @transform_3, window_bounds = array<i64: 64, 64>}, {pipeline_mode = #tpu.pipeline_mode<synchronous>, transform_indices = @transform_4, window_bounds = array<i64: 64, 64>}, {pipeline_mode = #tpu.pipeline_mode<synchronous>, transform_indices = @transform_5, window_bounds = array<i64: 1, 64>}, {pipeline_mode = #tpu.pipeline_mode<synchronous>, transform_indices = @transform_6, window_bounds = array<i64: 64, 64>}, {pipeline_mode = #tpu.pipeline_mode<synchronous>, transform_indices = @transform_7, window_bounds = array<i64: 1, 64>}, {pipeline_mode = #tpu.pipeline_mode<synchronous>, transform_indices = @transform_8, window_bounds = array<i64: 64, 128>}, {pipeline_mode = #tpu.pipeline_mode<synchronous>, transform_indices = @transform_9, window_bounds = array<i64: 1, 128>}, {transform_indices = @transform_10, window_bounds = array<i64: 1000, 64>}, {transform_indices = @transform_11, window_bounds = array<i64: 1000, 128>}]} {
    %lt3A = arith.constant 5 : i32
    %lt3A_0 = arith.cmpi slt, %arg0, %lt3A : i32
    %get3A = arith.constant 0 : index
    %get3A_1 = arith.constant 0 : index
    %get3A_2 = vector.load %arg2[%get3A, %get3A_1] : memref<1000x128xf32, #tpu.memory_space<vmem>>, vector<1000x128xf32>
    %get3A_3 = arith.constant 0 : index
    %get3A_4 = arith.constant 0 : index
    %get3A_5 = vector.load %arg3[%get3A_3, %get3A_4] : memref<1000x128xf32, #tpu.memory_space<vmem>>, vector<1000x128xf32>
    %select_n3A = arith.select %lt3A_0, %get3A_2, %get3A_5 : vector<1000x128xf32>
    %slice3A = vector.extract_strided_slice %select_n3A {offsets = [0, 0], sizes = [1000, 64], strides = [1, 1]} : vector<1000x128xf32> to vector<1000x64xf32>
    %get3A_6 = arith.constant 0 : index
    %get3A_7 = arith.constant 0 : index
    %get3A_8 = vector.load %arg1[%get3A_6, %get3A_7] : memref<1000x64xf32, #tpu.memory_space<vmem>>, vector<1000x64xf32>
    %get3A_9 = arith.constant 0 : index
    %get3A_10 = arith.constant 0 : index
    %get3A_11 = vector.load %arg4[%get3A_9, %get3A_10] : memref<64x64xf32, #tpu.memory_space<vmem>>, vector<64x64xf32>
    %dot_general3A = arith.constant dense<0.000000e+00> : vector<1000x64xf32>
    %dot_general3A_12 = tpu.matmul %get3A_8, %get3A_11, %dot_general3A {dimension_numbers = #tpu.dot_dimension_numbers<[1], [0], [0], [1], [0, 0, 1, 1], [], []>, transpose_lhs_hint = false} : vector<1000x64xf32>, vector<64x64xf32>, vector<1000x64xf32> -> vector<1000x64xf32>
    %get3A_13 = arith.constant 0 : index
    %get3A_14 = arith.constant 0 : index
    %get3A_15 = vector.load %arg5[%get3A_13, %get3A_14] : memref<64x64xf32, #tpu.memory_space<vmem>>, vector<64x64xf32>
    %dot_general3A_16 = arith.constant dense<0.000000e+00> : vector<1000x64xf32>
    %dot_general3A_17 = tpu.matmul %slice3A, %get3A_15, %dot_general3A_16 {dimension_numbers = #tpu.dot_dimension_numbers<[1], [0], [0], [1], [0, 0, 1, 1], [], []>, transpose_lhs_hint = false} : vector<1000x64xf32>, vector<64x64xf32>, vector<1000x64xf32> -> vector<1000x64xf32>
    %add3A = arith.addf %dot_general3A_12, %dot_general3A_17 : vector<1000x64xf32>
    %get3A_18 = arith.constant 0 : index
    %get3A_19 = arith.constant 0 : index
    %get3A_20 = vector.load %arg6[%get3A_18, %get3A_19] : memref<1x64xf32, #tpu.memory_space<vmem>>, vector<1x64xf32>
    %add3A_21 = vector.broadcast %get3A_20 : vector<1x64xf32> to vector<1000x64xf32>
    %add3A_22 = arith.addf %add3A, %add3A_21 : vector<1000x64xf32>
    %max3A = arith.constant 0.000000e+00 : f32
    %max3A_23 = vector.broadcast %max3A : f32 to vector<1000x64xf32>
    %max3A_24 = arith.maximumf %add3A_22, %max3A_23 : vector<1000x64xf32>
    %get3A_25 = arith.constant 0 : index
    %get3A_26 = arith.constant 0 : index
    %get3A_27 = vector.load %arg7[%get3A_25, %get3A_26] : memref<64x64xf32, #tpu.memory_space<vmem>>, vector<64x64xf32>
    %dot_general3A_28 = arith.constant dense<0.000000e+00> : vector<1000x64xf32>
    %dot_general3A_29 = tpu.matmul %max3A_24, %get3A_27, %dot_general3A_28 {dimension_numbers = #tpu.dot_dimension_numbers<[1], [0], [0], [1], [0, 0, 1, 1], [], []>, transpose_lhs_hint = false} : vector<1000x64xf32>, vector<64x64xf32>, vector<1000x64xf32> -> vector<1000x64xf32>
    %get3A_30 = arith.constant 0 : index
    %get3A_31 = arith.constant 0 : index
    %get3A_32 = vector.load %arg8[%get3A_30, %get3A_31] : memref<1x64xf32, #tpu.memory_space<vmem>>, vector<1x64xf32>
    %add3A_33 = vector.broadcast %get3A_32 : vector<1x64xf32> to vector<1000x64xf32>
    %add3A_34 = arith.addf %dot_general3A_29, %add3A_33 : vector<1000x64xf32>
    %swap3A = arith.constant 0 : index
    %swap3A_35 = arith.constant 0 : index
    %swap3A_36 = vector.load %arg11[%swap3A, %swap3A_35] : memref<1000x64xf32, #tpu.memory_space<vmem>>, vector<1000x64xf32>
    tpu.vector_store %arg11[%swap3A, %swap3A_35], %add3A_34 {strides = array<i32>} : memref<1000x64xf32, #tpu.memory_space<vmem>>, vector<1000x64xf32>,
    %get3A_37 = arith.constant 0 : index
    %get3A_38 = arith.constant 0 : index
    %get3A_39 = vector.load %arg9[%get3A_37, %get3A_38] : memref<64x128xf32, #tpu.memory_space<vmem>>, vector<64x128xf32>
    %dot_general3A_40 = arith.constant dense<0.000000e+00> : vector<1000x128xf32>
    %dot_general3A_41 = tpu.matmul %add3A_34, %get3A_39, %dot_general3A_40 {dimension_numbers = #tpu.dot_dimension_numbers<[1], [0], [0], [1], [0, 0, 1, 1], [], []>, transpose_lhs_hint = false} : vector<1000x64xf32>, vector<64x128xf32>, vector<1000x128xf32> -> vector<1000x128xf32>
    %get3A_42 = arith.constant 0 : index
    %get3A_43 = arith.constant 0 : index
    %get3A_44 = vector.load %arg10[%get3A_42, %get3A_43] : memref<1x128xf32, #tpu.memory_space<vmem>>, vector<1x128xf32>
    %add3A_45 = vector.broadcast %get3A_44 : vector<1x128xf32> to vector<1000x128xf32>
    %add3A_46 = arith.addf %dot_general3A_41, %add3A_45 : vector<1000x128xf32>
    %swap3A_47 = arith.constant 0 : index
    %swap3A_48 = arith.constant 0 : index
    %swap3A_49 = vector.load %arg12[%swap3A_47, %swap3A_48] : memref<1000x128xf32, #tpu.memory_space<vmem>>, vector<1000x128xf32>
    tpu.vector_store %arg12[%swap3A_47, %swap3A_48], %add3A_46 {strides = array<i32>} : memref<1000x128xf32, #tpu.memory_space<vmem>>, vector<1000x128xf32>,
    return
  }
  func.func @transform_0(%arg0: i32) -> (i32, i32) {
    %c0_i32 = arith.constant 0 : i32
    %c0_i32_0 = arith.constant 0 : i32
    return %arg0, %c0_i32 : i32, i32
  }
  func.func @transform_1(%arg0: i32) -> (i32, i32) {
    %min3A = arith.constant 4 : i32
    %min3A_0 = arith.minsi %arg0, %min3A : i32
    %c0_i32 = arith.constant 0 : i32
    %c0_i32_1 = arith.constant 0 : i32
    return %min3A_0, %c0_i32 : i32, i32
  }
  func.func @transform_2(%arg0: i32) -> (i32, i32) {
    %sub3A = arith.constant 5 : i32
    %sub3A_0 = arith.subi %arg0, %sub3A : i32
    %max3A = arith.constant 0 : i32
    %max3A_1 = arith.maxsi %sub3A_0, %max3A : i32
    %c0_i32 = arith.constant 0 : i32
    %c0_i32_2 = arith.constant 0 : i32
    return %max3A_1, %c0_i32 : i32, i32
  }
  func.func @transform_3(%arg0: i32) -> (i32, i32) {
    %c0_i32 = arith.constant 0 : i32
    %c0_i32_0 = arith.constant 0 : i32
    %c0_i32_1 = arith.constant 0 : i32
    return %c0_i32, %c0_i32_0 : i32, i32
  }
  func.func @transform_4(%arg0: i32) -> (i32, i32) {
    %c0_i32 = arith.constant 0 : i32
    %c0_i32_0 = arith.constant 0 : i32
    %c0_i32_1 = arith.constant 0 : i32
    return %c0_i32, %c0_i32_0 : i32, i32
  }
  func.func @transform_5(%arg0: i32) -> (i32, i32) {
    %c0_i32 = arith.constant 0 : i32
    %c0_i32_0 = arith.constant 0 : i32
    %c0_i32_1 = arith.constant 0 : i32
    return %c0_i32, %c0_i32_0 : i32, i32
  }
  func.func @transform_6(%arg0: i32) -> (i32, i32) {
    %c0_i32 = arith.constant 0 : i32
    %c0_i32_0 = arith.constant 0 : i32
    %c0_i32_1 = arith.constant 0 : i32
    return %c0_i32, %c0_i32_0 : i32, i32
  }
  func.func @transform_7(%arg0: i32) -> (i32, i32) {
    %c0_i32 = arith.constant 0 : i32
    %c0_i32_0 = arith.constant 0 : i32
    %c0_i32_1 = arith.constant 0 : i32
    return %c0_i32, %c0_i32_0 : i32, i32
  }
  func.func @transform_8(%arg0: i32) -> (i32, i32) {
    %c0_i32 = arith.constant 0 : i32
    %c0_i32_0 = arith.constant 0 : i32
    %c0_i32_1 = arith.constant 0 : i32
    return %c0_i32, %c0_i32_0 : i32, i32
  }
  func.func @transform_9(%arg0: i32) -> (i32, i32) {
    %c0_i32 = arith.constant 0 : i32
    %c0_i32_0 = arith.constant 0 : i32
    %c0_i32_1 = arith.constant 0 : i32
    return %c0_i32, %c0_i32_0 : i32, i32
  }
  func.func @transform_10(%arg0: i32) -> (i32, i32) {
    %c0_i32 = arith.constant 0 : i32
    %c0_i32_0 = arith.constant 0 : i32
    return %arg0, %c0_i32 : i32, i32
  }
  func.func @transform_11(%arg0: i32) -> (i32, i32) {
    %c0_i32 = arith.constant 0 : i32
    %c0_i32_0 = arith.constant 0 : i32
    return %arg0, %c0_i32 : i32, i32
  }
}

module attributes {stable_mosaic.version = 14 : i64} {
  func.func @_lambda_(%arg0: i32, %arg1: memref<1000x64xf32, #tpu.memory_space<vmem>>, %arg2: memref<1000x128xf32, #tpu.memory_space<vmem>>, %arg3: memref<1000x128xf32, #tpu.memory_space<vmem>>, %arg4: memref<64x64xf32, #tpu.memory_space<vmem>>, %arg5: memref<64x64xf32, #tpu.memory_space<vmem>>, %arg6: memref<1x64xf32, #tpu.memory_space<vmem>>, %arg7: memref<64x64xf32, #tpu.memory_space<vmem>>, %arg8: memref<1x64xf32, #tpu.memory_space<vmem>>, %arg9: memref<1000x64xf32, #tpu.memory_space<vmem>>) attributes {dimension_semantics = [#tpu.dimension_semantics<arbitrary>], iteration_bounds = array<i64: 10>, scalar_prefetch = 0 : i64, scratch_operands = 0 : i64, tpu.core_type = #tpu.core_type<tc>, window_params = [{transform_indices = @transform_0, window_bounds = array<i64: 1000, 64>}, {transform_indices = @transform_1, window_bounds = array<i64: 1000, 128>}, {transform_indices = @transform_2, window_bounds = array<i64: 1000, 128>}, {pipeline_mode = #tpu.pipeline_mode<synchronous>, transform_indices = @transform_3, window_bounds = array<i64: 64, 64>}, {pipeline_mode = #tpu.pipeline_mode<synchronous>, transform_indices = @transform_4, window_bounds = array<i64: 64, 64>}, {pipeline_mode = #tpu.pipeline_mode<synchronous>, transform_indices = @transform_5, window_bounds = array<i64: 1, 64>}, {pipeline_mode = #tpu.pipeline_mode<synchronous>, transform_indices = @transform_6, window_bounds = array<i64: 64, 64>}, {pipeline_mode = #tpu.pipeline_mode<synchronous>, transform_indices = @transform_7, window_bounds = array<i64: 1, 64>}, {transform_indices = @transform_8, window_bounds = array<i64: 1000, 64>}]} {
    %lt3A = arith.constant 5 : i32
    %lt3A_0 = arith.cmpi slt, %arg0, %lt3A : i32
    %get3A = arith.constant 0 : index
    %get3A_1 = arith.constant 0 : index
    %get3A_2 = vector.load %arg2[%get3A, %get3A_1] : memref<1000x128xf32, #tpu.memory_space<vmem>>, vector<1000x128xf32>
    %get3A_3 = arith.constant 0 : index
    %get3A_4 = arith.constant 0 : index
    %get3A_5 = vector.load %arg3[%get3A_3, %get3A_4] : memref<1000x128xf32, #tpu.memory_space<vmem>>, vector<1000x128xf32>
    %select_n3A = arith.select %lt3A_0, %get3A_2, %get3A_5 : vector<1000x128xf32>
    %slice3A = vector.extract_strided_slice %select_n3A {offsets = [0, 0], sizes = [1000, 64], strides = [1, 1]} : vector<1000x128xf32> to vector<1000x64xf32>
    %get3A_6 = arith.constant 0 : index
    %get3A_7 = arith.constant 0 : index
    %get3A_8 = vector.load %arg1[%get3A_6, %get3A_7] : memref<1000x64xf32, #tpu.memory_space<vmem>>, vector<1000x64xf32>
    %get3A_9 = arith.constant 0 : index
    %get3A_10 = arith.constant 0 : index
    %get3A_11 = vector.load %arg4[%get3A_9, %get3A_10] : memref<64x64xf32, #tpu.memory_space<vmem>>, vector<64x64xf32>
    %dot_general3A = arith.constant dense<0.000000e+00> : vector<1000x64xf32>
    %dot_general3A_12 = tpu.matmul %get3A_8, %get3A_11, %dot_general3A {dimension_numbers = #tpu.dot_dimension_numbers<[1], [0], [0], [1], [0, 0, 1, 1], [], []>, transpose_lhs_hint = false} : vector<1000x64xf32>, vector<64x64xf32>, vector<1000x64xf32> -> vector<1000x64xf32>
    %get3A_13 = arith.constant 0 : index
    %get3A_14 = arith.constant 0 : index
    %get3A_15 = vector.load %arg5[%get3A_13, %get3A_14] : memref<64x64xf32, #tpu.memory_space<vmem>>, vector<64x64xf32>
    %dot_general3A_16 = arith.constant dense<0.000000e+00> : vector<1000x64xf32>
    %dot_general3A_17 = tpu.matmul %slice3A, %get3A_15, %dot_general3A_16 {dimension_numbers = #tpu.dot_dimension_numbers<[1], [0], [0], [1], [0, 0, 1, 1], [], []>, transpose_lhs_hint = false} : vector<1000x64xf32>, vector<64x64xf32>, vector<1000x64xf32> -> vector<1000x64xf32>
    %add3A = arith.addf %dot_general3A_12, %dot_general3A_17 : vector<1000x64xf32>
    %get3A_18 = arith.constant 0 : index
    %get3A_19 = arith.constant 0 : index
    %get3A_20 = vector.load %arg6[%get3A_18, %get3A_19] : memref<1x64xf32, #tpu.memory_space<vmem>>, vector<1x64xf32>
    %add3A_21 = vector.broadcast %get3A_20 : vector<1x64xf32> to vector<1000x64xf32>
    %add3A_22 = arith.addf %add3A, %add3A_21 : vector<1000x64xf32>
    %max3A = arith.constant 0.000000e+00 : f32
    %max3A_23 = vector.broadcast %max3A : f32 to vector<1000x64xf32>
    %max3A_24 = arith.maximumf %add3A_22, %max3A_23 : vector<1000x64xf32>
    %get3A_25 = arith.constant 0 : index
    %get3A_26 = arith.constant 0 : index
    %get3A_27 = vector.load %arg7[%get3A_25, %get3A_26] : memref<64x64xf32, #tpu.memory_space<vmem>>, vector<64x64xf32>
    %dot_general3A_28 = arith.constant dense<0.000000e+00> : vector<1000x64xf32>
    %dot_general3A_29 = tpu.matmul %max3A_24, %get3A_27, %dot_general3A_28 {dimension_numbers = #tpu.dot_dimension_numbers<[1], [0], [0], [1], [0, 0, 1, 1], [], []>, transpose_lhs_hint = false} : vector<1000x64xf32>, vector<64x64xf32>, vector<1000x64xf32> -> vector<1000x64xf32>
    %get3A_30 = arith.constant 0 : index
    %get3A_31 = arith.constant 0 : index
    %get3A_32 = vector.load %arg8[%get3A_30, %get3A_31] : memref<1x64xf32, #tpu.memory_space<vmem>>, vector<1x64xf32>
    %add3A_33 = vector.broadcast %get3A_32 : vector<1x64xf32> to vector<1000x64xf32>
    %add3A_34 = arith.addf %dot_general3A_29, %add3A_33 : vector<1000x64xf32>
    %swap3A = arith.constant 0 : index
    %swap3A_35 = arith.constant 0 : index
    %swap3A_36 = vector.load %arg9[%swap3A, %swap3A_35] : memref<1000x64xf32, #tpu.memory_space<vmem>>, vector<1000x64xf32>
    tpu.vector_store %arg9[%swap3A, %swap3A_35], %add3A_34 {strides = array<i32>} : memref<1000x64xf32, #tpu.memory_space<vmem>>, vector<1000x64xf32>,
    return
  }
  func.func @transform_0(%arg0: i32) -> (i32, i32) {
    %c0_i32 = arith.constant 0 : i32
    %c0_i32_0 = arith.constant 0 : i32
    return %arg0, %c0_i32 : i32, i32
  }
  func.func @transform_1(%arg0: i32) -> (i32, i32) {
    %min3A = arith.constant 4 : i32
    %min3A_0 = arith.minsi %arg0, %min3A : i32
    %c0_i32 = arith.constant 0 : i32
    %c0_i32_1 = arith.constant 0 : i32
    return %min3A_0, %c0_i32 : i32, i32
  }
  func.func @transform_2(%arg0: i32) -> (i32, i32) {
    %sub3A = arith.constant 5 : i32
    %sub3A_0 = arith.subi %arg0, %sub3A : i32
    %max3A = arith.constant 0 : i32
    %max3A_1 = arith.maxsi %sub3A_0, %max3A : i32
    %c0_i32 = arith.constant 0 : i32
    %c0_i32_2 = arith.constant 0 : i32
    return %max3A_1, %c0_i32 : i32, i32
  }
  func.func @transform_3(%arg0: i32) -> (i32, i32) {
    %c0_i32 = arith.constant 0 : i32
    %c0_i32_0 = arith.constant 0 : i32
    %c0_i32_1 = arith.constant 0 : i32
    return %c0_i32, %c0_i32_0 : i32, i32
  }
  func.func @transform_4(%arg0: i32) -> (i32, i32) {
    %c0_i32 = arith.constant 0 : i32
    %c0_i32_0 = arith.constant 0 : i32
    %c0_i32_1 = arith.constant 0 : i32
    return %c0_i32, %c0_i32_0 : i32, i32
  }
  func.func @transform_5(%arg0: i32) -> (i32, i32) {
    %c0_i32 = arith.constant 0 : i32
    %c0_i32_0 = arith.constant 0 : i32
    %c0_i32_1 = arith.constant 0 : i32
    return %c0_i32, %c0_i32_0 : i32, i32
  }
  func.func @transform_6(%arg0: i32) -> (i32, i32) {
    %c0_i32 = arith.constant 0 : i32
    %c0_i32_0 = arith.constant 0 : i32
    %c0_i32_1 = arith.constant 0 : i32
    return %c0_i32, %c0_i32_0 : i32, i32
  }
  func.func @transform_7(%arg0: i32) -> (i32, i32) {
    %c0_i32 = arith.constant 0 : i32
    %c0_i32_0 = arith.constant 0 : i32
    %c0_i32_1 = arith.constant 0 : i32
    return %c0_i32, %c0_i32_0 : i32, i32
  }
  func.func @transform_8(%arg0: i32) -> (i32, i32) {
    %c0_i32 = arith.constant 0 : i32
    %c0_i32_0 = arith.constant 0 : i32
    return %arg0, %c0_i32 : i32, i32
  }
}

module attributes {stable_mosaic.version = 14 : i64} {
  func.func @_heads_body(%arg0: memref<1x100xf32, #tpu.memory_space<vmem>>, %arg1: memref<100x64xf32, #tpu.memory_space<vmem>>, %arg2: memref<1x64xf32, #tpu.memory_space<vmem>>, %arg3: memref<64x64xf32, #tpu.memory_space<vmem>>, %arg4: memref<1x64xf32, #tpu.memory_space<vmem>>, %arg5: memref<64x10000xf32, #tpu.memory_space<vmem>>, %arg6: memref<1x10000xf32, #tpu.memory_space<vmem>>, %arg7: memref<64x32xf32, #tpu.memory_space<vmem>>, %arg8: memref<1x32xf32, #tpu.memory_space<vmem>>, %arg9: memref<32x1xf32, #tpu.memory_space<vmem>>, %arg10: memref<1x1xf32, #tpu.memory_space<vmem>>, %arg11: memref<10000x64xf32, #tpu.memory_space<vmem>>, %arg12: memref<1x10000xf32, #tpu.memory_space<vmem>>, %arg13: memref<1x1xf32, #tpu.memory_space<vmem>>, %arg14: memref<1x64xf32, #tpu.memory_space<vmem>>) attributes {dimension_semantics = [], scalar_prefetch = 0 : i64, scratch_operands = 0 : i64, tpu.core_type = #tpu.core_type<tc>} {
    %get3A = arith.constant 0 : index
    %get3A_0 = arith.constant 0 : index
    %get3A_1 = vector.load %arg0[%get3A, %get3A_0] : memref<1x100xf32, #tpu.memory_space<vmem>>, vector<1x100xf32>
    %get3A_2 = arith.constant 0 : index
    %get3A_3 = arith.constant 0 : index
    %get3A_4 = vector.load %arg1[%get3A_2, %get3A_3] : memref<100x64xf32, #tpu.memory_space<vmem>>, vector<100x64xf32>
    %dot_general3A = arith.constant dense<0.000000e+00> : vector<1x64xf32>
    %dot_general3A_5 = tpu.matmul %get3A_1, %get3A_4, %dot_general3A {dimension_numbers = #tpu.dot_dimension_numbers<[1], [0], [0], [1], [0, 0, 1, 1], [], []>, transpose_lhs_hint = false} : vector<1x100xf32>, vector<100x64xf32>, vector<1x64xf32> -> vector<1x64xf32>
    %get3A_6 = arith.constant 0 : index
    %get3A_7 = arith.constant 0 : index
    %get3A_8 = vector.load %arg2[%get3A_6, %get3A_7] : memref<1x64xf32, #tpu.memory_space<vmem>>, vector<1x64xf32>
    %add3A = arith.addf %dot_general3A_5, %get3A_8 : vector<1x64xf32>
    %get3A_9 = arith.constant 0 : index
    %get3A_10 = arith.constant 0 : index
    %get3A_11 = vector.load %arg3[%get3A_9, %get3A_10] : memref<64x64xf32, #tpu.memory_space<vmem>>, vector<64x64xf32>
    %dot_general3A_12 = arith.constant dense<0.000000e+00> : vector<1x64xf32>
    %dot_general3A_13 = tpu.matmul %add3A, %get3A_11, %dot_general3A_12 {dimension_numbers = #tpu.dot_dimension_numbers<[1], [0], [0], [1], [0, 0, 1, 1], [], []>, transpose_lhs_hint = false} : vector<1x64xf32>, vector<64x64xf32>, vector<1x64xf32> -> vector<1x64xf32>
    %get3A_14 = arith.constant 0 : index
    %get3A_15 = arith.constant 0 : index
    %get3A_16 = vector.load %arg4[%get3A_14, %get3A_15] : memref<1x64xf32, #tpu.memory_space<vmem>>, vector<1x64xf32>
    %add3A_17 = arith.addf %dot_general3A_13, %get3A_16 : vector<1x64xf32>
    %max3A = arith.constant 0.000000e+00 : f32
    %max3A_18 = vector.broadcast %max3A : f32 to vector<1x64xf32>
    %max3A_19 = arith.maximumf %add3A_17, %max3A_18 : vector<1x64xf32>
    %get3A_20 = arith.constant 0 : index
    %get3A_21 = arith.constant 0 : index
    %get3A_22 = vector.load %arg5[%get3A_20, %get3A_21] : memref<64x10000xf32, #tpu.memory_space<vmem>>, vector<64x10000xf32>
    %dot_general3A_23 = arith.constant dense<0.000000e+00> : vector<1x10000xf32>
    %dot_general3A_24 = tpu.matmul %max3A_19, %get3A_22, %dot_general3A_23 {dimension_numbers = #tpu.dot_dimension_numbers<[1], [0], [0], [1], [0, 0, 1, 1], [], []>, transpose_lhs_hint = false} : vector<1x64xf32>, vector<64x10000xf32>, vector<1x10000xf32> -> vector<1x10000xf32>
    %get3A_25 = arith.constant 0 : index
    %get3A_26 = arith.constant 0 : index
    %get3A_27 = vector.load %arg6[%get3A_25, %get3A_26] : memref<1x10000xf32, #tpu.memory_space<vmem>>, vector<1x10000xf32>
    %add3A_28 = arith.addf %dot_general3A_24, %get3A_27 : vector<1x10000xf32>
    %swap3A = arith.constant 0 : index
    %swap3A_29 = arith.constant 0 : index
    %swap3A_30 = vector.load %arg12[%swap3A, %swap3A_29] : memref<1x10000xf32, #tpu.memory_space<vmem>>, vector<1x10000xf32>
    tpu.vector_store %arg12[%swap3A, %swap3A_29], %add3A_28 {strides = array<i32>} : memref<1x10000xf32, #tpu.memory_space<vmem>>, vector<1x10000xf32>,
    %get3A_31 = arith.constant 0 : index
    %get3A_32 = arith.constant 0 : index
    %get3A_33 = vector.load %arg7[%get3A_31, %get3A_32] : memref<64x32xf32, #tpu.memory_space<vmem>>, vector<64x32xf32>
    %dot_general3A_34 = arith.constant dense<0.000000e+00> : vector<1x32xf32>
    %dot_general3A_35 = tpu.matmul %add3A, %get3A_33, %dot_general3A_34 {dimension_numbers = #tpu.dot_dimension_numbers<[1], [0], [0], [1], [0, 0, 1, 1], [], []>, transpose_lhs_hint = false} : vector<1x64xf32>, vector<64x32xf32>, vector<1x32xf32> -> vector<1x32xf32>
    %get3A_36 = arith.constant 0 : index
    %get3A_37 = arith.constant 0 : index
    %get3A_38 = vector.load %arg8[%get3A_36, %get3A_37] : memref<1x32xf32, #tpu.memory_space<vmem>>, vector<1x32xf32>
    %add3A_39 = arith.addf %dot_general3A_35, %get3A_38 : vector<1x32xf32>
    %max3A_40 = arith.constant 0.000000e+00 : f32
    %max3A_41 = vector.broadcast %max3A_40 : f32 to vector<1x32xf32>
    %max3A_42 = arith.maximumf %add3A_39, %max3A_41 : vector<1x32xf32>
    %get3A_43 = arith.constant 0 : index
    %get3A_44 = arith.constant 0 : index
    %get3A_45 = vector.load %arg9[%get3A_43, %get3A_44] : memref<32x1xf32, #tpu.memory_space<vmem>>, vector<32x1xf32>
    %dot_general3A_46 = arith.constant dense<0.000000e+00> : vector<1x1xf32>
    %dot_general3A_47 = tpu.matmul %max3A_42, %get3A_45, %dot_general3A_46 {dimension_numbers = #tpu.dot_dimension_numbers<[1], [0], [0], [1], [0, 0, 1, 1], [], []>, transpose_lhs_hint = false} : vector<1x32xf32>, vector<32x1xf32>, vector<1x1xf32> -> vector<1x1xf32>
    %get3A_48 = arith.constant 0 : index
    %get3A_49 = arith.constant 0 : index
    %get3A_50 = vector.load %arg10[%get3A_48, %get3A_49] : memref<1x1xf32, #tpu.memory_space<vmem>>, vector<1x1xf32>
    %add3A_51 = arith.addf %dot_general3A_47, %get3A_50 : vector<1x1xf32>
    %tanh3A = math.tanh %add3A_51 : vector<1x1xf32>
    %swap3A_52 = arith.constant 0 : index
    %swap3A_53 = arith.constant 0 : index
    %swap3A_54 = vector.load %arg13[%swap3A_52, %swap3A_53] : memref<1x1xf32, #tpu.memory_space<vmem>>, vector<1x1xf32>
    tpu.vector_store %arg13[%swap3A_52, %swap3A_53], %tanh3A {strides = array<i32>} : memref<1x1xf32, #tpu.memory_space<vmem>>, vector<1x1xf32>,
    %get3A_55 = arith.constant 0 : index
    %get3A_56 = arith.constant 0 : index
    %get3A_57 = vector.load %arg11[%get3A_55, %get3A_56] : memref<10000x64xf32, #tpu.memory_space<vmem>>, vector<10000x64xf32>
    %reduce_sum3A = arith.constant dense<0.000000e+00> : vector<64xf32>
    %reduce_sum3A_58 = vector.multi_reduction <add>, %get3A_57, %reduce_sum3A [0] : vector<10000x64xf32> to vector<64xf32>
    %broadcast_in_dim3A = vector.shape_cast %reduce_sum3A_58 : vector<64xf32> to vector<1x64xf32>
    %div3A = arith.constant 1.000000e+04 : f32
    %div3A_59 = vector.broadcast %div3A : f32 to vector<1x64xf32>
    %div3A_60 = arith.divf %broadcast_in_dim3A, %div3A_59 : vector<1x64xf32>
    %swap3A_61 = arith.constant 0 : index
    %swap3A_62 = arith.constant 0 : index
    %swap3A_63 = vector.load %arg14[%swap3A_61, %swap3A_62] : memref<1x64xf32, #tpu.memory_space<vmem>>, vector<1x64xf32>
    tpu.vector_store %arg14[%swap3A_61, %swap3A_62], %div3A_60 {strides = array<i32>} : memref<1x64xf32, #tpu.memory_space<vmem>>, vector<1x64xf32>,
    return
  }
}

</mosaic_0001>

<sc_bundles>
// kernel: kernel.12.cloned.1.call-start
scs
__scs_entry_jumppad:
0x0: {  	(pc) =	sbr.rel $0x88, $3  }
0x1: {  	(tag) =	ssettag $0x0;
	lr =	simm.s32 $0x1  }
0x2: {  	[smem:$0x3F7F] =	sst lr;
	_ =	strace $0xD0000000  }
0x3: {  	_ = 	snop  }
0x4: {  	_ = 	snop  }
0x5: {  	_ = 	snop  }
0x6: {  	_ = 	snop  }
0x7: {  	_ = 	snop  }
__scs_overlays_trampoline_lowered:
0x8: {  	[smem:$0x3F8E] =	sst s0  }
0x9: {  	[smem:$0x3F8F] =	sst s1  }
0xa: {  	[smem:$0x3F90] =	sst s2  }
0xb: {  	[smem:$0x3F91] =	sst s3  }
0xc: {  	[smem:$0x3F92] =	sst s4  }
0xd: {  	[smem:$0x3F93] =	sst s5  }
0xe: {  	[smem:$0x3F94] =	sst s6  }
0xf: {  	[smem:$0x3F95] =	sst s7  }
0x10: {  	[smem:$0x3F96] =	sst s8  }
0x11: {  	[smem:$0x3F97] =	sst s9;
	s0 =	simm.s32 @!p0 $0x0  }
0x12: {  	s1 =	sld [smem:$0x3F7D];
	s0 =	simm.s32 @p0 $0x1  }
0x13: {  	[smem:$0x3F98] =	sst s0;
	s0 =	simm.s32 @!p1 $0x0  }
0x14: {  	s2 =	sld [smem:$0x3F7C];
	s0 =	simm.s32 @p1 $0x1  }
0x15: {  	[smem:$0x3F99] =	sst s0;
	s0 =	simm.s32 @!p2 $0x0  }
0x16: {  	s3 =	sld [smem:$0x3FDB];
	s0 =	simm.s32 @p2 $0x1  }
0x17: {  	s4 =	simm.s32 $0x1BF5;
	[smem:$0x3F9B] =	sst s0  }
0x18: {  	s0 =	sld [smem:$0x3F7E];
	_ =	swait.ge [sflag:s4], $0x0  }
0x19: {  	s7 =	sld [smem:$0x3F7F]  }
0x1a: {  	s8 =	sadd.s32 $0xFFFFE003, lr  }
0x1b: {  	s9 =	sadd.s32 $0xFFFFFEF7, lr;
	s5 =	simm.s32 $0xFFFFFFFF;
	p2 =	slt.u32 s8, $0xFFFFF086  }
0x1c: {  	p1 =	slt.u32 s9, $0xF7A;
	s5 =	simm.s32 @!p2 $0x0  }
0x1d: {  	s5 =	simm.s32 @p1 $0x1;
	p0 =	seq.s32 s7, s2  }
0x1e: {  	s7 =	smul.u32 @!p0 $0xF7A, s2;
	p2 =	seq.s32 @!p0 s5, $0x0  }
0x1f: {  	s9 =	smul.u32 $0xF7A, s1;
	s8 =	simm.s32 @!p0 $0x1BF5;
	p2 =	por !p2, p0  }
0x20: {  	[sflag:s8] =	ssyncset.s32 @!p0 $0xFFFFF086;
	s6 =	sadd.s32 @!p0 s3, s7;
	s7 =	simm.s32 @!p0 $0x108  }
0x21: {  	s3 =	sadd.s32 s3, s9;
	s6 =	sadd.s32 @!p0 $0x88, s6;
	s7 =	simm.s32 @p2 $0x1082  }
0x22: {  	[simem:s7], [sflag:s8] =	dma.local @!p0 [hbm:s6], $0xF7A  }
0x23: {  	s9 =	sor.u32 $0xD0000000, s2;
	s6 =	simm.s32 $0x108;
	_ =	swait.ge @!p0 [sflag:s8], $0x0  }
0x24: {  	s3 =	sadd.s32 $0x88, s3;
	s6 =	simm.s32 @!p1 $0x1082;
	[sflag:s4] =	ssyncset.s32 $0xFFFFF086  }
0x25: {  	[simem:s6], [sflag:s4] =	dma.local [hbm:s3], $0xF7A  }
0x26: {  	[smem:$0x3F7F] =	sst s1;
	(tag) =	ssettag s2;
	_ =	strace s9  }
0x27: {  	s1 =	sld [smem:$0x3F8F]  }
0x28: {  	s2 =	sld [smem:$0x3F90]  }
0x29: {  	s4 =	sld [smem:$0x3F92]  }
0x2a: {  	p0 =	seq.s32 s5, $0x0;
	s5 =	sld [smem:$0x3F93]  }
0x2b: {  	s6 =	sld [smem:$0x3F94]  }
0x2c: {  	s7 =	sld [smem:$0x3F95]  }
0x2d: {  	s3 =	simm.s32 $0x108;
	s8 =	sld [smem:$0x3F96]  }
0x2e: {  	s3 =	simm.s32 @!p0 $0x1082;
	s9 =	sld [smem:$0x3F97]  }
0x2f: {  	lr =	sadd.s32 s0, s3;
	s0 =	sld [smem:$0x3F8E]  }
0x30: {  	s3 =	sld [smem:$0x3F91]  }
0x31: {  	[smem:$0x3F9A] =	sst s10  }
0x32: {  	s10 =	sld [smem:$0x3F98];
	_ =	sdelay $0x3  }
0x33: {  	p0 =	seq.s32 s10, $0x1;
	s10 =	sld [smem:$0x3F9A];
	_ =	sdelay $0x3  }
0x34: {  	[smem:$0x3F9A] =	sst s10  }
0x35: {  	s10 =	sld [smem:$0x3F99];
	_ =	sdelay $0x3  }
0x36: {  	p1 =	seq.s32 s10, $0x1;
	s10 =	sld [smem:$0x3F9A];
	_ =	sdelay $0x3  }
0x37: {  	[smem:$0x3F9A] =	sst s10  }
0x38: {  	s10 =	sld [smem:$0x3F9B]  }
0x39: {  	_ = 	snop;
	(pc) =	sbr.ind lr, $3  }
0x3a: {  	_ = 	snop  }
0x3b: {  	_ = 	snop  }
0x3c: {  	p2 =	seq.s32 s10, $0x1;
	s10 =	sld [smem:$0x3F9A]  }
0x3d: {  	_ =	shalt  }
0x3e: {  	_ =	shalt  }
0x3f: {  	_ =	shalt  }
0x40: {  	_ =	shalt  }
0x41: {  	_ =	shalt  }
0x42: {  	_ =	shalt  }
0x43: {  	_ =	shalt  }
0x44: {  	_ =	shalt  }
0x45: {  	_ =	shalt  }
0x46: {  	_ =	shalt  }
0x47: {  	_ =	shalt  }
0x48: {  	_ =	shalt  }
0x49: {  	_ =	shalt  }
0x4a: {  	_ =	shalt  }
0x4b: {  	_ =	shalt  }
0x4c: {  	_ =	shalt  }
0x4d: {  	_ =	shalt  }
0x4e: {  	_ =	shalt  }
0x4f: {  	_ =	shalt  }
0x50: {  	_ =	shalt  }
0x51: {  	_ =	shalt  }
0x52: {  	_ =	shalt  }
0x53: {  	_ =	shalt  }
0x54: {  	_ =	shalt  }
0x55: {  	_ =	shalt  }
0x56: {  	_ =	shalt  }
0x57: {  	_ =	shalt  }
0x58: {  	_ =	shalt  }
0x59: {  	_ =	shalt  }
0x5a: {  	_ =	shalt  }
0x5b: {  	_ =	shalt  }
0x5c: {  	_ =	shalt  }
0x5d: {  	_ =	shalt  }
0x5e: {  	_ =	shalt  }
0x5f: {  	_ =	shalt  }
0x60: {  	_ =	shalt  }
0x61: {  	_ =	shalt  }
0x62: {  	_ =	shalt  }
0x63: {  	_ =	shalt  }
0x64: {  	_ =	shalt  }
0x65: {  	_ =	shalt  }
0x66: {  	_ =	shalt  }
0x67: {  	_ =	shalt  }
0x68: {  	_ =	shalt  }
0x69: {  	_ =	shalt  }
0x6a: {  	_ =	shalt  }
0x6b: {  	_ =	shalt  }
0x6c: {  	_ =	shalt  }
0x6d: {  	_ =	shalt  }
0x6e: {  	_ =	shalt  }
0x6f: {  	_ =	shalt  }
0x70: {  	_ =	shalt  }
0x71: {  	_ =	shalt  }
0x72: {  	_ =	shalt  }
0x73: {  	_ =	shalt  }
0x74: {  	_ =	shalt  }
0x75: {  	_ =	shalt  }
0x76: {  	_ =	shalt  }
0x77: {  	_ =	shalt  }
0x78: {  	_ =	shalt  }
0x79: {  	_ =	shalt  }
0x7a: {  	_ =	shalt  }
0x7b: {  	_ =	shalt  }
0x7c: {  	_ =	shalt  }
0x7d: {  	_ =	shalt  }
0x7e: {  	_ =	shalt  }
0x7f: {  	_ =	shalt  }
0x80: {  	_ =	shalt  }
0x81: {  	_ =	shalt  }
0x82: {  	_ =	shalt  }
0x83: {  	_ =	shalt  }
0x84: {  	_ =	shalt  }
0x85: {  	_ =	shalt  }
0x86: {  	_ =	shalt  }
0x87: {  	_ =	shalt  }
.Lfunc_end0:
.L_simem_size_0:
called_computation_lowered:
.L_overlay_start_0:
0x88: {  	s2 =	sld [smem:$0x3FD9]  }
0x89: {  	s3 =	sld [smem:$0x3FFE];
	_ =	sdelay $0x1  }
0x8a: {  	s1 =	srdreg.scid  }
0x8b: {  	s0 =	sand.u32 $0x1, s1  }
0x8c: {  	s16 =	sshll.u32 s0, $0xA;
	s2 =	sadd.s32 s3, s2  }
0x8d: {  	s2 =	sadd.s32 s2, s16  }
0x8e: {  	[smem:$0x3FA6] =	sst s2  }
0x8f: {  	_ = 	snop  }
0x90: {  	(tm) =	ssettm $0x1  }
0x91: {  	s17 =	sld [smem:$0x3FFB];
	_ =	sdelay $0x3  }
0x92: {  	_ =	strace s17  }
0x93: {  	s2 =	sld [smem:$0x3FFC];
	_ =	sdelay $0x3  }
0x94: {  	_ =	strace s2  }
0x95: {  	s2 =	sld [smem:$0x3FFD];
	_ =	sdelay $0x3  }
0x96: {  	_ =	strace s2  }
0x97: {  	_ =	strace $0x8FFFFFFF  }
0x98: {  	s18 =	sld [smem:$0x3FDB];
	_ =	sdelay $0x1  }
0x99: {  	s19 =	simm.s32 $_scs_section_size  }
0x9a: {  	s4 =	simm.s32 $_size__tile_overlayer_lowered;
	s5 =	simm.s32 $_tile_overlayer_lowered  }
0x9b: {  	s22 =	simm.s32 $0x1BFF;
	s21 =	sshll.u32 s5, $0x1;
	s2 =	sadd.s32 s19, s18  }
0x9c: {  	s6 =	simm.s32 $0x0;
	s20 =	sshll.u32 s4, $0x1;
	s4 =	sadd.s32 s21, s2  }
0x9d: {  	[timem:s6], [sflag:s22] =	dma.local [hbm:s4], s20  }
0x9e: {  	_ =	swait.ge [sflag:s22], s20  }
0x9f: {  	s3 =	ssub.s32 $0x0, s20;
	[sflag:s22] =	ssyncset.done $0x0  }
0xa0: {  	[sflag:s22] =	ssyncadd.s32 s3;
	_ =	sdelay $0x1  }
0xa1: {  	s23 =	simm.s32 $0x1B8B  }
0xa2: {  	_ =	swait.ge [sflag:s23], $0x1  }
0xa3: {  	[sflag:s23] =	ssyncset.done $0x0  }
0xa4: {  	s25 =	simm.s32 $0x1B8E;
	s24 =	sld [smem:$0x3FFE];
	[sflag:s23] =	ssyncadd.s32 $0xFFFFFFFF  }
0xa5: {  	s26 =	simm.s32 $execute0_lowered;
	[smem:$0x3FD2] =	sst s25  }
0xa6: {  	s4 =	sshll.u32 s26, $0x1;
	_ =	strace $0x80000046;
	[dreg:$0x1] =	wrdreg $0xFFFFFFFF  }
0xa7: {  	s28 =	simm.s32 $_size_execute0_lowered;
	s2 =	sadd.s32 s2, s4;
	[dreg:$0x0] =	wrdreg $0x0  }
0xa8: {  	s4 =	sshll.u32 s28, $0x1;
	[dreg:$0x2] =	wrdreg s2  }
0xa9: {  	[dreg:$0x3] =	wrdreg s4  }
0xaa: {  	[dreg:$0x4] =	wrdreg $0xC0  }
0xab: {  	_ =	task [dreg:s6], $0x5FFFF  }
0xac: {  	[dreg:$0x1] =	wrdreg $0xFFFFFFFF  }
0xad: {  	[dreg:$0x0] =	wrdreg $0x60  }
0xae: {  	[dreg:$0x2] =	wrdreg s24  }
0xaf: {  	[dreg:$0x3] =	wrdreg $0x9  }
0xb0: {  	_ =	task.clear_ibuf [dreg:s6], $0x4FFFF;
	_ =	strace $0x90000046  }
0xb1: {  	s29 =	simm.s32 $0x9;
	_ =	strace $0x80000048  }
0xb2: {  	_ =	swait.ge [sflag:s29], $0x1  }
0xb3: {  	[sflag:s29] =	ssyncadd.s32 $0xFFFFFFFF  }
0xb4: {  	_ =	strace $0x90000048  }
0xb5: {  	_ =	sfence  }
0xb6: {  	s30 =	sld [smem:$0x0];
	_ =	sdelay $0x2  }
0xb7: {  	s31 =	sshll.u32 s1, $0xD;
	s1 =	sshrl.u32 s1, $0x2  }
0xb8: {  	s3 =	sand.u32 $0x4000, s31;
	s1 =	sadd.s32 s1, s30  }
0xb9: {  	s0 =	sor.u32 s3, s0;
	s1 =	sshll.u32 s1, $0x11  }
0xba: {  	s0 =	sor.u32 s1, s0  }
0xbb: {  	s0 =	sadd.s32 $0x8F2B, s0  }
0xbc: {  	[sflag:s0] =	ssyncadd.remote.s32 $0x1  }
0xbd: {  	_ =	sfence.sel $0xFFFF  }
0xbe: {  	[dreg:$0x0] =	wrdreg $0xFFFFFFFF;
	(pc) =	sbr.abs _section_cstart, $3  }
0xbf: {  	[dreg:$0x1] =	wrdreg $0xFFFFFFFF  }
0xc0: {  	_ =	task.clear_ibuf [dreg:s6], $0x2FFFF;
	_ =	strace $0x9FFFFFFF  }
0xc1: {  	(tm) =	ssettm $0x7FFFFFFF  }
tec
execute0_lowered:
.L_overlay_start_1:
0x0: {  	(tag) =	ssettag $0x1  }
0x1: {  	s1 =	srdreg.scid  }
0x2: {  	s0 =	stileid.u32;
	s6 =	rddreg [dreg:$0x0]  }
0x3: {  	s2 =	simm.s32 $0x0;
	s11 =	simm.s32 $0x100;
	s12 =	simm.s32 $0x1  }
0x4: {  	s13 =	simm.s32 $0x80;
	s14 =	simm.s32 $0x200;
	s15 =	simm.s32 $0x4200  }
0x5: {  	s16 =	simm.s32 $0x2;
	s17 =	simm.s32 $0x8200;
	s18 =	simm.s32 $0x180  }
0x6: {  	s19 =	simm.s32 $0xC200;
	s20 =	simm.s32 $0x3;
	s21 =	simm.s32 $0x4  }
0x7: {  	s22 =	simm.s32 $0x5;
	s1 =	sand.u32 $0x1, s1;
	s3 =	sshll.u32 s0, $0x1  }
0x8: {  	s23 =	simm.s32 $0x6;
	s24 =	simm.s32 $0x0;
	s5 =	sor.u32 s1, s3  }
0x9: {  	[smem:$0x7FF] =	sst s2;
	s4 =	sadd.s32 $0x73600, s6;
	s8 =	smul.u32 $0xA00, s5  }
0xa: {  	_ =	strace $0x80000047;
	s1 =	ssub.s32 $0x2, s1;
	s7 =	smul.u32 $0x140000, s5  }
0xb: {  	s3 =	sadd.s32 $0x25200, s6;
	s10 =	sshrl.u32 s1, $0x1;
	s5 =	smul.u32 $0x50, s5  }
0xc: {  	s1 =	ssub.s32 s1, s10;
	s9 =	sadd.s32 s8, s6;
	s7 =	sshrl.u32 s7, $0x3  }
0xd: {  	s6 =	sadd.s32 $0x11220, s6;
	s10 =	smax.u32 s1, $0x1;
	s31 =	sadd.s32 s4, s7  }
0xe: {  	s7 =	sadd.s32 $0x11200, s9;
	s8 =	sadd.s32 s8, s6;
	s9 =	sadd.s32 $0x27800, s31  }
.LBB2_1:
0xf: {  	[tilespmem:s2], [sflag:$0x1] =	stream.linear.gather [hbm4b:s7+s2], $0x100, $0x38;
	[tilespmem:$0x10200] =	vst v63  }
0x10: {  	s25 =	simm.s32 $0x0  }
0x11: {  	[tilespmem:s11], [sflag:$0x2] =	stream.linear.gather [hbm4b:s8+s2], $0x100, $0x38;
	[tilespmem:$0x10200] =	vst v63  }
.LBB2_2:
0x12: {  	p0 =	sne.s32 s25, $0x0  }
.Ltmp0:
0x13: {  	_ = 	snop;
	(pc) =	sbr.rel @!p0 .LBB2_3-.Ltmp0, $4  }
0x14: {  	_ = 	snop  }
0x15: {  	_ =	swait.ge [sflag:s12], $0x100  }
0x16: {  	[sflag:s12] =	ssyncset.done $0x0  }
0x17: {  	[sflag:s12] =	ssyncadd.s32 $0xFFFFFF00  }
0x18: {  	_ =	swait.ge [sflag:s22], $0x4000  }
0x19: {  	[sflag:s22] =	ssyncset.done $0x0  }
0x1a: {  	[sflag:s22] =	ssyncadd.s32 $0xFFFFC000  }
0x1b: {  	[tilespmem:s14], [sflag:$0x3] =	stream.indirect.gather [hbm4b:s3+s13], $0x80, s2, s13, $0xb8;
	[tilespmem:$0x10200] =	vst v63  }
0x1c: {  	_ = 	snop  }
0x1d: {  	[tilespmem:s15], [sflag:$0x3] =	stream.indirect.gather [hbm4b:s3+s13], $0x80, s13, s13, $0xb8;
	[tilespmem:$0x10200] =	vst v63  }
0x1e: {  	_ =	swait.ge [sflag:s21], $0x4000  }
0x1f: {  	[sflag:s21] =	ssyncset.done $0x0  }
0x20: {  	[sflag:s21] =	ssyncadd.s32 $0xFFFFC000  }
0x21: {  	_ =	swait.ge [sflag:s21], $0x4000  }
0x22: {  	[sflag:s21] =	ssyncset.done $0x0  }
0x23: {  	s26 =	simm.s32 $0x8300;
	[sflag:s21] =	ssyncadd.s32 $0xFFFFC000  }
0x24: {  	s28 =	simm.s32 $0xC340;
	v0 =	vld [tilespmem:s26+$0xFFFFFF00]  }
0x25: {  	v1 =	vld [tilespmem:s28+$0xFFFFFF00];
	_ =	sdelay $0x4  }
0x26: {  	v0 =	vadd.f32 v1, v0;
	_ =	sdelay $0x1  }
0x27: {  	[tilespmem:s26+$0xFFFFFF00] =	vst v0;
	v0 =	vld [tilespmem:s26+$0xFFFFFF10]  }
0x28: {  	v1 =	vld [tilespmem:s28+$0xFFFFFF10];
	_ =	sdelay $0x4  }
0x29: {  	v0 =	vadd.f32 v1, v0;
	_ =	sdelay $0x1  }
0x2a: {  	[tilespmem:s26+$0xFFFFFF10] =	vst v0;
	v0 =	vld [tilespmem:s26+$0xFFFFFF20]  }
0x2b: {  	v1 =	vld [tilespmem:s28+$0xFFFFFF20];
	_ =	sdelay $0x4  }
0x2c: {  	v0 =	vadd.f32 v1, v0;
	_ =	sdelay $0x1  }
0x2d: {  	[tilespmem:s26+$0xFFFFFF20] =	vst v0;
	v0 =	vld [tilespmem:s26+$0xFFFFFF30]  }
0x2e: {  	v1 =	vld [tilespmem:s28+$0xFFFFFF30];
	_ =	sdelay $0x4  }
0x2f: {  	v0 =	vadd.f32 v1, v0;
	_ =	sdelay $0x1  }
0x30: {  	[tilespmem:s26+$0xFFFFFF30] =	vst v0;
	v0 =	vld [tilespmem:s26+$0xFFFFFF80]  }
0x31: {  	v1 =	vld [tilespmem:s28+$0xFFFFFF80];
	_ =	sdelay $0x4  }
0x32: {  	v0 =	vadd.f32 v1, v0;
	_ =	sdelay $0x1  }
0x33: {  	[tilespmem:s26+$0xFFFFFF80] =	vst v0;
	v0 =	vld [tilespmem:s26+$0xFFFFFF90]  }
0x34: {  	v1 =	vld [tilespmem:s28+$0xFFFFFF90];
	_ =	sdelay $0x4  }
0x35: {  	v0 =	vadd.f32 v1, v0;
	_ =	sdelay $0x1  }
0x36: {  	[tilespmem:s26+$0xFFFFFF90] =	vst v0;
	v0 =	vld [tilespmem:s26+$0xFFFFFFA0]  }
0x37: {  	v1 =	vld [tilespmem:s28+$0xFFFFFFA0];
	_ =	sdelay $0x4  }
0x38: {  	v0 =	vadd.f32 v1, v0;
	_ =	sdelay $0x1  }
0x39: {  	[tilespmem:s26+$0xFFFFFFA0] =	vst v0;
	v0 =	vld [tilespmem:s26+$0xFFFFFFB0]  }
0x3a: {  	v1 =	vld [tilespmem:s28+$0xFFFFFFB0];
	_ =	sdelay $0x4  }
0x3b: {  	v0 =	vadd.f32 v1, v0;
	_ =	sdelay $0x1  }
0x3c: {  	[tilespmem:s26+$0xFFFFFFB0] =	vst v0;
	v0 =	vld [tilespmem:s26+$0x0]  }
0x3d: {  	v1 =	vld [tilespmem:s28+$0x0];
	_ =	sdelay $0x4  }
0x3e: {  	v0 =	vadd.f32 v1, v0;
	_ =	sdelay $0x1  }
0x3f: {  	[tilespmem:s26+$0x0] =	vst v0;
	v0 =	vld [tilespmem:s26+$0x10]  }
0x40: {  	v1 =	vld [tilespmem:s28+$0x10];
	_ =	sdelay $0x4  }
0x41: {  	v0 =	vadd.f32 v1, v0;
	_ =	sdelay $0x1  }
0x42: {  	[tilespmem:s26+$0x10] =	vst v0;
	v0 =	vld [tilespmem:s26+$0x20]  }
0x43: {  	v1 =	vld [tilespmem:s28+$0x20];
	_ =	sdelay $0x4  }
0x44: {  	v0 =	vadd.f32 v1, v0;
	_ =	sdelay $0x1  }
0x45: {  	[tilespmem:s26+$0x20] =	vst v0;
	v0 =	vld [tilespmem:s26+$0x30]  }
0x46: {  	v1 =	vld [tilespmem:s28+$0x30];
	_ =	sdelay $0x4  }
0x47: {  	v0 =	vadd.f32 v1, v0;
	_ =	sdelay $0x1  }
0x48: {  	[tilespmem:s26+$0x30] =	vst v0;
	v0 =	vld [tilespmem:s26+$0x80]  }
0x49: {  	v1 =	vld [tilespmem:s28+$0x80];
	_ =	sdelay $0x4  }
0x4a: {  	v0 =	vadd.f32 v1, v0;
	_ =	sdelay $0x1  }
0x4b: {  	[tilespmem:s26+$0x80] =	vst v0;
	v0 =	vld [tilespmem:s26+$0x90]  }
0x4c: {  	v1 =	vld [tilespmem:s28+$0x90];
	_ =	sdelay $0x4  }
0x4d: {  	v0 =	vadd.f32 v1, v0;
	_ =	sdelay $0x1  }
0x4e: {  	[tilespmem:s26+$0x90] =	vst v0;
	v0 =	vld [tilespmem:s26+$0xA0]  }
0x4f: {  	v1 =	vld [tilespmem:s28+$0xA0];
	_ =	sdelay $0x4  }
0x50: {  	v0 =	vadd.f32 v1, v0;
	_ =	sdelay $0x1  }
0x51: {  	[tilespmem:s26+$0xA0] =	vst v0;
	v0 =	vld [tilespmem:s26+$0xB0]  }
0x52: {  	v1 =	vld [tilespmem:s28+$0xB0];
	_ =	sdelay $0x4  }
0x53: {  	s29 =	sshll.u32 s25, $0x1;
	v0 =	vadd.f32 v1, v0  }
0x54: {  	s31 =	simm.s32 $0x0;
	s1 =	simm.s32 $0x8500;
	s30 =	sadd.s32 s5, s29  }
.LBB2_5:
0x55: {  	v1 =	vld [tilespmem:s1+$0xFFFFFF00];
	[tilespmem:s26+$0xB0] =	vst v0;
	s28 =	sadd.s32 $0x200, s28;
	s26 =	smov.u32 s1  }
0x56: {  	s31 =	sadd.s32 $0x4, s31;
	v0 =	vld [tilespmem:s28+$0xFFFFFF00]  }
0x57: {  	p0 =	slt.u32 s31, $0x7C;
	_ =	sdelay $0x3  }
0x58: {  	v0 =	vadd.f32 v0, v1;
	_ =	sdelay $0x1  }
0x59: {  	[tilespmem:s1+$0xFFFFFF00] =	vst v0;
	v0 =	vld [tilespmem:s1+$0xFFFFFF10]  }
0x5a: {  	v1 =	vld [tilespmem:s28+$0xFFFFFF10];
	_ =	sdelay $0x4  }
0x5b: {  	v0 =	vadd.f32 v1, v0;
	_ =	sdelay $0x1  }
0x5c: {  	[tilespmem:s1+$0xFFFFFF10] =	vst v0;
	v0 =	vld [tilespmem:s1+$0xFFFFFF20]  }
0x5d: {  	v1 =	vld [tilespmem:s28+$0xFFFFFF20];
	_ =	sdelay $0x4  }
0x5e: {  	v0 =	vadd.f32 v1, v0;
	_ =	sdelay $0x1  }
0x5f: {  	[tilespmem:s1+$0xFFFFFF20] =	vst v0;
	v0 =	vld [tilespmem:s1+$0xFFFFFF30]  }
0x60: {  	v1 =	vld [tilespmem:s28+$0xFFFFFF30];
	_ =	sdelay $0x4  }
0x61: {  	v0 =	vadd.f32 v1, v0;
	_ =	sdelay $0x1  }
0x62: {  	[tilespmem:s1+$0xFFFFFF30] =	vst v0;
	v0 =	vld [tilespmem:s1+$0xFFFFFF80]  }
0x63: {  	v1 =	vld [tilespmem:s28+$0xFFFFFF80];
	_ =	sdelay $0x4  }
0x64: {  	v0 =	vadd.f32 v1, v0;
	_ =	sdelay $0x1  }
0x65: {  	[tilespmem:s1+$0xFFFFFF80] =	vst v0;
	v0 =	vld [tilespmem:s1+$0xFFFFFF90]  }
0x66: {  	v1 =	vld [tilespmem:s28+$0xFFFFFF90];
	_ =	sdelay $0x4  }
0x67: {  	v0 =	vadd.f32 v1, v0;
	_ =	sdelay $0x1  }
0x68: {  	[tilespmem:s1+$0xFFFFFF90] =	vst v0;
	v0 =	vld [tilespmem:s1+$0xFFFFFFA0]  }
0x69: {  	v1 =	vld [tilespmem:s28+$0xFFFFFFA0];
	_ =	sdelay $0x4  }
0x6a: {  	v0 =	vadd.f32 v1, v0;
	_ =	sdelay $0x1  }
0x6b: {  	[tilespmem:s1+$0xFFFFFFA0] =	vst v0;
	v0 =	vld [tilespmem:s1+$0xFFFFFFB0]  }
0x6c: {  	v1 =	vld [tilespmem:s28+$0xFFFFFFB0];
	_ =	sdelay $0x4  }
0x6d: {  	v0 =	vadd.f32 v1, v0;
	_ =	sdelay $0x1  }
0x6e: {  	[tilespmem:s1+$0xFFFFFFB0] =	vst v0;
	v0 =	vld [tilespmem:s1+$0x0]  }
0x6f: {  	v1 =	vld [tilespmem:s28+$0x0];
	_ =	sdelay $0x4  }
0x70: {  	v0 =	vadd.f32 v1, v0;
	_ =	sdelay $0x1  }
0x71: {  	[tilespmem:s1+$0x0] =	vst v0;
	v0 =	vld [tilespmem:s1+$0x10]  }
0x72: {  	v1 =	vld [tilespmem:s28+$0x10];
	_ =	sdelay $0x4  }
0x73: {  	v0 =	vadd.f32 v1, v0;
	_ =	sdelay $0x1  }
0x74: {  	[tilespmem:s1+$0x10] =	vst v0;
	v0 =	vld [tilespmem:s1+$0x20]  }
0x75: {  	v1 =	vld [tilespmem:s28+$0x20];
	_ =	sdelay $0x4  }
0x76: {  	v0 =	vadd.f32 v1, v0;
	_ =	sdelay $0x1  }
0x77: {  	[tilespmem:s1+$0x20] =	vst v0;
	v0 =	vld [tilespmem:s1+$0x30]  }
0x78: {  	v1 =	vld [tilespmem:s28+$0x30];
	_ =	sdelay $0x4  }
0x79: {  	v0 =	vadd.f32 v1, v0;
	_ =	sdelay $0x1  }
0x7a: {  	[tilespmem:s1+$0x30] =	vst v0;
	v0 =	vld [tilespmem:s1+$0x80]  }
0x7b: {  	v1 =	vld [tilespmem:s28+$0x80];
	_ =	sdelay $0x4  }
0x7c: {  	v0 =	vadd.f32 v1, v0;
	_ =	sdelay $0x1  }
0x7d: {  	[tilespmem:s1+$0x80] =	vst v0;
	v0 =	vld [tilespmem:s1+$0x90]  }
0x7e: {  	v1 =	vld [tilespmem:s28+$0x90];
	_ =	sdelay $0x4  }
0x7f: {  	v0 =	vadd.f32 v1, v0;
	_ =	sdelay $0x1  }
0x80: {  	[tilespmem:s1+$0x90] =	vst v0;
	v0 =	vld [tilespmem:s1+$0xA0]  }
0x81: {  	v1 =	vld [tilespmem:s28+$0xA0];
	_ =	sdelay $0x4  }
0x82: {  	v0 =	vadd.f32 v1, v0;
	_ =	sdelay $0x1  }
0x83: {  	[tilespmem:s1+$0xA0] =	vst v0;
	v0 =	vld [tilespmem:s1+$0xB0]  }
0x84: {  	v1 =	vld [tilespmem:s28+$0xB0];
	_ =	sdelay $0x1  }
.Ltmp1:
0x85: {  	(pc) =	sbr.rel @p0 .LBB2_5-.Ltmp1, $3  }
0x86: {  	_ =	sdelay $0x1  }
0x87: {  	v0 =	vadd.f32 v1, v0  }
0x88: {  	s1 =	sadd.s32 $0x200, s1  }
0x89: {  	s1 =	sshll.u32 s30, $0xE  }
0x8a: {  	s1 =	sadd.s32 $0xFFFFC000, s1  }
0x8b: {  	s1 =	sshrl.u32 s1, $0x3  }
.Ltmp2:
0x8c: {  	[tilespmem:s26+$0xB0] =	vst v0;
	s31 =	sshll.u32 s30, $0x5;
	s1 =	sadd.s32 s4, s1;
	(pc) =	sbr.rel .LBB2_7-.Ltmp2, $4  }
0x8d: {  	[hbm4b:s1+s2] =	stream.linear.scatter [tilespmem:s17], [sflag:$0x6], $0x4000, $0x38;
	[tilespmem:$0x10200] =	vst v63  }
0x8e: {  	s1 =	sadd.s32 s31, s6  }
0x8f: {  	[tilespmem:s11], [sflag:$0x2] =	stream.linear.gather [hbm4b:s1+s2], $0x100, $0x38;
	[tilespmem:$0x10200] =	vst v63  }
0x90: {  	s1 =	sor.u32 $0x1, s29  }
.LBB2_3:
0x91: {  	[tilespmem:s14], [sflag:$0x3] =	stream.indirect.gather [hbm4b:s3+s13], $0x80, s2, s13, $0xb8;
	[tilespmem:$0x10200] =	vst v63  }
0x92: {  	s1 =	simm.s32 $0x1  }
0x93: {  	[tilespmem:s15], [sflag:$0x3] =	stream.indirect.gather [hbm4b:s3+s13], $0x80, s13, s13, $0xb8;
	[tilespmem:$0x10200] =	vst v63  }
.LBB2_7:
0x94: {  	_ =	swait.ge [sflag:s16], $0x100  }
0x95: {  	p0 =	seq.s32 s25, $0x0;
	[sflag:s16] =	ssyncset.done $0x0  }
0x96: {  	s26 =	simm.s32 @!p0 $0x6;
	[sflag:s16] =	ssyncadd.s32 $0xFFFFFF00  }
0x97: {  	_ =	swait.ge @!p0 [sflag:s26], $0x4000  }
0x98: {  	[sflag:s26] =	ssyncset.done @!p0 $0x0  }
0x99: {  	[sflag:s26] =	ssyncadd.s32 @!p0 $0xFFFFC000  }
0x9a: {  	[tilespmem:s17], [sflag:$0x4] =	stream.indirect.gather [hbm4b:s3+s13], $0x80, s11, s13, $0xb8;
	[tilespmem:$0x10200] =	vst v63  }
0x9b: {  	_ = 	snop  }
0x9c: {  	[tilespmem:s19], [sflag:$0x4] =	stream.indirect.gather [hbm4b:s3+s13], $0x80, s18, s13, $0xb8;
	[tilespmem:$0x10200] =	vst v63  }
0x9d: {  	_ =	swait.ge [sflag:s20], $0x4000  }
0x9e: {  	[sflag:s20] =	ssyncset.done $0x0  }
0x9f: {  	[sflag:s20] =	ssyncadd.s32 $0xFFFFC000  }
0xa0: {  	_ =	swait.ge [sflag:s20], $0x4000  }
0xa1: {  	[sflag:s20] =	ssyncset.done $0x0  }
0xa2: {  	s26 =	simm.s32 $0x300;
	[sflag:s20] =	ssyncadd.s32 $0xFFFFC000  }
0xa3: {  	s28 =	simm.s32 $0x4340;
	v0 =	vld [tilespmem:s26+$0xFFFFFF00]  }
0xa4: {  	v1 =	vld [tilespmem:s28+$0xFFFFFF00];
	_ =	sdelay $0x4  }
0xa5: {  	v0 =	vadd.f32 v1, v0;
	_ =	sdelay $0x1  }
0xa6: {  	[tilespmem:s26+$0xFFFFFF00] =	vst v0;
	v0 =	vld [tilespmem:s26+$0xFFFFFF10]  }
0xa7: {  	v1 =	vld [tilespmem:s28+$0xFFFFFF10];
	_ =	sdelay $0x4  }
0xa8: {  	v0 =	vadd.f32 v1, v0;
	_ =	sdelay $0x1  }
0xa9: {  	[tilespmem:s26+$0xFFFFFF10] =	vst v0;
	v0 =	vld [tilespmem:s26+$0xFFFFFF20]  }
0xaa: {  	v1 =	vld [tilespmem:s28+$0xFFFFFF20];
	_ =	sdelay $0x4  }
0xab: {  	v0 =	vadd.f32 v1, v0;
	_ =	sdelay $0x1  }
0xac: {  	[tilespmem:s26+$0xFFFFFF20] =	vst v0;
	v0 =	vld [tilespmem:s26+$0xFFFFFF30]  }
0xad: {  	v1 =	vld [tilespmem:s28+$0xFFFFFF30];
	_ =	sdelay $0x4  }
0xae: {  	v0 =	vadd.f32 v1, v0;
	_ =	sdelay $0x1  }
0xaf: {  	[tilespmem:s26+$0xFFFFFF30] =	vst v0;
	v0 =	vld [tilespmem:s26+$0xFFFFFF80]  }
0xb0: {  	v1 =	vld [tilespmem:s28+$0xFFFFFF80];
	_ =	sdelay $0x4  }
0xb1: {  	v0 =	vadd.f32 v1, v0;
	_ =	sdelay $0x1  }
0xb2: {  	[tilespmem:s26+$0xFFFFFF80] =	vst v0;
	v0 =	vld [tilespmem:s26+$0xFFFFFF90]  }
0xb3: {  	v1 =	vld [tilespmem:s28+$0xFFFFFF90];
	_ =	sdelay $0x4  }
0xb4: {  	v0 =	vadd.f32 v1, v0;
	_ =	sdelay $0x1  }
0xb5: {  	[tilespmem:s26+$0xFFFFFF90] =	vst v0;
	v0 =	vld [tilespmem:s26+$0xFFFFFFA0]  }
0xb6: {  	v1 =	vld [tilespmem:s28+$0xFFFFFFA0];
	_ =	sdelay $0x4  }
0xb7: {  	v0 =	vadd.f32 v1, v0;
	_ =	sdelay $0x1  }
0xb8: {  	[tilespmem:s26+$0xFFFFFFA0] =	vst v0;
	v0 =	vld [tilespmem:s26+$0xFFFFFFB0]  }
0xb9: {  	v1 =	vld [tilespmem:s28+$0xFFFFFFB0];
	_ =	sdelay $0x4  }
0xba: {  	v0 =	vadd.f32 v1, v0;
	_ =	sdelay $0x1  }
0xbb: {  	[tilespmem:s26+$0xFFFFFFB0] =	vst v0;
	v0 =	vld [tilespmem:s26+$0x0]  }
0xbc: {  	v1 =	vld [tilespmem:s28+$0x0];
	_ =	sdelay $0x4  }
0xbd: {  	v0 =	vadd.f32 v1, v0;
	_ =	sdelay $0x1  }
0xbe: {  	[tilespmem:s26+$0x0] =	vst v0;
	v0 =	vld [tilespmem:s26+$0x10]  }
0xbf: {  	v1 =	vld [tilespmem:s28+$0x10];
	_ =	sdelay $0x4  }
0xc0: {  	v0 =	vadd.f32 v1, v0;
	_ =	sdelay $0x1  }
0xc1: {  	[tilespmem:s26+$0x10] =	vst v0;
	v0 =	vld [tilespmem:s26+$0x20]  }
0xc2: {  	v1 =	vld [tilespmem:s28+$0x20];
	_ =	sdelay $0x4  }
0xc3: {  	v0 =	vadd.f32 v1, v0;
	_ =	sdelay $0x1  }
0xc4: {  	[tilespmem:s26+$0x20] =	vst v0;
	v0 =	vld [tilespmem:s26+$0x30]  }
0xc5: {  	v1 =	vld [tilespmem:s28+$0x30];
	_ =	sdelay $0x4  }
0xc6: {  	v0 =	vadd.f32 v1, v0;
	_ =	sdelay $0x1  }
0xc7: {  	[tilespmem:s26+$0x30] =	vst v0;
	v0 =	vld [tilespmem:s26+$0x80]  }
0xc8: {  	v1 =	vld [tilespmem:s28+$0x80];
	_ =	sdelay $0x4  }
0xc9: {  	v0 =	vadd.f32 v1, v0;
	_ =	sdelay $0x1  }
0xca: {  	[tilespmem:s26+$0x80] =	vst v0;
	v0 =	vld [tilespmem:s26+$0x90]  }
0xcb: {  	v1 =	vld [tilespmem:s28+$0x90];
	_ =	sdelay $0x4  }
0xcc: {  	v0 =	vadd.f32 v1, v0;
	_ =	sdelay $0x1  }
0xcd: {  	[tilespmem:s26+$0x90] =	vst v0;
	v0 =	vld [tilespmem:s26+$0xA0]  }
0xce: {  	v1 =	vld [tilespmem:s28+$0xA0];
	_ =	sdelay $0x4  }
0xcf: {  	v0 =	vadd.f32 v1, v0;
	_ =	sdelay $0x1  }
0xd0: {  	[tilespmem:s26+$0xA0] =	vst v0;
	v0 =	vld [tilespmem:s26+$0xB0]  }
0xd1: {  	v1 =	vld [tilespmem:s28+$0xB0];
	_ =	sdelay $0x4  }
0xd2: {  	v0 =	vadd.f32 v1, v0  }
0xd3: {  	s29 =	sadd.s32 s5, s1;
	s30 =	simm.s32 $0x0;
	s1 =	simm.s32 $0x500  }
.LBB2_8:
0xd4: {  	v1 =	vld [tilespmem:s1+$0xFFFFFF00];
	[tilespmem:s26+$0xB0] =	vst v0;
	s28 =	sadd.s32 $0x200, s28;
	s26 =	smov.u32 s1  }
0xd5: {  	s30 =	sadd.s32 $0x4, s30;
	v0 =	vld [tilespmem:s28+$0xFFFFFF00]  }
0xd6: {  	p0 =	slt.u32 s30, $0x7C;
	_ =	sdelay $0x3  }
0xd7: {  	v0 =	vadd.f32 v0, v1;
	_ =	sdelay $0x1  }
0xd8: {  	[tilespmem:s1+$0xFFFFFF00] =	vst v0;
	v0 =	vld [tilespmem:s1+$0xFFFFFF10]  }
0xd9: {  	v1 =	vld [tilespmem:s28+$0xFFFFFF10];
	_ =	sdelay $0x4  }
0xda: {  	v0 =	vadd.f32 v1, v0;
	_ =	sdelay $0x1  }
0xdb: {  	[tilespmem:s1+$0xFFFFFF10] =	vst v0;
	v0 =	vld [tilespmem:s1+$0xFFFFFF20]  }
0xdc: {  	v1 =	vld [tilespmem:s28+$0xFFFFFF20];
	_ =	sdelay $0x4  }
0xdd: {  	v0 =	vadd.f32 v1, v0;
	_ =	sdelay $0x1  }
0xde: {  	[tilespmem:s1+$0xFFFFFF20] =	vst v0;
	v0 =	vld [tilespmem:s1+$0xFFFFFF30]  }
0xdf: {  	v1 =	vld [tilespmem:s28+$0xFFFFFF30];
	_ =	sdelay $0x4  }
0xe0: {  	v0 =	vadd.f32 v1, v0;
	_ =	sdelay $0x1  }
0xe1: {  	[tilespmem:s1+$0xFFFFFF30] =	vst v0;
	v0 =	vld [tilespmem:s1+$0xFFFFFF80]  }
0xe2: {  	v1 =	vld [tilespmem:s28+$0xFFFFFF80];
	_ =	sdelay $0x4  }
0xe3: {  	v0 =	vadd.f32 v1, v0;
	_ =	sdelay $0x1  }
0xe4: {  	[tilespmem:s1+$0xFFFFFF80] =	vst v0;
	v0 =	vld [tilespmem:s1+$0xFFFFFF90]  }
0xe5: {  	v1 =	vld [tilespmem:s28+$0xFFFFFF90];
	_ =	sdelay $0x4  }
0xe6: {  	v0 =	vadd.f32 v1, v0;
	_ =	sdelay $0x1  }
0xe7: {  	[tilespmem:s1+$0xFFFFFF90] =	vst v0;
	v0 =	vld [tilespmem:s1+$0xFFFFFFA0]  }
0xe8: {  	v1 =	vld [tilespmem:s28+$0xFFFFFFA0];
	_ =	sdelay $0x4  }
0xe9: {  	v0 =	vadd.f32 v1, v0;
	_ =	sdelay $0x1  }
0xea: {  	[tilespmem:s1+$0xFFFFFFA0] =	vst v0;
	v0 =	vld [tilespmem:s1+$0xFFFFFFB0]  }
0xeb: {  	v1 =	vld [tilespmem:s28+$0xFFFFFFB0];
	_ =	sdelay $0x4  }
0xec: {  	v0 =	vadd.f32 v1, v0;
	_ =	sdelay $0x1  }
0xed: {  	[tilespmem:s1+$0xFFFFFFB0] =	vst v0;
	v0 =	vld [tilespmem:s1+$0x0]  }
0xee: {  	v1 =	vld [tilespmem:s28+$0x0];
	_ =	sdelay $0x4  }
0xef: {  	v0 =	vadd.f32 v1, v0;
	_ =	sdelay $0x1  }
0xf0: {  	[tilespmem:s1+$0x0] =	vst v0;
	v0 =	vld [tilespmem:s1+$0x10]  }
0xf1: {  	v1 =	vld [tilespmem:s28+$0x10];
	_ =	sdelay $0x4  }
0xf2: {  	v0 =	vadd.f32 v1, v0;
	_ =	sdelay $0x1  }
0xf3: {  	[tilespmem:s1+$0x10] =	vst v0;
	v0 =	vld [tilespmem:s1+$0x20]  }
0xf4: {  	v1 =	vld [tilespmem:s28+$0x20];
	_ =	sdelay $0x4  }
0xf5: {  	v0 =	vadd.f32 v1, v0;
	_ =	sdelay $0x1  }
0xf6: {  	[tilespmem:s1+$0x20] =	vst v0;
	v0 =	vld [tilespmem:s1+$0x30]  }
0xf7: {  	v1 =	vld [tilespmem:s28+$0x30];
	_ =	sdelay $0x4  }
0xf8: {  	v0 =	vadd.f32 v1, v0;
	_ =	sdelay $0x1  }
0xf9: {  	[tilespmem:s1+$0x30] =	vst v0;
	v0 =	vld [tilespmem:s1+$0x80]  }
0xfa: {  	v1 =	vld [tilespmem:s28+$0x80];
	_ =	sdelay $0x4  }
0xfb: {  	v0 =	vadd.f32 v1, v0;
	_ =	sdelay $0x1  }
0xfc: {  	[tilespmem:s1+$0x80] =	vst v0;
	v0 =	vld [tilespmem:s1+$0x90]  }
0xfd: {  	v1 =	vld [tilespmem:s28+$0x90];
	_ =	sdelay $0x4  }
0xfe: {  	v0 =	vadd.f32 v1, v0;
	_ =	sdelay $0x1  }
0xff: {  	[tilespmem:s1+$0x90] =	vst v0;
	v0 =	vld [tilespmem:s1+$0xA0]  }
0x100: {  	v1 =	vld [tilespmem:s28+$0xA0];
	_ =	sdelay $0x4  }
0x101: {  	v0 =	vadd.f32 v1, v0;
	_ =	sdelay $0x1  }
0x102: {  	[tilespmem:s1+$0xA0] =	vst v0;
	v0 =	vld [tilespmem:s1+$0xB0]  }
0x103: {  	v1 =	vld [tilespmem:s28+$0xB0];
	_ =	sdelay $0x1  }
.Ltmp3:
0x104: {  	(pc) =	sbr.rel @p0 .LBB2_8-.Ltmp3, $3  }
0x105: {  	_ =	sdelay $0x1  }
0x106: {  	v0 =	vadd.f32 v1, v0  }
0x107: {  	s1 =	sadd.s32 $0x200, s1  }
0x108: {  	p0 =	seq.s32 s25, $0x27  }
.Ltmp4:
0x109: {  	s1 =	sshll.u32 s29, $0xE;
	(pc) =	sbr.rel @p0 .LBB2_11-.Ltmp4, $4  }
0x10a: {  	s1 =	sadd.s32 $0xFFFFC000, s1  }
0x10b: {  	s1 =	sshrl.u32 s1, $0x3  }
0x10c: {  	[tilespmem:s26+$0xB0] =	vst v0;
	s1 =	sadd.s32 s4, s1  }
0x10d: {  	[hbm4b:s1+s2] =	stream.linear.scatter [tilespmem:s14], [sflag:$0x5], $0x4000, $0x38;
	[tilespmem:$0x10200] =	vst v63  }
.Ltmp5:
0x10e: {  	(pc) =	sbr.rel .LBB2_2-.Ltmp5, $4  }
0x10f: {  	_ = 	snop  }
0x110: {  	s1 =	sshll.u32 s29, $0x5  }
0x111: {  	s25 =	sadd.s32 $0x1, s25;
	s1 =	sadd.s32 s1, s6  }
0x112: {  	[tilespmem:s2], [sflag:$0x1] =	stream.linear.gather [hbm4b:s1+s2], $0x100, $0x38;
	[tilespmem:$0x10200] =	vst v63  }
.LBB2_11:
0x113: {  	_ =	swait.ge [sflag:s21], $0x4000  }
0x114: {  	[sflag:s21] =	ssyncset.done $0x0  }
0x115: {  	[sflag:s21] =	ssyncadd.s32 $0xFFFFC000  }
0x116: {  	_ =	swait.ge [sflag:s21], $0x4000  }
0x117: {  	[sflag:s21] =	ssyncset.done $0x0  }
0x118: {  	s25 =	simm.s32 $0x8300;
	[sflag:s21] =	ssyncadd.s32 $0xFFFFC000  }
0x119: {  	s26 =	simm.s32 $0xC340;
	v0 =	vld [tilespmem:s25+$0xFFFFFF00]  }
0x11a: {  	v1 =	vld [tilespmem:s26+$0xFFFFFF00];
	_ =	sdelay $0x4  }
0x11b: {  	v0 =	vadd.f32 v1, v0;
	_ =	sdelay $0x1  }
0x11c: {  	[tilespmem:s25+$0xFFFFFF00] =	vst v0;
	v0 =	vld [tilespmem:s25+$0xFFFFFF10]  }
0x11d: {  	v1 =	vld [tilespmem:s26+$0xFFFFFF10];
	_ =	sdelay $0x4  }
0x11e: {  	v0 =	vadd.f32 v1, v0;
	_ =	sdelay $0x1  }
0x11f: {  	[tilespmem:s25+$0xFFFFFF10] =	vst v0;
	v0 =	vld [tilespmem:s25+$0xFFFFFF20]  }
0x120: {  	v1 =	vld [tilespmem:s26+$0xFFFFFF20];
	_ =	sdelay $0x4  }
0x121: {  	v0 =	vadd.f32 v1, v0;
	_ =	sdelay $0x1  }
0x122: {  	[tilespmem:s25+$0xFFFFFF20] =	vst v0;
	v0 =	vld [tilespmem:s25+$0xFFFFFF30]  }
0x123: {  	v1 =	vld [tilespmem:s26+$0xFFFFFF30];
	_ =	sdelay $0x4  }
0x124: {  	v0 =	vadd.f32 v1, v0;
	_ =	sdelay $0x1  }
0x125: {  	[tilespmem:s25+$0xFFFFFF30] =	vst v0;
	v0 =	vld [tilespmem:s25+$0xFFFFFF80]  }
0x126: {  	v1 =	vld [tilespmem:s26+$0xFFFFFF80];
	_ =	sdelay $0x4  }
0x127: {  	v0 =	vadd.f32 v1, v0;
	_ =	sdelay $0x1  }
0x128: {  	[tilespmem:s25+$0xFFFFFF80] =	vst v0;
	v0 =	vld [tilespmem:s25+$0xFFFFFF90]  }
0x129: {  	v1 =	vld [tilespmem:s26+$0xFFFFFF90];
	_ =	sdelay $0x4  }
0x12a: {  	v0 =	vadd.f32 v1, v0;
	_ =	sdelay $0x1  }
0x12b: {  	[tilespmem:s25+$0xFFFFFF90] =	vst v0;
	v0 =	vld [tilespmem:s25+$0xFFFFFFA0]  }
0x12c: {  	v1 =	vld [tilespmem:s26+$0xFFFFFFA0];
	_ =	sdelay $0x4  }
0x12d: {  	v0 =	vadd.f32 v1, v0;
	_ =	sdelay $0x1  }
0x12e: {  	[tilespmem:s25+$0xFFFFFFA0] =	vst v0;
	v0 =	vld [tilespmem:s25+$0xFFFFFFB0]  }
0x12f: {  	v1 =	vld [tilespmem:s26+$0xFFFFFFB0];
	_ =	sdelay $0x4  }
0x130: {  	v0 =	vadd.f32 v1, v0;
	_ =	sdelay $0x1  }
0x131: {  	[tilespmem:s25+$0xFFFFFFB0] =	vst v0;
	v0 =	vld [tilespmem:s25+$0x0]  }
0x132: {  	v1 =	vld [tilespmem:s26+$0x0];
	_ =	sdelay $0x4  }
0x133: {  	v0 =	vadd.f32 v1, v0;
	_ =	sdelay $0x1  }
0x134: {  	[tilespmem:s25+$0x0] =	vst v0;
	v0 =	vld [tilespmem:s25+$0x10]  }
0x135: {  	v1 =	vld [tilespmem:s26+$0x10];
	_ =	sdelay $0x4  }
0x136: {  	v0 =	vadd.f32 v1, v0;
	_ =	sdelay $0x1  }
0x137: {  	[tilespmem:s25+$0x10] =	vst v0;
	v0 =	vld [tilespmem:s25+$0x20]  }
0x138: {  	v1 =	vld [tilespmem:s26+$0x20];
	_ =	sdelay $0x4  }
0x139: {  	v0 =	vadd.f32 v1, v0;
	_ =	sdelay $0x1  }
0x13a: {  	[tilespmem:s25+$0x20] =	vst v0;
	v0 =	vld [tilespmem:s25+$0x30]  }
0x13b: {  	v1 =	vld [tilespmem:s26+$0x30];
	_ =	sdelay $0x4  }
0x13c: {  	v0 =	vadd.f32 v1, v0;
	_ =	sdelay $0x1  }
0x13d: {  	[tilespmem:s25+$0x30] =	vst v0;
	v0 =	vld [tilespmem:s25+$0x80]  }
0x13e: {  	v1 =	vld [tilespmem:s26+$0x80];
	_ =	sdelay $0x4  }
0x13f: {  	v0 =	vadd.f32 v1, v0;
	_ =	sdelay $0x1  }
0x140: {  	[tilespmem:s25+$0x80] =	vst v0;
	v0 =	vld [tilespmem:s25+$0x90]  }
0x141: {  	v1 =	vld [tilespmem:s26+$0x90];
	_ =	sdelay $0x4  }
0x142: {  	v0 =	vadd.f32 v1, v0;
	_ =	sdelay $0x1  }
0x143: {  	[tilespmem:s25+$0x90] =	vst v0;
	v0 =	vld [tilespmem:s25+$0xA0]  }
0x144: {  	v1 =	vld [tilespmem:s26+$0xA0];
	_ =	sdelay $0x4  }
0x145: {  	v0 =	vadd.f32 v1, v0;
	_ =	sdelay $0x1  }
0x146: {  	[tilespmem:s25+$0xA0] =	vst v0;
	v0 =	vld [tilespmem:s25+$0xB0]  }
0x147: {  	v1 =	vld [tilespmem:s26+$0xB0];
	_ =	sdelay $0x4  }
0x148: {  	v0 =	vadd.f32 v1, v0  }
0x149: {  	s28 =	simm.s32 $0x0;
	s1 =	simm.s32 $0x8500  }
.LBB2_12:
0x14a: {  	v1 =	vld [tilespmem:s1+$0xFFFFFF00];
	[tilespmem:s25+$0xB0] =	vst v0;
	s26 =	sadd.s32 $0x200, s26;
	s25 =	smov.u32 s1  }
0x14b: {  	s28 =	sadd.s32 $0x4, s28;
	v0 =	vld [tilespmem:s26+$0xFFFFFF00]  }
0x14c: {  	p0 =	slt.u32 s28, $0x7C;
	_ =	sdelay $0x3  }
0x14d: {  	v0 =	vadd.f32 v0, v1;
	_ =	sdelay $0x1  }
0x14e: {  	[tilespmem:s1+$0xFFFFFF00] =	vst v0;
	v0 =	vld [tilespmem:s1+$0xFFFFFF10]  }
0x14f: {  	v1 =	vld [tilespmem:s26+$0xFFFFFF10];
	_ =	sdelay $0x4  }
0x150: {  	v0 =	vadd.f32 v1, v0;
	_ =	sdelay $0x1  }
0x151: {  	[tilespmem:s1+$0xFFFFFF10] =	vst v0;
	v0 =	vld [tilespmem:s1+$0xFFFFFF20]  }
0x152: {  	v1 =	vld [tilespmem:s26+$0xFFFFFF20];
	_ =	sdelay $0x4  }
0x153: {  	v0 =	vadd.f32 v1, v0;
	_ =	sdelay $0x1  }
0x154: {  	[tilespmem:s1+$0xFFFFFF20] =	vst v0;
	v0 =	vld [tilespmem:s1+$0xFFFFFF30]  }
0x155: {  	v1 =	vld [tilespmem:s26+$0xFFFFFF30];
	_ =	sdelay $0x4  }
0x156: {  	v0 =	vadd.f32 v1, v0;
	_ =	sdelay $0x1  }
0x157: {  	[tilespmem:s1+$0xFFFFFF30] =	vst v0;
	v0 =	vld [tilespmem:s1+$0xFFFFFF80]  }
0x158: {  	v1 =	vld [tilespmem:s26+$0xFFFFFF80];
	_ =	sdelay $0x4  }
0x159: {  	v0 =	vadd.f32 v1, v0;
	_ =	sdelay $0x1  }
0x15a: {  	[tilespmem:s1+$0xFFFFFF80] =	vst v0;
	v0 =	vld [tilespmem:s1+$0xFFFFFF90]  }
0x15b: {  	v1 =	vld [tilespmem:s26+$0xFFFFFF90];
	_ =	sdelay $0x4  }
0x15c: {  	v0 =	vadd.f32 v1, v0;
	_ =	sdelay $0x1  }
0x15d: {  	[tilespmem:s1+$0xFFFFFF90] =	vst v0;
	v0 =	vld [tilespmem:s1+$0xFFFFFFA0]  }
0x15e: {  	v1 =	vld [tilespmem:s26+$0xFFFFFFA0];
	_ =	sdelay $0x4  }
0x15f: {  	v0 =	vadd.f32 v1, v0;
	_ =	sdelay $0x1  }
0x160: {  	[tilespmem:s1+$0xFFFFFFA0] =	vst v0;
	v0 =	vld [tilespmem:s1+$0xFFFFFFB0]  }
0x161: {  	v1 =	vld [tilespmem:s26+$0xFFFFFFB0];
	_ =	sdelay $0x4  }
0x162: {  	v0 =	vadd.f32 v1, v0;
	_ =	sdelay $0x1  }
0x163: {  	[tilespmem:s1+$0xFFFFFFB0] =	vst v0;
	v0 =	vld [tilespmem:s1+$0x0]  }
0x164: {  	v1 =	vld [tilespmem:s26+$0x0];
	_ =	sdelay $0x4  }
0x165: {  	v0 =	vadd.f32 v1, v0;
	_ =	sdelay $0x1  }
0x166: {  	[tilespmem:s1+$0x0] =	vst v0;
	v0 =	vld [tilespmem:s1+$0x10]  }
0x167: {  	v1 =	vld [tilespmem:s26+$0x10];
	_ =	sdelay $0x4  }
0x168: {  	v0 =	vadd.f32 v1, v0;
	_ =	sdelay $0x1  }
0x169: {  	[tilespmem:s1+$0x10] =	vst v0;
	v0 =	vld [tilespmem:s1+$0x20]  }
0x16a: {  	v1 =	vld [tilespmem:s26+$0x20];
	_ =	sdelay $0x4  }
0x16b: {  	v0 =	vadd.f32 v1, v0;
	_ =	sdelay $0x1  }
0x16c: {  	[tilespmem:s1+$0x20] =	vst v0;
	v0 =	vld [tilespmem:s1+$0x30]  }
0x16d: {  	v1 =	vld [tilespmem:s26+$0x30];
	_ =	sdelay $0x4  }
0x16e: {  	v0 =	vadd.f32 v1, v0;
	_ =	sdelay $0x1  }
0x16f: {  	[tilespmem:s1+$0x30] =	vst v0;
	v0 =	vld [tilespmem:s1+$0x80]  }
0x170: {  	v1 =	vld [tilespmem:s26+$0x80];
	_ =	sdelay $0x4  }
0x171: {  	v0 =	vadd.f32 v1, v0;
	_ =	sdelay $0x1  }
0x172: {  	[tilespmem:s1+$0x80] =	vst v0;
	v0 =	vld [tilespmem:s1+$0x90]  }
0x173: {  	v1 =	vld [tilespmem:s26+$0x90];
	_ =	sdelay $0x4  }
0x174: {  	v0 =	vadd.f32 v1, v0;
	_ =	sdelay $0x1  }
0x175: {  	[tilespmem:s1+$0x90] =	vst v0;
	v0 =	vld [tilespmem:s1+$0xA0]  }
0x176: {  	v1 =	vld [tilespmem:s26+$0xA0];
	_ =	sdelay $0x4  }
0x177: {  	v0 =	vadd.f32 v1, v0;
	_ =	sdelay $0x1  }
0x178: {  	[tilespmem:s1+$0xA0] =	vst v0;
	v0 =	vld [tilespmem:s1+$0xB0]  }
0x179: {  	v1 =	vld [tilespmem:s26+$0xB0];
	_ =	sdelay $0x1  }
.Ltmp6:
0x17a: {  	(pc) =	sbr.rel @p0 .LBB2_12-.Ltmp6, $3  }
0x17b: {  	_ =	sdelay $0x1  }
0x17c: {  	v0 =	vadd.f32 v1, v0  }
0x17d: {  	s1 =	sadd.s32 $0x200, s1  }
0x17e: {  	[tilespmem:s25+$0xB0] =	vst v0;
	s24 =	sadd.s32 $0x1, s24  }
0x17f: {  	[hbm4b:s9+s2] =	stream.linear.scatter [tilespmem:s17], [sflag:$0x6], $0x4000, $0x38;
	[tilespmem:$0x10200] =	vst v63  }
0x180: {  	p0 =	sne.s32 s24, s10;
	_ =	swait.ge [sflag:s22], $0x4000  }
.Ltmp7:
0x181: {  	[sflag:s22] =	ssyncset.done $0x0;
	(pc) =	sbr.rel @p0 .LBB2_1-.Ltmp7, $4  }
0x182: {  	[sflag:s22] =	ssyncadd.s32 $0xFFFFC000  }
0x183: {  	_ =	swait.ge [sflag:s23], $0x4000  }
0x184: {  	[sflag:s23] =	ssyncset.done $0x0  }
0x185: {  	[sflag:s23] =	ssyncadd.s32 $0xFFFFC000  }
0x186: {  	_ =	sfence.sel $0x180000  }
0x187: {  	[bflag:$0x0] =	sbarrier.arrive $0xFFFF  }
0x188: {  	_ =	strace $0x90000047  }
0x189: {  	[bflag:$0x2] =	sbarrier.arrive $0xFFFF  }
0x18a: {  	p0 =	sne.s32 s0, $0x0;
	s0 =	rddreg [dreg:$0x1]  }
0x18b: {  	s0 =	sadd.s32 @!p0 $0x100000, s0  }
0x18c: {  	[sflag:s0] =	ssyncadd.tile.s32 @!p0 $0x1;
	_ =	shalt  }
.Lfunc_end2:
_tile_overlayer_lowered:
.L_overlay_start_2:
0x18d: {  	(tag) =	ssettag $0x2  }
0x18e: {  	s0 =	rddreg [dreg:$0x0];
	s2 =	stileid.u32  }
0x18f: {  	s1 =	rddreg [dreg:$0x1];
	p0 =	sne.s32 s2, $0x0  }
0x190: {  	s3 =	rddreg [dreg:$0x2];
	[bflag:$0x3] =	sbarrier.arrive $0xFFFF;
	s2 =	simm.s32 @!p0 $0x1C07  }
0x191: {  	[timem:s3], [sflag:s2] =	dma.local @!p0 [hbm:s0], s1  }
0x192: {  	s0 =	simm.s32 @!p0 $0x7  }
0x193: {  	_ =	swait.ge @!p0 [sflag:s0], s1  }
0x194: {  	s1 =	ssub.s32 @!p0 $0x0, s1;
	[sflag:s0] =	ssyncset.done @!p0 $0x0  }
0x195: {  	[sflag:s0] =	ssyncadd.s32 @!p0 s1  }
0x196: {  	[bflag:$0x3] =	sbarrier.arrive $0xFFFF  }
0x197: {  	_ =	shalt  }

// kernel: kernel.15.cloned.1.call-start
scs
__scs_entry_jumppad:
0x0: {  	(pc) =	sbr.rel $0x88, $3  }
0x1: {  	(tag) =	ssettag $0x0;
	lr =	simm.s32 $0x1  }
0x2: {  	[smem:$0x3F7F] =	sst lr;
	_ =	strace $0xD0000000  }
0x3: {  	_ = 	snop  }
0x4: {  	_ = 	snop  }
0x5: {  	_ = 	snop  }
0x6: {  	_ = 	snop  }
0x7: {  	_ = 	snop  }
__scs_overlays_trampoline_lowered:
0x8: {  	[smem:$0x3F8E] =	sst s0  }
0x9: {  	[smem:$0x3F8F] =	sst s1  }
0xa: {  	[smem:$0x3F90] =	sst s2  }
0xb: {  	[smem:$0x3F91] =	sst s3  }
0xc: {  	[smem:$0x3F92] =	sst s4  }
0xd: {  	[smem:$0x3F93] =	sst s5  }
0xe: {  	[smem:$0x3F94] =	sst s6  }
0xf: {  	[smem:$0x3F95] =	sst s7  }
0x10: {  	[smem:$0x3F96] =	sst s8  }
0x11: {  	[smem:$0x3F97] =	sst s9;
	s0 =	simm.s32 @!p0 $0x0  }
0x12: {  	s1 =	sld [smem:$0x3F7D];
	s0 =	simm.s32 @p0 $0x1  }
0x13: {  	[smem:$0x3F98] =	sst s0;
	s0 =	simm.s32 @!p1 $0x0  }
0x14: {  	s2 =	sld [smem:$0x3F7C];
	s0 =	simm.s32 @p1 $0x1  }
0x15: {  	[smem:$0x3F99] =	sst s0;
	s0 =	simm.s32 @!p2 $0x0  }
0x16: {  	s3 =	sld [smem:$0x3FDB];
	s0 =	simm.s32 @p2 $0x1  }
0x17: {  	s4 =	simm.s32 $0x1BF5;
	[smem:$0x3F9B] =	sst s0  }
0x18: {  	s0 =	sld [smem:$0x3F7E];
	_ =	swait.ge [sflag:s4], $0x0  }
0x19: {  	s7 =	sld [smem:$0x3F7F]  }
0x1a: {  	s8 =	sadd.s32 $0xFFFFE003, lr  }
0x1b: {  	s9 =	sadd.s32 $0xFFFFFEF7, lr;
	s5 =	simm.s32 $0xFFFFFFFF;
	p2 =	slt.u32 s8, $0xFFFFF086  }
0x1c: {  	p1 =	slt.u32 s9, $0xF7A;
	s5 =	simm.s32 @!p2 $0x0  }
0x1d: {  	s5 =	simm.s32 @p1 $0x1;
	p0 =	seq.s32 s7, s2  }
0x1e: {  	s7 =	smul.u32 @!p0 $0xF7A, s2;
	p2 =	seq.s32 @!p0 s5, $0x0  }
0x1f: {  	s9 =	smul.u32 $0xF7A, s1;
	s8 =	simm.s32 @!p0 $0x1BF5;
	p2 =	por !p2, p0  }
0x20: {  	[sflag:s8] =	ssyncset.s32 @!p0 $0xFFFFF086;
	s6 =	sadd.s32 @!p0 s3, s7;
	s7 =	simm.s32 @!p0 $0x108  }
0x21: {  	s3 =	sadd.s32 s3, s9;
	s6 =	sadd.s32 @!p0 $0x88, s6;
	s7 =	simm.s32 @p2 $0x1082  }
0x22: {  	[simem:s7], [sflag:s8] =	dma.local @!p0 [hbm:s6], $0xF7A  }
0x23: {  	s9 =	sor.u32 $0xD0000000, s2;
	s6 =	simm.s32 $0x108;
	_ =	swait.ge @!p0 [sflag:s8], $0x0  }
0x24: {  	s3 =	sadd.s32 $0x88, s3;
	s6 =	simm.s32 @!p1 $0x1082;
	[sflag:s4] =	ssyncset.s32 $0xFFFFF086  }
0x25: {  	[simem:s6], [sflag:s4] =	dma.local [hbm:s3], $0xF7A  }
0x26: {  	[smem:$0x3F7F] =	sst s1;
	(tag) =	ssettag s2;
	_ =	strace s9  }
0x27: {  	s1 =	sld [smem:$0x3F8F]  }
0x28: {  	s2 =	sld [smem:$0x3F90]  }
0x29: {  	s4 =	sld [smem:$0x3F92]  }
0x2a: {  	p0 =	seq.s32 s5, $0x0;
	s5 =	sld [smem:$0x3F93]  }
0x2b: {  	s6 =	sld [smem:$0x3F94]  }
0x2c: {  	s7 =	sld [smem:$0x3F95]  }
0x2d: {  	s3 =	simm.s32 $0x108;
	s8 =	sld [smem:$0x3F96]  }
0x2e: {  	s3 =	simm.s32 @!p0 $0x1082;
	s9 =	sld [smem:$0x3F97]  }
0x2f: {  	lr =	sadd.s32 s0, s3;
	s0 =	sld [smem:$0x3F8E]  }
0x30: {  	s3 =	sld [smem:$0x3F91]  }
0x31: {  	[smem:$0x3F9A] =	sst s10  }
0x32: {  	s10 =	sld [smem:$0x3F98];
	_ =	sdelay $0x3  }
0x33: {  	p0 =	seq.s32 s10, $0x1;
	s10 =	sld [smem:$0x3F9A];
	_ =	sdelay $0x3  }
0x34: {  	[smem:$0x3F9A] =	sst s10  }
0x35: {  	s10 =	sld [smem:$0x3F99];
	_ =	sdelay $0x3  }
0x36: {  	p1 =	seq.s32 s10, $0x1;
	s10 =	sld [smem:$0x3F9A];
	_ =	sdelay $0x3  }
0x37: {  	[smem:$0x3F9A] =	sst s10  }
0x38: {  	s10 =	sld [smem:$0x3F9B]  }
0x39: {  	_ = 	snop;
	(pc) =	sbr.ind lr, $3  }
0x3a: {  	_ = 	snop  }
0x3b: {  	_ = 	snop  }
0x3c: {  	p2 =	seq.s32 s10, $0x1;
	s10 =	sld [smem:$0x3F9A]  }
0x3d: {  	_ =	shalt  }
0x3e: {  	_ =	shalt  }
0x3f: {  	_ =	shalt  }
0x40: {  	_ =	shalt  }
0x41: {  	_ =	shalt  }
0x42: {  	_ =	shalt  }
0x43: {  	_ =	shalt  }
0x44: {  	_ =	shalt  }
0x45: {  	_ =	shalt  }
0x46: {  	_ =	shalt  }
0x47: {  	_ =	shalt  }
0x48: {  	_ =	shalt  }
0x49: {  	_ =	shalt  }
0x4a: {  	_ =	shalt  }
0x4b: {  	_ =	shalt  }
0x4c: {  	_ =	shalt  }
0x4d: {  	_ =	shalt  }
0x4e: {  	_ =	shalt  }
0x4f: {  	_ =	shalt  }
0x50: {  	_ =	shalt  }
0x51: {  	_ =	shalt  }
0x52: {  	_ =	shalt  }
0x53: {  	_ =	shalt  }
0x54: {  	_ =	shalt  }
0x55: {  	_ =	shalt  }
0x56: {  	_ =	shalt  }
0x57: {  	_ =	shalt  }
0x58: {  	_ =	shalt  }
0x59: {  	_ =	shalt  }
0x5a: {  	_ =	shalt  }
0x5b: {  	_ =	shalt  }
0x5c: {  	_ =	shalt  }
0x5d: {  	_ =	shalt  }
0x5e: {  	_ =	shalt  }
0x5f: {  	_ =	shalt  }
0x60: {  	_ =	shalt  }
0x61: {  	_ =	shalt  }
0x62: {  	_ =	shalt  }
0x63: {  	_ =	shalt  }
0x64: {  	_ =	shalt  }
0x65: {  	_ =	shalt  }
0x66: {  	_ =	shalt  }
0x67: {  	_ =	shalt  }
0x68: {  	_ =	shalt  }
0x69: {  	_ =	shalt  }
0x6a: {  	_ =	shalt  }
0x6b: {  	_ =	shalt  }
0x6c: {  	_ =	shalt  }
0x6d: {  	_ =	shalt  }
0x6e: {  	_ =	shalt  }
0x6f: {  	_ =	shalt  }
0x70: {  	_ =	shalt  }
0x71: {  	_ =	shalt  }
0x72: {  	_ =	shalt  }
0x73: {  	_ =	shalt  }
0x74: {  	_ =	shalt  }
0x75: {  	_ =	shalt  }
0x76: {  	_ =	shalt  }
0x77: {  	_ =	shalt  }
0x78: {  	_ =	shalt  }
0x79: {  	_ =	shalt  }
0x7a: {  	_ =	shalt  }
0x7b: {  	_ =	shalt  }
0x7c: {  	_ =	shalt  }
0x7d: {  	_ =	shalt  }
0x7e: {  	_ =	shalt  }
0x7f: {  	_ =	shalt  }
0x80: {  	_ =	shalt  }
0x81: {  	_ =	shalt  }
0x82: {  	_ =	shalt  }
0x83: {  	_ =	shalt  }
0x84: {  	_ =	shalt  }
0x85: {  	_ =	shalt  }
0x86: {  	_ =	shalt  }
0x87: {  	_ =	shalt  }
.Lfunc_end0:
.L_simem_size_0:
called_computation.1_lowered:
.L_overlay_start_0:
0x88: {  	s2 =	sld [smem:$0x3FD9]  }
0x89: {  	s3 =	sld [smem:$0x3FFE];
	_ =	sdelay $0x1  }
0x8a: {  	s1 =	srdreg.scid  }
0x8b: {  	s0 =	sand.u32 $0x1, s1  }
0x8c: {  	s16 =	sshll.u32 s0, $0xA;
	s2 =	sadd.s32 s3, s2  }
0x8d: {  	s2 =	sadd.s32 s2, s16  }
0x8e: {  	[smem:$0x3FA6] =	sst s2  }
0x8f: {  	_ = 	snop  }
0x90: {  	(tm) =	ssettm $0x1  }
0x91: {  	s17 =	sld [smem:$0x3FFB];
	_ =	sdelay $0x3  }
0x92: {  	_ =	strace s17  }
0x93: {  	s2 =	sld [smem:$0x3FFC];
	_ =	sdelay $0x3  }
0x94: {  	_ =	strace s2  }
0x95: {  	s2 =	sld [smem:$0x3FFD];
	_ =	sdelay $0x3  }
0x96: {  	_ =	strace s2  }
0x97: {  	_ =	strace $0x8FFFFFFF  }
0x98: {  	s18 =	sld [smem:$0x3FDB];
	_ =	sdelay $0x1  }
0x99: {  	s19 =	simm.s32 $_scs_section_size  }
0x9a: {  	s4 =	simm.s32 $_size__tile_overlayer_lowered;
	s5 =	simm.s32 $_tile_overlayer_lowered  }
0x9b: {  	s22 =	simm.s32 $0x1BFF;
	s21 =	sshll.u32 s5, $0x1;
	s2 =	sadd.s32 s19, s18  }
0x9c: {  	s6 =	simm.s32 $0x0;
	s20 =	sshll.u32 s4, $0x1;
	s4 =	sadd.s32 s21, s2  }
0x9d: {  	[timem:s6], [sflag:s22] =	dma.local [hbm:s4], s20  }
0x9e: {  	_ =	swait.ge [sflag:s22], s20  }
0x9f: {  	s3 =	ssub.s32 $0x0, s20;
	[sflag:s22] =	ssyncset.done $0x0  }
0xa0: {  	[sflag:s22] =	ssyncadd.s32 s3;
	_ =	sdelay $0x1  }
0xa1: {  	s23 =	simm.s32 $0x1B8B  }
0xa2: {  	_ =	swait.ge [sflag:s23], $0x1  }
0xa3: {  	[sflag:s23] =	ssyncset.done $0x0  }
0xa4: {  	s25 =	simm.s32 $0x1B8E;
	s24 =	sld [smem:$0x3FFE];
	[sflag:s23] =	ssyncadd.s32 $0xFFFFFFFF  }
0xa5: {  	s26 =	simm.s32 $execute0_lowered;
	[smem:$0x3FD2] =	sst s25  }
0xa6: {  	s4 =	sshll.u32 s26, $0x1;
	_ =	strace $0x80000049;
	[dreg:$0x1] =	wrdreg $0xFFFFFFFF  }
0xa7: {  	s28 =	simm.s32 $_size_execute0_lowered;
	s2 =	sadd.s32 s2, s4;
	[dreg:$0x0] =	wrdreg $0x0  }
0xa8: {  	s4 =	sshll.u32 s28, $0x1;
	[dreg:$0x2] =	wrdreg s2  }
0xa9: {  	[dreg:$0x3] =	wrdreg s4  }
0xaa: {  	[dreg:$0x4] =	wrdreg $0xC0  }
0xab: {  	_ =	task [dreg:s6], $0x5FFFF  }
0xac: {  	[dreg:$0x1] =	wrdreg $0xFFFFFFFF  }
0xad: {  	[dreg:$0x0] =	wrdreg $0x60  }
0xae: {  	[dreg:$0x2] =	wrdreg s24  }
0xaf: {  	[dreg:$0x3] =	wrdreg $0x0  }
0xb0: {  	[dreg:$0x4] =	wrdreg $0x9  }
0xb1: {  	_ =	task.clear_ibuf [dreg:s6], $0x5FFFF;
	_ =	strace $0x90000049  }
0xb2: {  	s29 =	simm.s32 $0x9;
	_ =	strace $0x8000004B  }
0xb3: {  	_ =	swait.ge [sflag:s29], $0x1  }
0xb4: {  	[sflag:s29] =	ssyncadd.s32 $0xFFFFFFFF  }
0xb5: {  	_ =	strace $0x9000004B  }
0xb6: {  	_ =	sfence  }
0xb7: {  	s30 =	sld [smem:$0x0];
	_ =	sdelay $0x2  }
0xb8: {  	s31 =	sshll.u32 s1, $0xD;
	s1 =	sshrl.u32 s1, $0x2  }
0xb9: {  	s3 =	sand.u32 $0x4000, s31;
	s1 =	sadd.s32 s1, s30  }
0xba: {  	s0 =	sor.u32 s3, s0;
	s1 =	sshll.u32 s1, $0x11  }
0xbb: {  	s0 =	sor.u32 s1, s0  }
0xbc: {  	s0 =	sadd.s32 $0x8F2B, s0  }
0xbd: {  	[sflag:s0] =	ssyncadd.remote.s32 $0x1  }
0xbe: {  	_ =	sfence.sel $0xFFFF  }
0xbf: {  	[dreg:$0x0] =	wrdreg $0xFFFFFFFF;
	(pc) =	sbr.abs _section_cstart, $3  }
0xc0: {  	[dreg:$0x1] =	wrdreg $0xFFFFFFFF  }
0xc1: {  	_ =	task.clear_ibuf [dreg:s6], $0x2FFFF;
	_ =	strace $0x9FFFFFFF  }
0xc2: {  	(tm) =	ssettm $0x7FFFFFFF  }
0xc3: {  	_ =	shalt  }
tec
execute0_lowered:
.L_overlay_start_1:
0x0: {  	(tag) =	ssettag $0x1  }
0x1: {  	s0 =	rddreg [dreg:$0x0]  }
0x2: {  	s1 =	rddreg [dreg:$0x1];
	s2 =	simm.s32 $0x0;
	s3 =	srdreg.scid  }
0x3: {  	s6 =	stileid.u32;
	s16 =	simm.s32 $0xA000;
	s17 =	simm.s32 $0x5  }
0x4: {  	s18 =	simm.s32 $0x14000;
	s19 =	simm.s32 $0x14200;
	s21 =	simm.s32 $0x18200  }
0x5: {  	s22 =	simm.s32 $0x1;
	s23 =	simm.s32 $0x80;
	s8 =	smul.u32 $0xA000, s6  }
0x6: {  	s28 =	simm.s32 $0x3;
	s29 =	simm.s32 $0x4;
	s13 =	smul.u32 $0xA0, s6  }
0x7: {  	s30 =	simm.s32 $0x0;
	[smem:$0x7FF] =	sst s2;
	s25 =	smul.u32 $0x28000, s6  }
0x8: {  	s3 =	sand.u32 $0x1, s3;
	s4 =	sadd.s32 $0xF55600, s0;
	s26 =	smul.u32 $0x50000, s6  }
0x9: {  	s5 =	sadd.s32 $0x7200, s0;
	s9 =	sadd.s32 $0x25200, s0;
	s7 =	smul.u32 $0xA0000, s3  }
0xa: {  	_ =	strace $0x8000004A;
	[dreg:$0x3] =	wrdreg s9;
	s24 =	ssub.s32 $0x2, s3  }
0xb: {  	s3 =	smul.u32 $0x1388, s3;
	s11 =	sshrl.u32 s24, $0x1;
	s7 =	sadd.s32 s8, s7  }
0xc: {  	s9 =	sshrl.u32 s25, $0x2;
	s10 =	sshrl.u32 s7, $0x3;
	s7 =	smul.u32 $0xA00, s6  }
.Ltmp0:
0xd: {  	s13 =	sor.u32 $0x1, s13;
	s25 =	simm.s32 $0x2;
	(pc) =	sbr.rel .LBB2_1-.Ltmp0, $4  }
0xe: {  	s15 =	ssub.s32 s24, s11;
	s9 =	sadd.s32 s9, s1;
	s24 =	simm.s32 $0x14080  }
0xf: {  	s15 =	smax.u32 s15, $0x1;
	s0 =	sadd.s32 s10, s0;
	s8 =	sadd.s32 s5, s7  }
0x10: {  	v0 =	vmov s3;
	s10 =	sadd.s32 s4, s26;
	s26 =	simm.s32 $0x14180;
	s31 =	sadd.s32 $0x10, s8  }
0x11: {  	v1 =	vadd.s32 $0x1388, v0;
	s12 =	sadd.s32 $0x800, s10;
	s14 =	sadd.s32 $0x73600, s0;
	[dreg:$0x4] =	wrdreg s31  }
.LBB2_4:
0x12: {  	_ =	swait.ge [sflag:s29], $0x4000  }
0x13: {  	[sflag:s29] =	ssyncset.done $0x0  }
0x14: {  	[sflag:s29] =	ssyncadd.s32 $0xFFFFC000  }
0x15: {  	[bflag:$0x0] =	sbarrier.arrive $0xFFFF  }
0x16: {  	[tilespmem:s16], [sflag:$0x5] =	stream.linear.gather [spmem:s9], $0xA000, $0x38;
	[tilespmem:$0x1C200] =	vst v63  }
0x17: {  	s30 =	sadd.s32 $0x1, s30;
	_ =	swait.ge [sflag:s17], $0xA000  }
0x18: {  	p0 =	sne.s32 s30, s15;
	[sflag:s17] =	ssyncset.done $0x0  }
.Ltmp1:
0x19: {  	[sflag:s17] =	ssyncadd.s32 $0xFFFF6000;
	(pc) =	sbr.rel @!p0 .LBB2_5-.Ltmp1, $4  }
0x1a: {  	[hbm4b:s14+s2] =	stream.linear.scatter [tilespmem:s16], [sflag:$0x5], $0xA000, $0x38;
	[tilespmem:$0x1C200] =	vst v63  }
0x1b: {  	_ =	swait.ge [sflag:s17], $0xA000  }
0x1c: {  	[sflag:s17] =	ssyncset.done $0x0  }
0x1d: {  	[sflag:s17] =	ssyncadd.s32 $0xFFFF6000  }
.LBB2_1:
0x1e: {  	s0 =	rddreg [dreg:$0x3]  }
0x1f: {  	[tilespmem:s16], [sflag:$0x5] =	stream.linear.gather [hbm4b:s0+s2], $0xA000, $0x38;
	[tilespmem:$0x1C200] =	vst v63  }
0x20: {  	_ =	swait.ge [sflag:s17], $0xA000  }
0x21: {  	[sflag:s17] =	ssyncset.done $0x0  }
0x22: {  	[sflag:s17] =	ssyncadd.s32 $0xFFFF6000  }
0x23: {  	[spmem:s9] =	stream.linear.scatter [tilespmem:s16], [sflag:$0x5], $0xA000, $0x38;
	[tilespmem:$0x1C200] =	vst v63  }
0x24: {  	_ =	swait.ge [sflag:s17], $0xA000  }
0x25: {  	[sflag:s17] =	ssyncset.done $0x0  }
0x26: {  	[sflag:s17] =	ssyncadd.s32 $0xFFFF6000  }
0x27: {  	[bflag:$0x0] =	sbarrier.arrive $0xFFFF  }
0x28: {  	[tilespmem:s18], [sflag:$0x1] =	stream.linear.gather [hbm4b:s8+s2], $0x80, $0x38;
	[tilespmem:$0x1C200] =	vst v63  }
0x29: {  	_ = 	snop  }
0x2a: {  	[tilespmem:s19], [sflag:$0x1] =	stream.linear.gather [hbm4b:s10+s2], $0x4000, $0x38;
	[tilespmem:$0x1C200] =	vst v63  }
0x2b: {  	s3 =	simm.s32 $0x14100;
	s20 =	rddreg [dreg:$0x4]  }
0x2c: {  	[tilespmem:s3], [sflag:$0x2] =	stream.linear.gather [hbm4b:s20+s2], $0x80, $0x38;
	[tilespmem:$0x1C200] =	vst v63  }
0x2d: {  	s31 =	smov.u32 s12;
	s0 =	simm.s32 $0x0;
	s3 =	simm.s32 $0x1  }
0x2e: {  	[tilespmem:s21], [sflag:$0x2] =	stream.linear.gather [hbm4b:s12+s2], $0x4000, $0x38;
	[tilespmem:$0x1C200] =	vst v63  }
.LBB2_2:
0x2f: {  	_ =	swait.ge [sflag:s22], $0x80  }
0x30: {  	[sflag:s22] =	ssyncset.done $0x0  }
0x31: {  	[sflag:s22] =	ssyncadd.s32 $0xFFFFFF80  }
0x32: {  	_ =	swait.ge [sflag:s22], $0x4000  }
0x33: {  	[sflag:s22] =	ssyncset.done $0x0  }
0x34: {  	[sflag:s22] =	ssyncadd.s32 $0xFFFFC000  }
0x35: {  	v2 =	vld [tilespmem:$0x14000]  }
0x36: {  	v3 =	vld [tilespmem:$0x14010]  }
0x37: {  	v4 =	vld [tilespmem:$0x14020]  }
0x38: {  	v5 =	vld [tilespmem:$0x14030]  }
0x39: {  	v6 =	vld [tilespmem:$0x14040]  }
0x3a: {  	v7 =	vld [tilespmem:$0x14050]  }
0x3b: {  	v8 =	vld [tilespmem:$0x14060];
	vm0 =	vge.s32 v2, v0;
	vm1 =	vlt.s32 v2, v1;
	v2 =	vsub.s32 v2, v0  }
0x3c: {  	vm14 =	vge.s32 v3, v0;
	vm2 =	vlt.s32 v3, v1;
	v3 =	vsub.s32 v3, v0  }
0x3d: {  	vm4 =	vge.s32 v4, v0;
	vm5 =	vlt.s32 v4, v1;
	vm6 =	vge.s32 v5, v0  }
0x3e: {  	vm7 =	vlt.s32 v5, v1;
	v4 =	vsub.s32 v4, v0;
	v5 =	vsub.s32 v5, v0  }
0x3f: {  	vm8 =	vge.s32 v6, v0;
	vm9 =	vlt.s32 v6, v1;
	vm10 =	vge.s32 v7, v0  }
0x40: {  	v9 =	vld [tilespmem:$0x14070];
	vm3 =	vlt.s32 v7, v1;
	vm12 =	vge.s32 v8, v0;
	vm0 =	vmand vm0, vm1  }
0x41: {  	vm13 =	vlt.s32 v8, v1;
	vm15 =	vmand vm14, vm2;
	v2 =	vnsel vm0, $0x1388, v2  }
0x42: {  	vm1 =	vmand vm6, vm7;
	vm11 =	vmand vm10, vm3;
	v3 =	vnsel vm15, $0x1388, v3;
	[tilespmem:$0x14080] =	vst v2  }
0x43: {  	vm14 =	vmand vm12, vm13;
	vm0 =	vmand vm4, vm5;
	v5 =	vnsel vm1, $0x1388, v5;
	[tilespmem:$0x14090] =	vst v3  }
0x44: {  	v4 =	vnsel vm0, $0x1388, v4;
	vm0 =	vmand vm8, vm9;
	v2 =	vsub.s32 v6, v0;
	[tilespmem:$0x140B0] =	vst v5  }
0x45: {  	vm15 =	vge.s32 v9, v0;
	v3 =	vsub.s32 v7, v0;
	[tilespmem:$0x140A0] =	vst v4;
	v2 =	vnsel vm0, $0x1388, v2  }
0x46: {  	vm4 =	vlt.s32 v9, v1;
	v3 =	vnsel vm11, $0x1388, v3;
	[tilespmem:$0x140C0] =	vst v2;
	v2 =	vsub.s32 v8, v0  }
0x47: {  	p0 =	seq.s32 s0, $0x0;
	vm5 =	vmand vm15, vm4;
	[tilespmem:$0x140D0] =	vst v3;
	v3 =	vsub.s32 v9, v0;
	v2 =	vnsel vm14, $0x1388, v2  }
0x48: {  	s6 =	sadd.s32 @!p0 s0, s7;
	[tilespmem:$0x140E0] =	vst v2;
	v2 =	vnsel vm5, $0x1388, v3  }
0x49: {  	s20 =	simm.s32 @!p0 $0x4;
	s11 =	sand.u32 @!p0 $0x1FF80, s6;
	s6 =	sadd.s32 @!p0 $0x10, s6;
	[tilespmem:$0x140F0] =	vst v2  }
0x4a: {  	[spmem:s1] =	stream.indirect.scatter.add.f32 [tilespmem:s19], [sflag:$0x3], $0x80, s24, s23, $0xb8;
	[tilespmem:$0x1C200] =	vst v63  }
0x4b: {  	s6 =	sand.u32 @!p0 $0x70, s6;
	s11 =	sadd.s32 @!p0 s5, s11;
	_ =	swait.ge @!p0 [sflag:s20], $0x4000  }
0x4c: {  	s6 =	sadd.s32 @!p0 s6, s11;
	[sflag:s20] =	ssyncset.done @!p0 $0x0  }
0x4d: {  	s11 =	simm.s32 @!p0 $0x0;
	[sflag:s20] =	ssyncadd.s32 @!p0 $0xFFFFC000;
	s20 =	simm.s32 @!p0 $0x14100  }
0x4e: {  	[tilespmem:s20], [sflag:$0x2] =	stream.linear.gather @!p0 [hbm4b:s6+s11], $0x80, $0x38;
	[tilespmem:$0x1C200] =	vst v63  }
0x4f: {  	s6 =	simm.s32 @!p0 $0x18200  }
0x50: {  	[tilespmem:s6], [sflag:$0x2] =	stream.linear.gather @!p0 [hbm4b:s31+s11], $0x4000, $0x38;
	[tilespmem:$0x1C200] =	vst v63  }
0x51: {  	_ =	swait.ge [sflag:s25], $0x80  }
0x52: {  	[sflag:s25] =	ssyncset.done $0x0  }
0x53: {  	[sflag:s25] =	ssyncadd.s32 $0xFFFFFF80  }
0x54: {  	_ =	swait.ge [sflag:s25], $0x4000  }
0x55: {  	[sflag:s25] =	ssyncset.done $0x0  }
0x56: {  	[sflag:s25] =	ssyncadd.s32 $0xFFFFC000  }
0x57: {  	v2 =	vld [tilespmem:$0x14100]  }
0x58: {  	v3 =	vld [tilespmem:$0x14110]  }
0x59: {  	v58 =	vld [tilespmem:$0x14120]  }
0x5a: {  	v59 =	vld [tilespmem:$0x14130];
	_ =	sdelay $0x1  }
0x5b: {  	v60 =	vld [tilespmem:$0x14140]  }
0x5c: {  	v61 =	vld [tilespmem:$0x14150];
	vm6 =	vge.s32 v2, v0;
	vm7 =	vlt.s32 v2, v1;
	v2 =	vsub.s32 v2, v0  }
0x5d: {  	v63 =	vld [tilespmem:$0x14170];
	vm8 =	vge.s32 v3, v0;
	vm9 =	vlt.s32 v3, v1;
	v3 =	vsub.s32 v3, v0  }
0x5e: {  	vm11 =	vge.s32 v58, v0;
	vm12 =	vlt.s32 v58, v1;
	vm13 =	vge.s32 v59, v0  }
0x5f: {  	v62 =	vld [tilespmem:$0x14160];
	vm14 =	vlt.s32 v59, v1;
	v4 =	vsub.s32 v58, v0;
	v5 =	vsub.s32 v59, v0  }
0x60: {  	vm15 =	vge.s32 v60, v0;
	vm0 =	vmand vm6, vm7;
	vm10 =	vmand vm8, vm9  }
0x61: {  	vm1 =	vmand vm13, vm14;
	vm6 =	vlt.s32 v60, v1;
	vm7 =	vge.s32 v61, v0  }
0x62: {  	vm8 =	vlt.s32 v61, v1;
	vm13 =	vge.s32 v63, v0;
	v2 =	vnsel vm0, $0x1388, v2  }
0x63: {  	vm14 =	vlt.s32 v63, v1;
	v3 =	vnsel vm10, $0x1388, v3;
	vm0 =	vmand vm11, vm12;
	[tilespmem:$0x14180] =	vst v2  }
0x64: {  	v5 =	vnsel vm1, $0x1388, v5;
	vm9 =	vmand vm7, vm8;
	vm10 =	vge.s32 v62, v0;
	[tilespmem:$0x14190] =	vst v3  }
0x65: {  	v4 =	vnsel vm0, $0x1388, v4;
	vm0 =	vmand vm15, vm6;
	v2 =	vsub.s32 v60, v0;
	[tilespmem:$0x141B0] =	vst v5  }
0x66: {  	vm11 =	vlt.s32 v62, v1;
	v3 =	vsub.s32 v61, v0;
	[tilespmem:$0x141A0] =	vst v4;
	v2 =	vnsel vm0, $0x1388, v2  }
0x67: {  	vm12 =	vmand vm10, vm11;
	v3 =	vnsel vm9, $0x1388, v3;
	[tilespmem:$0x141C0] =	vst v2;
	v2 =	vsub.s32 v62, v0  }
0x68: {  	vm15 =	vmand vm13, vm14;
	[tilespmem:$0x141D0] =	vst v3;
	v3 =	vsub.s32 v63, v0;
	v2 =	vnsel vm12, $0x1388, v2  }
0x69: {  	p1 =	seq.s32 s0, $0x9E0;
	[tilespmem:$0x141E0] =	vst v2;
	v2 =	vnsel vm15, $0x1388, v3  }
.Ltmp2:
0x6a: {  	[tilespmem:$0x141F0] =	vst v2;
	(pc) =	sbr.rel @p1 .LBB2_4-.Ltmp2, $4  }
0x6b: {  	[spmem:s1] =	stream.indirect.scatter.add.f32 [tilespmem:s21], [sflag:$0x4], $0x80, s26, s23, $0xb8;
	[tilespmem:$0x1C200] =	vst v63  }
0x6c: {  	_ =	swait.ge [sflag:s28], $0x4000  }
0x6d: {  	[sflag:s28] =	ssyncset.done $0x0  }
0x6e: {  	[sflag:s28] =	ssyncadd.s32 $0xFFFFC000  }
0x6f: {  	s6 =	sadd.s32 $0x2, s3;
	s3 =	simm.s32 @p0 $0x1  }
0x70: {  	s3 =	sadd.s32 s3, s13  }
0x71: {  	s11 =	sshll.u32 s3, $0x4  }
0x72: {  	s3 =	sshll.u32 s3, $0xB;
	s11 =	sand.u32 $0xFFFFFE0, s11  }
.Ltmp3:
0x73: {  	s3 =	sand.u32 $0x1FFFF000, s3;
	s11 =	sadd.s32 s5, s11;
	(pc) =	sbr.rel .LBB2_2-.Ltmp3, $4  }
0x74: {  	[tilespmem:s18], [sflag:$0x1] =	stream.linear.gather [hbm4b:s11+s2], $0x80, $0x38;
	[tilespmem:$0x1C200] =	vst v63  }
0x75: {  	s3 =	sadd.s32 s4, s3  }
0x76: {  	[tilespmem:s19], [sflag:$0x1] =	stream.linear.gather [hbm4b:s3+s2], $0x4000, $0x38;
	[tilespmem:$0x1C200] =	vst v63  }
0x77: {  	s0 =	sadd.s32 $0x20, s0;
	s31 =	sadd.s32 $0x1000, s31;
	s3 =	smov.u32 s6  }
.LBB2_5:
0x78: {  	_ =	sfence.sel $0x180000  }
0x79: {  	[bflag:$0x0] =	sbarrier.arrive $0xFFFF  }
0x7a: {  	_ =	strace $0x9000004A  }
0x7b: {  	s0 =	stileid.u32;
	[bflag:$0x2] =	sbarrier.arrive $0xFFFF  }
0x7c: {  	p0 =	sne.s32 s0, $0x0;
	s0 =	rddreg [dreg:$0x2]  }
0x7d: {  	s0 =	sadd.s32 @!p0 $0x100000, s0  }
0x7e: {  	[sflag:s0] =	ssyncadd.tile.s32 @!p0 $0x1;
	_ =	shalt  }
.Lfunc_end2:
_tile_overlayer_lowered:
.L_overlay_start_2:
0x7f: {  	(tag) =	ssettag $0x2  }
0x80: {  	s0 =	rddreg [dreg:$0x0];
	s2 =	stileid.u32  }
0x81: {  	s1 =	rddreg [dreg:$0x1];
	p0 =	sne.s32 s2, $0x0  }
0x82: {  	s3 =	rddreg [dreg:$0x2];
	[bflag:$0x3] =	sbarrier.arrive $0xFFFF;
	s2 =	simm.s32 @!p0 $0x1C05  }
0x83: {  	[timem:s3], [sflag:s2] =	dma.local @!p0 [hbm:s0], s1  }
0x84: {  	s0 =	simm.s32 @!p0 $0x5  }
0x85: {  	_ =	swait.ge @!p0 [sflag:s0], s1  }
0x86: {  	s1 =	ssub.s32 @!p0 $0x0, s1;
	[sflag:s0] =	ssyncset.done @!p0 $0x0  }
0x87: {  	[sflag:s0] =	ssyncadd.s32 @!p0 s1  }
0x88: {  	[bflag:$0x3] =	sbarrier.arrive $0xFFFF  }
0x89: {  	_ =	shalt  }

// kernel: kernel.18.cloned.1.call-start
scs
__scs_entry_jumppad:
0x0: {  	(pc) =	sbr.rel $0x88, $3  }
0x1: {  	(tag) =	ssettag $0x0;
	lr =	simm.s32 $0x1  }
0x2: {  	[smem:$0x3F7F] =	sst lr;
	_ =	strace $0xD0000000  }
0x3: {  	_ = 	snop  }
0x4: {  	_ = 	snop  }
0x5: {  	_ = 	snop  }
0x6: {  	_ = 	snop  }
0x7: {  	_ = 	snop  }
__scs_overlays_trampoline_lowered:
0x8: {  	[smem:$0x3F8E] =	sst s0  }
0x9: {  	[smem:$0x3F8F] =	sst s1  }
0xa: {  	[smem:$0x3F90] =	sst s2  }
0xb: {  	[smem:$0x3F91] =	sst s3  }
0xc: {  	[smem:$0x3F92] =	sst s4  }
0xd: {  	[smem:$0x3F93] =	sst s5  }
0xe: {  	[smem:$0x3F94] =	sst s6  }
0xf: {  	[smem:$0x3F95] =	sst s7  }
0x10: {  	[smem:$0x3F96] =	sst s8  }
0x11: {  	[smem:$0x3F97] =	sst s9;
	s0 =	simm.s32 @!p0 $0x0  }
0x12: {  	s1 =	sld [smem:$0x3F7D];
	s0 =	simm.s32 @p0 $0x1  }
0x13: {  	[smem:$0x3F98] =	sst s0;
	s0 =	simm.s32 @!p1 $0x0  }
0x14: {  	s2 =	sld [smem:$0x3F7C];
	s0 =	simm.s32 @p1 $0x1  }
0x15: {  	[smem:$0x3F99] =	sst s0;
	s0 =	simm.s32 @!p2 $0x0  }
0x16: {  	s3 =	sld [smem:$0x3FDB];
	s0 =	simm.s32 @p2 $0x1  }
0x17: {  	s4 =	simm.s32 $0x1BF5;
	[smem:$0x3F9B] =	sst s0  }
0x18: {  	s0 =	sld [smem:$0x3F7E];
	_ =	swait.ge [sflag:s4], $0x0  }
0x19: {  	s7 =	sld [smem:$0x3F7F]  }
0x1a: {  	s8 =	sadd.s32 $0xFFFFE003, lr  }
0x1b: {  	s9 =	sadd.s32 $0xFFFFFEF7, lr;
	s5 =	simm.s32 $0xFFFFFFFF;
	p2 =	slt.u32 s8, $0xFFFFF086  }
0x1c: {  	p1 =	slt.u32 s9, $0xF7A;
	s5 =	simm.s32 @!p2 $0x0  }
0x1d: {  	s5 =	simm.s32 @p1 $0x1;
	p0 =	seq.s32 s7, s2  }
0x1e: {  	s7 =	smul.u32 @!p0 $0xF7A, s2;
	p2 =	seq.s32 @!p0 s5, $0x0  }
0x1f: {  	s9 =	smul.u32 $0xF7A, s1;
	s8 =	simm.s32 @!p0 $0x1BF5;
	p2 =	por !p2, p0  }
0x20: {  	[sflag:s8] =	ssyncset.s32 @!p0 $0xFFFFF086;
	s6 =	sadd.s32 @!p0 s3, s7;
	s7 =	simm.s32 @!p0 $0x108  }
0x21: {  	s3 =	sadd.s32 s3, s9;
	s6 =	sadd.s32 @!p0 $0x88, s6;
	s7 =	simm.s32 @p2 $0x1082  }
0x22: {  	[simem:s7], [sflag:s8] =	dma.local @!p0 [hbm:s6], $0xF7A  }
0x23: {  	s9 =	sor.u32 $0xD0000000, s2;
	s6 =	simm.s32 $0x108;
	_ =	swait.ge @!p0 [sflag:s8], $0x0  }
0x24: {  	s3 =	sadd.s32 $0x88, s3;
	s6 =	simm.s32 @!p1 $0x1082;
	[sflag:s4] =	ssyncset.s32 $0xFFFFF086  }
0x25: {  	[simem:s6], [sflag:s4] =	dma.local [hbm:s3], $0xF7A  }
0x26: {  	[smem:$0x3F7F] =	sst s1;
	(tag) =	ssettag s2;
	_ =	strace s9  }
0x27: {  	s1 =	sld [smem:$0x3F8F]  }
0x28: {  	s2 =	sld [smem:$0x3F90]  }
0x29: {  	s4 =	sld [smem:$0x3F92]  }
0x2a: {  	p0 =	seq.s32 s5, $0x0;
	s5 =	sld [smem:$0x3F93]  }
0x2b: {  	s6 =	sld [smem:$0x3F94]  }
0x2c: {  	s7 =	sld [smem:$0x3F95]  }
0x2d: {  	s3 =	simm.s32 $0x108;
	s8 =	sld [smem:$0x3F96]  }
0x2e: {  	s3 =	simm.s32 @!p0 $0x1082;
	s9 =	sld [smem:$0x3F97]  }
0x2f: {  	lr =	sadd.s32 s0, s3;
	s0 =	sld [smem:$0x3F8E]  }
0x30: {  	s3 =	sld [smem:$0x3F91]  }
0x31: {  	[smem:$0x3F9A] =	sst s10  }
0x32: {  	s10 =	sld [smem:$0x3F98];
	_ =	sdelay $0x3  }
0x33: {  	p0 =	seq.s32 s10, $0x1;
	s10 =	sld [smem:$0x3F9A];
	_ =	sdelay $0x3  }
0x34: {  	[smem:$0x3F9A] =	sst s10  }
0x35: {  	s10 =	sld [smem:$0x3F99];
	_ =	sdelay $0x3  }
0x36: {  	p1 =	seq.s32 s10, $0x1;
	s10 =	sld [smem:$0x3F9A];
	_ =	sdelay $0x3  }
0x37: {  	[smem:$0x3F9A] =	sst s10  }
0x38: {  	s10 =	sld [smem:$0x3F9B]  }
0x39: {  	_ = 	snop;
	(pc) =	sbr.ind lr, $3  }
0x3a: {  	_ = 	snop  }
0x3b: {  	_ = 	snop  }
0x3c: {  	p2 =	seq.s32 s10, $0x1;
	s10 =	sld [smem:$0x3F9A]  }
0x3d: {  	_ =	shalt  }
0x3e: {  	_ =	shalt  }
0x3f: {  	_ =	shalt  }
0x40: {  	_ =	shalt  }
0x41: {  	_ =	shalt  }
0x42: {  	_ =	shalt  }
0x43: {  	_ =	shalt  }
0x44: {  	_ =	shalt  }
0x45: {  	_ =	shalt  }
0x46: {  	_ =	shalt  }
0x47: {  	_ =	shalt  }
0x48: {  	_ =	shalt  }
0x49: {  	_ =	shalt  }
0x4a: {  	_ =	shalt  }
0x4b: {  	_ =	shalt  }
0x4c: {  	_ =	shalt  }
0x4d: {  	_ =	shalt  }
0x4e: {  	_ =	shalt  }
0x4f: {  	_ =	shalt  }
0x50: {  	_ =	shalt  }
0x51: {  	_ =	shalt  }
0x52: {  	_ =	shalt  }
0x53: {  	_ =	shalt  }
0x54: {  	_ =	shalt  }
0x55: {  	_ =	shalt  }
0x56: {  	_ =	shalt  }
0x57: {  	_ =	shalt  }
0x58: {  	_ =	shalt  }
0x59: {  	_ =	shalt  }
0x5a: {  	_ =	shalt  }
0x5b: {  	_ =	shalt  }
0x5c: {  	_ =	shalt  }
0x5d: {  	_ =	shalt  }
0x5e: {  	_ =	shalt  }
0x5f: {  	_ =	shalt  }
0x60: {  	_ =	shalt  }
0x61: {  	_ =	shalt  }
0x62: {  	_ =	shalt  }
0x63: {  	_ =	shalt  }
0x64: {  	_ =	shalt  }
0x65: {  	_ =	shalt  }
0x66: {  	_ =	shalt  }
0x67: {  	_ =	shalt  }
0x68: {  	_ =	shalt  }
0x69: {  	_ =	shalt  }
0x6a: {  	_ =	shalt  }
0x6b: {  	_ =	shalt  }
0x6c: {  	_ =	shalt  }
0x6d: {  	_ =	shalt  }
0x6e: {  	_ =	shalt  }
0x6f: {  	_ =	shalt  }
0x70: {  	_ =	shalt  }
0x71: {  	_ =	shalt  }
0x72: {  	_ =	shalt  }
0x73: {  	_ =	shalt  }
0x74: {  	_ =	shalt  }
0x75: {  	_ =	shalt  }
0x76: {  	_ =	shalt  }
0x77: {  	_ =	shalt  }
0x78: {  	_ =	shalt  }
0x79: {  	_ =	shalt  }
0x7a: {  	_ =	shalt  }
0x7b: {  	_ =	shalt  }
0x7c: {  	_ =	shalt  }
0x7d: {  	_ =	shalt  }
0x7e: {  	_ =	shalt  }
0x7f: {  	_ =	shalt  }
0x80: {  	_ =	shalt  }
0x81: {  	_ =	shalt  }
0x82: {  	_ =	shalt  }
0x83: {  	_ =	shalt  }
0x84: {  	_ =	shalt  }
0x85: {  	_ =	shalt  }
0x86: {  	_ =	shalt  }
0x87: {  	_ =	shalt  }
.Lfunc_end0:
.L_simem_size_0:
called_computation.2_lowered:
.L_overlay_start_0:
0x88: {  	s2 =	sld [smem:$0x3FD9]  }
0x89: {  	s3 =	sld [smem:$0x3FFE];
	_ =	sdelay $0x1  }
0x8a: {  	s1 =	srdreg.scid  }
0x8b: {  	s0 =	sand.u32 $0x1, s1  }
0x8c: {  	s16 =	sshll.u32 s0, $0xA;
	s2 =	sadd.s32 s3, s2  }
0x8d: {  	s2 =	sadd.s32 s2, s16  }
0x8e: {  	[smem:$0x3FA6] =	sst s2  }
0x8f: {  	_ = 	snop  }
0x90: {  	(tm) =	ssettm $0x1  }
0x91: {  	s17 =	sld [smem:$0x3FFB];
	_ =	sdelay $0x3  }
0x92: {  	_ =	strace s17  }
0x93: {  	s2 =	sld [smem:$0x3FFC];
	_ =	sdelay $0x3  }
0x94: {  	_ =	strace s2  }
0x95: {  	s2 =	sld [smem:$0x3FFD];
	_ =	sdelay $0x3  }
0x96: {  	_ =	strace s2  }
0x97: {  	_ =	strace $0x8FFFFFFF  }
0x98: {  	s18 =	sld [smem:$0x3FDB];
	_ =	sdelay $0x1  }
0x99: {  	s19 =	simm.s32 $_scs_section_size  }
0x9a: {  	s4 =	simm.s32 $_size__tile_overlayer_lowered;
	s5 =	simm.s32 $_tile_overlayer_lowered  }
0x9b: {  	s22 =	simm.s32 $0x1BFF;
	s21 =	sshll.u32 s5, $0x1;
	s2 =	sadd.s32 s19, s18  }
0x9c: {  	s6 =	simm.s32 $0x0;
	s20 =	sshll.u32 s4, $0x1;
	s4 =	sadd.s32 s21, s2  }
0x9d: {  	[timem:s6], [sflag:s22] =	dma.local [hbm:s4], s20  }
0x9e: {  	_ =	swait.ge [sflag:s22], s20  }
0x9f: {  	s3 =	ssub.s32 $0x0, s20;
	[sflag:s22] =	ssyncset.done $0x0  }
0xa0: {  	[sflag:s22] =	ssyncadd.s32 s3;
	_ =	sdelay $0x1  }
0xa1: {  	s23 =	simm.s32 $0x1B8B  }
0xa2: {  	_ =	swait.ge [sflag:s23], $0x1  }
0xa3: {  	[sflag:s23] =	ssyncset.done $0x0  }
0xa4: {  	s25 =	simm.s32 $0x1B8E;
	s24 =	sld [smem:$0x3FFE];
	[sflag:s23] =	ssyncadd.s32 $0xFFFFFFFF  }
0xa5: {  	s26 =	simm.s32 $execute0_lowered;
	[smem:$0x3FD2] =	sst s25  }
0xa6: {  	s4 =	sshll.u32 s26, $0x1;
	_ =	strace $0x8000004C;
	[dreg:$0x1] =	wrdreg $0xFFFFFFFF  }
0xa7: {  	s28 =	simm.s32 $_size_execute0_lowered;
	s2 =	sadd.s32 s2, s4;
	[dreg:$0x0] =	wrdreg $0x0  }
0xa8: {  	s4 =	sshll.u32 s28, $0x1;
	[dreg:$0x2] =	wrdreg s2  }
0xa9: {  	[dreg:$0x3] =	wrdreg s4  }
0xaa: {  	[dreg:$0x4] =	wrdreg $0xC0  }
0xab: {  	_ =	task [dreg:s6], $0x5FFFF  }
0xac: {  	[dreg:$0x1] =	wrdreg $0xFFFFFFFF  }
0xad: {  	[dreg:$0x0] =	wrdreg $0x60  }
0xae: {  	[dreg:$0x2] =	wrdreg s24  }
0xaf: {  	[dreg:$0x3] =	wrdreg $0x9  }
0xb0: {  	_ =	task.clear_ibuf [dreg:s6], $0x4FFFF;
	_ =	strace $0x9000004C  }
0xb1: {  	s29 =	simm.s32 $0x9;
	_ =	strace $0x8000004E  }
0xb2: {  	_ =	swait.ge [sflag:s29], $0x1  }
0xb3: {  	[sflag:s29] =	ssyncadd.s32 $0xFFFFFFFF  }
0xb4: {  	_ =	strace $0x9000004E  }
0xb5: {  	_ =	sfence  }
0xb6: {  	s30 =	sld [smem:$0x0];
	_ =	sdelay $0x2  }
0xb7: {  	s31 =	sshll.u32 s1, $0xD;
	s1 =	sshrl.u32 s1, $0x2  }
0xb8: {  	s3 =	sand.u32 $0x4000, s31;
	s1 =	sadd.s32 s1, s30  }
0xb9: {  	s0 =	sor.u32 s3, s0;
	s1 =	sshll.u32 s1, $0x11  }
0xba: {  	s0 =	sor.u32 s1, s0  }
0xbb: {  	s0 =	sadd.s32 $0x8F2B, s0  }
0xbc: {  	[sflag:s0] =	ssyncadd.remote.s32 $0x1  }
0xbd: {  	_ =	sfence.sel $0xFFFF  }
0xbe: {  	[dreg:$0x0] =	wrdreg $0xFFFFFFFF;
	(pc) =	sbr.abs _section_cstart, $3  }
0xbf: {  	[dreg:$0x1] =	wrdreg $0xFFFFFFFF  }
0xc0: {  	_ =	task.clear_ibuf [dreg:s6], $0x2FFFF;
	_ =	strace $0x9FFFFFFF  }
0xc1: {  	(tm) =	ssettm $0x7FFFFFFF  }
tec
execute0_lowered:
.L_overlay_start_1:
0x0: {  	(tag) =	ssettag $0x1  }
0x1: {  	s1 =	srdreg.scid  }
0x2: {  	s0 =	stileid.u32;
	s6 =	rddreg [dreg:$0x0]  }
0x3: {  	s2 =	simm.s32 $0x0;
	s11 =	simm.s32 $0x100;
	s12 =	simm.s32 $0x1  }
0x4: {  	s13 =	simm.s32 $0x80;
	s14 =	simm.s32 $0x200;
	s15 =	simm.s32 $0x4200  }
0x5: {  	s16 =	simm.s32 $0x2;
	s17 =	simm.s32 $0x8200;
	s18 =	simm.s32 $0x180  }
0x6: {  	s19 =	simm.s32 $0xC200;
	s20 =	simm.s32 $0x3;
	s21 =	simm.s32 $0x4  }
0x7: {  	s22 =	simm.s32 $0x5;
	s1 =	sand.u32 $0x1, s1;
	s3 =	sshll.u32 s0, $0x1  }
0x8: {  	s23 =	simm.s32 $0x6;
	s24 =	simm.s32 $0x0;
	s5 =	sor.u32 s1, s3  }
0x9: {  	[smem:$0x7FF] =	sst s2;
	s4 =	sadd.s32 $0x74A00, s6;
	s8 =	smul.u32 $0xA00, s5  }
0xa: {  	_ =	strace $0x8000004D;
	s1 =	ssub.s32 $0x2, s1;
	s7 =	smul.u32 $0x140000, s5  }
0xb: {  	s3 =	sadd.s32 $0x26600, s6;
	s10 =	sshrl.u32 s1, $0x1;
	s5 =	smul.u32 $0x50, s5  }
0xc: {  	s1 =	ssub.s32 s1, s10;
	s9 =	sadd.s32 s8, s6;
	s7 =	sshrl.u32 s7, $0x3  }
0xd: {  	s6 =	sadd.s32 $0x11220, s6;
	s10 =	smax.u32 s1, $0x1;
	s31 =	sadd.s32 s4, s7  }
0xe: {  	s7 =	sadd.s32 $0x11200, s9;
	s8 =	sadd.s32 s8, s6;
	s9 =	sadd.s32 $0x27800, s31  }
.LBB2_1:
0xf: {  	[tilespmem:s2], [sflag:$0x1] =	stream.linear.gather [hbm4b:s7+s2], $0x100, $0x38;
	[tilespmem:$0x10200] =	vst v63  }
0x10: {  	s25 =	simm.s32 $0x0  }
0x11: {  	[tilespmem:s11], [sflag:$0x2] =	stream.linear.gather [hbm4b:s8+s2], $0x100, $0x38;
	[tilespmem:$0x10200] =	vst v63  }
.LBB2_2:
0x12: {  	p0 =	sne.s32 s25, $0x0  }
.Ltmp0:
0x13: {  	_ = 	snop;
	(pc) =	sbr.rel @!p0 .LBB2_3-.Ltmp0, $4  }
0x14: {  	_ = 	snop  }
0x15: {  	_ =	swait.ge [sflag:s12], $0x100  }
0x16: {  	[sflag:s12] =	ssyncset.done $0x0  }
0x17: {  	[sflag:s12] =	ssyncadd.s32 $0xFFFFFF00  }
0x18: {  	_ =	swait.ge [sflag:s22], $0x4000  }
0x19: {  	[sflag:s22] =	ssyncset.done $0x0  }
0x1a: {  	[sflag:s22] =	ssyncadd.s32 $0xFFFFC000  }
0x1b: {  	[tilespmem:s14], [sflag:$0x3] =	stream.indirect.gather [hbm4b:s3+s13], $0x80, s2, s13, $0xb8;
	[tilespmem:$0x10200] =	vst v63  }
0x1c: {  	_ = 	snop  }
0x1d: {  	[tilespmem:s15], [sflag:$0x3] =	stream.indirect.gather [hbm4b:s3+s13], $0x80, s13, s13, $0xb8;
	[tilespmem:$0x10200] =	vst v63  }
0x1e: {  	_ =	swait.ge [sflag:s21], $0x4000  }
0x1f: {  	[sflag:s21] =	ssyncset.done $0x0  }
0x20: {  	[sflag:s21] =	ssyncadd.s32 $0xFFFFC000  }
0x21: {  	_ =	swait.ge [sflag:s21], $0x4000  }
0x22: {  	[sflag:s21] =	ssyncset.done $0x0  }
0x23: {  	s26 =	simm.s32 $0x8300;
	[sflag:s21] =	ssyncadd.s32 $0xFFFFC000  }
0x24: {  	s28 =	simm.s32 $0xC340;
	v0 =	vld [tilespmem:s26+$0xFFFFFF00]  }
0x25: {  	v1 =	vld [tilespmem:s28+$0xFFFFFF00];
	_ =	sdelay $0x4  }
0x26: {  	v0 =	vadd.f32 v1, v0;
	_ =	sdelay $0x1  }
0x27: {  	[tilespmem:s26+$0xFFFFFF00] =	vst v0;
	v0 =	vld [tilespmem:s26+$0xFFFFFF10]  }
0x28: {  	v1 =	vld [tilespmem:s28+$0xFFFFFF10];
	_ =	sdelay $0x4  }
0x29: {  	v0 =	vadd.f32 v1, v0;
	_ =	sdelay $0x1  }
0x2a: {  	[tilespmem:s26+$0xFFFFFF10] =	vst v0;
	v0 =	vld [tilespmem:s26+$0xFFFFFF20]  }
0x2b: {  	v1 =	vld [tilespmem:s28+$0xFFFFFF20];
	_ =	sdelay $0x4  }
0x2c: {  	v0 =	vadd.f32 v1, v0;
	_ =	sdelay $0x1  }
0x2d: {  	[tilespmem:s26+$0xFFFFFF20] =	vst v0;
	v0 =	vld [tilespmem:s26+$0xFFFFFF30]  }
0x2e: {  	v1 =	vld [tilespmem:s28+$0xFFFFFF30];
	_ =	sdelay $0x4  }
0x2f: {  	v0 =	vadd.f32 v1, v0;
	_ =	sdelay $0x1  }
0x30: {  	[tilespmem:s26+$0xFFFFFF30] =	vst v0;
	v0 =	vld [tilespmem:s26+$0xFFFFFF80]  }
0x31: {  	v1 =	vld [tilespmem:s28+$0xFFFFFF80];
	_ =	sdelay $0x4  }
0x32: {  	v0 =	vadd.f32 v1, v0;
	_ =	sdelay $0x1  }
0x33: {  	[tilespmem:s26+$0xFFFFFF80] =	vst v0;
	v0 =	vld [tilespmem:s26+$0xFFFFFF90]  }
0x34: {  	v1 =	vld [tilespmem:s28+$0xFFFFFF90];
	_ =	sdelay $0x4  }
0x35: {  	v0 =	vadd.f32 v1, v0;
	_ =	sdelay $0x1  }
0x36: {  	[tilespmem:s26+$0xFFFFFF90] =	vst v0;
	v0 =	vld [tilespmem:s26+$0xFFFFFFA0]  }
0x37: {  	v1 =	vld [tilespmem:s28+$0xFFFFFFA0];
	_ =	sdelay $0x4  }
0x38: {  	v0 =	vadd.f32 v1, v0;
	_ =	sdelay $0x1  }
0x39: {  	[tilespmem:s26+$0xFFFFFFA0] =	vst v0;
	v0 =	vld [tilespmem:s26+$0xFFFFFFB0]  }
0x3a: {  	v1 =	vld [tilespmem:s28+$0xFFFFFFB0];
	_ =	sdelay $0x4  }
0x3b: {  	v0 =	vadd.f32 v1, v0;
	_ =	sdelay $0x1  }
0x3c: {  	[tilespmem:s26+$0xFFFFFFB0] =	vst v0;
	v0 =	vld [tilespmem:s26+$0x0]  }
0x3d: {  	v1 =	vld [tilespmem:s28+$0x0];
	_ =	sdelay $0x4  }
0x3e: {  	v0 =	vadd.f32 v1, v0;
	_ =	sdelay $0x1  }
0x3f: {  	[tilespmem:s26+$0x0] =	vst v0;
	v0 =	vld [tilespmem:s26+$0x10]  }
0x40: {  	v1 =	vld [tilespmem:s28+$0x10];
	_ =	sdelay $0x4  }
0x41: {  	v0 =	vadd.f32 v1, v0;
	_ =	sdelay $0x1  }
0x42: {  	[tilespmem:s26+$0x10] =	vst v0;
	v0 =	vld [tilespmem:s26+$0x20]  }
0x43: {  	v1 =	vld [tilespmem:s28+$0x20];
	_ =	sdelay $0x4  }
0x44: {  	v0 =	vadd.f32 v1, v0;
	_ =	sdelay $0x1  }
0x45: {  	[tilespmem:s26+$0x20] =	vst v0;
	v0 =	vld [tilespmem:s26+$0x30]  }
0x46: {  	v1 =	vld [tilespmem:s28+$0x30];
	_ =	sdelay $0x4  }
0x47: {  	v0 =	vadd.f32 v1, v0;
	_ =	sdelay $0x1  }
0x48: {  	[tilespmem:s26+$0x30] =	vst v0;
	v0 =	vld [tilespmem:s26+$0x80]  }
0x49: {  	v1 =	vld [tilespmem:s28+$0x80];
	_ =	sdelay $0x4  }
0x4a: {  	v0 =	vadd.f32 v1, v0;
	_ =	sdelay $0x1  }
0x4b: {  	[tilespmem:s26+$0x80] =	vst v0;
	v0 =	vld [tilespmem:s26+$0x90]  }
0x4c: {  	v1 =	vld [tilespmem:s28+$0x90];
	_ =	sdelay $0x4  }
0x4d: {  	v0 =	vadd.f32 v1, v0;
	_ =	sdelay $0x1  }
0x4e: {  	[tilespmem:s26+$0x90] =	vst v0;
	v0 =	vld [tilespmem:s26+$0xA0]  }
0x4f: {  	v1 =	vld [tilespmem:s28+$0xA0];
	_ =	sdelay $0x4  }
0x50: {  	v0 =	vadd.f32 v1, v0;
	_ =	sdelay $0x1  }
0x51: {  	[tilespmem:s26+$0xA0] =	vst v0;
	v0 =	vld [tilespmem:s26+$0xB0]  }
0x52: {  	v1 =	vld [tilespmem:s28+$0xB0];
	_ =	sdelay $0x4  }
0x53: {  	s29 =	sshll.u32 s25, $0x1;
	v0 =	vadd.f32 v1, v0  }
0x54: {  	s31 =	simm.s32 $0x0;
	s1 =	simm.s32 $0x8500;
	s30 =	sadd.s32 s5, s29  }
.LBB2_5:
0x55: {  	v1 =	vld [tilespmem:s1+$0xFFFFFF00];
	[tilespmem:s26+$0xB0] =	vst v0;
	s28 =	sadd.s32 $0x200, s28;
	s26 =	smov.u32 s1  }
0x56: {  	s31 =	sadd.s32 $0x4, s31;
	v0 =	vld [tilespmem:s28+$0xFFFFFF00]  }
0x57: {  	p0 =	slt.u32 s31, $0x7C;
	_ =	sdelay $0x3  }
0x58: {  	v0 =	vadd.f32 v0, v1;
	_ =	sdelay $0x1  }
0x59: {  	[tilespmem:s1+$0xFFFFFF00] =	vst v0;
	v0 =	vld [tilespmem:s1+$0xFFFFFF10]  }
0x5a: {  	v1 =	vld [tilespmem:s28+$0xFFFFFF10];
	_ =	sdelay $0x4  }
0x5b: {  	v0 =	vadd.f32 v1, v0;
	_ =	sdelay $0x1  }
0x5c: {  	[tilespmem:s1+$0xFFFFFF10] =	vst v0;
	v0 =	vld [tilespmem:s1+$0xFFFFFF20]  }
0x5d: {  	v1 =	vld [tilespmem:s28+$0xFFFFFF20];
	_ =	sdelay $0x4  }
0x5e: {  	v0 =	vadd.f32 v1, v0;
	_ =	sdelay $0x1  }
0x5f: {  	[tilespmem:s1+$0xFFFFFF20] =	vst v0;
	v0 =	vld [tilespmem:s1+$0xFFFFFF30]  }
0x60: {  	v1 =	vld [tilespmem:s28+$0xFFFFFF30];
	_ =	sdelay $0x4  }
0x61: {  	v0 =	vadd.f32 v1, v0;
	_ =	sdelay $0x1  }
0x62: {  	[tilespmem:s1+$0xFFFFFF30] =	vst v0;
	v0 =	vld [tilespmem:s1+$0xFFFFFF80]  }
0x63: {  	v1 =	vld [tilespmem:s28+$0xFFFFFF80];
	_ =	sdelay $0x4  }
0x64: {  	v0 =	vadd.f32 v1, v0;
	_ =	sdelay $0x1  }
0x65: {  	[tilespmem:s1+$0xFFFFFF80] =	vst v0;
	v0 =	vld [tilespmem:s1+$0xFFFFFF90]  }
0x66: {  	v1 =	vld [tilespmem:s28+$0xFFFFFF90];
	_ =	sdelay $0x4  }
0x67: {  	v0 =	vadd.f32 v1, v0;
	_ =	sdelay $0x1  }
0x68: {  	[tilespmem:s1+$0xFFFFFF90] =	vst v0;
	v0 =	vld [tilespmem:s1+$0xFFFFFFA0]  }
0x69: {  	v1 =	vld [tilespmem:s28+$0xFFFFFFA0];
	_ =	sdelay $0x4  }
0x6a: {  	v0 =	vadd.f32 v1, v0;
	_ =	sdelay $0x1  }
0x6b: {  	[tilespmem:s1+$0xFFFFFFA0] =	vst v0;
	v0 =	vld [tilespmem:s1+$0xFFFFFFB0]  }
0x6c: {  	v1 =	vld [tilespmem:s28+$0xFFFFFFB0];
	_ =	sdelay $0x4  }
0x6d: {  	v0 =	vadd.f32 v1, v0;
	_ =	sdelay $0x1  }
0x6e: {  	[tilespmem:s1+$0xFFFFFFB0] =	vst v0;
	v0 =	vld [tilespmem:s1+$0x0]  }
0x6f: {  	v1 =	vld [tilespmem:s28+$0x0];
	_ =	sdelay $0x4  }
0x70: {  	v0 =	vadd.f32 v1, v0;
	_ =	sdelay $0x1  }
0x71: {  	[tilespmem:s1+$0x0] =	vst v0;
	v0 =	vld [tilespmem:s1+$0x10]  }
0x72: {  	v1 =	vld [tilespmem:s28+$0x10];
	_ =	sdelay $0x4  }
0x73: {  	v0 =	vadd.f32 v1, v0;
	_ =	sdelay $0x1  }
0x74: {  	[tilespmem:s1+$0x10] =	vst v0;
	v0 =	vld [tilespmem:s1+$0x20]  }
0x75: {  	v1 =	vld [tilespmem:s28+$0x20];
	_ =	sdelay $0x4  }
0x76: {  	v0 =	vadd.f32 v1, v0;
	_ =	sdelay $0x1  }
0x77: {  	[tilespmem:s1+$0x20] =	vst v0;
	v0 =	vld [tilespmem:s1+$0x30]  }
0x78: {  	v1 =	vld [tilespmem:s28+$0x30];
	_ =	sdelay $0x4  }
0x79: {  	v0 =	vadd.f32 v1, v0;
	_ =	sdelay $0x1  }
0x7a: {  	[tilespmem:s1+$0x30] =	vst v0;
	v0 =	vld [tilespmem:s1+$0x80]  }
0x7b: {  	v1 =	vld [tilespmem:s28+$0x80];
	_ =	sdelay $0x4  }
0x7c: {  	v0 =	vadd.f32 v1, v0;
	_ =	sdelay $0x1  }
0x7d: {  	[tilespmem:s1+$0x80] =	vst v0;
	v0 =	vld [tilespmem:s1+$0x90]  }
0x7e: {  	v1 =	vld [tilespmem:s28+$0x90];
	_ =	sdelay $0x4  }
0x7f: {  	v0 =	vadd.f32 v1, v0;
	_ =	sdelay $0x1  }
0x80: {  	[tilespmem:s1+$0x90] =	vst v0;
	v0 =	vld [tilespmem:s1+$0xA0]  }
0x81: {  	v1 =	vld [tilespmem:s28+$0xA0];
	_ =	sdelay $0x4  }
0x82: {  	v0 =	vadd.f32 v1, v0;
	_ =	sdelay $0x1  }
0x83: {  	[tilespmem:s1+$0xA0] =	vst v0;
	v0 =	vld [tilespmem:s1+$0xB0]  }
0x84: {  	v1 =	vld [tilespmem:s28+$0xB0];
	_ =	sdelay $0x1  }
.Ltmp1:
0x85: {  	(pc) =	sbr.rel @p0 .LBB2_5-.Ltmp1, $3  }
0x86: {  	_ =	sdelay $0x1  }
0x87: {  	v0 =	vadd.f32 v1, v0  }
0x88: {  	s1 =	sadd.s32 $0x200, s1  }
0x89: {  	s1 =	sshll.u32 s30, $0xE  }
0x8a: {  	s1 =	sadd.s32 $0xFFFFC000, s1  }
0x8b: {  	s1 =	sshrl.u32 s1, $0x3  }
.Ltmp2:
0x8c: {  	[tilespmem:s26+$0xB0] =	vst v0;
	s31 =	sshll.u32 s30, $0x5;
	s1 =	sadd.s32 s4, s1;
	(pc) =	sbr.rel .LBB2_7-.Ltmp2, $4  }
0x8d: {  	[hbm4b:s1+s2] =	stream.linear.scatter [tilespmem:s17], [sflag:$0x6], $0x4000, $0x38;
	[tilespmem:$0x10200] =	vst v63  }
0x8e: {  	s1 =	sadd.s32 s31, s6  }
0x8f: {  	[tilespmem:s11], [sflag:$0x2] =	stream.linear.gather [hbm4b:s1+s2], $0x100, $0x38;
	[tilespmem:$0x10200] =	vst v63  }
0x90: {  	s1 =	sor.u32 $0x1, s29  }
.LBB2_3:
0x91: {  	[tilespmem:s14], [sflag:$0x3] =	stream.indirect.gather [hbm4b:s3+s13], $0x80, s2, s13, $0xb8;
	[tilespmem:$0x10200] =	vst v63  }
0x92: {  	s1 =	simm.s32 $0x1  }
0x93: {  	[tilespmem:s15], [sflag:$0x3] =	stream.indirect.gather [hbm4b:s3+s13], $0x80, s13, s13, $0xb8;
	[tilespmem:$0x10200] =	vst v63  }
.LBB2_7:
0x94: {  	_ =	swait.ge [sflag:s16], $0x100  }
0x95: {  	p0 =	seq.s32 s25, $0x0;
	[sflag:s16] =	ssyncset.done $0x0  }
0x96: {  	s26 =	simm.s32 @!p0 $0x6;
	[sflag:s16] =	ssyncadd.s32 $0xFFFFFF00  }
0x97: {  	_ =	swait.ge @!p0 [sflag:s26], $0x4000  }
0x98: {  	[sflag:s26] =	ssyncset.done @!p0 $0x0  }
0x99: {  	[sflag:s26] =	ssyncadd.s32 @!p0 $0xFFFFC000  }
0x9a: {  	[tilespmem:s17], [sflag:$0x4] =	stream.indirect.gather [hbm4b:s3+s13], $0x80, s11, s13, $0xb8;
	[tilespmem:$0x10200] =	vst v63  }
0x9b: {  	_ = 	snop  }
0x9c: {  	[tilespmem:s19], [sflag:$0x4] =	stream.indirect.gather [hbm4b:s3+s13], $0x80, s18, s13, $0xb8;
	[tilespmem:$0x10200] =	vst v63  }
0x9d: {  	_ =	swait.ge [sflag:s20], $0x4000  }
0x9e: {  	[sflag:s20] =	ssyncset.done $0x0  }
0x9f: {  	[sflag:s20] =	ssyncadd.s32 $0xFFFFC000  }
0xa0: {  	_ =	swait.ge [sflag:s20], $0x4000  }
0xa1: {  	[sflag:s20] =	ssyncset.done $0x0  }
0xa2: {  	s26 =	simm.s32 $0x300;
	[sflag:s20] =	ssyncadd.s32 $0xFFFFC000  }
0xa3: {  	s28 =	simm.s32 $0x4340;
	v0 =	vld [tilespmem:s26+$0xFFFFFF00]  }
0xa4: {  	v1 =	vld [tilespmem:s28+$0xFFFFFF00];
	_ =	sdelay $0x4  }
0xa5: {  	v0 =	vadd.f32 v1, v0;
	_ =	sdelay $0x1  }
0xa6: {  	[tilespmem:s26+$0xFFFFFF00] =	vst v0;
	v0 =	vld [tilespmem:s26+$0xFFFFFF10]  }
0xa7: {  	v1 =	vld [tilespmem:s28+$0xFFFFFF10];
	_ =	sdelay $0x4  }
0xa8: {  	v0 =	vadd.f32 v1, v0;
	_ =	sdelay $0x1  }
0xa9: {  	[tilespmem:s26+$0xFFFFFF10] =	vst v0;
	v0 =	vld [tilespmem:s26+$0xFFFFFF20]  }
0xaa: {  	v1 =	vld [tilespmem:s28+$0xFFFFFF20];
	_ =	sdelay $0x4  }
0xab: {  	v0 =	vadd.f32 v1, v0;
	_ =	sdelay $0x1  }
0xac: {  	[tilespmem:s26+$0xFFFFFF20] =	vst v0;
	v0 =	vld [tilespmem:s26+$0xFFFFFF30]  }
0xad: {  	v1 =	vld [tilespmem:s28+$0xFFFFFF30];
	_ =	sdelay $0x4  }
0xae: {  	v0 =	vadd.f32 v1, v0;
	_ =	sdelay $0x1  }
0xaf: {  	[tilespmem:s26+$0xFFFFFF30] =	vst v0;
	v0 =	vld [tilespmem:s26+$0xFFFFFF80]  }
0xb0: {  	v1 =	vld [tilespmem:s28+$0xFFFFFF80];
	_ =	sdelay $0x4  }
0xb1: {  	v0 =	vadd.f32 v1, v0;
	_ =	sdelay $0x1  }
0xb2: {  	[tilespmem:s26+$0xFFFFFF80] =	vst v0;
	v0 =	vld [tilespmem:s26+$0xFFFFFF90]  }
0xb3: {  	v1 =	vld [tilespmem:s28+$0xFFFFFF90];
	_ =	sdelay $0x4  }
0xb4: {  	v0 =	vadd.f32 v1, v0;
	_ =	sdelay $0x1  }
0xb5: {  	[tilespmem:s26+$0xFFFFFF90] =	vst v0;
	v0 =	vld [tilespmem:s26+$0xFFFFFFA0]  }
0xb6: {  	v1 =	vld [tilespmem:s28+$0xFFFFFFA0];
	_ =	sdelay $0x4  }
0xb7: {  	v0 =	vadd.f32 v1, v0;
	_ =	sdelay $0x1  }
0xb8: {  	[tilespmem:s26+$0xFFFFFFA0] =	vst v0;
	v0 =	vld [tilespmem:s26+$0xFFFFFFB0]  }
0xb9: {  	v1 =	vld [tilespmem:s28+$0xFFFFFFB0];
	_ =	sdelay $0x4  }
0xba: {  	v0 =	vadd.f32 v1, v0;
	_ =	sdelay $0x1  }
0xbb: {  	[tilespmem:s26+$0xFFFFFFB0] =	vst v0;
	v0 =	vld [tilespmem:s26+$0x0]  }
0xbc: {  	v1 =	vld [tilespmem:s28+$0x0];
	_ =	sdelay $0x4  }
0xbd: {  	v0 =	vadd.f32 v1, v0;
	_ =	sdelay $0x1  }
0xbe: {  	[tilespmem:s26+$0x0] =	vst v0;
	v0 =	vld [tilespmem:s26+$0x10]  }
0xbf: {  	v1 =	vld [tilespmem:s28+$0x10];
	_ =	sdelay $0x4  }
0xc0: {  	v0 =	vadd.f32 v1, v0;
	_ =	sdelay $0x1  }
0xc1: {  	[tilespmem:s26+$0x10] =	vst v0;
	v0 =	vld [tilespmem:s26+$0x20]  }
0xc2: {  	v1 =	vld [tilespmem:s28+$0x20];
	_ =	sdelay $0x4  }
0xc3: {  	v0 =	vadd.f32 v1, v0;
	_ =	sdelay $0x1  }
0xc4: {  	[tilespmem:s26+$0x20] =	vst v0;
	v0 =	vld [tilespmem:s26+$0x30]  }
0xc5: {  	v1 =	vld [tilespmem:s28+$0x30];
	_ =	sdelay $0x4  }
0xc6: {  	v0 =	vadd.f32 v1, v0;
	_ =	sdelay $0x1  }
0xc7: {  	[tilespmem:s26+$0x30] =	vst v0;
	v0 =	vld [tilespmem:s26+$0x80]  }
0xc8: {  	v1 =	vld [tilespmem:s28+$0x80];
	_ =	sdelay $0x4  }
0xc9: {  	v0 =	vadd.f32 v1, v0;
	_ =	sdelay $0x1  }
0xca: {  	[tilespmem:s26+$0x80] =	vst v0;
	v0 =	vld [tilespmem:s26+$0x90]  }
0xcb: {  	v1 =	vld [tilespmem:s28+$0x90];
	_ =	sdelay $0x4  }
0xcc: {  	v0 =	vadd.f32 v1, v0;
	_ =	sdelay $0x1  }
0xcd: {  	[tilespmem:s26+$0x90] =	vst v0;
	v0 =	vld [tilespmem:s26+$0xA0]  }
0xce: {  	v1 =	vld [tilespmem:s28+$0xA0];
	_ =	sdelay $0x4  }
0xcf: {  	v0 =	vadd.f32 v1, v0;
	_ =	sdelay $0x1  }
0xd0: {  	[tilespmem:s26+$0xA0] =	vst v0;
	v0 =	vld [tilespmem:s26+$0xB0]  }
0xd1: {  	v1 =	vld [tilespmem:s28+$0xB0];
	_ =	sdelay $0x4  }
0xd2: {  	v0 =	vadd.f32 v1, v0  }
0xd3: {  	s29 =	sadd.s32 s5, s1;
	s30 =	simm.s32 $0x0;
	s1 =	simm.s32 $0x500  }
.LBB2_8:
0xd4: {  	v1 =	vld [tilespmem:s1+$0xFFFFFF00];
	[tilespmem:s26+$0xB0] =	vst v0;
	s28 =	sadd.s32 $0x200, s28;
	s26 =	smov.u32 s1  }
0xd5: {  	s30 =	sadd.s32 $0x4, s30;
	v0 =	vld [tilespmem:s28+$0xFFFFFF00]  }
0xd6: {  	p0 =	slt.u32 s30, $0x7C;
	_ =	sdelay $0x3  }
0xd7: {  	v0 =	vadd.f32 v0, v1;
	_ =	sdelay $0x1  }
0xd8: {  	[tilespmem:s1+$0xFFFFFF00] =	vst v0;
	v0 =	vld [tilespmem:s1+$0xFFFFFF10]  }
0xd9: {  	v1 =	vld [tilespmem:s28+$0xFFFFFF10];
	_ =	sdelay $0x4  }
0xda: {  	v0 =	vadd.f32 v1, v0;
	_ =	sdelay $0x1  }
0xdb: {  	[tilespmem:s1+$0xFFFFFF10] =	vst v0;
	v0 =	vld [tilespmem:s1+$0xFFFFFF20]  }
0xdc: {  	v1 =	vld [tilespmem:s28+$0xFFFFFF20];
	_ =	sdelay $0x4  }
0xdd: {  	v0 =	vadd.f32 v1, v0;
	_ =	sdelay $0x1  }
0xde: {  	[tilespmem:s1+$0xFFFFFF20] =	vst v0;
	v0 =	vld [tilespmem:s1+$0xFFFFFF30]  }
0xdf: {  	v1 =	vld [tilespmem:s28+$0xFFFFFF30];
	_ =	sdelay $0x4  }
0xe0: {  	v0 =	vadd.f32 v1, v0;
	_ =	sdelay $0x1  }
0xe1: {  	[tilespmem:s1+$0xFFFFFF30] =	vst v0;
	v0 =	vld [tilespmem:s1+$0xFFFFFF80]  }
0xe2: {  	v1 =	vld [tilespmem:s28+$0xFFFFFF80];
	_ =	sdelay $0x4  }
0xe3: {  	v0 =	vadd.f32 v1, v0;
	_ =	sdelay $0x1  }
0xe4: {  	[tilespmem:s1+$0xFFFFFF80] =	vst v0;
	v0 =	vld [tilespmem:s1+$0xFFFFFF90]  }
0xe5: {  	v1 =	vld [tilespmem:s28+$0xFFFFFF90];
	_ =	sdelay $0x4  }
0xe6: {  	v0 =	vadd.f32 v1, v0;
	_ =	sdelay $0x1  }
0xe7: {  	[tilespmem:s1+$0xFFFFFF90] =	vst v0;
	v0 =	vld [tilespmem:s1+$0xFFFFFFA0]  }
0xe8: {  	v1 =	vld [tilespmem:s28+$0xFFFFFFA0];
	_ =	sdelay $0x4  }
0xe9: {  	v0 =	vadd.f32 v1, v0;
	_ =	sdelay $0x1  }
0xea: {  	[tilespmem:s1+$0xFFFFFFA0] =	vst v0;
	v0 =	vld [tilespmem:s1+$0xFFFFFFB0]  }
0xeb: {  	v1 =	vld [tilespmem:s28+$0xFFFFFFB0];
	_ =	sdelay $0x4  }
0xec: {  	v0 =	vadd.f32 v1, v0;
	_ =	sdelay $0x1  }
0xed: {  	[tilespmem:s1+$0xFFFFFFB0] =	vst v0;
	v0 =	vld [tilespmem:s1+$0x0]  }
0xee: {  	v1 =	vld [tilespmem:s28+$0x0];
	_ =	sdelay $0x4  }
0xef: {  	v0 =	vadd.f32 v1, v0;
	_ =	sdelay $0x1  }
0xf0: {  	[tilespmem:s1+$0x0] =	vst v0;
	v0 =	vld [tilespmem:s1+$0x10]  }
0xf1: {  	v1 =	vld [tilespmem:s28+$0x10];
	_ =	sdelay $0x4  }
0xf2: {  	v0 =	vadd.f32 v1, v0;
	_ =	sdelay $0x1  }
0xf3: {  	[tilespmem:s1+$0x10] =	vst v0;
	v0 =	vld [tilespmem:s1+$0x20]  }
0xf4: {  	v1 =	vld [tilespmem:s28+$0x20];
	_ =	sdelay $0x4  }
0xf5: {  	v0 =	vadd.f32 v1, v0;
	_ =	sdelay $0x1  }
0xf6: {  	[tilespmem:s1+$0x20] =	vst v0;
	v0 =	vld [tilespmem:s1+$0x30]  }
0xf7: {  	v1 =	vld [tilespmem:s28+$0x30];
	_ =	sdelay $0x4  }
0xf8: {  	v0 =	vadd.f32 v1, v0;
	_ =	sdelay $0x1  }
0xf9: {  	[tilespmem:s1+$0x30] =	vst v0;
	v0 =	vld [tilespmem:s1+$0x80]  }
0xfa: {  	v1 =	vld [tilespmem:s28+$0x80];
	_ =	sdelay $0x4  }
0xfb: {  	v0 =	vadd.f32 v1, v0;
	_ =	sdelay $0x1  }
0xfc: {  	[tilespmem:s1+$0x80] =	vst v0;
	v0 =	vld [tilespmem:s1+$0x90]  }
0xfd: {  	v1 =	vld [tilespmem:s28+$0x90];
	_ =	sdelay $0x4  }
0xfe: {  	v0 =	vadd.f32 v1, v0;
	_ =	sdelay $0x1  }
0xff: {  	[tilespmem:s1+$0x90] =	vst v0;
	v0 =	vld [tilespmem:s1+$0xA0]  }
0x100: {  	v1 =	vld [tilespmem:s28+$0xA0];
	_ =	sdelay $0x4  }
0x101: {  	v0 =	vadd.f32 v1, v0;
	_ =	sdelay $0x1  }
0x102: {  	[tilespmem:s1+$0xA0] =	vst v0;
	v0 =	vld [tilespmem:s1+$0xB0]  }
0x103: {  	v1 =	vld [tilespmem:s28+$0xB0];
	_ =	sdelay $0x1  }
.Ltmp3:
0x104: {  	(pc) =	sbr.rel @p0 .LBB2_8-.Ltmp3, $3  }
0x105: {  	_ =	sdelay $0x1  }
0x106: {  	v0 =	vadd.f32 v1, v0  }
0x107: {  	s1 =	sadd.s32 $0x200, s1  }
0x108: {  	p0 =	seq.s32 s25, $0x27  }
.Ltmp4:
0x109: {  	s1 =	sshll.u32 s29, $0xE;
	(pc) =	sbr.rel @p0 .LBB2_11-.Ltmp4, $4  }
0x10a: {  	s1 =	sadd.s32 $0xFFFFC000, s1  }
0x10b: {  	s1 =	sshrl.u32 s1, $0x3  }
0x10c: {  	[tilespmem:s26+$0xB0] =	vst v0;
	s1 =	sadd.s32 s4, s1  }
0x10d: {  	[hbm4b:s1+s2] =	stream.linear.scatter [tilespmem:s14], [sflag:$0x5], $0x4000, $0x38;
	[tilespmem:$0x10200] =	vst v63  }
.Ltmp5:
0x10e: {  	(pc) =	sbr.rel .LBB2_2-.Ltmp5, $4  }
0x10f: {  	_ = 	snop  }
0x110: {  	s1 =	sshll.u32 s29, $0x5  }
0x111: {  	s25 =	sadd.s32 $0x1, s25;
	s1 =	sadd.s32 s1, s6  }
0x112: {  	[tilespmem:s2], [sflag:$0x1] =	stream.linear.gather [hbm4b:s1+s2], $0x100, $0x38;
	[tilespmem:$0x10200] =	vst v63  }
.LBB2_11:
0x113: {  	_ =	swait.ge [sflag:s21], $0x4000  }
0x114: {  	[sflag:s21] =	ssyncset.done $0x0  }
0x115: {  	[sflag:s21] =	ssyncadd.s32 $0xFFFFC000  }
0x116: {  	_ =	swait.ge [sflag:s21], $0x4000  }
0x117: {  	[sflag:s21] =	ssyncset.done $0x0  }
0x118: {  	s25 =	simm.s32 $0x8300;
	[sflag:s21] =	ssyncadd.s32 $0xFFFFC000  }
0x119: {  	s26 =	simm.s32 $0xC340;
	v0 =	vld [tilespmem:s25+$0xFFFFFF00]  }
0x11a: {  	v1 =	vld [tilespmem:s26+$0xFFFFFF00];
	_ =	sdelay $0x4  }
0x11b: {  	v0 =	vadd.f32 v1, v0;
	_ =	sdelay $0x1  }
0x11c: {  	[tilespmem:s25+$0xFFFFFF00] =	vst v0;
	v0 =	vld [tilespmem:s25+$0xFFFFFF10]  }
0x11d: {  	v1 =	vld [tilespmem:s26+$0xFFFFFF10];
	_ =	sdelay $0x4  }
0x11e: {  	v0 =	vadd.f32 v1, v0;
	_ =	sdelay $0x1  }
0x11f: {  	[tilespmem:s25+$0xFFFFFF10] =	vst v0;
	v0 =	vld [tilespmem:s25+$0xFFFFFF20]  }
0x120: {  	v1 =	vld [tilespmem:s26+$0xFFFFFF20];
	_ =	sdelay $0x4  }
0x121: {  	v0 =	vadd.f32 v1, v0;
	_ =	sdelay $0x1  }
0x122: {  	[tilespmem:s25+$0xFFFFFF20] =	vst v0;
	v0 =	vld [tilespmem:s25+$0xFFFFFF30]  }
0x123: {  	v1 =	vld [tilespmem:s26+$0xFFFFFF30];
	_ =	sdelay $0x4  }
0x124: {  	v0 =	vadd.f32 v1, v0;
	_ =	sdelay $0x1  }
0x125: {  	[tilespmem:s25+$0xFFFFFF30] =	vst v0;
	v0 =	vld [tilespmem:s25+$0xFFFFFF80]  }
0x126: {  	v1 =	vld [tilespmem:s26+$0xFFFFFF80];
	_ =	sdelay $0x4  }
0x127: {  	v0 =	vadd.f32 v1, v0;
	_ =	sdelay $0x1  }
0x128: {  	[tilespmem:s25+$0xFFFFFF80] =	vst v0;
	v0 =	vld [tilespmem:s25+$0xFFFFFF90]  }
0x129: {  	v1 =	vld [tilespmem:s26+$0xFFFFFF90];
	_ =	sdelay $0x4  }
0x12a: {  	v0 =	vadd.f32 v1, v0;
	_ =	sdelay $0x1  }
0x12b: {  	[tilespmem:s25+$0xFFFFFF90] =	vst v0;
	v0 =	vld [tilespmem:s25+$0xFFFFFFA0]  }
0x12c: {  	v1 =	vld [tilespmem:s26+$0xFFFFFFA0];
	_ =	sdelay $0x4  }
0x12d: {  	v0 =	vadd.f32 v1, v0;
	_ =	sdelay $0x1  }
0x12e: {  	[tilespmem:s25+$0xFFFFFFA0] =	vst v0;
	v0 =	vld [tilespmem:s25+$0xFFFFFFB0]  }
0x12f: {  	v1 =	vld [tilespmem:s26+$0xFFFFFFB0];
	_ =	sdelay $0x4  }
0x130: {  	v0 =	vadd.f32 v1, v0;
	_ =	sdelay $0x1  }
0x131: {  	[tilespmem:s25+$0xFFFFFFB0] =	vst v0;
	v0 =	vld [tilespmem:s25+$0x0]  }
0x132: {  	v1 =	vld [tilespmem:s26+$0x0];
	_ =	sdelay $0x4  }
0x133: {  	v0 =	vadd.f32 v1, v0;
	_ =	sdelay $0x1  }
0x134: {  	[tilespmem:s25+$0x0] =	vst v0;
	v0 =	vld [tilespmem:s25+$0x10]  }
0x135: {  	v1 =	vld [tilespmem:s26+$0x10];
	_ =	sdelay $0x4  }
0x136: {  	v0 =	vadd.f32 v1, v0;
	_ =	sdelay $0x1  }
0x137: {  	[tilespmem:s25+$0x10] =	vst v0;
	v0 =	vld [tilespmem:s25+$0x20]  }
0x138: {  	v1 =	vld [tilespmem:s26+$0x20];
	_ =	sdelay $0x4  }
0x139: {  	v0 =	vadd.f32 v1, v0;
	_ =	sdelay $0x1  }
0x13a: {  	[tilespmem:s25+$0x20] =	vst v0;
	v0 =	vld [tilespmem:s25+$0x30]  }
0x13b: {  	v1 =	vld [tilespmem:s26+$0x30];
	_ =	sdelay $0x4  }
0x13c: {  	v0 =	vadd.f32 v1, v0;
	_ =	sdelay $0x1  }
0x13d: {  	[tilespmem:s25+$0x30] =	vst v0;
	v0 =	vld [tilespmem:s25+$0x80]  }
0x13e: {  	v1 =	vld [tilespmem:s26+$0x80];
	_ =	sdelay $0x4  }
0x13f: {  	v0 =	vadd.f32 v1, v0;
	_ =	sdelay $0x1  }
0x140: {  	[tilespmem:s25+$0x80] =	vst v0;
	v0 =	vld [tilespmem:s25+$0x90]  }
0x141: {  	v1 =	vld [tilespmem:s26+$0x90];
	_ =	sdelay $0x4  }
0x142: {  	v0 =	vadd.f32 v1, v0;
	_ =	sdelay $0x1  }
0x143: {  	[tilespmem:s25+$0x90] =	vst v0;
	v0 =	vld [tilespmem:s25+$0xA0]  }
0x144: {  	v1 =	vld [tilespmem:s26+$0xA0];
	_ =	sdelay $0x4  }
0x145: {  	v0 =	vadd.f32 v1, v0;
	_ =	sdelay $0x1  }
0x146: {  	[tilespmem:s25+$0xA0] =	vst v0;
	v0 =	vld [tilespmem:s25+$0xB0]  }
0x147: {  	v1 =	vld [tilespmem:s26+$0xB0];
	_ =	sdelay $0x4  }
0x148: {  	v0 =	vadd.f32 v1, v0  }
0x149: {  	s28 =	simm.s32 $0x0;
	s1 =	simm.s32 $0x8500  }
.LBB2_12:
0x14a: {  	v1 =	vld [tilespmem:s1+$0xFFFFFF00];
	[tilespmem:s25+$0xB0] =	vst v0;
	s26 =	sadd.s32 $0x200, s26;
	s25 =	smov.u32 s1  }
0x14b: {  	s28 =	sadd.s32 $0x4, s28;
	v0 =	vld [tilespmem:s26+$0xFFFFFF00]  }
0x14c: {  	p0 =	slt.u32 s28, $0x7C;
	_ =	sdelay $0x3  }
0x14d: {  	v0 =	vadd.f32 v0, v1;
	_ =	sdelay $0x1  }
0x14e: {  	[tilespmem:s1+$0xFFFFFF00] =	vst v0;
	v0 =	vld [tilespmem:s1+$0xFFFFFF10]  }
0x14f: {  	v1 =	vld [tilespmem:s26+$0xFFFFFF10];
	_ =	sdelay $0x4  }
0x150: {  	v0 =	vadd.f32 v1, v0;
	_ =	sdelay $0x1  }
0x151: {  	[tilespmem:s1+$0xFFFFFF10] =	vst v0;
	v0 =	vld [tilespmem:s1+$0xFFFFFF20]  }
0x152: {  	v1 =	vld [tilespmem:s26+$0xFFFFFF20];
	_ =	sdelay $0x4  }
0x153: {  	v0 =	vadd.f32 v1, v0;
	_ =	sdelay $0x1  }
0x154: {  	[tilespmem:s1+$0xFFFFFF20] =	vst v0;
	v0 =	vld [tilespmem:s1+$0xFFFFFF30]  }
0x155: {  	v1 =	vld [tilespmem:s26+$0xFFFFFF30];
	_ =	sdelay $0x4  }
0x156: {  	v0 =	vadd.f32 v1, v0;
	_ =	sdelay $0x1  }
0x157: {  	[tilespmem:s1+$0xFFFFFF30] =	vst v0;
	v0 =	vld [tilespmem:s1+$0xFFFFFF80]  }
0x158: {  	v1 =	vld [tilespmem:s26+$0xFFFFFF80];
	_ =	sdelay $0x4  }
0x159: {  	v0 =	vadd.f32 v1, v0;
	_ =	sdelay $0x1  }
0x15a: {  	[tilespmem:s1+$0xFFFFFF80] =	vst v0;
	v0 =	vld [tilespmem:s1+$0xFFFFFF90]  }
0x15b: {  	v1 =	vld [tilespmem:s26+$0xFFFFFF90];
	_ =	sdelay $0x4  }
0x15c: {  	v0 =	vadd.f32 v1, v0;
	_ =	sdelay $0x1  }
0x15d: {  	[tilespmem:s1+$0xFFFFFF90] =	vst v0;
	v0 =	vld [tilespmem:s1+$0xFFFFFFA0]  }
0x15e: {  	v1 =	vld [tilespmem:s26+$0xFFFFFFA0];
	_ =	sdelay $0x4  }
0x15f: {  	v0 =	vadd.f32 v1, v0;
	_ =	sdelay $0x1  }
0x160: {  	[tilespmem:s1+$0xFFFFFFA0] =	vst v0;
	v0 =	vld [tilespmem:s1+$0xFFFFFFB0]  }
0x161: {  	v1 =	vld [tilespmem:s26+$0xFFFFFFB0];
	_ =	sdelay $0x4  }
0x162: {  	v0 =	vadd.f32 v1, v0;
	_ =	sdelay $0x1  }
0x163: {  	[tilespmem:s1+$0xFFFFFFB0] =	vst v0;
	v0 =	vld [tilespmem:s1+$0x0]  }
0x164: {  	v1 =	vld [tilespmem:s26+$0x0];
	_ =	sdelay $0x4  }
0x165: {  	v0 =	vadd.f32 v1, v0;
	_ =	sdelay $0x1  }
0x166: {  	[tilespmem:s1+$0x0] =	vst v0;
	v0 =	vld [tilespmem:s1+$0x10]  }
0x167: {  	v1 =	vld [tilespmem:s26+$0x10];
	_ =	sdelay $0x4  }
0x168: {  	v0 =	vadd.f32 v1, v0;
	_ =	sdelay $0x1  }
0x169: {  	[tilespmem:s1+$0x10] =	vst v0;
	v0 =	vld [tilespmem:s1+$0x20]  }
0x16a: {  	v1 =	vld [tilespmem:s26+$0x20];
	_ =	sdelay $0x4  }
0x16b: {  	v0 =	vadd.f32 v1, v0;
	_ =	sdelay $0x1  }
0x16c: {  	[tilespmem:s1+$0x20] =	vst v0;
	v0 =	vld [tilespmem:s1+$0x30]  }
0x16d: {  	v1 =	vld [tilespmem:s26+$0x30];
	_ =	sdelay $0x4  }
0x16e: {  	v0 =	vadd.f32 v1, v0;
	_ =	sdelay $0x1  }
0x16f: {  	[tilespmem:s1+$0x30] =	vst v0;
	v0 =	vld [tilespmem:s1+$0x80]  }
0x170: {  	v1 =	vld [tilespmem:s26+$0x80];
	_ =	sdelay $0x4  }
0x171: {  	v0 =	vadd.f32 v1, v0;
	_ =	sdelay $0x1  }
0x172: {  	[tilespmem:s1+$0x80] =	vst v0;
	v0 =	vld [tilespmem:s1+$0x90]  }
0x173: {  	v1 =	vld [tilespmem:s26+$0x90];
	_ =	sdelay $0x4  }
0x174: {  	v0 =	vadd.f32 v1, v0;
	_ =	sdelay $0x1  }
0x175: {  	[tilespmem:s1+$0x90] =	vst v0;
	v0 =	vld [tilespmem:s1+$0xA0]  }
0x176: {  	v1 =	vld [tilespmem:s26+$0xA0];
	_ =	sdelay $0x4  }
0x177: {  	v0 =	vadd.f32 v1, v0;
	_ =	sdelay $0x1  }
0x178: {  	[tilespmem:s1+$0xA0] =	vst v0;
	v0 =	vld [tilespmem:s1+$0xB0]  }
0x179: {  	v1 =	vld [tilespmem:s26+$0xB0];
	_ =	sdelay $0x1  }
.Ltmp6:
0x17a: {  	(pc) =	sbr.rel @p0 .LBB2_12-.Ltmp6, $3  }
0x17b: {  	_ =	sdelay $0x1  }
0x17c: {  	v0 =	vadd.f32 v1, v0  }
0x17d: {  	s1 =	sadd.s32 $0x200, s1  }
0x17e: {  	[tilespmem:s25+$0xB0] =	vst v0;
	s24 =	sadd.s32 $0x1, s24  }
0x17f: {  	[hbm4b:s9+s2] =	stream.linear.scatter [tilespmem:s17], [sflag:$0x6], $0x4000, $0x38;
	[tilespmem:$0x10200] =	vst v63  }
0x180: {  	p0 =	sne.s32 s24, s10;
	_ =	swait.ge [sflag:s22], $0x4000  }
.Ltmp7:
0x181: {  	[sflag:s22] =	ssyncset.done $0x0;
	(pc) =	sbr.rel @p0 .LBB2_1-.Ltmp7, $4  }
0x182: {  	[sflag:s22] =	ssyncadd.s32 $0xFFFFC000  }
0x183: {  	_ =	swait.ge [sflag:s23], $0x4000  }
0x184: {  	[sflag:s23] =	ssyncset.done $0x0  }
0x185: {  	[sflag:s23] =	ssyncadd.s32 $0xFFFFC000  }
0x186: {  	_ =	sfence.sel $0x180000  }
0x187: {  	[bflag:$0x0] =	sbarrier.arrive $0xFFFF  }
0x188: {  	_ =	strace $0x9000004D  }
0x189: {  	[bflag:$0x2] =	sbarrier.arrive $0xFFFF  }
0x18a: {  	p0 =	sne.s32 s0, $0x0;
	s0 =	rddreg [dreg:$0x1]  }
0x18b: {  	s0 =	sadd.s32 @!p0 $0x100000, s0  }
0x18c: {  	[sflag:s0] =	ssyncadd.tile.s32 @!p0 $0x1;
	_ =	shalt  }
.Lfunc_end2:
_tile_overlayer_lowered:
.L_overlay_start_2:
0x18d: {  	(tag) =	ssettag $0x2  }
0x18e: {  	s0 =	rddreg [dreg:$0x0];
	s2 =	stileid.u32  }
0x18f: {  	s1 =	rddreg [dreg:$0x1];
	p0 =	sne.s32 s2, $0x0  }
0x190: {  	s3 =	rddreg [dreg:$0x2];
	[bflag:$0x3] =	sbarrier.arrive $0xFFFF;
	s2 =	simm.s32 @!p0 $0x1C07  }
0x191: {  	[timem:s3], [sflag:s2] =	dma.local @!p0 [hbm:s0], s1  }
0x192: {  	s0 =	simm.s32 @!p0 $0x7  }
0x193: {  	_ =	swait.ge @!p0 [sflag:s0], s1  }
0x194: {  	s1 =	ssub.s32 @!p0 $0x0, s1;
	[sflag:s0] =	ssyncset.done @!p0 $0x0  }
0x195: {  	[sflag:s0] =	ssyncadd.s32 @!p0 s1  }
0x196: {  	[bflag:$0x3] =	sbarrier.arrive $0xFFFF  }
0x197: {  	_ =	shalt  }

// kernel: kernel.21.cloned.1.call-start
scs
__scs_entry_jumppad:
0x0: {  	(pc) =	sbr.rel $0x88, $3  }
0x1: {  	(tag) =	ssettag $0x0;
	lr =	simm.s32 $0x1  }
0x2: {  	[smem:$0x3F7F] =	sst lr;
	_ =	strace $0xD0000000  }
0x3: {  	_ = 	snop  }
0x4: {  	_ = 	snop  }
0x5: {  	_ = 	snop  }
0x6: {  	_ = 	snop  }
0x7: {  	_ = 	snop  }
__scs_overlays_trampoline_lowered:
0x8: {  	[smem:$0x3F8E] =	sst s0  }
0x9: {  	[smem:$0x3F8F] =	sst s1  }
0xa: {  	[smem:$0x3F90] =	sst s2  }
0xb: {  	[smem:$0x3F91] =	sst s3  }
0xc: {  	[smem:$0x3F92] =	sst s4  }
0xd: {  	[smem:$0x3F93] =	sst s5  }
0xe: {  	[smem:$0x3F94] =	sst s6  }
0xf: {  	[smem:$0x3F95] =	sst s7  }
0x10: {  	[smem:$0x3F96] =	sst s8  }
0x11: {  	[smem:$0x3F97] =	sst s9;
	s0 =	simm.s32 @!p0 $0x0  }
0x12: {  	s1 =	sld [smem:$0x3F7D];
	s0 =	simm.s32 @p0 $0x1  }
0x13: {  	[smem:$0x3F98] =	sst s0;
	s0 =	simm.s32 @!p1 $0x0  }
0x14: {  	s2 =	sld [smem:$0x3F7C];
	s0 =	simm.s32 @p1 $0x1  }
0x15: {  	[smem:$0x3F99] =	sst s0;
	s0 =	simm.s32 @!p2 $0x0  }
0x16: {  	s3 =	sld [smem:$0x3FDB];
	s0 =	simm.s32 @p2 $0x1  }
0x17: {  	s4 =	simm.s32 $0x1BF5;
	[smem:$0x3F9B] =	sst s0  }
0x18: {  	s0 =	sld [smem:$0x3F7E];
	_ =	swait.ge [sflag:s4], $0x0  }
0x19: {  	s7 =	sld [smem:$0x3F7F]  }
0x1a: {  	s8 =	sadd.s32 $0xFFFFE003, lr  }
0x1b: {  	s9 =	sadd.s32 $0xFFFFFEF7, lr;
	s5 =	simm.s32 $0xFFFFFFFF;
	p2 =	slt.u32 s8, $0xFFFFF086  }
0x1c: {  	p1 =	slt.u32 s9, $0xF7A;
	s5 =	simm.s32 @!p2 $0x0  }
0x1d: {  	s5 =	simm.s32 @p1 $0x1;
	p0 =	seq.s32 s7, s2  }
0x1e: {  	s7 =	smul.u32 @!p0 $0xF7A, s2;
	p2 =	seq.s32 @!p0 s5, $0x0  }
0x1f: {  	s9 =	smul.u32 $0xF7A, s1;
	s8 =	simm.s32 @!p0 $0x1BF5;
	p2 =	por !p2, p0  }
0x20: {  	[sflag:s8] =	ssyncset.s32 @!p0 $0xFFFFF086;
	s6 =	sadd.s32 @!p0 s3, s7;
	s7 =	simm.s32 @!p0 $0x108  }
0x21: {  	s3 =	sadd.s32 s3, s9;
	s6 =	sadd.s32 @!p0 $0x88, s6;
	s7 =	simm.s32 @p2 $0x1082  }
0x22: {  	[simem:s7], [sflag:s8] =	dma.local @!p0 [hbm:s6], $0xF7A  }
0x23: {  	s9 =	sor.u32 $0xD0000000, s2;
	s6 =	simm.s32 $0x108;
	_ =	swait.ge @!p0 [sflag:s8], $0x0  }
0x24: {  	s3 =	sadd.s32 $0x88, s3;
	s6 =	simm.s32 @!p1 $0x1082;
	[sflag:s4] =	ssyncset.s32 $0xFFFFF086  }
0x25: {  	[simem:s6], [sflag:s4] =	dma.local [hbm:s3], $0xF7A  }
0x26: {  	[smem:$0x3F7F] =	sst s1;
	(tag) =	ssettag s2;
	_ =	strace s9  }
0x27: {  	s1 =	sld [smem:$0x3F8F]  }
0x28: {  	s2 =	sld [smem:$0x3F90]  }
0x29: {  	s4 =	sld [smem:$0x3F92]  }
0x2a: {  	p0 =	seq.s32 s5, $0x0;
	s5 =	sld [smem:$0x3F93]  }
0x2b: {  	s6 =	sld [smem:$0x3F94]  }
0x2c: {  	s7 =	sld [smem:$0x3F95]  }
0x2d: {  	s3 =	simm.s32 $0x108;
	s8 =	sld [smem:$0x3F96]  }
0x2e: {  	s3 =	simm.s32 @!p0 $0x1082;
	s9 =	sld [smem:$0x3F97]  }
0x2f: {  	lr =	sadd.s32 s0, s3;
	s0 =	sld [smem:$0x3F8E]  }
0x30: {  	s3 =	sld [smem:$0x3F91]  }
0x31: {  	[smem:$0x3F9A] =	sst s10  }
0x32: {  	s10 =	sld [smem:$0x3F98];
	_ =	sdelay $0x3  }
0x33: {  	p0 =	seq.s32 s10, $0x1;
	s10 =	sld [smem:$0x3F9A];
	_ =	sdelay $0x3  }
0x34: {  	[smem:$0x3F9A] =	sst s10  }
0x35: {  	s10 =	sld [smem:$0x3F99];
	_ =	sdelay $0x3  }
0x36: {  	p1 =	seq.s32 s10, $0x1;
	s10 =	sld [smem:$0x3F9A];
	_ =	sdelay $0x3  }
0x37: {  	[smem:$0x3F9A] =	sst s10  }
0x38: {  	s10 =	sld [smem:$0x3F9B]  }
0x39: {  	_ = 	snop;
	(pc) =	sbr.ind lr, $3  }
0x3a: {  	_ = 	snop  }
0x3b: {  	_ = 	snop  }
0x3c: {  	p2 =	seq.s32 s10, $0x1;
	s10 =	sld [smem:$0x3F9A]  }
0x3d: {  	_ =	shalt  }
0x3e: {  	_ =	shalt  }
0x3f: {  	_ =	shalt  }
0x40: {  	_ =	shalt  }
0x41: {  	_ =	shalt  }
0x42: {  	_ =	shalt  }
0x43: {  	_ =	shalt  }
0x44: {  	_ =	shalt  }
0x45: {  	_ =	shalt  }
0x46: {  	_ =	shalt  }
0x47: {  	_ =	shalt  }
0x48: {  	_ =	shalt  }
0x49: {  	_ =	shalt  }
0x4a: {  	_ =	shalt  }
0x4b: {  	_ =	shalt  }
0x4c: {  	_ =	shalt  }
0x4d: {  	_ =	shalt  }
0x4e: {  	_ =	shalt  }
0x4f: {  	_ =	shalt  }
0x50: {  	_ =	shalt  }
0x51: {  	_ =	shalt  }
0x52: {  	_ =	shalt  }
0x53: {  	_ =	shalt  }
0x54: {  	_ =	shalt  }
0x55: {  	_ =	shalt  }
0x56: {  	_ =	shalt  }
0x57: {  	_ =	shalt  }
0x58: {  	_ =	shalt  }
0x59: {  	_ =	shalt  }
0x5a: {  	_ =	shalt  }
0x5b: {  	_ =	shalt  }
0x5c: {  	_ =	shalt  }
0x5d: {  	_ =	shalt  }
0x5e: {  	_ =	shalt  }
0x5f: {  	_ =	shalt  }
0x60: {  	_ =	shalt  }
0x61: {  	_ =	shalt  }
0x62: {  	_ =	shalt  }
0x63: {  	_ =	shalt  }
0x64: {  	_ =	shalt  }
0x65: {  	_ =	shalt  }
0x66: {  	_ =	shalt  }
0x67: {  	_ =	shalt  }
0x68: {  	_ =	shalt  }
0x69: {  	_ =	shalt  }
0x6a: {  	_ =	shalt  }
0x6b: {  	_ =	shalt  }
0x6c: {  	_ =	shalt  }
0x6d: {  	_ =	shalt  }
0x6e: {  	_ =	shalt  }
0x6f: {  	_ =	shalt  }
0x70: {  	_ =	shalt  }
0x71: {  	_ =	shalt  }
0x72: {  	_ =	shalt  }
0x73: {  	_ =	shalt  }
0x74: {  	_ =	shalt  }
0x75: {  	_ =	shalt  }
0x76: {  	_ =	shalt  }
0x77: {  	_ =	shalt  }
0x78: {  	_ =	shalt  }
0x79: {  	_ =	shalt  }
0x7a: {  	_ =	shalt  }
0x7b: {  	_ =	shalt  }
0x7c: {  	_ =	shalt  }
0x7d: {  	_ =	shalt  }
0x7e: {  	_ =	shalt  }
0x7f: {  	_ =	shalt  }
0x80: {  	_ =	shalt  }
0x81: {  	_ =	shalt  }
0x82: {  	_ =	shalt  }
0x83: {  	_ =	shalt  }
0x84: {  	_ =	shalt  }
0x85: {  	_ =	shalt  }
0x86: {  	_ =	shalt  }
0x87: {  	_ =	shalt  }
.Lfunc_end0:
.L_simem_size_0:
called_computation.3_lowered:
.L_overlay_start_0:
0x88: {  	s2 =	sld [smem:$0x3FD9]  }
0x89: {  	s3 =	sld [smem:$0x3FFE];
	_ =	sdelay $0x1  }
0x8a: {  	s1 =	srdreg.scid  }
0x8b: {  	s0 =	sand.u32 $0x1, s1  }
0x8c: {  	s16 =	sshll.u32 s0, $0xA;
	s2 =	sadd.s32 s3, s2  }
0x8d: {  	s2 =	sadd.s32 s2, s16  }
0x8e: {  	[smem:$0x3FA6] =	sst s2  }
0x8f: {  	_ = 	snop  }
0x90: {  	(tm) =	ssettm $0x1  }
0x91: {  	s17 =	sld [smem:$0x3FFB];
	_ =	sdelay $0x3  }
0x92: {  	_ =	strace s17  }
0x93: {  	s2 =	sld [smem:$0x3FFC];
	_ =	sdelay $0x3  }
0x94: {  	_ =	strace s2  }
0x95: {  	s2 =	sld [smem:$0x3FFD];
	_ =	sdelay $0x3  }
0x96: {  	_ =	strace s2  }
0x97: {  	_ =	strace $0x8FFFFFFF  }
0x98: {  	s18 =	sld [smem:$0x3FDB];
	_ =	sdelay $0x1  }
0x99: {  	s19 =	simm.s32 $_scs_section_size  }
0x9a: {  	s4 =	simm.s32 $_size__tile_overlayer_lowered;
	s5 =	simm.s32 $_tile_overlayer_lowered  }
0x9b: {  	s22 =	simm.s32 $0x1BFF;
	s21 =	sshll.u32 s5, $0x1;
	s2 =	sadd.s32 s19, s18  }
0x9c: {  	s6 =	simm.s32 $0x0;
	s20 =	sshll.u32 s4, $0x1;
	s4 =	sadd.s32 s21, s2  }
0x9d: {  	[timem:s6], [sflag:s22] =	dma.local [hbm:s4], s20  }
0x9e: {  	_ =	swait.ge [sflag:s22], s20  }
0x9f: {  	s3 =	ssub.s32 $0x0, s20;
	[sflag:s22] =	ssyncset.done $0x0  }
0xa0: {  	[sflag:s22] =	ssyncadd.s32 s3;
	_ =	sdelay $0x1  }
0xa1: {  	s23 =	simm.s32 $0x1B8B  }
0xa2: {  	_ =	swait.ge [sflag:s23], $0x1  }
0xa3: {  	[sflag:s23] =	ssyncset.done $0x0  }
0xa4: {  	s25 =	simm.s32 $0x1B8E;
	s24 =	sld [smem:$0x3FFE];
	[sflag:s23] =	ssyncadd.s32 $0xFFFFFFFF  }
0xa5: {  	s26 =	simm.s32 $execute0_lowered;
	[smem:$0x3FD2] =	sst s25  }
0xa6: {  	s4 =	sshll.u32 s26, $0x1;
	_ =	strace $0x8000004F;
	[dreg:$0x1] =	wrdreg $0xFFFFFFFF  }
0xa7: {  	s28 =	simm.s32 $_size_execute0_lowered;
	s2 =	sadd.s32 s2, s4;
	[dreg:$0x0] =	wrdreg $0x0  }
0xa8: {  	s4 =	sshll.u32 s28, $0x1;
	[dreg:$0x2] =	wrdreg s2  }
0xa9: {  	[dreg:$0x3] =	wrdreg s4  }
0xaa: {  	[dreg:$0x4] =	wrdreg $0xC0  }
0xab: {  	_ =	task [dreg:s6], $0x5FFFF  }
0xac: {  	[dreg:$0x1] =	wrdreg $0xFFFFFFFF  }
0xad: {  	[dreg:$0x0] =	wrdreg $0x60  }
0xae: {  	[dreg:$0x2] =	wrdreg s24  }
0xaf: {  	[dreg:$0x3] =	wrdreg $0x0  }
0xb0: {  	[dreg:$0x4] =	wrdreg $0x9  }
0xb1: {  	_ =	task.clear_ibuf [dreg:s6], $0x5FFFF;
	_ =	strace $0x9000004F  }
0xb2: {  	s29 =	simm.s32 $0x9;
	_ =	strace $0x80000051  }
0xb3: {  	_ =	swait.ge [sflag:s29], $0x1  }
0xb4: {  	[sflag:s29] =	ssyncadd.s32 $0xFFFFFFFF  }
0xb5: {  	_ =	strace $0x90000051  }
0xb6: {  	_ =	sfence  }
0xb7: {  	s30 =	sld [smem:$0x0];
	_ =	sdelay $0x2  }
0xb8: {  	s31 =	sshll.u32 s1, $0xD;
	s1 =	sshrl.u32 s1, $0x2  }
0xb9: {  	s3 =	sand.u32 $0x4000, s31;
	s1 =	sadd.s32 s1, s30  }
0xba: {  	s0 =	sor.u32 s3, s0;
	s1 =	sshll.u32 s1, $0x11  }
0xbb: {  	s0 =	sor.u32 s1, s0  }
0xbc: {  	s0 =	sadd.s32 $0x8F2B, s0  }
0xbd: {  	[sflag:s0] =	ssyncadd.remote.s32 $0x1  }
0xbe: {  	_ =	sfence.sel $0xFFFF  }
0xbf: {  	[dreg:$0x0] =	wrdreg $0xFFFFFFFF;
	(pc) =	sbr.abs _section_cstart, $3  }
0xc0: {  	[dreg:$0x1] =	wrdreg $0xFFFFFFFF  }
0xc1: {  	_ =	task.clear_ibuf [dreg:s6], $0x2FFFF;
	_ =	strace $0x9FFFFFFF  }
0xc2: {  	(tm) =	ssettm $0x7FFFFFFF  }
0xc3: {  	_ =	shalt  }
tec
execute0_lowered:
.L_overlay_start_1:
0x0: {  	(tag) =	ssettag $0x1  }
0x1: {  	s0 =	rddreg [dreg:$0x0]  }
0x2: {  	s1 =	rddreg [dreg:$0x1];
	s2 =	simm.s32 $0x0;
	s3 =	srdreg.scid  }
0x3: {  	s6 =	stileid.u32;
	s16 =	simm.s32 $0xA000;
	s17 =	simm.s32 $0x5  }
0x4: {  	s18 =	simm.s32 $0x14000;
	s19 =	simm.s32 $0x14200;
	s21 =	simm.s32 $0x18200  }
0x5: {  	s22 =	simm.s32 $0x1;
	s23 =	simm.s32 $0x80;
	s8 =	smul.u32 $0xA000, s6  }
0x6: {  	s28 =	simm.s32 $0x3;
	s29 =	simm.s32 $0x4;
	s13 =	smul.u32 $0xA0, s6  }
0x7: {  	s30 =	simm.s32 $0x0;
	[smem:$0x7FF] =	sst s2;
	s25 =	smul.u32 $0x28000, s6  }
0x8: {  	s3 =	sand.u32 $0x1, s3;
	s4 =	sadd.s32 $0xF55600, s0;
	s26 =	smul.u32 $0x50000, s6  }
0x9: {  	s5 =	sadd.s32 $0x7200, s0;
	s9 =	sadd.s32 $0x25200, s0;
	s7 =	smul.u32 $0xA0000, s3  }
0xa: {  	_ =	strace $0x80000050;
	[dreg:$0x3] =	wrdreg s9;
	s24 =	ssub.s32 $0x2, s3  }
0xb: {  	s3 =	smul.u32 $0x1388, s3;
	s11 =	sshrl.u32 s24, $0x1;
	s7 =	sadd.s32 s8, s7  }
0xc: {  	s9 =	sshrl.u32 s25, $0x2;
	s10 =	sshrl.u32 s7, $0x3;
	s7 =	smul.u32 $0xA00, s6  }
.Ltmp0:
0xd: {  	s13 =	sor.u32 $0x1, s13;
	s25 =	simm.s32 $0x2;
	(pc) =	sbr.rel .LBB2_1-.Ltmp0, $4  }
0xe: {  	s15 =	ssub.s32 s24, s11;
	s9 =	sadd.s32 s9, s1;
	s24 =	simm.s32 $0x14080  }
0xf: {  	s15 =	smax.u32 s15, $0x1;
	s0 =	sadd.s32 s10, s0;
	s8 =	sadd.s32 s5, s7  }
0x10: {  	v0 =	vmov s3;
	s10 =	sadd.s32 s4, s26;
	s26 =	simm.s32 $0x14180;
	s31 =	sadd.s32 $0x10, s8  }
0x11: {  	v1 =	vadd.s32 $0x1388, v0;
	s12 =	sadd.s32 $0x800, s10;
	s14 =	sadd.s32 $0x74A00, s0;
	[dreg:$0x4] =	wrdreg s31  }
.LBB2_4:
0x12: {  	_ =	swait.ge [sflag:s29], $0x4000  }
0x13: {  	[sflag:s29] =	ssyncset.done $0x0  }
0x14: {  	[sflag:s29] =	ssyncadd.s32 $0xFFFFC000  }
0x15: {  	[bflag:$0x0] =	sbarrier.arrive $0xFFFF  }
0x16: {  	[tilespmem:s16], [sflag:$0x5] =	stream.linear.gather [spmem:s9], $0xA000, $0x38;
	[tilespmem:$0x1C200] =	vst v63  }
0x17: {  	s30 =	sadd.s32 $0x1, s30;
	_ =	swait.ge [sflag:s17], $0xA000  }
0x18: {  	p0 =	sne.s32 s30, s15;
	[sflag:s17] =	ssyncset.done $0x0  }
.Ltmp1:
0x19: {  	[sflag:s17] =	ssyncadd.s32 $0xFFFF6000;
	(pc) =	sbr.rel @!p0 .LBB2_5-.Ltmp1, $4  }
0x1a: {  	[hbm4b:s14+s2] =	stream.linear.scatter [tilespmem:s16], [sflag:$0x5], $0xA000, $0x38;
	[tilespmem:$0x1C200] =	vst v63  }
0x1b: {  	_ =	swait.ge [sflag:s17], $0xA000  }
0x1c: {  	[sflag:s17] =	ssyncset.done $0x0  }
0x1d: {  	[sflag:s17] =	ssyncadd.s32 $0xFFFF6000  }
.LBB2_1:
0x1e: {  	s0 =	rddreg [dreg:$0x3]  }
0x1f: {  	[tilespmem:s16], [sflag:$0x5] =	stream.linear.gather [hbm4b:s0+s2], $0xA000, $0x38;
	[tilespmem:$0x1C200] =	vst v63  }
0x20: {  	_ =	swait.ge [sflag:s17], $0xA000  }
0x21: {  	[sflag:s17] =	ssyncset.done $0x0  }
0x22: {  	[sflag:s17] =	ssyncadd.s32 $0xFFFF6000  }
0x23: {  	[spmem:s9] =	stream.linear.scatter [tilespmem:s16], [sflag:$0x5], $0xA000, $0x38;
	[tilespmem:$0x1C200] =	vst v63  }
0x24: {  	_ =	swait.ge [sflag:s17], $0xA000  }
0x25: {  	[sflag:s17] =	ssyncset.done $0x0  }
0x26: {  	[sflag:s17] =	ssyncadd.s32 $0xFFFF6000  }
0x27: {  	[bflag:$0x0] =	sbarrier.arrive $0xFFFF  }
0x28: {  	[tilespmem:s18], [sflag:$0x1] =	stream.linear.gather [hbm4b:s8+s2], $0x80, $0x38;
	[tilespmem:$0x1C200] =	vst v63  }
0x29: {  	_ = 	snop  }
0x2a: {  	[tilespmem:s19], [sflag:$0x1] =	stream.linear.gather [hbm4b:s10+s2], $0x4000, $0x38;
	[tilespmem:$0x1C200] =	vst v63  }
0x2b: {  	s3 =	simm.s32 $0x14100;
	s20 =	rddreg [dreg:$0x4]  }
0x2c: {  	[tilespmem:s3], [sflag:$0x2] =	stream.linear.gather [hbm4b:s20+s2], $0x80, $0x38;
	[tilespmem:$0x1C200] =	vst v63  }
0x2d: {  	s31 =	smov.u32 s12;
	s0 =	simm.s32 $0x0;
	s3 =	simm.s32 $0x1  }
0x2e: {  	[tilespmem:s21], [sflag:$0x2] =	stream.linear.gather [hbm4b:s12+s2], $0x4000, $0x38;
	[tilespmem:$0x1C200] =	vst v63  }
.LBB2_2:
0x2f: {  	_ =	swait.ge [sflag:s22], $0x80  }
0x30: {  	[sflag:s22] =	ssyncset.done $0x0  }
0x31: {  	[sflag:s22] =	ssyncadd.s32 $0xFFFFFF80  }
0x32: {  	_ =	swait.ge [sflag:s22], $0x4000  }
0x33: {  	[sflag:s22] =	ssyncset.done $0x0  }
0x34: {  	[sflag:s22] =	ssyncadd.s32 $0xFFFFC000  }
0x35: {  	v2 =	vld [tilespmem:$0x14000]  }
0x36: {  	v3 =	vld [tilespmem:$0x14010]  }
0x37: {  	v4 =	vld [tilespmem:$0x14020]  }
0x38: {  	v5 =	vld [tilespmem:$0x14030]  }
0x39: {  	v6 =	vld [tilespmem:$0x14040]  }
0x3a: {  	v7 =	vld [tilespmem:$0x14050]  }
0x3b: {  	v8 =	vld [tilespmem:$0x14060];
	vm0 =	vge.s32 v2, v0;
	vm1 =	vlt.s32 v2, v1;
	v2 =	vsub.s32 v2, v0  }
0x3c: {  	vm14 =	vge.s32 v3, v0;
	vm2 =	vlt.s32 v3, v1;
	v3 =	vsub.s32 v3, v0  }
0x3d: {  	vm4 =	vge.s32 v4, v0;
	vm5 =	vlt.s32 v4, v1;
	vm6 =	vge.s32 v5, v0  }
0x3e: {  	vm7 =	vlt.s32 v5, v1;
	v4 =	vsub.s32 v4, v0;
	v5 =	vsub.s32 v5, v0  }
0x3f: {  	vm8 =	vge.s32 v6, v0;
	vm9 =	vlt.s32 v6, v1;
	vm10 =	vge.s32 v7, v0  }
0x40: {  	v9 =	vld [tilespmem:$0x14070];
	vm3 =	vlt.s32 v7, v1;
	vm12 =	vge.s32 v8, v0;
	vm0 =	vmand vm0, vm1  }
0x41: {  	vm13 =	vlt.s32 v8, v1;
	vm15 =	vmand vm14, vm2;
	v2 =	vnsel vm0, $0x1388, v2  }
0x42: {  	vm1 =	vmand vm6, vm7;
	vm11 =	vmand vm10, vm3;
	v3 =	vnsel vm15, $0x1388, v3;
	[tilespmem:$0x14080] =	vst v2  }
0x43: {  	vm14 =	vmand vm12, vm13;
	vm0 =	vmand vm4, vm5;
	v5 =	vnsel vm1, $0x1388, v5;
	[tilespmem:$0x14090] =	vst v3  }
0x44: {  	v4 =	vnsel vm0, $0x1388, v4;
	vm0 =	vmand vm8, vm9;
	v2 =	vsub.s32 v6, v0;
	[tilespmem:$0x140B0] =	vst v5  }
0x45: {  	vm15 =	vge.s32 v9, v0;
	v3 =	vsub.s32 v7, v0;
	[tilespmem:$0x140A0] =	vst v4;
	v2 =	vnsel vm0, $0x1388, v2  }
0x46: {  	vm4 =	vlt.s32 v9, v1;
	v3 =	vnsel vm11, $0x1388, v3;
	[tilespmem:$0x140C0] =	vst v2;
	v2 =	vsub.s32 v8, v0  }
0x47: {  	p0 =	seq.s32 s0, $0x0;
	vm5 =	vmand vm15, vm4;
	[tilespmem:$0x140D0] =	vst v3;
	v3 =	vsub.s32 v9, v0;
	v2 =	vnsel vm14, $0x1388, v2  }
0x48: {  	s6 =	sadd.s32 @!p0 s0, s7;
	[tilespmem:$0x140E0] =	vst v2;
	v2 =	vnsel vm5, $0x1388, v3  }
0x49: {  	s20 =	simm.s32 @!p0 $0x4;
	s11 =	sand.u32 @!p0 $0x1FF80, s6;
	s6 =	sadd.s32 @!p0 $0x10, s6;
	[tilespmem:$0x140F0] =	vst v2  }
0x4a: {  	[spmem:s1] =	stream.indirect.scatter.add.f32 [tilespmem:s19], [sflag:$0x3], $0x80, s24, s23, $0xb8;
	[tilespmem:$0x1C200] =	vst v63  }
0x4b: {  	s6 =	sand.u32 @!p0 $0x70, s6;
	s11 =	sadd.s32 @!p0 s5, s11;
	_ =	swait.ge @!p0 [sflag:s20], $0x4000  }
0x4c: {  	s6 =	sadd.s32 @!p0 s6, s11;
	[sflag:s20] =	ssyncset.done @!p0 $0x0  }
0x4d: {  	s11 =	simm.s32 @!p0 $0x0;
	[sflag:s20] =	ssyncadd.s32 @!p0 $0xFFFFC000;
	s20 =	simm.s32 @!p0 $0x14100  }
0x4e: {  	[tilespmem:s20], [sflag:$0x2] =	stream.linear.gather @!p0 [hbm4b:s6+s11], $0x80, $0x38;
	[tilespmem:$0x1C200] =	vst v63  }
0x4f: {  	s6 =	simm.s32 @!p0 $0x18200  }
0x50: {  	[tilespmem:s6], [sflag:$0x2] =	stream.linear.gather @!p0 [hbm4b:s31+s11], $0x4000, $0x38;
	[tilespmem:$0x1C200] =	vst v63  }
0x51: {  	_ =	swait.ge [sflag:s25], $0x80  }
0x52: {  	[sflag:s25] =	ssyncset.done $0x0  }
0x53: {  	[sflag:s25] =	ssyncadd.s32 $0xFFFFFF80  }
0x54: {  	_ =	swait.ge [sflag:s25], $0x4000  }
0x55: {  	[sflag:s25] =	ssyncset.done $0x0  }
0x56: {  	[sflag:s25] =	ssyncadd.s32 $0xFFFFC000  }
0x57: {  	v2 =	vld [tilespmem:$0x14100]  }
0x58: {  	v3 =	vld [tilespmem:$0x14110]  }
0x59: {  	v58 =	vld [tilespmem:$0x14120]  }
0x5a: {  	v59 =	vld [tilespmem:$0x14130];
	_ =	sdelay $0x1  }
0x5b: {  	v60 =	vld [tilespmem:$0x14140]  }
0x5c: {  	v61 =	vld [tilespmem:$0x14150];
	vm6 =	vge.s32 v2, v0;
	vm7 =	vlt.s32 v2, v1;
	v2 =	vsub.s32 v2, v0  }
0x5d: {  	v63 =	vld [tilespmem:$0x14170];
	vm8 =	vge.s32 v3, v0;
	vm9 =	vlt.s32 v3, v1;
	v3 =	vsub.s32 v3, v0  }
0x5e: {  	vm11 =	vge.s32 v58, v0;
	vm12 =	vlt.s32 v58, v1;
	vm13 =	vge.s32 v59, v0  }
0x5f: {  	v62 =	vld [tilespmem:$0x14160];
	vm14 =	vlt.s32 v59, v1;
	v4 =	vsub.s32 v58, v0;
	v5 =	vsub.s32 v59, v0  }
0x60: {  	vm15 =	vge.s32 v60, v0;
	vm0 =	vmand vm6, vm7;
	vm10 =	vmand vm8, vm9  }
0x61: {  	vm1 =	vmand vm13, vm14;
	vm6 =	vlt.s32 v60, v1;
	vm7 =	vge.s32 v61, v0  }
0x62: {  	vm8 =	vlt.s32 v61, v1;
	vm13 =	vge.s32 v63, v0;
	v2 =	vnsel vm0, $0x1388, v2  }
0x63: {  	vm14 =	vlt.s32 v63, v1;
	v3 =	vnsel vm10, $0x1388, v3;
	vm0 =	vmand vm11, vm12;
	[tilespmem:$0x14180] =	vst v2  }
0x64: {  	v5 =	vnsel vm1, $0x1388, v5;
	vm9 =	vmand vm7, vm8;
	vm10 =	vge.s32 v62, v0;
	[tilespmem:$0x14190] =	vst v3  }
0x65: {  	v4 =	vnsel vm0, $0x1388, v4;
	vm0 =	vmand vm15, vm6;
	v2 =	vsub.s32 v60, v0;
	[tilespmem:$0x141B0] =	vst v5  }
0x66: {  	vm11 =	vlt.s32 v62, v1;
	v3 =	vsub.s32 v61, v0;
	[tilespmem:$0x141A0] =	vst v4;
	v2 =	vnsel vm0, $0x1388, v2  }
0x67: {  	vm12 =	vmand vm10, vm11;
	v3 =	vnsel vm9, $0x1388, v3;
	[tilespmem:$0x141C0] =	vst v2;
	v2 =	vsub.s32 v62, v0  }
0x68: {  	vm15 =	vmand vm13, vm14;
	[tilespmem:$0x141D0] =	vst v3;
	v3 =	vsub.s32 v63, v0;
	v2 =	vnsel vm12, $0x1388, v2  }
0x69: {  	p1 =	seq.s32 s0, $0x9E0;
	[tilespmem:$0x141E0] =	vst v2;
	v2 =	vnsel vm15, $0x1388, v3  }
.Ltmp2:
0x6a: {  	[tilespmem:$0x141F0] =	vst v2;
	(pc) =	sbr.rel @p1 .LBB2_4-.Ltmp2, $4  }
0x6b: {  	[spmem:s1] =	stream.indirect.scatter.add.f32 [tilespmem:s21], [sflag:$0x4], $0x80, s26, s23, $0xb8;
	[tilespmem:$0x1C200] =	vst v63  }
0x6c: {  	_ =	swait.ge [sflag:s28], $0x4000  }
0x6d: {  	[sflag:s28] =	ssyncset.done $0x0  }
0x6e: {  	[sflag:s28] =	ssyncadd.s32 $0xFFFFC000  }
0x6f: {  	s6 =	sadd.s32 $0x2, s3;
	s3 =	simm.s32 @p0 $0x1  }
0x70: {  	s3 =	sadd.s32 s3, s13  }
0x71: {  	s11 =	sshll.u32 s3, $0x4  }
0x72: {  	s3 =	sshll.u32 s3, $0xB;
	s11 =	sand.u32 $0xFFFFFE0, s11  }
.Ltmp3:
0x73: {  	s3 =	sand.u32 $0x1FFFF000, s3;
	s11 =	sadd.s32 s5, s11;
	(pc) =	sbr.rel .LBB2_2-.Ltmp3, $4  }
0x74: {  	[tilespmem:s18], [sflag:$0x1] =	stream.linear.gather [hbm4b:s11+s2], $0x80, $0x38;
	[tilespmem:$0x1C200] =	vst v63  }
0x75: {  	s3 =	sadd.s32 s4, s3  }
0x76: {  	[tilespmem:s19], [sflag:$0x1] =	stream.linear.gather [hbm4b:s3+s2], $0x4000, $0x38;
	[tilespmem:$0x1C200] =	vst v63  }
0x77: {  	s0 =	sadd.s32 $0x20, s0;
	s31 =	sadd.s32 $0x1000, s31;
	s3 =	smov.u32 s6  }
.LBB2_5:
0x78: {  	_ =	sfence.sel $0x180000  }
0x79: {  	[bflag:$0x0] =	sbarrier.arrive $0xFFFF  }
0x7a: {  	_ =	strace $0x90000050  }
0x7b: {  	s0 =	stileid.u32;
	[bflag:$0x2] =	sbarrier.arrive $0xFFFF  }
0x7c: {  	p0 =	sne.s32 s0, $0x0;
	s0 =	rddreg [dreg:$0x2]  }
0x7d: {  	s0 =	sadd.s32 @!p0 $0x100000, s0  }
0x7e: {  	[sflag:s0] =	ssyncadd.tile.s32 @!p0 $0x1;
	_ =	shalt  }
.Lfunc_end2:
_tile_overlayer_lowered:
.L_overlay_start_2:
0x7f: {  	(tag) =	ssettag $0x2  }
0x80: {  	s0 =	rddreg [dreg:$0x0];
	s2 =	stileid.u32  }
0x81: {  	s1 =	rddreg [dreg:$0x1];
	p0 =	sne.s32 s2, $0x0  }
0x82: {  	s3 =	rddreg [dreg:$0x2];
	[bflag:$0x3] =	sbarrier.arrive $0xFFFF;
	s2 =	simm.s32 @!p0 $0x1C05  }
0x83: {  	[timem:s3], [sflag:s2] =	dma.local @!p0 [hbm:s0], s1  }
0x84: {  	s0 =	simm.s32 @!p0 $0x5  }
0x85: {  	_ =	swait.ge @!p0 [sflag:s0], s1  }
0x86: {  	s1 =	ssub.s32 @!p0 $0x0, s1;
	[sflag:s0] =	ssyncset.done @!p0 $0x0  }
0x87: {  	[sflag:s0] =	ssyncadd.s32 @!p0 s1  }
0x88: {  	[bflag:$0x3] =	sbarrier.arrive $0xFFFF  }
0x89: {  	_ =	shalt  }

</sc_bundles>
